<compile_context>
chip_gen: v7x
topology: tpu7x:2x2x1
jax: 0.10.2.dev20260603
libtpu: 0.0.44.dev20260713+nightly
codegen_flags: <defaults>
</compile_context>

<pallas_src>
import functools

import jax
import jax.numpy as jnp
from jax import lax
from jax.experimental import pallas as pl
from jax.experimental.pallas import tpu as pltpu
from jax.experimental.pallas import tpu_sc as plsc

N = 10000
E = 320000
D = 128
EPS = 1e-5

NC = 2
NS = 16
NW = NC * NS
CHUNK = 128
NCHUNK = 80
QS = 4
QROWS = CHUNK // QS
EPW = CHUNK * NCHUNK
EPAD = EPW * NW
AGG_ROWS = 10240
ZROWS = 32
ROWS_OUT = AGG_ROWS // NS
NBUF = 2
IDX_BITS = 14
IDX_MASK = (1 << IDX_BITS) - 1

_mesh = plsc.VectorSubcoreMesh(
    core_axis_name="c", subcore_axis_name="s", num_cores=NC, num_subcores=NS)


@functools.partial(
    pl.kernel,
    mesh=_mesh,
    out_type=jax.ShapeDtypeStruct((NC, AGG_ROWS, D), jnp.float32),
    scratch_types=[
        pltpu.VMEM((NCHUNK, CHUNK), jnp.int32),
        pltpu.VMEM((NBUF, 2, CHUNK), jnp.int32),
        pltpu.VMEM((NBUF, CHUNK, D), jnp.float32),
        pltpu.VMEM((ZROWS, D), jnp.float32),
        pltpu.VMEM_SHARED((AGG_ROWS, D), jnp.float32),
        pltpu.SemaphoreType.DMA,
    ],
)
def _sc_seg_sum(x_hbm, pidx_hbm, out_hbm, pidx, unpk, rows, zbuf, agg, sem):
    c = lax.axis_index("c")
    s = lax.axis_index("s")
    wid = s * NC + c

    pltpu.sync_copy(pidx_hbm.at[wid], pidx)

    def _unpack(j, b):
        for k in range(CHUNK // 16):
            w = pidx[j, pl.ds(k * 16, 16)]
            unpk[b, 0, pl.ds(k * 16, 16)] = lax.shift_right_logical(w, IDX_BITS)
            unpk[b, 1, pl.ds(k * 16, 16)] = lax.bitwise_and(w, IDX_MASK)

    def _issue(b):
        for q in range(QS):
            pltpu.async_copy(
                x_hbm.at[unpk.at[b, 0, pl.ds(q * QROWS, QROWS)]],
                rows.at[b, pl.ds(q * QROWS, QROWS)], sem)

    def _drain(b):
        for q in range(QS):
            pltpu.make_async_copy(
                x_hbm.at[unpk.at[b, 0, pl.ds(q * QROWS, QROWS)]],
                rows.at[b, pl.ds(q * QROWS, QROWS)], sem).wait()

    for b in range(NBUF):
        _unpack(b, b)
        _issue(b)

    zeros = jnp.zeros((16,), jnp.float32)

    def _zrow(i, carry):
        for k in range(D // 16):
            zbuf[i, pl.ds(k * 16, 16)] = zeros
        return carry

    lax.fori_loop(0, ZROWS, _zrow, 0)
    zbase = s * (AGG_ROWS // NS)
    for t in range(AGG_ROWS // NS // ZROWS):
        pltpu.sync_copy(zbuf, agg.at[pl.ds(zbase + t * ZROWS, ZROWS)])
    plsc.subcore_barrier()

    def _group(g, carry):
        for b in range(NBUF):
            j = g * NBUF + b
            _drain(b)
            pltpu.sync_copy(rows.at[b], agg.at[unpk.at[b, 1]], add=True)
            _unpack(j + NBUF, b)
            _issue(b)
        return carry

    lax.fori_loop(0, NCHUNK // NBUF - 1, _group, 0)
    for b in range(NBUF):
        _drain(b)
        pltpu.sync_copy(rows.at[b], agg.at[unpk.at[b, 1]], add=True)
    plsc.subcore_barrier()

    obase = s * ROWS_OUT
    pltpu.sync_copy(agg.at[pl.ds(obase, ROWS_OUT)],
                    out_hbm.at[c, pl.ds(obase, ROWS_OUT)])


BLK = 1000
GRID = N // BLK


def _mlp_stats_body(x_ref, p_ref, w1_ref, b1_ref, w2_ref, b2_ref,
                    out_ref, sum_ref, sq_ref):
    t = x_ref[...] + p_ref[0] + p_ref[1]
    u = jnp.maximum(
        jnp.dot(t, w1_ref[...], preferred_element_type=jnp.float32)
        + b1_ref[...], 0.0)
    v = (jnp.dot(u, w2_ref[...], preferred_element_type=jnp.float32)
         + b2_ref[...])
    r = jnp.maximum(v, 0.0)
    out_ref[...] = r

    @pl.when(pl.program_id(0) == 0)
    def _():
        sum_ref[...] = jnp.zeros_like(sum_ref)
        sq_ref[...] = jnp.zeros_like(sq_ref)

    sum_ref[...] += jnp.sum(r, axis=0, keepdims=True)
    sq_ref[...] += jnp.sum(r * r, axis=0, keepdims=True)


def _mlp_final_body(x_ref, p_ref, w1_ref, b1_ref, w2_ref, b2_ref, out_ref):
    t = x_ref[...] + p_ref[0] + p_ref[1]
    u = jnp.maximum(
        jnp.dot(t, w1_ref[...], preferred_element_type=jnp.float32)
        + b1_ref[...], 0.0)
    out_ref[...] = (
        jnp.dot(u, w2_ref[...], preferred_element_type=jnp.float32)
        + b2_ref[...])


def _bn_body(r_ref, sum_ref, sq_ref, g_ref, b_ref, out_ref):
    mean = sum_ref[...] * (1.0 / N)
    var = sq_ref[...] * (1.0 / N) - mean * mean
    scale = g_ref[...] * lax.rsqrt(var + EPS)
    shift = b_ref[...] - mean * scale
    out_ref[...] = r_ref[...] * scale + shift


_row_spec = pl.BlockSpec((BLK, D), lambda i: (i, 0))
_p_spec = pl.BlockSpec((NC, BLK, D), lambda i: (0, i, 0))
_w_spec = pl.BlockSpec((D, D), lambda i: (0, 0))
_vec_spec = pl.BlockSpec((1, D), lambda i: (0, 0))

_mlp_stats = pl.pallas_call(
    _mlp_stats_body,
    grid=(GRID,),
    in_specs=[_row_spec, _p_spec, _w_spec, _vec_spec, _w_spec, _vec_spec],
    out_specs=[_row_spec, _vec_spec, _vec_spec],
    out_shape=[
        jax.ShapeDtypeStruct((N, D), jnp.float32),
        jax.ShapeDtypeStruct((1, D), jnp.float32),
        jax.ShapeDtypeStruct((1, D), jnp.float32),
    ],
)

_mlp_final = pl.pallas_call(
    _mlp_final_body,
    grid=(GRID,),
    in_specs=[_row_spec, _p_spec, _w_spec, _vec_spec, _w_spec, _vec_spec],
    out_specs=_row_spec,
    out_shape=jax.ShapeDtypeStruct((N, D), jnp.float32),
)

_bn = pl.pallas_call(
    _bn_body,
    grid=(GRID,),
    in_specs=[_row_spec, _vec_spec, _vec_spec, _vec_spec, _vec_spec],
    out_specs=_row_spec,
    out_shape=jax.ShapeDtypeStruct((N, D), jnp.float32),
)


def kernel(x, edge_index, W1, b1, W2, b2, g2, bt2, W3, b3, W4, b4):
    src = edge_index[0].astype(jnp.int32)
    dst = edge_index[1].astype(jnp.int32)
    packed = dst | (src << IDX_BITS)
    npad = EPAD - E
    packed = jnp.concatenate(
        [packed, jnp.full((npad,), N, jnp.int32)])
    pidx = packed.reshape(NW, NCHUNK, CHUNK)

    b1r = b1.reshape(1, D)
    b2r = b2.reshape(1, D)
    b3r = b3.reshape(1, D)
    b4r = b4.reshape(1, D)

    p = _sc_seg_sum(x, pidx)
    r, csum, csq = _mlp_stats(x, p, W1, b1r, W2, b2r)
    h = _bn(r, csum, csq, g2.reshape(1, D), bt2.reshape(1, D))
    q = _sc_seg_sum(h, pidx)
    return _mlp_final(h, q, W3, b3r, W4, b4r)

# --- scband reference (transcript-rebuilt; emitter-appended) ---
"""Pipeline reference for scband-gin-66915590472498 (READ-ONLY COPY).

The authoritative reference and input builder live on the scoring server;
editing this copy changes nothing except your own understanding.
"""

import jax, jax.numpy as jnp
import numpy as np

N_NODES = 10000
N_EDGES = 320000
D = 128
BN_EPS = 1e-5


def setup_inputs(seed: int = 0) -> dict:
    key = jax.random.key(seed)
    ks = jax.random.split(key, 12)
    x = jax.random.normal(ks[0], (N_NODES, D), dtype=jnp.float32)
    edge_index = jax.random.randint(ks[1], (2, N_EDGES), 0, N_NODES, dtype=jnp.int64)
    s = 0.05
    # conv1 MLP: Linear(D,D) -> ReLU -> Linear(D,D)
    W1 = jax.random.normal(ks[2], (D, D), dtype=jnp.float32) * s
    b1 = jnp.zeros((D,), dtype=jnp.float32)
    W2 = jax.random.normal(ks[3], (D, D), dtype=jnp.float32) * s
    b2 = jnp.zeros((D,), dtype=jnp.float32)
    # bn2 affine params
    g2 = jnp.ones((D,), dtype=jnp.float32)
    bt2 = jnp.zeros((D,), dtype=jnp.float32)
    # conv2 MLP
    W3 = jax.random.normal(ks[4], (D, D), dtype=jnp.float32) * s
    b3 = jnp.zeros((D,), dtype=jnp.float32)
    W4 = jax.random.normal(ks[5], (D, D), dtype=jnp.float32) * s
    b4 = jnp.zeros((D,), dtype=jnp.float32)
    return {"x": x, "edge_index": edge_index, "W1": W1, "b1": b1, "W2": W2, "b2": b2,
            "g2": g2, "bt2": bt2, "W3": W3, "b3": b3, "W4": W4, "b4": b4}


def _gin_conv(x, src, dst, Wa, ba, Wb, bb):
    # GINConv with eps=0: h = MLP((1+eps)*x + sum_{j in N(i)} x_j)
    msgs = jnp.take(x, src, axis=0)
    agg = jax.ops.segment_sum(msgs, dst, num_segments=N_NODES)
    h = x + agg
    h = jnp.maximum(h @ Wa + ba, 0.0)
    h = h @ Wb + bb
    return h


def _batchnorm_train(h, gamma, beta):
    mean = jnp.mean(h, axis=0)
    var = jnp.var(h, axis=0)  # biased variance, as torch BN uses for normalization
    return (h - mean) / jnp.sqrt(var + BN_EPS) * gamma + beta


def reference(x, edge_index, W1, b1, W2, b2, g2, bt2, W3, b3, W4, b4):
    src = edge_index[0]
    dst = edge_index[1]
    h = _gin_conv(x, src, dst, W1, b1, W2, b2)
    # layer == 2 branch
    h = jnp.maximum(h, 0.0)
    h = _batchnorm_train(h, g2, bt2)
    h = _gin_conv(h, src, dst, W3, b3, W4, b4)
    return h

if __name__ == "__main__":
    import jax
    _d = setup_inputs()
    print(jax.jit(kernel)(*tuple(_d.values())))

</pallas_src>

<mosaic_0001>
#map = affine_map<(d0, d1) -> (0, 0)>
#map1 = affine_map<(d0, d1) -> (0, 0, 0)>
module attributes {stable_mosaic.version = 14 : i64} {
  func.func @_sc_seg_sum(%arg0: i32, %arg1: i32, %arg2: memref<10000x128xf32, #tpu.memory_space<hbm>>, %arg3: memref<32x80x128xi32, #tpu.memory_space<hbm>>, %arg4: memref<2x10240x128xf32, #tpu.memory_space<hbm>>, %arg5: memref<80x128xi32, #tpu.memory_space<vmem>>, %arg6: memref<2x2x128xi32, #tpu.memory_space<vmem>>, %arg7: memref<2x128x128xf32, #tpu.memory_space<vmem>>, %arg8: memref<32x128xf32, #tpu.memory_space<vmem>>, %arg9: memref<10240x128xf32, #tpu.memory_space<vmem_shared>>, %arg10: memref<!tpu.dma_semaphore, #tpu.memory_space<semaphore_mem>>) attributes {dimension_semantics = [#tpu.dimension_semantics<core_parallel>, #tpu.dimension_semantics<subcore_parallel>], iteration_bounds = array<i64: 2, 16>, scalar_prefetch = 0 : i64, scratch_operands = 6 : i64, tpu.core_type = #tpu.core_type<sc_vector_subcore>, window_params = [{transform_indices = #map}, {transform_indices = #map1}, {transform_indices = #map1}]} {
    %mul3A = arith.constant 2 : i32
    %mul3A_0 = arith.muli %arg1, %mul3A : i32
    %add3A = arith.addi %mul3A_0, %arg0 : i32
    "tpu.region"() ({
      %run_scoped3A_697 = tpu.sem_alloc : memref<!tpu.dma_semaphore, #tpu.memory_space<semaphore_mem>>
      %dma_start3A_698 = arith.constant 0 : i32
      %dma_start3A_699 = arith.constant 0 : i32
      %dma_start3A_700 = tpu.memref_slice %arg3[%add3A, %dma_start3A_698, %dma_start3A_699] : memref<32x80x128xi32, #tpu.memory_space<hbm>> -> memref<1x80x128xi32, #tpu.memory_space<hbm>>
      %dma_start3A_701 = tpu.memref_squeeze %dma_start3A_700 : memref<1x80x128xi32, #tpu.memory_space<hbm>> -> memref<80x128xi32, #tpu.memory_space<hbm>>
      %dma_start3A_702 = arith.constant 0 : i32
      %dma_start3A_703 = arith.constant 0 : i32
      %dma_start3A_704 = tpu.memref_slice %arg3[%add3A, %dma_start3A_702, %dma_start3A_703] : memref<32x80x128xi32, #tpu.memory_space<hbm>> -> memref<1x80x128xi32, #tpu.memory_space<hbm>>
      %dma_start3A_705 = tpu.memref_squeeze %dma_start3A_704 : memref<1x80x128xi32, #tpu.memory_space<hbm>> -> memref<80x128xi32, #tpu.memory_space<hbm>>
      tpu.enqueue_dma source(%dma_start3A_705 : memref<80x128xi32, #tpu.memory_space<hbm>>) target(%arg5 : memref<80x128xi32, #tpu.memory_space<vmem>>) target_semaphore(%run_scoped3A_697 : memref<!tpu.dma_semaphore, #tpu.memory_space<semaphore_mem>>)
      %dma_wait3A_706 = arith.constant 0 : i32
      %dma_wait3A_707 = arith.constant 0 : i32
      %dma_wait3A_708 = tpu.memref_slice %arg3[%add3A, %dma_wait3A_706, %dma_wait3A_707] : memref<32x80x128xi32, #tpu.memory_space<hbm>> -> memref<1x80x128xi32, #tpu.memory_space<hbm>>
      %dma_wait3A_709 = tpu.memref_squeeze %dma_wait3A_708 : memref<1x80x128xi32, #tpu.memory_space<hbm>> -> memref<80x128xi32, #tpu.memory_space<hbm>>
      %dma_wait3A_710 = arith.constant 0 : i32
      %dma_wait3A_711 = arith.constant 0 : i32
      %dma_wait3A_712 = tpu.memref_slice %arg3[%add3A, %dma_wait3A_710, %dma_wait3A_711] : memref<32x80x128xi32, #tpu.memory_space<hbm>> -> memref<1x80x128xi32, #tpu.memory_space<hbm>>
      %dma_wait3A_713 = tpu.memref_squeeze %dma_wait3A_712 : memref<1x80x128xi32, #tpu.memory_space<hbm>> -> memref<80x128xi32, #tpu.memory_space<hbm>>
      tpu.wait_dma2 semaphore(%run_scoped3A_697 : memref<!tpu.dma_semaphore, #tpu.memory_space<semaphore_mem>>) src(%dma_wait3A_713 : memref<80x128xi32, #tpu.memory_space<hbm>>) dst(%arg5 : memref<80x128xi32, #tpu.memory_space<vmem>>)
      tpu.yield
    }) : () -> ()
    %get3A = arith.constant 0 : i32
    %get3A_1 = arith.index_cast %get3A : i32 to index
    %get3A_2 = arith.constant 0 : index
    %get3A_3 = tpu.vector_load %arg5[%get3A_1, %get3A_2] {strides = array<i32>} : memref<80x128xi32, #tpu.memory_space<vmem>>, vector<1x16xi32>,
    %get3A_4 = vector.shape_cast %get3A_3 : vector<1x16xi32> to vector<16xi32>
    %shift_right_logical3A = arith.constant 14 : i32
    %shift_right_logical3A_5 = vector.broadcast %shift_right_logical3A : i32 to vector<16xi32>
    %shift_right_logical3A_6 = arith.shrui %get3A_4, %shift_right_logical3A_5 : vector<16xi32>
    %swap3A = arith.constant 0 : i32
    %swap3A_7 = arith.constant 0 : i32
    %swap3A_8 = arith.index_cast %swap3A : i32 to index
    %swap3A_9 = arith.index_cast %swap3A_7 : i32 to index
    %swap3A_10 = arith.constant 0 : index
    %swap3A_11 = tpu.vector_load %arg6[%swap3A_8, %swap3A_9, %swap3A_10] {strides = array<i32>} : memref<2x2x128xi32, #tpu.memory_space<vmem>>, vector<1x1x16xi32>,
    %swap3A_12 = vector.shape_cast %swap3A_11 : vector<1x1x16xi32> to vector<16xi32>
    %swap3A_13 = vector.shape_cast %shift_right_logical3A_6 : vector<16xi32> to vector<1x1x16xi32>
    tpu.vector_store %arg6[%swap3A_8, %swap3A_9, %swap3A_10], %swap3A_13 {strides = array<i32>} : memref<2x2x128xi32, #tpu.memory_space<vmem>>, vector<1x1x16xi32>,
    %and3A = arith.constant 16383 : i32
    %and3A_14 = vector.broadcast %and3A : i32 to vector<16xi32>
    %and3A_15 = arith.andi %get3A_4, %and3A_14 : vector<16xi32>
    %swap3A_16 = arith.constant 0 : i32
    %swap3A_17 = arith.constant 1 : i32
    %swap3A_18 = arith.index_cast %swap3A_16 : i32 to index
    %swap3A_19 = arith.index_cast %swap3A_17 : i32 to index
    %swap3A_20 = arith.constant 0 : index
    %swap3A_21 = tpu.vector_load %arg6[%swap3A_18, %swap3A_19, %swap3A_20] {strides = array<i32>} : memref<2x2x128xi32, #tpu.memory_space<vmem>>, vector<1x1x16xi32>,
    %swap3A_22 = vector.shape_cast %swap3A_21 : vector<1x1x16xi32> to vector<16xi32>
    %swap3A_23 = vector.shape_cast %and3A_15 : vector<16xi32> to vector<1x1x16xi32>
    tpu.vector_store %arg6[%swap3A_18, %swap3A_19, %swap3A_20], %swap3A_23 {strides = array<i32>} : memref<2x2x128xi32, #tpu.memory_space<vmem>>, vector<1x1x16xi32>,
    %get3A_24 = arith.constant 0 : i32
    %get3A_25 = arith.index_cast %get3A_24 : i32 to index
    %get3A_26 = arith.constant 16 : index
    %get3A_27 = tpu.vector_load %arg5[%get3A_25, %get3A_26] {strides = array<i32>} : memref<80x128xi32, #tpu.memory_space<vmem>>, vector<1x16xi32>,
    %get3A_28 = vector.shape_cast %get3A_27 : vector<1x16xi32> to vector<16xi32>
    %shift_right_logical3A_29 = arith.constant 14 : i32
    %shift_right_logical3A_30 = vector.broadcast %shift_right_logical3A_29 : i32 to vector<16xi32>
    %shift_right_logical3A_31 = arith.shrui %get3A_28, %shift_right_logical3A_30 : vector<16xi32>
    %swap3A_32 = arith.constant 0 : i32
    %swap3A_33 = arith.constant 0 : i32
    %swap3A_34 = arith.index_cast %swap3A_32 : i32 to index
    %swap3A_35 = arith.index_cast %swap3A_33 : i32 to index
    %swap3A_36 = arith.constant 16 : index
    %swap3A_37 = tpu.vector_load %arg6[%swap3A_34, %swap3A_35, %swap3A_36] {strides = array<i32>} : memref<2x2x128xi32, #tpu.memory_space<vmem>>, vector<1x1x16xi32>,
    %swap3A_38 = vector.shape_cast %swap3A_37 : vector<1x1x16xi32> to vector<16xi32>
    %swap3A_39 = vector.shape_cast %shift_right_logical3A_31 : vector<16xi32> to vector<1x1x16xi32>
    tpu.vector_store %arg6[%swap3A_34, %swap3A_35, %swap3A_36], %swap3A_39 {strides = array<i32>} : memref<2x2x128xi32, #tpu.memory_space<vmem>>, vector<1x1x16xi32>,
    %and3A_40 = arith.constant 16383 : i32
    %and3A_41 = vector.broadcast %and3A_40 : i32 to vector<16xi32>
    %and3A_42 = arith.andi %get3A_28, %and3A_41 : vector<16xi32>
    %swap3A_43 = arith.constant 0 : i32
    %swap3A_44 = arith.constant 1 : i32
    %swap3A_45 = arith.index_cast %swap3A_43 : i32 to index
    %swap3A_46 = arith.index_cast %swap3A_44 : i32 to index
    %swap3A_47 = arith.constant 16 : index
    %swap3A_48 = tpu.vector_load %arg6[%swap3A_45, %swap3A_46, %swap3A_47] {strides = array<i32>} : memref<2x2x128xi32, #tpu.memory_space<vmem>>, vector<1x1x16xi32>,
    %swap3A_49 = vector.shape_cast %swap3A_48 : vector<1x1x16xi32> to vector<16xi32>
    %swap3A_50 = vector.shape_cast %and3A_42 : vector<16xi32> to vector<1x1x16xi32>
    tpu.vector_store %arg6[%swap3A_45, %swap3A_46, %swap3A_47], %swap3A_50 {strides = array<i32>} : memref<2x2x128xi32, #tpu.memory_space<vmem>>, vector<1x1x16xi32>,
    %get3A_51 = arith.constant 0 : i32
    %get3A_52 = arith.index_cast %get3A_51 : i32 to index
    %get3A_53 = arith.constant 32 : index
    %get3A_54 = tpu.vector_load %arg5[%get3A_52, %get3A_53] {strides = array<i32>} : memref<80x128xi32, #tpu.memory_space<vmem>>, vector<1x16xi32>,
    %get3A_55 = vector.shape_cast %get3A_54 : vector<1x16xi32> to vector<16xi32>
    %shift_right_logical3A_56 = arith.constant 14 : i32
    %shift_right_logical3A_57 = vector.broadcast %shift_right_logical3A_56 : i32 to vector<16xi32>
    %shift_right_logical3A_58 = arith.shrui %get3A_55, %shift_right_logical3A_57 : vector<16xi32>
    %swap3A_59 = arith.constant 0 : i32
    %swap3A_60 = arith.constant 0 : i32
    %swap3A_61 = arith.index_cast %swap3A_59 : i32 to index
    %swap3A_62 = arith.index_cast %swap3A_60 : i32 to index
    %swap3A_63 = arith.constant 32 : index
    %swap3A_64 = tpu.vector_load %arg6[%swap3A_61, %swap3A_62, %swap3A_63] {strides = array<i32>} : memref<2x2x128xi32, #tpu.memory_space<vmem>>, vector<1x1x16xi32>,
    %swap3A_65 = vector.shape_cast %swap3A_64 : vector<1x1x16xi32> to vector<16xi32>
    %swap3A_66 = vector.shape_cast %shift_right_logical3A_58 : vector<16xi32> to vector<1x1x16xi32>
    tpu.vector_store %arg6[%swap3A_61, %swap3A_62, %swap3A_63], %swap3A_66 {strides = array<i32>} : memref<2x2x128xi32, #tpu.memory_space<vmem>>, vector<1x1x16xi32>,
    %and3A_67 = arith.constant 16383 : i32
    %and3A_68 = vector.broadcast %and3A_67 : i32 to vector<16xi32>
    %and3A_69 = arith.andi %get3A_55, %and3A_68 : vector<16xi32>
    %swap3A_70 = arith.constant 0 : i32
    %swap3A_71 = arith.constant 1 : i32
    %swap3A_72 = arith.index_cast %swap3A_70 : i32 to index
    %swap3A_73 = arith.index_cast %swap3A_71 : i32 to index
    %swap3A_74 = arith.constant 32 : index
    %swap3A_75 = tpu.vector_load %arg6[%swap3A_72, %swap3A_73, %swap3A_74] {strides = array<i32>} : memref<2x2x128xi32, #tpu.memory_space<vmem>>, vector<1x1x16xi32>,
    %swap3A_76 = vector.shape_cast %swap3A_75 : vector<1x1x16xi32> to vector<16xi32>
    %swap3A_77 = vector.shape_cast %and3A_69 : vector<16xi32> to vector<1x1x16xi32>
    tpu.vector_store %arg6[%swap3A_72, %swap3A_73, %swap3A_74], %swap3A_77 {strides = array<i32>} : memref<2x2x128xi32, #tpu.memory_space<vmem>>, vector<1x1x16xi32>,
    %get3A_78 = arith.constant 0 : i32
    %get3A_79 = arith.index_cast %get3A_78 : i32 to index
    %get3A_80 = arith.constant 48 : index
    %get3A_81 = tpu.vector_load %arg5[%get3A_79, %get3A_80] {strides = array<i32>} : memref<80x128xi32, #tpu.memory_space<vmem>>, vector<1x16xi32>,
    %get3A_82 = vector.shape_cast %get3A_81 : vector<1x16xi32> to vector<16xi32>
    %shift_right_logical3A_83 = arith.constant 14 : i32
    %shift_right_logical3A_84 = vector.broadcast %shift_right_logical3A_83 : i32 to vector<16xi32>
    %shift_right_logical3A_85 = arith.shrui %get3A_82, %shift_right_logical3A_84 : vector<16xi32>
    %swap3A_86 = arith.constant 0 : i32
    %swap3A_87 = arith.constant 0 : i32
    %swap3A_88 = arith.index_cast %swap3A_86 : i32 to index
    %swap3A_89 = arith.index_cast %swap3A_87 : i32 to index
    %swap3A_90 = arith.constant 48 : index
    %swap3A_91 = tpu.vector_load %arg6[%swap3A_88, %swap3A_89, %swap3A_90] {strides = array<i32>} : memref<2x2x128xi32, #tpu.memory_space<vmem>>, vector<1x1x16xi32>,
    %swap3A_92 = vector.shape_cast %swap3A_91 : vector<1x1x16xi32> to vector<16xi32>
    %swap3A_93 = vector.shape_cast %shift_right_logical3A_85 : vector<16xi32> to vector<1x1x16xi32>
    tpu.vector_store %arg6[%swap3A_88, %swap3A_89, %swap3A_90], %swap3A_93 {strides = array<i32>} : memref<2x2x128xi32, #tpu.memory_space<vmem>>, vector<1x1x16xi32>,
    %and3A_94 = arith.constant 16383 : i32
    %and3A_95 = vector.broadcast %and3A_94 : i32 to vector<16xi32>
    %and3A_96 = arith.andi %get3A_82, %and3A_95 : vector<16xi32>
    %swap3A_97 = arith.constant 0 : i32
    %swap3A_98 = arith.constant 1 : i32
    %swap3A_99 = arith.index_cast %swap3A_97 : i32 to index
    %swap3A_100 = arith.index_cast %swap3A_98 : i32 to index
    %swap3A_101 = arith.constant 48 : index
    %swap3A_102 = tpu.vector_load %arg6[%swap3A_99, %swap3A_100, %swap3A_101] {strides = array<i32>} : memref<2x2x128xi32, #tpu.memory_space<vmem>>, vector<1x1x16xi32>,
    %swap3A_103 = vector.shape_cast %swap3A_102 : vector<1x1x16xi32> to vector<16xi32>
    %swap3A_104 = vector.shape_cast %and3A_96 : vector<16xi32> to vector<1x1x16xi32>
    tpu.vector_store %arg6[%swap3A_99, %swap3A_100, %swap3A_101], %swap3A_104 {strides = array<i32>} : memref<2x2x128xi32, #tpu.memory_space<vmem>>, vector<1x1x16xi32>,
    %get3A_105 = arith.constant 0 : i32
    %get3A_106 = arith.index_cast %get3A_105 : i32 to index
    %get3A_107 = arith.constant 64 : index
    %get3A_108 = tpu.vector_load %arg5[%get3A_106, %get3A_107] {strides = array<i32>} : memref<80x128xi32, #tpu.memory_space<vmem>>, vector<1x16xi32>,
    %get3A_109 = vector.shape_cast %get3A_108 : vector<1x16xi32> to vector<16xi32>
    %shift_right_logical3A_110 = arith.constant 14 : i32
    %shift_right_logical3A_111 = vector.broadcast %shift_right_logical3A_110 : i32 to vector<16xi32>
    %shift_right_logical3A_112 = arith.shrui %get3A_109, %shift_right_logical3A_111 : vector<16xi32>
    %swap3A_113 = arith.constant 0 : i32
    %swap3A_114 = arith.constant 0 : i32
    %swap3A_115 = arith.index_cast %swap3A_113 : i32 to index
    %swap3A_116 = arith.index_cast %swap3A_114 : i32 to index
    %swap3A_117 = arith.constant 64 : index
    %swap3A_118 = tpu.vector_load %arg6[%swap3A_115, %swap3A_116, %swap3A_117] {strides = array<i32>} : memref<2x2x128xi32, #tpu.memory_space<vmem>>, vector<1x1x16xi32>,
    %swap3A_119 = vector.shape_cast %swap3A_118 : vector<1x1x16xi32> to vector<16xi32>
    %swap3A_120 = vector.shape_cast %shift_right_logical3A_112 : vector<16xi32> to vector<1x1x16xi32>
    tpu.vector_store %arg6[%swap3A_115, %swap3A_116, %swap3A_117], %swap3A_120 {strides = array<i32>} : memref<2x2x128xi32, #tpu.memory_space<vmem>>, vector<1x1x16xi32>,
    %and3A_121 = arith.constant 16383 : i32
    %and3A_122 = vector.broadcast %and3A_121 : i32 to vector<16xi32>
    %and3A_123 = arith.andi %get3A_109, %and3A_122 : vector<16xi32>
    %swap3A_124 = arith.constant 0 : i32
    %swap3A_125 = arith.constant 1 : i32
    %swap3A_126 = arith.index_cast %swap3A_124 : i32 to index
    %swap3A_127 = arith.index_cast %swap3A_125 : i32 to index
    %swap3A_128 = arith.constant 64 : index
    %swap3A_129 = tpu.vector_load %arg6[%swap3A_126, %swap3A_127, %swap3A_128] {strides = array<i32>} : memref<2x2x128xi32, #tpu.memory_space<vmem>>, vector<1x1x16xi32>,
    %swap3A_130 = vector.shape_cast %swap3A_129 : vector<1x1x16xi32> to vector<16xi32>
    %swap3A_131 = vector.shape_cast %and3A_123 : vector<16xi32> to vector<1x1x16xi32>
    tpu.vector_store %arg6[%swap3A_126, %swap3A_127, %swap3A_128], %swap3A_131 {strides = array<i32>} : memref<2x2x128xi32, #tpu.memory_space<vmem>>, vector<1x1x16xi32>,
    %get3A_132 = arith.constant 0 : i32
    %get3A_133 = arith.index_cast %get3A_132 : i32 to index
    %get3A_134 = arith.constant 80 : index
    %get3A_135 = tpu.vector_load %arg5[%get3A_133, %get3A_134] {strides = array<i32>} : memref<80x128xi32, #tpu.memory_space<vmem>>, vector<1x16xi32>,
    %get3A_136 = vector.shape_cast %get3A_135 : vector<1x16xi32> to vector<16xi32>
    %shift_right_logical3A_137 = arith.constant 14 : i32
    %shift_right_logical3A_138 = vector.broadcast %shift_right_logical3A_137 : i32 to vector<16xi32>
    %shift_right_logical3A_139 = arith.shrui %get3A_136, %shift_right_logical3A_138 : vector<16xi32>
    %swap3A_140 = arith.constant 0 : i32
    %swap3A_141 = arith.constant 0 : i32
    %swap3A_142 = arith.index_cast %swap3A_140 : i32 to index
    %swap3A_143 = arith.index_cast %swap3A_141 : i32 to index
    %swap3A_144 = arith.constant 80 : index
    %swap3A_145 = tpu.vector_load %arg6[%swap3A_142, %swap3A_143, %swap3A_144] {strides = array<i32>} : memref<2x2x128xi32, #tpu.memory_space<vmem>>, vector<1x1x16xi32>,
    %swap3A_146 = vector.shape_cast %swap3A_145 : vector<1x1x16xi32> to vector<16xi32>
    %swap3A_147 = vector.shape_cast %shift_right_logical3A_139 : vector<16xi32> to vector<1x1x16xi32>
    tpu.vector_store %arg6[%swap3A_142, %swap3A_143, %swap3A_144], %swap3A_147 {strides = array<i32>} : memref<2x2x128xi32, #tpu.memory_space<vmem>>, vector<1x1x16xi32>,
    %and3A_148 = arith.constant 16383 : i32
    %and3A_149 = vector.broadcast %and3A_148 : i32 to vector<16xi32>
    %and3A_150 = arith.andi %get3A_136, %and3A_149 : vector<16xi32>
    %swap3A_151 = arith.constant 0 : i32
    %swap3A_152 = arith.constant 1 : i32
    %swap3A_153 = arith.index_cast %swap3A_151 : i32 to index
    %swap3A_154 = arith.index_cast %swap3A_152 : i32 to index
    %swap3A_155 = arith.constant 80 : index
    %swap3A_156 = tpu.vector_load %arg6[%swap3A_153, %swap3A_154, %swap3A_155] {strides = array<i32>} : memref<2x2x128xi32, #tpu.memory_space<vmem>>, vector<1x1x16xi32>,
    %swap3A_157 = vector.shape_cast %swap3A_156 : vector<1x1x16xi32> to vector<16xi32>
    %swap3A_158 = vector.shape_cast %and3A_150 : vector<16xi32> to vector<1x1x16xi32>
    tpu.vector_store %arg6[%swap3A_153, %swap3A_154, %swap3A_155], %swap3A_158 {strides = array<i32>} : memref<2x2x128xi32, #tpu.memory_space<vmem>>, vector<1x1x16xi32>,
    %get3A_159 = arith.constant 0 : i32
    %get3A_160 = arith.index_cast %get3A_159 : i32 to index
    %get3A_161 = arith.constant 96 : index
    %get3A_162 = tpu.vector_load %arg5[%get3A_160, %get3A_161] {strides = array<i32>} : memref<80x128xi32, #tpu.memory_space<vmem>>, vector<1x16xi32>,
    %get3A_163 = vector.shape_cast %get3A_162 : vector<1x16xi32> to vector<16xi32>
    %shift_right_logical3A_164 = arith.constant 14 : i32
    %shift_right_logical3A_165 = vector.broadcast %shift_right_logical3A_164 : i32 to vector<16xi32>
    %shift_right_logical3A_166 = arith.shrui %get3A_163, %shift_right_logical3A_165 : vector<16xi32>
    %swap3A_167 = arith.constant 0 : i32
    %swap3A_168 = arith.constant 0 : i32
    %swap3A_169 = arith.index_cast %swap3A_167 : i32 to index
    %swap3A_170 = arith.index_cast %swap3A_168 : i32 to index
    %swap3A_171 = arith.constant 96 : index
    %swap3A_172 = tpu.vector_load %arg6[%swap3A_169, %swap3A_170, %swap3A_171] {strides = array<i32>} : memref<2x2x128xi32, #tpu.memory_space<vmem>>, vector<1x1x16xi32>,
    %swap3A_173 = vector.shape_cast %swap3A_172 : vector<1x1x16xi32> to vector<16xi32>
    %swap3A_174 = vector.shape_cast %shift_right_logical3A_166 : vector<16xi32> to vector<1x1x16xi32>
    tpu.vector_store %arg6[%swap3A_169, %swap3A_170, %swap3A_171], %swap3A_174 {strides = array<i32>} : memref<2x2x128xi32, #tpu.memory_space<vmem>>, vector<1x1x16xi32>,
    %and3A_175 = arith.constant 16383 : i32
    %and3A_176 = vector.broadcast %and3A_175 : i32 to vector<16xi32>
    %and3A_177 = arith.andi %get3A_163, %and3A_176 : vector<16xi32>
    %swap3A_178 = arith.constant 0 : i32
    %swap3A_179 = arith.constant 1 : i32
    %swap3A_180 = arith.index_cast %swap3A_178 : i32 to index
    %swap3A_181 = arith.index_cast %swap3A_179 : i32 to index
    %swap3A_182 = arith.constant 96 : index
    %swap3A_183 = tpu.vector_load %arg6[%swap3A_180, %swap3A_181, %swap3A_182] {strides = array<i32>} : memref<2x2x128xi32, #tpu.memory_space<vmem>>, vector<1x1x16xi32>,
    %swap3A_184 = vector.shape_cast %swap3A_183 : vector<1x1x16xi32> to vector<16xi32>
    %swap3A_185 = vector.shape_cast %and3A_177 : vector<16xi32> to vector<1x1x16xi32>
    tpu.vector_store %arg6[%swap3A_180, %swap3A_181, %swap3A_182], %swap3A_185 {strides = array<i32>} : memref<2x2x128xi32, #tpu.memory_space<vmem>>, vector<1x1x16xi32>,
    %get3A_186 = arith.constant 0 : i32
    %get3A_187 = arith.index_cast %get3A_186 : i32 to index
    %get3A_188 = arith.constant 112 : index
    %get3A_189 = tpu.vector_load %arg5[%get3A_187, %get3A_188] {strides = array<i32>} : memref<80x128xi32, #tpu.memory_space<vmem>>, vector<1x16xi32>,
    %get3A_190 = vector.shape_cast %get3A_189 : vector<1x16xi32> to vector<16xi32>
    %shift_right_logical3A_191 = arith.constant 14 : i32
    %shift_right_logical3A_192 = vector.broadcast %shift_right_logical3A_191 : i32 to vector<16xi32>
    %shift_right_logical3A_193 = arith.shrui %get3A_190, %shift_right_logical3A_192 : vector<16xi32>
    %swap3A_194 = arith.constant 0 : i32
    %swap3A_195 = arith.constant 0 : i32
    %swap3A_196 = arith.index_cast %swap3A_194 : i32 to index
    %swap3A_197 = arith.index_cast %swap3A_195 : i32 to index
    %swap3A_198 = arith.constant 112 : index
    %swap3A_199 = tpu.vector_load %arg6[%swap3A_196, %swap3A_197, %swap3A_198] {strides = array<i32>} : memref<2x2x128xi32, #tpu.memory_space<vmem>>, vector<1x1x16xi32>,
    %swap3A_200 = vector.shape_cast %swap3A_199 : vector<1x1x16xi32> to vector<16xi32>
    %swap3A_201 = vector.shape_cast %shift_right_logical3A_193 : vector<16xi32> to vector<1x1x16xi32>
    tpu.vector_store %arg6[%swap3A_196, %swap3A_197, %swap3A_198], %swap3A_201 {strides = array<i32>} : memref<2x2x128xi32, #tpu.memory_space<vmem>>, vector<1x1x16xi32>,
    %and3A_202 = arith.constant 16383 : i32
    %and3A_203 = vector.broadcast %and3A_202 : i32 to vector<16xi32>
    %and3A_204 = arith.andi %get3A_190, %and3A_203 : vector<16xi32>
    %swap3A_205 = arith.constant 0 : i32
    %swap3A_206 = arith.constant 1 : i32
    %swap3A_207 = arith.index_cast %swap3A_205 : i32 to index
    %swap3A_208 = arith.index_cast %swap3A_206 : i32 to index
    %swap3A_209 = arith.constant 112 : index
    %swap3A_210 = tpu.vector_load %arg6[%swap3A_207, %swap3A_208, %swap3A_209] {strides = array<i32>} : memref<2x2x128xi32, #tpu.memory_space<vmem>>, vector<1x1x16xi32>,
    %swap3A_211 = vector.shape_cast %swap3A_210 : vector<1x1x16xi32> to vector<16xi32>
    %swap3A_212 = vector.shape_cast %and3A_204 : vector<16xi32> to vector<1x1x16xi32>
    tpu.vector_store %arg6[%swap3A_207, %swap3A_208, %swap3A_209], %swap3A_212 {strides = array<i32>} : memref<2x2x128xi32, #tpu.memory_space<vmem>>, vector<1x1x16xi32>,
    %dma_start3A = arith.constant 0 : i32
    %dma_start3A_213 = arith.constant 0 : i32
    %dma_start3A_214 = arith.constant 0 : i32
    %dma_start3A_215 = arith.constant 0 : i32
    %dma_start3A_216 = arith.constant 0 : i32
    %dma_start3A_217 = tpu.memref_slice %arg7[%dma_start3A_214, %dma_start3A_215, %dma_start3A_216] : memref<2x128x128xf32, #tpu.memory_space<vmem>> -> memref<1x32x128xf32, #tpu.memory_space<vmem>>
    %dma_start3A_218 = tpu.memref_squeeze %dma_start3A_217 : memref<1x32x128xf32, #tpu.memory_space<vmem>> -> memref<32x128xf32, #tpu.memory_space<vmem>>
    %dma_start3A_219 = arith.constant 0 : i32
    %dma_start3A_220 = tpu.memref_slice %arg6[%dma_start3A, %dma_start3A_213, %dma_start3A_219] : memref<2x2x128xi32, #tpu.memory_space<vmem>> -> memref<1x1x32xi32, #tpu.memory_space<vmem>>
    %dma_start3A_221 = tpu.memref_squeeze %dma_start3A_220 : memref<1x1x32xi32, #tpu.memory_space<vmem>> -> memref<32xi32, #tpu.memory_space<vmem>>
    %dma_start3A_222 = arith.constant 0 : i32
    %dma_start3A_223 = arith.constant 0 : i32
    %dma_start3A_224 = tpu.memref_slice %arg2[%dma_start3A_222, %dma_start3A_223] : memref<10000x128xf32, #tpu.memory_space<hbm>> -> memref<10000x128xf32, #tpu.memory_space<hbm>>
    tpu.enqueue_indirect_dma source(%dma_start3A_224 : memref<10000x128xf32, #tpu.memory_space<hbm>>) target(%dma_start3A_218 : memref<32x128xf32, #tpu.memory_space<vmem>>) offsets(%dma_start3A_221 : memref<32xi32, #tpu.memory_space<vmem>>) semaphore(%arg10 : memref<!tpu.dma_semaphore, #tpu.memory_space<semaphore_mem>>)
    %dma_start3A_225 = arith.constant 0 : i32
    %dma_start3A_226 = arith.constant 0 : i32
    %dma_start3A_227 = arith.constant 0 : i32
    %dma_start3A_228 = arith.constant 32 : i32
    %dma_start3A_229 = arith.constant 0 : i32
    %dma_start3A_230 = tpu.memref_slice %arg7[%dma_start3A_227, %dma_start3A_228, %dma_start3A_229] : memref<2x128x128xf32, #tpu.memory_space<vmem>> -> memref<1x32x128xf32, #tpu.memory_space<vmem>>
    %dma_start3A_231 = tpu.memref_squeeze %dma_start3A_230 : memref<1x32x128xf32, #tpu.memory_space<vmem>> -> memref<32x128xf32, #tpu.memory_space<vmem>>
    %dma_start3A_232 = arith.constant 32 : i32
    %dma_start3A_233 = tpu.memref_slice %arg6[%dma_start3A_225, %dma_start3A_226, %dma_start3A_232] : memref<2x2x128xi32, #tpu.memory_space<vmem>> -> memref<1x1x32xi32, #tpu.memory_space<vmem>>
    %dma_start3A_234 = tpu.memref_squeeze %dma_start3A_233 : memref<1x1x32xi32, #tpu.memory_space<vmem>> -> memref<32xi32, #tpu.memory_space<vmem>>
    %dma_start3A_235 = arith.constant 0 : i32
    %dma_start3A_236 = arith.constant 0 : i32
    %dma_start3A_237 = tpu.memref_slice %arg2[%dma_start3A_235, %dma_start3A_236] : memref<10000x128xf32, #tpu.memory_space<hbm>> -> memref<10000x128xf32, #tpu.memory_space<hbm>>
    tpu.enqueue_indirect_dma source(%dma_start3A_237 : memref<10000x128xf32, #tpu.memory_space<hbm>>) target(%dma_start3A_231 : memref<32x128xf32, #tpu.memory_space<vmem>>) offsets(%dma_start3A_234 : memref<32xi32, #tpu.memory_space<vmem>>) semaphore(%arg10 : memref<!tpu.dma_semaphore, #tpu.memory_space<semaphore_mem>>)
    %dma_start3A_238 = arith.constant 0 : i32
    %dma_start3A_239 = arith.constant 0 : i32
    %dma_start3A_240 = arith.constant 0 : i32
    %dma_start3A_241 = arith.constant 64 : i32
    %dma_start3A_242 = arith.constant 0 : i32
    %dma_start3A_243 = tpu.memref_slice %arg7[%dma_start3A_240, %dma_start3A_241, %dma_start3A_242] : memref<2x128x128xf32, #tpu.memory_space<vmem>> -> memref<1x32x128xf32, #tpu.memory_space<vmem>>
    %dma_start3A_244 = tpu.memref_squeeze %dma_start3A_243 : memref<1x32x128xf32, #tpu.memory_space<vmem>> -> memref<32x128xf32, #tpu.memory_space<vmem>>
    %dma_start3A_245 = arith.constant 64 : i32
    %dma_start3A_246 = tpu.memref_slice %arg6[%dma_start3A_238, %dma_start3A_239, %dma_start3A_245] : memref<2x2x128xi32, #tpu.memory_space<vmem>> -> memref<1x1x32xi32, #tpu.memory_space<vmem>>
    %dma_start3A_247 = tpu.memref_squeeze %dma_start3A_246 : memref<1x1x32xi32, #tpu.memory_space<vmem>> -> memref<32xi32, #tpu.memory_space<vmem>>
    %dma_start3A_248 = arith.constant 0 : i32
    %dma_start3A_249 = arith.constant 0 : i32
    %dma_start3A_250 = tpu.memref_slice %arg2[%dma_start3A_248, %dma_start3A_249] : memref<10000x128xf32, #tpu.memory_space<hbm>> -> memref<10000x128xf32, #tpu.memory_space<hbm>>
    tpu.enqueue_indirect_dma source(%dma_start3A_250 : memref<10000x128xf32, #tpu.memory_space<hbm>>) target(%dma_start3A_244 : memref<32x128xf32, #tpu.memory_space<vmem>>) offsets(%dma_start3A_247 : memref<32xi32, #tpu.memory_space<vmem>>) semaphore(%arg10 : memref<!tpu.dma_semaphore, #tpu.memory_space<semaphore_mem>>)
    %dma_start3A_251 = arith.constant 0 : i32
    %dma_start3A_252 = arith.constant 0 : i32
    %dma_start3A_253 = arith.constant 0 : i32
    %dma_start3A_254 = arith.constant 96 : i32
    %dma_start3A_255 = arith.constant 0 : i32
    %dma_start3A_256 = tpu.memref_slice %arg7[%dma_start3A_253, %dma_start3A_254, %dma_start3A_255] : memref<2x128x128xf32, #tpu.memory_space<vmem>> -> memref<1x32x128xf32, #tpu.memory_space<vmem>>
    %dma_start3A_257 = tpu.memref_squeeze %dma_start3A_256 : memref<1x32x128xf32, #tpu.memory_space<vmem>> -> memref<32x128xf32, #tpu.memory_space<vmem>>
    %dma_start3A_258 = arith.constant 96 : i32
    %dma_start3A_259 = tpu.memref_slice %arg6[%dma_start3A_251, %dma_start3A_252, %dma_start3A_258] : memref<2x2x128xi32, #tpu.memory_space<vmem>> -> memref<1x1x32xi32, #tpu.memory_space<vmem>>
    %dma_start3A_260 = tpu.memref_squeeze %dma_start3A_259 : memref<1x1x32xi32, #tpu.memory_space<vmem>> -> memref<32xi32, #tpu.memory_space<vmem>>
    %dma_start3A_261 = arith.constant 0 : i32
    %dma_start3A_262 = arith.constant 0 : i32
    %dma_start3A_263 = tpu.memref_slice %arg2[%dma_start3A_261, %dma_start3A_262] : memref<10000x128xf32, #tpu.memory_space<hbm>> -> memref<10000x128xf32, #tpu.memory_space<hbm>>
    tpu.enqueue_indirect_dma source(%dma_start3A_263 : memref<10000x128xf32, #tpu.memory_space<hbm>>) target(%dma_start3A_257 : memref<32x128xf32, #tpu.memory_space<vmem>>) offsets(%dma_start3A_260 : memref<32xi32, #tpu.memory_space<vmem>>) semaphore(%arg10 : memref<!tpu.dma_semaphore, #tpu.memory_space<semaphore_mem>>)
    %get3A_264 = arith.constant 1 : i32
    %get3A_265 = arith.index_cast %get3A_264 : i32 to index
    %get3A_266 = arith.constant 0 : index
    %get3A_267 = tpu.vector_load %arg5[%get3A_265, %get3A_266] {strides = array<i32>} : memref<80x128xi32, #tpu.memory_space<vmem>>, vector<1x16xi32>,
    %get3A_268 = vector.shape_cast %get3A_267 : vector<1x16xi32> to vector<16xi32>
    %shift_right_logical3A_269 = arith.constant 14 : i32
    %shift_right_logical3A_270 = vector.broadcast %shift_right_logical3A_269 : i32 to vector<16xi32>
    %shift_right_logical3A_271 = arith.shrui %get3A_268, %shift_right_logical3A_270 : vector<16xi32>
    %swap3A_272 = arith.constant 1 : i32
    %swap3A_273 = arith.constant 0 : i32
    %swap3A_274 = arith.index_cast %swap3A_272 : i32 to index
    %swap3A_275 = arith.index_cast %swap3A_273 : i32 to index
    %swap3A_276 = arith.constant 0 : index
    %swap3A_277 = tpu.vector_load %arg6[%swap3A_274, %swap3A_275, %swap3A_276] {strides = array<i32>} : memref<2x2x128xi32, #tpu.memory_space<vmem>>, vector<1x1x16xi32>,
    %swap3A_278 = vector.shape_cast %swap3A_277 : vector<1x1x16xi32> to vector<16xi32>
    %swap3A_279 = vector.shape_cast %shift_right_logical3A_271 : vector<16xi32> to vector<1x1x16xi32>
    tpu.vector_store %arg6[%swap3A_274, %swap3A_275, %swap3A_276], %swap3A_279 {strides = array<i32>} : memref<2x2x128xi32, #tpu.memory_space<vmem>>, vector<1x1x16xi32>,
    %and3A_280 = arith.constant 16383 : i32
    %and3A_281 = vector.broadcast %and3A_280 : i32 to vector<16xi32>
    %and3A_282 = arith.andi %get3A_268, %and3A_281 : vector<16xi32>
    %swap3A_283 = arith.constant 1 : i32
    %swap3A_284 = arith.constant 1 : i32
    %swap3A_285 = arith.index_cast %swap3A_283 : i32 to index
    %swap3A_286 = arith.index_cast %swap3A_284 : i32 to index
    %swap3A_287 = arith.constant 0 : index
    %swap3A_288 = tpu.vector_load %arg6[%swap3A_285, %swap3A_286, %swap3A_287] {strides = array<i32>} : memref<2x2x128xi32, #tpu.memory_space<vmem>>, vector<1x1x16xi32>,
    %swap3A_289 = vector.shape_cast %swap3A_288 : vector<1x1x16xi32> to vector<16xi32>
    %swap3A_290 = vector.shape_cast %and3A_282 : vector<16xi32> to vector<1x1x16xi32>
    tpu.vector_store %arg6[%swap3A_285, %swap3A_286, %swap3A_287], %swap3A_290 {strides = array<i32>} : memref<2x2x128xi32, #tpu.memory_space<vmem>>, vector<1x1x16xi32>,
    %get3A_291 = arith.constant 1 : i32
    %get3A_292 = arith.index_cast %get3A_291 : i32 to index
    %get3A_293 = arith.constant 16 : index
    %get3A_294 = tpu.vector_load %arg5[%get3A_292, %get3A_293] {strides = array<i32>} : memref<80x128xi32, #tpu.memory_space<vmem>>, vector<1x16xi32>,
    %get3A_295 = vector.shape_cast %get3A_294 : vector<1x16xi32> to vector<16xi32>
    %shift_right_logical3A_296 = arith.constant 14 : i32
    %shift_right_logical3A_297 = vector.broadcast %shift_right_logical3A_296 : i32 to vector<16xi32>
    %shift_right_logical3A_298 = arith.shrui %get3A_295, %shift_right_logical3A_297 : vector<16xi32>
    %swap3A_299 = arith.constant 1 : i32
    %swap3A_300 = arith.constant 0 : i32
    %swap3A_301 = arith.index_cast %swap3A_299 : i32 to index
    %swap3A_302 = arith.index_cast %swap3A_300 : i32 to index
    %swap3A_303 = arith.constant 16 : index
    %swap3A_304 = tpu.vector_load %arg6[%swap3A_301, %swap3A_302, %swap3A_303] {strides = array<i32>} : memref<2x2x128xi32, #tpu.memory_space<vmem>>, vector<1x1x16xi32>,
    %swap3A_305 = vector.shape_cast %swap3A_304 : vector<1x1x16xi32> to vector<16xi32>
    %swap3A_306 = vector.shape_cast %shift_right_logical3A_298 : vector<16xi32> to vector<1x1x16xi32>
    tpu.vector_store %arg6[%swap3A_301, %swap3A_302, %swap3A_303], %swap3A_306 {strides = array<i32>} : memref<2x2x128xi32, #tpu.memory_space<vmem>>, vector<1x1x16xi32>,
    %and3A_307 = arith.constant 16383 : i32
    %and3A_308 = vector.broadcast %and3A_307 : i32 to vector<16xi32>
    %and3A_309 = arith.andi %get3A_295, %and3A_308 : vector<16xi32>
    %swap3A_310 = arith.constant 1 : i32
    %swap3A_311 = arith.constant 1 : i32
    %swap3A_312 = arith.index_cast %swap3A_310 : i32 to index
    %swap3A_313 = arith.index_cast %swap3A_311 : i32 to index
    %swap3A_314 = arith.constant 16 : index
    %swap3A_315 = tpu.vector_load %arg6[%swap3A_312, %swap3A_313, %swap3A_314] {strides = array<i32>} : memref<2x2x128xi32, #tpu.memory_space<vmem>>, vector<1x1x16xi32>,
    %swap3A_316 = vector.shape_cast %swap3A_315 : vector<1x1x16xi32> to vector<16xi32>
    %swap3A_317 = vector.shape_cast %and3A_309 : vector<16xi32> to vector<1x1x16xi32>
    tpu.vector_store %arg6[%swap3A_312, %swap3A_313, %swap3A_314], %swap3A_317 {strides = array<i32>} : memref<2x2x128xi32, #tpu.memory_space<vmem>>, vector<1x1x16xi32>,
    %get3A_318 = arith.constant 1 : i32
    %get3A_319 = arith.index_cast %get3A_318 : i32 to index
    %get3A_320 = arith.constant 32 : index
    %get3A_321 = tpu.vector_load %arg5[%get3A_319, %get3A_320] {strides = array<i32>} : memref<80x128xi32, #tpu.memory_space<vmem>>, vector<1x16xi32>,
    %get3A_322 = vector.shape_cast %get3A_321 : vector<1x16xi32> to vector<16xi32>
    %shift_right_logical3A_323 = arith.constant 14 : i32
    %shift_right_logical3A_324 = vector.broadcast %shift_right_logical3A_323 : i32 to vector<16xi32>
    %shift_right_logical3A_325 = arith.shrui %get3A_322, %shift_right_logical3A_324 : vector<16xi32>
    %swap3A_326 = arith.constant 1 : i32
    %swap3A_327 = arith.constant 0 : i32
    %swap3A_328 = arith.index_cast %swap3A_326 : i32 to index
    %swap3A_329 = arith.index_cast %swap3A_327 : i32 to index
    %swap3A_330 = arith.constant 32 : index
    %swap3A_331 = tpu.vector_load %arg6[%swap3A_328, %swap3A_329, %swap3A_330] {strides = array<i32>} : memref<2x2x128xi32, #tpu.memory_space<vmem>>, vector<1x1x16xi32>,
    %swap3A_332 = vector.shape_cast %swap3A_331 : vector<1x1x16xi32> to vector<16xi32>
    %swap3A_333 = vector.shape_cast %shift_right_logical3A_325 : vector<16xi32> to vector<1x1x16xi32>
    tpu.vector_store %arg6[%swap3A_328, %swap3A_329, %swap3A_330], %swap3A_333 {strides = array<i32>} : memref<2x2x128xi32, #tpu.memory_space<vmem>>, vector<1x1x16xi32>,
    %and3A_334 = arith.constant 16383 : i32
    %and3A_335 = vector.broadcast %and3A_334 : i32 to vector<16xi32>
    %and3A_336 = arith.andi %get3A_322, %and3A_335 : vector<16xi32>
    %swap3A_337 = arith.constant 1 : i32
    %swap3A_338 = arith.constant 1 : i32
    %swap3A_339 = arith.index_cast %swap3A_337 : i32 to index
    %swap3A_340 = arith.index_cast %swap3A_338 : i32 to index
    %swap3A_341 = arith.constant 32 : index
    %swap3A_342 = tpu.vector_load %arg6[%swap3A_339, %swap3A_340, %swap3A_341] {strides = array<i32>} : memref<2x2x128xi32, #tpu.memory_space<vmem>>, vector<1x1x16xi32>,
    %swap3A_343 = vector.shape_cast %swap3A_342 : vector<1x1x16xi32> to vector<16xi32>
    %swap3A_344 = vector.shape_cast %and3A_336 : vector<16xi32> to vector<1x1x16xi32>
    tpu.vector_store %arg6[%swap3A_339, %swap3A_340, %swap3A_341], %swap3A_344 {strides = array<i32>} : memref<2x2x128xi32, #tpu.memory_space<vmem>>, vector<1x1x16xi32>,
    %get3A_345 = arith.constant 1 : i32
    %get3A_346 = arith.index_cast %get3A_345 : i32 to index
    %get3A_347 = arith.constant 48 : index
    %get3A_348 = tpu.vector_load %arg5[%get3A_346, %get3A_347] {strides = array<i32>} : memref<80x128xi32, #tpu.memory_space<vmem>>, vector<1x16xi32>,
    %get3A_349 = vector.shape_cast %get3A_348 : vector<1x16xi32> to vector<16xi32>
    %shift_right_logical3A_350 = arith.constant 14 : i32
    %shift_right_logical3A_351 = vector.broadcast %shift_right_logical3A_350 : i32 to vector<16xi32>
    %shift_right_logical3A_352 = arith.shrui %get3A_349, %shift_right_logical3A_351 : vector<16xi32>
    %swap3A_353 = arith.constant 1 : i32
    %swap3A_354 = arith.constant 0 : i32
    %swap3A_355 = arith.index_cast %swap3A_353 : i32 to index
    %swap3A_356 = arith.index_cast %swap3A_354 : i32 to index
    %swap3A_357 = arith.constant 48 : index
    %swap3A_358 = tpu.vector_load %arg6[%swap3A_355, %swap3A_356, %swap3A_357] {strides = array<i32>} : memref<2x2x128xi32, #tpu.memory_space<vmem>>, vector<1x1x16xi32>,
    %swap3A_359 = vector.shape_cast %swap3A_358 : vector<1x1x16xi32> to vector<16xi32>
    %swap3A_360 = vector.shape_cast %shift_right_logical3A_352 : vector<16xi32> to vector<1x1x16xi32>
    tpu.vector_store %arg6[%swap3A_355, %swap3A_356, %swap3A_357], %swap3A_360 {strides = array<i32>} : memref<2x2x128xi32, #tpu.memory_space<vmem>>, vector<1x1x16xi32>,
    %and3A_361 = arith.constant 16383 : i32
    %and3A_362 = vector.broadcast %and3A_361 : i32 to vector<16xi32>
    %and3A_363 = arith.andi %get3A_349, %and3A_362 : vector<16xi32>
    %swap3A_364 = arith.constant 1 : i32
    %swap3A_365 = arith.constant 1 : i32
    %swap3A_366 = arith.index_cast %swap3A_364 : i32 to index
    %swap3A_367 = arith.index_cast %swap3A_365 : i32 to index
    %swap3A_368 = arith.constant 48 : index
    %swap3A_369 = tpu.vector_load %arg6[%swap3A_366, %swap3A_367, %swap3A_368] {strides = array<i32>} : memref<2x2x128xi32, #tpu.memory_space<vmem>>, vector<1x1x16xi32>,
    %swap3A_370 = vector.shape_cast %swap3A_369 : vector<1x1x16xi32> to vector<16xi32>
    %swap3A_371 = vector.shape_cast %and3A_363 : vector<16xi32> to vector<1x1x16xi32>
    tpu.vector_store %arg6[%swap3A_366, %swap3A_367, %swap3A_368], %swap3A_371 {strides = array<i32>} : memref<2x2x128xi32, #tpu.memory_space<vmem>>, vector<1x1x16xi32>,
    %get3A_372 = arith.constant 1 : i32
    %get3A_373 = arith.index_cast %get3A_372 : i32 to index
    %get3A_374 = arith.constant 64 : index
    %get3A_375 = tpu.vector_load %arg5[%get3A_373, %get3A_374] {strides = array<i32>} : memref<80x128xi32, #tpu.memory_space<vmem>>, vector<1x16xi32>,
    %get3A_376 = vector.shape_cast %get3A_375 : vector<1x16xi32> to vector<16xi32>
    %shift_right_logical3A_377 = arith.constant 14 : i32
    %shift_right_logical3A_378 = vector.broadcast %shift_right_logical3A_377 : i32 to vector<16xi32>
    %shift_right_logical3A_379 = arith.shrui %get3A_376, %shift_right_logical3A_378 : vector<16xi32>
    %swap3A_380 = arith.constant 1 : i32
    %swap3A_381 = arith.constant 0 : i32
    %swap3A_382 = arith.index_cast %swap3A_380 : i32 to index
    %swap3A_383 = arith.index_cast %swap3A_381 : i32 to index
    %swap3A_384 = arith.constant 64 : index
    %swap3A_385 = tpu.vector_load %arg6[%swap3A_382, %swap3A_383, %swap3A_384] {strides = array<i32>} : memref<2x2x128xi32, #tpu.memory_space<vmem>>, vector<1x1x16xi32>,
    %swap3A_386 = vector.shape_cast %swap3A_385 : vector<1x1x16xi32> to vector<16xi32>
    %swap3A_387 = vector.shape_cast %shift_right_logical3A_379 : vector<16xi32> to vector<1x1x16xi32>
    tpu.vector_store %arg6[%swap3A_382, %swap3A_383, %swap3A_384], %swap3A_387 {strides = array<i32>} : memref<2x2x128xi32, #tpu.memory_space<vmem>>, vector<1x1x16xi32>,
    %and3A_388 = arith.constant 16383 : i32
    %and3A_389 = vector.broadcast %and3A_388 : i32 to vector<16xi32>
    %and3A_390 = arith.andi %get3A_376, %and3A_389 : vector<16xi32>
    %swap3A_391 = arith.constant 1 : i32
    %swap3A_392 = arith.constant 1 : i32
    %swap3A_393 = arith.index_cast %swap3A_391 : i32 to index
    %swap3A_394 = arith.index_cast %swap3A_392 : i32 to index
    %swap3A_395 = arith.constant 64 : index
    %swap3A_396 = tpu.vector_load %arg6[%swap3A_393, %swap3A_394, %swap3A_395] {strides = array<i32>} : memref<2x2x128xi32, #tpu.memory_space<vmem>>, vector<1x1x16xi32>,
    %swap3A_397 = vector.shape_cast %swap3A_396 : vector<1x1x16xi32> to vector<16xi32>
    %swap3A_398 = vector.shape_cast %and3A_390 : vector<16xi32> to vector<1x1x16xi32>
    tpu.vector_store %arg6[%swap3A_393, %swap3A_394, %swap3A_395], %swap3A_398 {strides = array<i32>} : memref<2x2x128xi32, #tpu.memory_space<vmem>>, vector<1x1x16xi32>,
    %get3A_399 = arith.constant 1 : i32
    %get3A_400 = arith.index_cast %get3A_399 : i32 to index
    %get3A_401 = arith.constant 80 : index
    %get3A_402 = tpu.vector_load %arg5[%get3A_400, %get3A_401] {strides = array<i32>} : memref<80x128xi32, #tpu.memory_space<vmem>>, vector<1x16xi32>,
    %get3A_403 = vector.shape_cast %get3A_402 : vector<1x16xi32> to vector<16xi32>
    %shift_right_logical3A_404 = arith.constant 14 : i32
    %shift_right_logical3A_405 = vector.broadcast %shift_right_logical3A_404 : i32 to vector<16xi32>
    %shift_right_logical3A_406 = arith.shrui %get3A_403, %shift_right_logical3A_405 : vector<16xi32>
    %swap3A_407 = arith.constant 1 : i32
    %swap3A_408 = arith.constant 0 : i32
    %swap3A_409 = arith.index_cast %swap3A_407 : i32 to index
    %swap3A_410 = arith.index_cast %swap3A_408 : i32 to index
    %swap3A_411 = arith.constant 80 : index
    %swap3A_412 = tpu.vector_load %arg6[%swap3A_409, %swap3A_410, %swap3A_411] {strides = array<i32>} : memref<2x2x128xi32, #tpu.memory_space<vmem>>, vector<1x1x16xi32>,
    %swap3A_413 = vector.shape_cast %swap3A_412 : vector<1x1x16xi32> to vector<16xi32>
    %swap3A_414 = vector.shape_cast %shift_right_logical3A_406 : vector<16xi32> to vector<1x1x16xi32>
    tpu.vector_store %arg6[%swap3A_409, %swap3A_410, %swap3A_411], %swap3A_414 {strides = array<i32>} : memref<2x2x128xi32, #tpu.memory_space<vmem>>, vector<1x1x16xi32>,
    %and3A_415 = arith.constant 16383 : i32
    %and3A_416 = vector.broadcast %and3A_415 : i32 to vector<16xi32>
    %and3A_417 = arith.andi %get3A_403, %and3A_416 : vector<16xi32>
    %swap3A_418 = arith.constant 1 : i32
    %swap3A_419 = arith.constant 1 : i32
    %swap3A_420 = arith.index_cast %swap3A_418 : i32 to index
    %swap3A_421 = arith.index_cast %swap3A_419 : i32 to index
    %swap3A_422 = arith.constant 80 : index
    %swap3A_423 = tpu.vector_load %arg6[%swap3A_420, %swap3A_421, %swap3A_422] {strides = array<i32>} : memref<2x2x128xi32, #tpu.memory_space<vmem>>, vector<1x1x16xi32>,
    %swap3A_424 = vector.shape_cast %swap3A_423 : vector<1x1x16xi32> to vector<16xi32>
    %swap3A_425 = vector.shape_cast %and3A_417 : vector<16xi32> to vector<1x1x16xi32>
    tpu.vector_store %arg6[%swap3A_420, %swap3A_421, %swap3A_422], %swap3A_425 {strides = array<i32>} : memref<2x2x128xi32, #tpu.memory_space<vmem>>, vector<1x1x16xi32>,
    %get3A_426 = arith.constant 1 : i32
    %get3A_427 = arith.index_cast %get3A_426 : i32 to index
    %get3A_428 = arith.constant 96 : index
    %get3A_429 = tpu.vector_load %arg5[%get3A_427, %get3A_428] {strides = array<i32>} : memref<80x128xi32, #tpu.memory_space<vmem>>, vector<1x16xi32>,
    %get3A_430 = vector.shape_cast %get3A_429 : vector<1x16xi32> to vector<16xi32>
    %shift_right_logical3A_431 = arith.constant 14 : i32
    %shift_right_logical3A_432 = vector.broadcast %shift_right_logical3A_431 : i32 to vector<16xi32>
    %shift_right_logical3A_433 = arith.shrui %get3A_430, %shift_right_logical3A_432 : vector<16xi32>
    %swap3A_434 = arith.constant 1 : i32
    %swap3A_435 = arith.constant 0 : i32
    %swap3A_436 = arith.index_cast %swap3A_434 : i32 to index
    %swap3A_437 = arith.index_cast %swap3A_435 : i32 to index
    %swap3A_438 = arith.constant 96 : index
    %swap3A_439 = tpu.vector_load %arg6[%swap3A_436, %swap3A_437, %swap3A_438] {strides = array<i32>} : memref<2x2x128xi32, #tpu.memory_space<vmem>>, vector<1x1x16xi32>,
    %swap3A_440 = vector.shape_cast %swap3A_439 : vector<1x1x16xi32> to vector<16xi32>
    %swap3A_441 = vector.shape_cast %shift_right_logical3A_433 : vector<16xi32> to vector<1x1x16xi32>
    tpu.vector_store %arg6[%swap3A_436, %swap3A_437, %swap3A_438], %swap3A_441 {strides = array<i32>} : memref<2x2x128xi32, #tpu.memory_space<vmem>>, vector<1x1x16xi32>,
    %and3A_442 = arith.constant 16383 : i32
    %and3A_443 = vector.broadcast %and3A_442 : i32 to vector<16xi32>
    %and3A_444 = arith.andi %get3A_430, %and3A_443 : vector<16xi32>
    %swap3A_445 = arith.constant 1 : i32
    %swap3A_446 = arith.constant 1 : i32
    %swap3A_447 = arith.index_cast %swap3A_445 : i32 to index
    %swap3A_448 = arith.index_cast %swap3A_446 : i32 to index
    %swap3A_449 = arith.constant 96 : index
    %swap3A_450 = tpu.vector_load %arg6[%swap3A_447, %swap3A_448, %swap3A_449] {strides = array<i32>} : memref<2x2x128xi32, #tpu.memory_space<vmem>>, vector<1x1x16xi32>,
    %swap3A_451 = vector.shape_cast %swap3A_450 : vector<1x1x16xi32> to vector<16xi32>
    %swap3A_452 = vector.shape_cast %and3A_444 : vector<16xi32> to vector<1x1x16xi32>
    tpu.vector_store %arg6[%swap3A_447, %swap3A_448, %swap3A_449], %swap3A_452 {strides = array<i32>} : memref<2x2x128xi32, #tpu.memory_space<vmem>>, vector<1x1x16xi32>,
    %get3A_453 = arith.constant 1 : i32
    %get3A_454 = arith.index_cast %get3A_453 : i32 to index
    %get3A_455 = arith.constant 112 : index
    %get3A_456 = tpu.vector_load %arg5[%get3A_454, %get3A_455] {strides = array<i32>} : memref<80x128xi32, #tpu.memory_space<vmem>>, vector<1x16xi32>,
    %get3A_457 = vector.shape_cast %get3A_456 : vector<1x16xi32> to vector<16xi32>
    %shift_right_logical3A_458 = arith.constant 14 : i32
    %shift_right_logical3A_459 = vector.broadcast %shift_right_logical3A_458 : i32 to vector<16xi32>
    %shift_right_logical3A_460 = arith.shrui %get3A_457, %shift_right_logical3A_459 : vector<16xi32>
    %swap3A_461 = arith.constant 1 : i32
    %swap3A_462 = arith.constant 0 : i32
    %swap3A_463 = arith.index_cast %swap3A_461 : i32 to index
    %swap3A_464 = arith.index_cast %swap3A_462 : i32 to index
    %swap3A_465 = arith.constant 112 : index
    %swap3A_466 = tpu.vector_load %arg6[%swap3A_463, %swap3A_464, %swap3A_465] {strides = array<i32>} : memref<2x2x128xi32, #tpu.memory_space<vmem>>, vector<1x1x16xi32>,
    %swap3A_467 = vector.shape_cast %swap3A_466 : vector<1x1x16xi32> to vector<16xi32>
    %swap3A_468 = vector.shape_cast %shift_right_logical3A_460 : vector<16xi32> to vector<1x1x16xi32>
    tpu.vector_store %arg6[%swap3A_463, %swap3A_464, %swap3A_465], %swap3A_468 {strides = array<i32>} : memref<2x2x128xi32, #tpu.memory_space<vmem>>, vector<1x1x16xi32>,
    %and3A_469 = arith.constant 16383 : i32
    %and3A_470 = vector.broadcast %and3A_469 : i32 to vector<16xi32>
    %and3A_471 = arith.andi %get3A_457, %and3A_470 : vector<16xi32>
    %swap3A_472 = arith.constant 1 : i32
    %swap3A_473 = arith.constant 1 : i32
    %swap3A_474 = arith.index_cast %swap3A_472 : i32 to index
    %swap3A_475 = arith.index_cast %swap3A_473 : i32 to index
    %swap3A_476 = arith.constant 112 : index
    %swap3A_477 = tpu.vector_load %arg6[%swap3A_474, %swap3A_475, %swap3A_476] {strides = array<i32>} : memref<2x2x128xi32, #tpu.memory_space<vmem>>, vector<1x1x16xi32>,
    %swap3A_478 = vector.shape_cast %swap3A_477 : vector<1x1x16xi32> to vector<16xi32>
    %swap3A_479 = vector.shape_cast %and3A_471 : vector<16xi32> to vector<1x1x16xi32>
    tpu.vector_store %arg6[%swap3A_474, %swap3A_475, %swap3A_476], %swap3A_479 {strides = array<i32>} : memref<2x2x128xi32, #tpu.memory_space<vmem>>, vector<1x1x16xi32>,
    %dma_start3A_480 = arith.constant 1 : i32
    %dma_start3A_481 = arith.constant 0 : i32
    %dma_start3A_482 = arith.constant 1 : i32
    %dma_start3A_483 = arith.constant 0 : i32
    %dma_start3A_484 = arith.constant 0 : i32
    %dma_start3A_485 = tpu.memref_slice %arg7[%dma_start3A_482, %dma_start3A_483, %dma_start3A_484] : memref<2x128x128xf32, #tpu.memory_space<vmem>> -> memref<1x32x128xf32, #tpu.memory_space<vmem>>
    %dma_start3A_486 = tpu.memref_squeeze %dma_start3A_485 : memref<1x32x128xf32, #tpu.memory_space<vmem>> -> memref<32x128xf32, #tpu.memory_space<vmem>>
    %dma_start3A_487 = arith.constant 0 : i32
    %dma_start3A_488 = tpu.memref_slice %arg6[%dma_start3A_480, %dma_start3A_481, %dma_start3A_487] : memref<2x2x128xi32, #tpu.memory_space<vmem>> -> memref<1x1x32xi32, #tpu.memory_space<vmem>>
    %dma_start3A_489 = tpu.memref_squeeze %dma_start3A_488 : memref<1x1x32xi32, #tpu.memory_space<vmem>> -> memref<32xi32, #tpu.memory_space<vmem>>
    %dma_start3A_490 = arith.constant 0 : i32
    %dma_start3A_491 = arith.constant 0 : i32
    %dma_start3A_492 = tpu.memref_slice %arg2[%dma_start3A_490, %dma_start3A_491] : memref<10000x128xf32, #tpu.memory_space<hbm>> -> memref<10000x128xf32, #tpu.memory_space<hbm>>
    tpu.enqueue_indirect_dma source(%dma_start3A_492 : memref<10000x128xf32, #tpu.memory_space<hbm>>) target(%dma_start3A_486 : memref<32x128xf32, #tpu.memory_space<vmem>>) offsets(%dma_start3A_489 : memref<32xi32, #tpu.memory_space<vmem>>) semaphore(%arg10 : memref<!tpu.dma_semaphore, #tpu.memory_space<semaphore_mem>>)
    %dma_start3A_493 = arith.constant 1 : i32
    %dma_start3A_494 = arith.constant 0 : i32
    %dma_start3A_495 = arith.constant 1 : i32
    %dma_start3A_496 = arith.constant 32 : i32
    %dma_start3A_497 = arith.constant 0 : i32
    %dma_start3A_498 = tpu.memref_slice %arg7[%dma_start3A_495, %dma_start3A_496, %dma_start3A_497] : memref<2x128x128xf32, #tpu.memory_space<vmem>> -> memref<1x32x128xf32, #tpu.memory_space<vmem>>
    %dma_start3A_499 = tpu.memref_squeeze %dma_start3A_498 : memref<1x32x128xf32, #tpu.memory_space<vmem>> -> memref<32x128xf32, #tpu.memory_space<vmem>>
    %dma_start3A_500 = arith.constant 32 : i32
    %dma_start3A_501 = tpu.memref_slice %arg6[%dma_start3A_493, %dma_start3A_494, %dma_start3A_500] : memref<2x2x128xi32, #tpu.memory_space<vmem>> -> memref<1x1x32xi32, #tpu.memory_space<vmem>>
    %dma_start3A_502 = tpu.memref_squeeze %dma_start3A_501 : memref<1x1x32xi32, #tpu.memory_space<vmem>> -> memref<32xi32, #tpu.memory_space<vmem>>
    %dma_start3A_503 = arith.constant 0 : i32
    %dma_start3A_504 = arith.constant 0 : i32
    %dma_start3A_505 = tpu.memref_slice %arg2[%dma_start3A_503, %dma_start3A_504] : memref<10000x128xf32, #tpu.memory_space<hbm>> -> memref<10000x128xf32, #tpu.memory_space<hbm>>
    tpu.enqueue_indirect_dma source(%dma_start3A_505 : memref<10000x128xf32, #tpu.memory_space<hbm>>) target(%dma_start3A_499 : memref<32x128xf32, #tpu.memory_space<vmem>>) offsets(%dma_start3A_502 : memref<32xi32, #tpu.memory_space<vmem>>) semaphore(%arg10 : memref<!tpu.dma_semaphore, #tpu.memory_space<semaphore_mem>>)
    %dma_start3A_506 = arith.constant 1 : i32
    %dma_start3A_507 = arith.constant 0 : i32
    %dma_start3A_508 = arith.constant 1 : i32
    %dma_start3A_509 = arith.constant 64 : i32
    %dma_start3A_510 = arith.constant 0 : i32
    %dma_start3A_511 = tpu.memref_slice %arg7[%dma_start3A_508, %dma_start3A_509, %dma_start3A_510] : memref<2x128x128xf32, #tpu.memory_space<vmem>> -> memref<1x32x128xf32, #tpu.memory_space<vmem>>
    %dma_start3A_512 = tpu.memref_squeeze %dma_start3A_511 : memref<1x32x128xf32, #tpu.memory_space<vmem>> -> memref<32x128xf32, #tpu.memory_space<vmem>>
    %dma_start3A_513 = arith.constant 64 : i32
    %dma_start3A_514 = tpu.memref_slice %arg6[%dma_start3A_506, %dma_start3A_507, %dma_start3A_513] : memref<2x2x128xi32, #tpu.memory_space<vmem>> -> memref<1x1x32xi32, #tpu.memory_space<vmem>>
    %dma_start3A_515 = tpu.memref_squeeze %dma_start3A_514 : memref<1x1x32xi32, #tpu.memory_space<vmem>> -> memref<32xi32, #tpu.memory_space<vmem>>
    %dma_start3A_516 = arith.constant 0 : i32
    %dma_start3A_517 = arith.constant 0 : i32
    %dma_start3A_518 = tpu.memref_slice %arg2[%dma_start3A_516, %dma_start3A_517] : memref<10000x128xf32, #tpu.memory_space<hbm>> -> memref<10000x128xf32, #tpu.memory_space<hbm>>
    tpu.enqueue_indirect_dma source(%dma_start3A_518 : memref<10000x128xf32, #tpu.memory_space<hbm>>) target(%dma_start3A_512 : memref<32x128xf32, #tpu.memory_space<vmem>>) offsets(%dma_start3A_515 : memref<32xi32, #tpu.memory_space<vmem>>) semaphore(%arg10 : memref<!tpu.dma_semaphore, #tpu.memory_space<semaphore_mem>>)
    %dma_start3A_519 = arith.constant 1 : i32
    %dma_start3A_520 = arith.constant 0 : i32
    %dma_start3A_521 = arith.constant 1 : i32
    %dma_start3A_522 = arith.constant 96 : i32
    %dma_start3A_523 = arith.constant 0 : i32
    %dma_start3A_524 = tpu.memref_slice %arg7[%dma_start3A_521, %dma_start3A_522, %dma_start3A_523] : memref<2x128x128xf32, #tpu.memory_space<vmem>> -> memref<1x32x128xf32, #tpu.memory_space<vmem>>
    %dma_start3A_525 = tpu.memref_squeeze %dma_start3A_524 : memref<1x32x128xf32, #tpu.memory_space<vmem>> -> memref<32x128xf32, #tpu.memory_space<vmem>>
    %dma_start3A_526 = arith.constant 96 : i32
    %dma_start3A_527 = tpu.memref_slice %arg6[%dma_start3A_519, %dma_start3A_520, %dma_start3A_526] : memref<2x2x128xi32, #tpu.memory_space<vmem>> -> memref<1x1x32xi32, #tpu.memory_space<vmem>>
    %dma_start3A_528 = tpu.memref_squeeze %dma_start3A_527 : memref<1x1x32xi32, #tpu.memory_space<vmem>> -> memref<32xi32, #tpu.memory_space<vmem>>
    %dma_start3A_529 = arith.constant 0 : i32
    %dma_start3A_530 = arith.constant 0 : i32
    %dma_start3A_531 = tpu.memref_slice %arg2[%dma_start3A_529, %dma_start3A_530] : memref<10000x128xf32, #tpu.memory_space<hbm>> -> memref<10000x128xf32, #tpu.memory_space<hbm>>
    tpu.enqueue_indirect_dma source(%dma_start3A_531 : memref<10000x128xf32, #tpu.memory_space<hbm>>) target(%dma_start3A_525 : memref<32x128xf32, #tpu.memory_space<vmem>>) offsets(%dma_start3A_528 : memref<32xi32, #tpu.memory_space<vmem>>) semaphore(%arg10 : memref<!tpu.dma_semaphore, #tpu.memory_space<semaphore_mem>>)
    %broadcast_in_dim3A = arith.constant 0.000000e+00 : f32
    %broadcast_in_dim3A_532 = vector.broadcast %broadcast_in_dim3A : f32 to vector<16xf32>
    %scan3A = arith.constant 0 : i32
    %scan3A_533 = arith.constant 0 : i32
    %scan3A_534 = arith.constant 32 : i32
    %scan3A_535 = arith.addi %scan3A_533, %scan3A_534 : i32
    %scan3A_536 = arith.constant 1 : i32
    scf.for %scan3A_697 = %scan3A_533 to %scan3A_535 step %scan3A_536  : i32 {
      %swap3A_698 = arith.index_cast %scan3A_697 : i32 to index
      %swap3A_699 = arith.constant 0 : index
      %swap3A_700 = tpu.vector_load %arg8[%swap3A_698, %swap3A_699] {strides = array<i32>} : memref<32x128xf32, #tpu.memory_space<vmem>>, vector<1x16xf32>,
      %swap3A_701 = vector.shape_cast %swap3A_700 : vector<1x16xf32> to vector<16xf32>
      %swap3A_702 = vector.shape_cast %broadcast_in_dim3A_532 : vector<16xf32> to vector<1x16xf32>
      tpu.vector_store %arg8[%swap3A_698, %swap3A_699], %swap3A_702 {strides = array<i32>} : memref<32x128xf32, #tpu.memory_space<vmem>>, vector<1x16xf32>,
      %swap3A_703 = arith.index_cast %scan3A_697 : i32 to index
      %swap3A_704 = arith.constant 16 : index
      %swap3A_705 = tpu.vector_load %arg8[%swap3A_703, %swap3A_704] {strides = array<i32>} : memref<32x128xf32, #tpu.memory_space<vmem>>, vector<1x16xf32>,
      %swap3A_706 = vector.shape_cast %swap3A_705 : vector<1x16xf32> to vector<16xf32>
      %swap3A_707 = vector.shape_cast %broadcast_in_dim3A_532 : vector<16xf32> to vector<1x16xf32>
      tpu.vector_store %arg8[%swap3A_703, %swap3A_704], %swap3A_707 {strides = array<i32>} : memref<32x128xf32, #tpu.memory_space<vmem>>, vector<1x16xf32>,
      %swap3A_708 = arith.index_cast %scan3A_697 : i32 to index
      %swap3A_709 = arith.constant 32 : index
      %swap3A_710 = tpu.vector_load %arg8[%swap3A_708, %swap3A_709] {strides = array<i32>} : memref<32x128xf32, #tpu.memory_space<vmem>>, vector<1x16xf32>,
      %swap3A_711 = vector.shape_cast %swap3A_710 : vector<1x16xf32> to vector<16xf32>
      %swap3A_712 = vector.shape_cast %broadcast_in_dim3A_532 : vector<16xf32> to vector<1x16xf32>
      tpu.vector_store %arg8[%swap3A_708, %swap3A_709], %swap3A_712 {strides = array<i32>} : memref<32x128xf32, #tpu.memory_space<vmem>>, vector<1x16xf32>,
      %swap3A_713 = arith.index_cast %scan3A_697 : i32 to index
      %swap3A_714 = arith.constant 48 : index
      %swap3A_715 = tpu.vector_load %arg8[%swap3A_713, %swap3A_714] {strides = array<i32>} : memref<32x128xf32, #tpu.memory_space<vmem>>, vector<1x16xf32>,
      %swap3A_716 = vector.shape_cast %swap3A_715 : vector<1x16xf32> to vector<16xf32>
      %swap3A_717 = vector.shape_cast %broadcast_in_dim3A_532 : vector<16xf32> to vector<1x16xf32>
      tpu.vector_store %arg8[%swap3A_713, %swap3A_714], %swap3A_717 {strides = array<i32>} : memref<32x128xf32, #tpu.memory_space<vmem>>, vector<1x16xf32>,
      %swap3A_718 = arith.index_cast %scan3A_697 : i32 to index
      %swap3A_719 = arith.constant 64 : index
      %swap3A_720 = tpu.vector_load %arg8[%swap3A_718, %swap3A_719] {strides = array<i32>} : memref<32x128xf32, #tpu.memory_space<vmem>>, vector<1x16xf32>,
      %swap3A_721 = vector.shape_cast %swap3A_720 : vector<1x16xf32> to vector<16xf32>
      %swap3A_722 = vector.shape_cast %broadcast_in_dim3A_532 : vector<16xf32> to vector<1x16xf32>
      tpu.vector_store %arg8[%swap3A_718, %swap3A_719], %swap3A_722 {strides = array<i32>} : memref<32x128xf32, #tpu.memory_space<vmem>>, vector<1x16xf32>,
      %swap3A_723 = arith.index_cast %scan3A_697 : i32 to index
      %swap3A_724 = arith.constant 80 : index
      %swap3A_725 = tpu.vector_load %arg8[%swap3A_723, %swap3A_724] {strides = array<i32>} : memref<32x128xf32, #tpu.memory_space<vmem>>, vector<1x16xf32>,
      %swap3A_726 = vector.shape_cast %swap3A_725 : vector<1x16xf32> to vector<16xf32>
      %swap3A_727 = vector.shape_cast %broadcast_in_dim3A_532 : vector<16xf32> to vector<1x16xf32>
      tpu.vector_store %arg8[%swap3A_723, %swap3A_724], %swap3A_727 {strides = array<i32>} : memref<32x128xf32, #tpu.memory_space<vmem>>, vector<1x16xf32>,
      %swap3A_728 = arith.index_cast %scan3A_697 : i32 to index
      %swap3A_729 = arith.constant 96 : index
      %swap3A_730 = tpu.vector_load %arg8[%swap3A_728, %swap3A_729] {strides = array<i32>} : memref<32x128xf32, #tpu.memory_space<vmem>>, vector<1x16xf32>,
      %swap3A_731 = vector.shape_cast %swap3A_730 : vector<1x16xf32> to vector<16xf32>
      %swap3A_732 = vector.shape_cast %broadcast_in_dim3A_532 : vector<16xf32> to vector<1x16xf32>
      tpu.vector_store %arg8[%swap3A_728, %swap3A_729], %swap3A_732 {strides = array<i32>} : memref<32x128xf32, #tpu.memory_space<vmem>>, vector<1x16xf32>,
      %swap3A_733 = arith.index_cast %scan3A_697 : i32 to index
      %swap3A_734 = arith.constant 112 : index
      %swap3A_735 = tpu.vector_load %arg8[%swap3A_733, %swap3A_734] {strides = array<i32>} : memref<32x128xf32, #tpu.memory_space<vmem>>, vector<1x16xf32>,
      %swap3A_736 = vector.shape_cast %swap3A_735 : vector<1x16xf32> to vector<16xf32>
      %swap3A_737 = vector.shape_cast %broadcast_in_dim3A_532 : vector<16xf32> to vector<1x16xf32>
      tpu.vector_store %arg8[%swap3A_733, %swap3A_734], %swap3A_737 {strides = array<i32>} : memref<32x128xf32, #tpu.memory_space<vmem>>, vector<1x16xf32>,
    }
    %scan3A_537 = arith.constant 32 : i32
    %mul3A_538 = arith.constant 640 : i32
    %mul3A_539 = arith.muli %arg1, %mul3A_538 : i32
    %add3A_540 = arith.constant 0 : i32
    %add3A_541 = arith.addi %mul3A_539, %add3A_540 : i32
    "tpu.region"() ({
      %run_scoped3A_697 = tpu.sem_alloc : memref<!tpu.dma_semaphore, #tpu.memory_space<semaphore_mem>>
      %dma_start3A_698 = arith.constant 0 : i32
      %dma_start3A_699 = tpu.memref_slice %arg9[%add3A_541, %dma_start3A_698] : memref<10240x128xf32, #tpu.memory_space<vmem_shared>> -> memref<32x128xf32, #tpu.memory_space<vmem_shared>>
      %dma_start3A_700 = arith.constant 0 : i32
      %dma_start3A_701 = tpu.memref_slice %arg9[%add3A_541, %dma_start3A_700] : memref<10240x128xf32, #tpu.memory_space<vmem_shared>> -> memref<32x128xf32, #tpu.memory_space<vmem_shared>>
      tpu.enqueue_dma source(%arg8 : memref<32x128xf32, #tpu.memory_space<vmem>>) target(%dma_start3A_701 : memref<32x128xf32, #tpu.memory_space<vmem_shared>>) target_semaphore(%run_scoped3A_697 : memref<!tpu.dma_semaphore, #tpu.memory_space<semaphore_mem>>)
      %dma_wait3A_702 = arith.constant 0 : i32
      %dma_wait3A_703 = tpu.memref_slice %arg9[%add3A_541, %dma_wait3A_702] : memref<10240x128xf32, #tpu.memory_space<vmem_shared>> -> memref<32x128xf32, #tpu.memory_space<vmem_shared>>
      %dma_wait3A_704 = arith.constant 0 : i32
      %dma_wait3A_705 = tpu.memref_slice %arg9[%add3A_541, %dma_wait3A_704] : memref<10240x128xf32, #tpu.memory_space<vmem_shared>> -> memref<32x128xf32, #tpu.memory_space<vmem_shared>>
      tpu.wait_dma2 semaphore(%run_scoped3A_697 : memref<!tpu.dma_semaphore, #tpu.memory_space<semaphore_mem>>) src(%arg8 : memref<32x128xf32, #tpu.memory_space<vmem>>) dst(%dma_wait3A_705 : memref<32x128xf32, #tpu.memory_space<vmem_shared>>)
      tpu.yield
    }) : () -> ()
    %add3A_542 = arith.constant 32 : i32
    %add3A_543 = arith.addi %mul3A_539, %add3A_542 : i32
    "tpu.region"() ({
      %run_scoped3A_697 = tpu.sem_alloc : memref<!tpu.dma_semaphore, #tpu.memory_space<semaphore_mem>>
      %dma_start3A_698 = arith.constant 0 : i32
      %dma_start3A_699 = tpu.memref_slice %arg9[%add3A_543, %dma_start3A_698] : memref<10240x128xf32, #tpu.memory_space<vmem_shared>> -> memref<32x128xf32, #tpu.memory_space<vmem_shared>>
      %dma_start3A_700 = arith.constant 0 : i32
      %dma_start3A_701 = tpu.memref_slice %arg9[%add3A_543, %dma_start3A_700] : memref<10240x128xf32, #tpu.memory_space<vmem_shared>> -> memref<32x128xf32, #tpu.memory_space<vmem_shared>>
      tpu.enqueue_dma source(%arg8 : memref<32x128xf32, #tpu.memory_space<vmem>>) target(%dma_start3A_701 : memref<32x128xf32, #tpu.memory_space<vmem_shared>>) target_semaphore(%run_scoped3A_697 : memref<!tpu.dma_semaphore, #tpu.memory_space<semaphore_mem>>)
      %dma_wait3A_702 = arith.constant 0 : i32
      %dma_wait3A_703 = tpu.memref_slice %arg9[%add3A_543, %dma_wait3A_702] : memref<10240x128xf32, #tpu.memory_space<vmem_shared>> -> memref<32x128xf32, #tpu.memory_space<vmem_shared>>
      %dma_wait3A_704 = arith.constant 0 : i32
      %dma_wait3A_705 = tpu.memref_slice %arg9[%add3A_543, %dma_wait3A_704] : memref<10240x128xf32, #tpu.memory_space<vmem_shared>> -> memref<32x128xf32, #tpu.memory_space<vmem_shared>>
      tpu.wait_dma2 semaphore(%run_scoped3A_697 : memref<!tpu.dma_semaphore, #tpu.memory_space<semaphore_mem>>) src(%arg8 : memref<32x128xf32, #tpu.memory_space<vmem>>) dst(%dma_wait3A_705 : memref<32x128xf32, #tpu.memory_space<vmem_shared>>)
      tpu.yield
    }) : () -> ()
    %add3A_544 = arith.constant 64 : i32
    %add3A_545 = arith.addi %mul3A_539, %add3A_544 : i32
    "tpu.region"() ({
      %run_scoped3A_697 = tpu.sem_alloc : memref<!tpu.dma_semaphore, #tpu.memory_space<semaphore_mem>>
      %dma_start3A_698 = arith.constant 0 : i32
      %dma_start3A_699 = tpu.memref_slice %arg9[%add3A_545, %dma_start3A_698] : memref<10240x128xf32, #tpu.memory_space<vmem_shared>> -> memref<32x128xf32, #tpu.memory_space<vmem_shared>>
      %dma_start3A_700 = arith.constant 0 : i32
      %dma_start3A_701 = tpu.memref_slice %arg9[%add3A_545, %dma_start3A_700] : memref<10240x128xf32, #tpu.memory_space<vmem_shared>> -> memref<32x128xf32, #tpu.memory_space<vmem_shared>>
      tpu.enqueue_dma source(%arg8 : memref<32x128xf32, #tpu.memory_space<vmem>>) target(%dma_start3A_701 : memref<32x128xf32, #tpu.memory_space<vmem_shared>>) target_semaphore(%run_scoped3A_697 : memref<!tpu.dma_semaphore, #tpu.memory_space<semaphore_mem>>)
      %dma_wait3A_702 = arith.constant 0 : i32
      %dma_wait3A_703 = tpu.memref_slice %arg9[%add3A_545, %dma_wait3A_702] : memref<10240x128xf32, #tpu.memory_space<vmem_shared>> -> memref<32x128xf32, #tpu.memory_space<vmem_shared>>
      %dma_wait3A_704 = arith.constant 0 : i32
      %dma_wait3A_705 = tpu.memref_slice %arg9[%add3A_545, %dma_wait3A_704] : memref<10240x128xf32, #tpu.memory_space<vmem_shared>> -> memref<32x128xf32, #tpu.memory_space<vmem_shared>>
      tpu.wait_dma2 semaphore(%run_scoped3A_697 : memref<!tpu.dma_semaphore, #tpu.memory_space<semaphore_mem>>) src(%arg8 : memref<32x128xf32, #tpu.memory_space<vmem>>) dst(%dma_wait3A_705 : memref<32x128xf32, #tpu.memory_space<vmem_shared>>)
      tpu.yield
    }) : () -> ()
    %add3A_546 = arith.constant 96 : i32
    %add3A_547 = arith.addi %mul3A_539, %add3A_546 : i32
    "tpu.region"() ({
      %run_scoped3A_697 = tpu.sem_alloc : memref<!tpu.dma_semaphore, #tpu.memory_space<semaphore_mem>>
      %dma_start3A_698 = arith.constant 0 : i32
      %dma_start3A_699 = tpu.memref_slice %arg9[%add3A_547, %dma_start3A_698] : memref<10240x128xf32, #tpu.memory_space<vmem_shared>> -> memref<32x128xf32, #tpu.memory_space<vmem_shared>>
      %dma_start3A_700 = arith.constant 0 : i32
      %dma_start3A_701 = tpu.memref_slice %arg9[%add3A_547, %dma_start3A_700] : memref<10240x128xf32, #tpu.memory_space<vmem_shared>> -> memref<32x128xf32, #tpu.memory_space<vmem_shared>>
      tpu.enqueue_dma source(%arg8 : memref<32x128xf32, #tpu.memory_space<vmem>>) target(%dma_start3A_701 : memref<32x128xf32, #tpu.memory_space<vmem_shared>>) target_semaphore(%run_scoped3A_697 : memref<!tpu.dma_semaphore, #tpu.memory_space<semaphore_mem>>)
      %dma_wait3A_702 = arith.constant 0 : i32
      %dma_wait3A_703 = tpu.memref_slice %arg9[%add3A_547, %dma_wait3A_702] : memref<10240x128xf32, #tpu.memory_space<vmem_shared>> -> memref<32x128xf32, #tpu.memory_space<vmem_shared>>
      %dma_wait3A_704 = arith.constant 0 : i32
      %dma_wait3A_705 = tpu.memref_slice %arg9[%add3A_547, %dma_wait3A_704] : memref<10240x128xf32, #tpu.memory_space<vmem_shared>> -> memref<32x128xf32, #tpu.memory_space<vmem_shared>>
      tpu.wait_dma2 semaphore(%run_scoped3A_697 : memref<!tpu.dma_semaphore, #tpu.memory_space<semaphore_mem>>) src(%arg8 : memref<32x128xf32, #tpu.memory_space<vmem>>) dst(%dma_wait3A_705 : memref<32x128xf32, #tpu.memory_space<vmem_shared>>)
      tpu.yield
    }) : () -> ()
    %add3A_548 = arith.constant 128 : i32
    %add3A_549 = arith.addi %mul3A_539, %add3A_548 : i32
    "tpu.region"() ({
      %run_scoped3A_697 = tpu.sem_alloc : memref<!tpu.dma_semaphore, #tpu.memory_space<semaphore_mem>>
      %dma_start3A_698 = arith.constant 0 : i32
      %dma_start3A_699 = tpu.memref_slice %arg9[%add3A_549, %dma_start3A_698] : memref<10240x128xf32, #tpu.memory_space<vmem_shared>> -> memref<32x128xf32, #tpu.memory_space<vmem_shared>>
      %dma_start3A_700 = arith.constant 0 : i32
      %dma_start3A_701 = tpu.memref_slice %arg9[%add3A_549, %dma_start3A_700] : memref<10240x128xf32, #tpu.memory_space<vmem_shared>> -> memref<32x128xf32, #tpu.memory_space<vmem_shared>>
      tpu.enqueue_dma source(%arg8 : memref<32x128xf32, #tpu.memory_space<vmem>>) target(%dma_start3A_701 : memref<32x128xf32, #tpu.memory_space<vmem_shared>>) target_semaphore(%run_scoped3A_697 : memref<!tpu.dma_semaphore, #tpu.memory_space<semaphore_mem>>)
      %dma_wait3A_702 = arith.constant 0 : i32
      %dma_wait3A_703 = tpu.memref_slice %arg9[%add3A_549, %dma_wait3A_702] : memref<10240x128xf32, #tpu.memory_space<vmem_shared>> -> memref<32x128xf32, #tpu.memory_space<vmem_shared>>
      %dma_wait3A_704 = arith.constant 0 : i32
      %dma_wait3A_705 = tpu.memref_slice %arg9[%add3A_549, %dma_wait3A_704] : memref<10240x128xf32, #tpu.memory_space<vmem_shared>> -> memref<32x128xf32, #tpu.memory_space<vmem_shared>>
      tpu.wait_dma2 semaphore(%run_scoped3A_697 : memref<!tpu.dma_semaphore, #tpu.memory_space<semaphore_mem>>) src(%arg8 : memref<32x128xf32, #tpu.memory_space<vmem>>) dst(%dma_wait3A_705 : memref<32x128xf32, #tpu.memory_space<vmem_shared>>)
      tpu.yield
    }) : () -> ()
    %add3A_550 = arith.constant 160 : i32
    %add3A_551 = arith.addi %mul3A_539, %add3A_550 : i32
    "tpu.region"() ({
      %run_scoped3A_697 = tpu.sem_alloc : memref<!tpu.dma_semaphore, #tpu.memory_space<semaphore_mem>>
      %dma_start3A_698 = arith.constant 0 : i32
      %dma_start3A_699 = tpu.memref_slice %arg9[%add3A_551, %dma_start3A_698] : memref<10240x128xf32, #tpu.memory_space<vmem_shared>> -> memref<32x128xf32, #tpu.memory_space<vmem_shared>>
      %dma_start3A_700 = arith.constant 0 : i32
      %dma_start3A_701 = tpu.memref_slice %arg9[%add3A_551, %dma_start3A_700] : memref<10240x128xf32, #tpu.memory_space<vmem_shared>> -> memref<32x128xf32, #tpu.memory_space<vmem_shared>>
      tpu.enqueue_dma source(%arg8 : memref<32x128xf32, #tpu.memory_space<vmem>>) target(%dma_start3A_701 : memref<32x128xf32, #tpu.memory_space<vmem_shared>>) target_semaphore(%run_scoped3A_697 : memref<!tpu.dma_semaphore, #tpu.memory_space<semaphore_mem>>)
      %dma_wait3A_702 = arith.constant 0 : i32
      %dma_wait3A_703 = tpu.memref_slice %arg9[%add3A_551, %dma_wait3A_702] : memref<10240x128xf32, #tpu.memory_space<vmem_shared>> -> memref<32x128xf32, #tpu.memory_space<vmem_shared>>
      %dma_wait3A_704 = arith.constant 0 : i32
      %dma_wait3A_705 = tpu.memref_slice %arg9[%add3A_551, %dma_wait3A_704] : memref<10240x128xf32, #tpu.memory_space<vmem_shared>> -> memref<32x128xf32, #tpu.memory_space<vmem_shared>>
      tpu.wait_dma2 semaphore(%run_scoped3A_697 : memref<!tpu.dma_semaphore, #tpu.memory_space<semaphore_mem>>) src(%arg8 : memref<32x128xf32, #tpu.memory_space<vmem>>) dst(%dma_wait3A_705 : memref<32x128xf32, #tpu.memory_space<vmem_shared>>)
      tpu.yield
    }) : () -> ()
    %add3A_552 = arith.constant 192 : i32
    %add3A_553 = arith.addi %mul3A_539, %add3A_552 : i32
    "tpu.region"() ({
      %run_scoped3A_697 = tpu.sem_alloc : memref<!tpu.dma_semaphore, #tpu.memory_space<semaphore_mem>>
      %dma_start3A_698 = arith.constant 0 : i32
      %dma_start3A_699 = tpu.memref_slice %arg9[%add3A_553, %dma_start3A_698] : memref<10240x128xf32, #tpu.memory_space<vmem_shared>> -> memref<32x128xf32, #tpu.memory_space<vmem_shared>>
      %dma_start3A_700 = arith.constant 0 : i32
      %dma_start3A_701 = tpu.memref_slice %arg9[%add3A_553, %dma_start3A_700] : memref<10240x128xf32, #tpu.memory_space<vmem_shared>> -> memref<32x128xf32, #tpu.memory_space<vmem_shared>>
      tpu.enqueue_dma source(%arg8 : memref<32x128xf32, #tpu.memory_space<vmem>>) target(%dma_start3A_701 : memref<32x128xf32, #tpu.memory_space<vmem_shared>>) target_semaphore(%run_scoped3A_697 : memref<!tpu.dma_semaphore, #tpu.memory_space<semaphore_mem>>)
      %dma_wait3A_702 = arith.constant 0 : i32
      %dma_wait3A_703 = tpu.memref_slice %arg9[%add3A_553, %dma_wait3A_702] : memref<10240x128xf32, #tpu.memory_space<vmem_shared>> -> memref<32x128xf32, #tpu.memory_space<vmem_shared>>
      %dma_wait3A_704 = arith.constant 0 : i32
      %dma_wait3A_705 = tpu.memref_slice %arg9[%add3A_553, %dma_wait3A_704] : memref<10240x128xf32, #tpu.memory_space<vmem_shared>> -> memref<32x128xf32, #tpu.memory_space<vmem_shared>>
      tpu.wait_dma2 semaphore(%run_scoped3A_697 : memref<!tpu.dma_semaphore, #tpu.memory_space<semaphore_mem>>) src(%arg8 : memref<32x128xf32, #tpu.memory_space<vmem>>) dst(%dma_wait3A_705 : memref<32x128xf32, #tpu.memory_space<vmem_shared>>)
      tpu.yield
    }) : () -> ()
    %add3A_554 = arith.constant 224 : i32
    %add3A_555 = arith.addi %mul3A_539, %add3A_554 : i32
    "tpu.region"() ({
      %run_scoped3A_697 = tpu.sem_alloc : memref<!tpu.dma_semaphore, #tpu.memory_space<semaphore_mem>>
      %dma_start3A_698 = arith.constant 0 : i32
      %dma_start3A_699 = tpu.memref_slice %arg9[%add3A_555, %dma_start3A_698] : memref<10240x128xf32, #tpu.memory_space<vmem_shared>> -> memref<32x128xf32, #tpu.memory_space<vmem_shared>>
      %dma_start3A_700 = arith.constant 0 : i32
      %dma_start3A_701 = tpu.memref_slice %arg9[%add3A_555, %dma_start3A_700] : memref<10240x128xf32, #tpu.memory_space<vmem_shared>> -> memref<32x128xf32, #tpu.memory_space<vmem_shared>>
      tpu.enqueue_dma source(%arg8 : memref<32x128xf32, #tpu.memory_space<vmem>>) target(%dma_start3A_701 : memref<32x128xf32, #tpu.memory_space<vmem_shared>>) target_semaphore(%run_scoped3A_697 : memref<!tpu.dma_semaphore, #tpu.memory_space<semaphore_mem>>)
      %dma_wait3A_702 = arith.constant 0 : i32
      %dma_wait3A_703 = tpu.memref_slice %arg9[%add3A_555, %dma_wait3A_702] : memref<10240x128xf32, #tpu.memory_space<vmem_shared>> -> memref<32x128xf32, #tpu.memory_space<vmem_shared>>
      %dma_wait3A_704 = arith.constant 0 : i32
      %dma_wait3A_705 = tpu.memref_slice %arg9[%add3A_555, %dma_wait3A_704] : memref<10240x128xf32, #tpu.memory_space<vmem_shared>> -> memref<32x128xf32, #tpu.memory_space<vmem_shared>>
      tpu.wait_dma2 semaphore(%run_scoped3A_697 : memref<!tpu.dma_semaphore, #tpu.memory_space<semaphore_mem>>) src(%arg8 : memref<32x128xf32, #tpu.memory_space<vmem>>) dst(%dma_wait3A_705 : memref<32x128xf32, #tpu.memory_space<vmem_shared>>)
      tpu.yield
    }) : () -> ()
    %add3A_556 = arith.constant 256 : i32
    %add3A_557 = arith.addi %mul3A_539, %add3A_556 : i32
    "tpu.region"() ({
      %run_scoped3A_697 = tpu.sem_alloc : memref<!tpu.dma_semaphore, #tpu.memory_space<semaphore_mem>>
      %dma_start3A_698 = arith.constant 0 : i32
      %dma_start3A_699 = tpu.memref_slice %arg9[%add3A_557, %dma_start3A_698] : memref<10240x128xf32, #tpu.memory_space<vmem_shared>> -> memref<32x128xf32, #tpu.memory_space<vmem_shared>>
      %dma_start3A_700 = arith.constant 0 : i32
      %dma_start3A_701 = tpu.memref_slice %arg9[%add3A_557, %dma_start3A_700] : memref<10240x128xf32, #tpu.memory_space<vmem_shared>> -> memref<32x128xf32, #tpu.memory_space<vmem_shared>>
      tpu.enqueue_dma source(%arg8 : memref<32x128xf32, #tpu.memory_space<vmem>>) target(%dma_start3A_701 : memref<32x128xf32, #tpu.memory_space<vmem_shared>>) target_semaphore(%run_scoped3A_697 : memref<!tpu.dma_semaphore, #tpu.memory_space<semaphore_mem>>)
      %dma_wait3A_702 = arith.constant 0 : i32
      %dma_wait3A_703 = tpu.memref_slice %arg9[%add3A_557, %dma_wait3A_702] : memref<10240x128xf32, #tpu.memory_space<vmem_shared>> -> memref<32x128xf32, #tpu.memory_space<vmem_shared>>
      %dma_wait3A_704 = arith.constant 0 : i32
      %dma_wait3A_705 = tpu.memref_slice %arg9[%add3A_557, %dma_wait3A_704] : memref<10240x128xf32, #tpu.memory_space<vmem_shared>> -> memref<32x128xf32, #tpu.memory_space<vmem_shared>>
      tpu.wait_dma2 semaphore(%run_scoped3A_697 : memref<!tpu.dma_semaphore, #tpu.memory_space<semaphore_mem>>) src(%arg8 : memref<32x128xf32, #tpu.memory_space<vmem>>) dst(%dma_wait3A_705 : memref<32x128xf32, #tpu.memory_space<vmem_shared>>)
      tpu.yield
    }) : () -> ()
    %add3A_558 = arith.constant 288 : i32
    %add3A_559 = arith.addi %mul3A_539, %add3A_558 : i32
    "tpu.region"() ({
      %run_scoped3A_697 = tpu.sem_alloc : memref<!tpu.dma_semaphore, #tpu.memory_space<semaphore_mem>>
      %dma_start3A_698 = arith.constant 0 : i32
      %dma_start3A_699 = tpu.memref_slice %arg9[%add3A_559, %dma_start3A_698] : memref<10240x128xf32, #tpu.memory_space<vmem_shared>> -> memref<32x128xf32, #tpu.memory_space<vmem_shared>>
      %dma_start3A_700 = arith.constant 0 : i32
      %dma_start3A_701 = tpu.memref_slice %arg9[%add3A_559, %dma_start3A_700] : memref<10240x128xf32, #tpu.memory_space<vmem_shared>> -> memref<32x128xf32, #tpu.memory_space<vmem_shared>>
      tpu.enqueue_dma source(%arg8 : memref<32x128xf32, #tpu.memory_space<vmem>>) target(%dma_start3A_701 : memref<32x128xf32, #tpu.memory_space<vmem_shared>>) target_semaphore(%run_scoped3A_697 : memref<!tpu.dma_semaphore, #tpu.memory_space<semaphore_mem>>)
      %dma_wait3A_702 = arith.constant 0 : i32
      %dma_wait3A_703 = tpu.memref_slice %arg9[%add3A_559, %dma_wait3A_702] : memref<10240x128xf32, #tpu.memory_space<vmem_shared>> -> memref<32x128xf32, #tpu.memory_space<vmem_shared>>
      %dma_wait3A_704 = arith.constant 0 : i32
      %dma_wait3A_705 = tpu.memref_slice %arg9[%add3A_559, %dma_wait3A_704] : memref<10240x128xf32, #tpu.memory_space<vmem_shared>> -> memref<32x128xf32, #tpu.memory_space<vmem_shared>>
      tpu.wait_dma2 semaphore(%run_scoped3A_697 : memref<!tpu.dma_semaphore, #tpu.memory_space<semaphore_mem>>) src(%arg8 : memref<32x128xf32, #tpu.memory_space<vmem>>) dst(%dma_wait3A_705 : memref<32x128xf32, #tpu.memory_space<vmem_shared>>)
      tpu.yield
    }) : () -> ()
    %add3A_560 = arith.constant 320 : i32
    %add3A_561 = arith.addi %mul3A_539, %add3A_560 : i32
    "tpu.region"() ({
      %run_scoped3A_697 = tpu.sem_alloc : memref<!tpu.dma_semaphore, #tpu.memory_space<semaphore_mem>>
      %dma_start3A_698 = arith.constant 0 : i32
      %dma_start3A_699 = tpu.memref_slice %arg9[%add3A_561, %dma_start3A_698] : memref<10240x128xf32, #tpu.memory_space<vmem_shared>> -> memref<32x128xf32, #tpu.memory_space<vmem_shared>>
      %dma_start3A_700 = arith.constant 0 : i32
      %dma_start3A_701 = tpu.memref_slice %arg9[%add3A_561, %dma_start3A_700] : memref<10240x128xf32, #tpu.memory_space<vmem_shared>> -> memref<32x128xf32, #tpu.memory_space<vmem_shared>>
      tpu.enqueue_dma source(%arg8 : memref<32x128xf32, #tpu.memory_space<vmem>>) target(%dma_start3A_701 : memref<32x128xf32, #tpu.memory_space<vmem_shared>>) target_semaphore(%run_scoped3A_697 : memref<!tpu.dma_semaphore, #tpu.memory_space<semaphore_mem>>)
      %dma_wait3A_702 = arith.constant 0 : i32
      %dma_wait3A_703 = tpu.memref_slice %arg9[%add3A_561, %dma_wait3A_702] : memref<10240x128xf32, #tpu.memory_space<vmem_shared>> -> memref<32x128xf32, #tpu.memory_space<vmem_shared>>
      %dma_wait3A_704 = arith.constant 0 : i32
      %dma_wait3A_705 = tpu.memref_slice %arg9[%add3A_561, %dma_wait3A_704] : memref<10240x128xf32, #tpu.memory_space<vmem_shared>> -> memref<32x128xf32, #tpu.memory_space<vmem_shared>>
      tpu.wait_dma2 semaphore(%run_scoped3A_697 : memref<!tpu.dma_semaphore, #tpu.memory_space<semaphore_mem>>) src(%arg8 : memref<32x128xf32, #tpu.memory_space<vmem>>) dst(%dma_wait3A_705 : memref<32x128xf32, #tpu.memory_space<vmem_shared>>)
      tpu.yield
    }) : () -> ()
    %add3A_562 = arith.constant 352 : i32
    %add3A_563 = arith.addi %mul3A_539, %add3A_562 : i32
    "tpu.region"() ({
      %run_scoped3A_697 = tpu.sem_alloc : memref<!tpu.dma_semaphore, #tpu.memory_space<semaphore_mem>>
      %dma_start3A_698 = arith.constant 0 : i32
      %dma_start3A_699 = tpu.memref_slice %arg9[%add3A_563, %dma_start3A_698] : memref<10240x128xf32, #tpu.memory_space<vmem_shared>> -> memref<32x128xf32, #tpu.memory_space<vmem_shared>>
      %dma_start3A_700 = arith.constant 0 : i32
      %dma_start3A_701 = tpu.memref_slice %arg9[%add3A_563, %dma_start3A_700] : memref<10240x128xf32, #tpu.memory_space<vmem_shared>> -> memref<32x128xf32, #tpu.memory_space<vmem_shared>>
      tpu.enqueue_dma source(%arg8 : memref<32x128xf32, #tpu.memory_space<vmem>>) target(%dma_start3A_701 : memref<32x128xf32, #tpu.memory_space<vmem_shared>>) target_semaphore(%run_scoped3A_697 : memref<!tpu.dma_semaphore, #tpu.memory_space<semaphore_mem>>)
      %dma_wait3A_702 = arith.constant 0 : i32
      %dma_wait3A_703 = tpu.memref_slice %arg9[%add3A_563, %dma_wait3A_702] : memref<10240x128xf32, #tpu.memory_space<vmem_shared>> -> memref<32x128xf32, #tpu.memory_space<vmem_shared>>
      %dma_wait3A_704 = arith.constant 0 : i32
      %dma_wait3A_705 = tpu.memref_slice %arg9[%add3A_563, %dma_wait3A_704] : memref<10240x128xf32, #tpu.memory_space<vmem_shared>> -> memref<32x128xf32, #tpu.memory_space<vmem_shared>>
      tpu.wait_dma2 semaphore(%run_scoped3A_697 : memref<!tpu.dma_semaphore, #tpu.memory_space<semaphore_mem>>) src(%arg8 : memref<32x128xf32, #tpu.memory_space<vmem>>) dst(%dma_wait3A_705 : memref<32x128xf32, #tpu.memory_space<vmem_shared>>)
      tpu.yield
    }) : () -> ()
    %add3A_564 = arith.constant 384 : i32
    %add3A_565 = arith.addi %mul3A_539, %add3A_564 : i32
    "tpu.region"() ({
      %run_scoped3A_697 = tpu.sem_alloc : memref<!tpu.dma_semaphore, #tpu.memory_space<semaphore_mem>>
      %dma_start3A_698 = arith.constant 0 : i32
      %dma_start3A_699 = tpu.memref_slice %arg9[%add3A_565, %dma_start3A_698] : memref<10240x128xf32, #tpu.memory_space<vmem_shared>> -> memref<32x128xf32, #tpu.memory_space<vmem_shared>>
      %dma_start3A_700 = arith.constant 0 : i32
      %dma_start3A_701 = tpu.memref_slice %arg9[%add3A_565, %dma_start3A_700] : memref<10240x128xf32, #tpu.memory_space<vmem_shared>> -> memref<32x128xf32, #tpu.memory_space<vmem_shared>>
      tpu.enqueue_dma source(%arg8 : memref<32x128xf32, #tpu.memory_space<vmem>>) target(%dma_start3A_701 : memref<32x128xf32, #tpu.memory_space<vmem_shared>>) target_semaphore(%run_scoped3A_697 : memref<!tpu.dma_semaphore, #tpu.memory_space<semaphore_mem>>)
      %dma_wait3A_702 = arith.constant 0 : i32
      %dma_wait3A_703 = tpu.memref_slice %arg9[%add3A_565, %dma_wait3A_702] : memref<10240x128xf32, #tpu.memory_space<vmem_shared>> -> memref<32x128xf32, #tpu.memory_space<vmem_shared>>
      %dma_wait3A_704 = arith.constant 0 : i32
      %dma_wait3A_705 = tpu.memref_slice %arg9[%add3A_565, %dma_wait3A_704] : memref<10240x128xf32, #tpu.memory_space<vmem_shared>> -> memref<32x128xf32, #tpu.memory_space<vmem_shared>>
      tpu.wait_dma2 semaphore(%run_scoped3A_697 : memref<!tpu.dma_semaphore, #tpu.memory_space<semaphore_mem>>) src(%arg8 : memref<32x128xf32, #tpu.memory_space<vmem>>) dst(%dma_wait3A_705 : memref<32x128xf32, #tpu.memory_space<vmem_shared>>)
      tpu.yield
    }) : () -> ()
    %add3A_566 = arith.constant 416 : i32
    %add3A_567 = arith.addi %mul3A_539, %add3A_566 : i32
    "tpu.region"() ({
      %run_scoped3A_697 = tpu.sem_alloc : memref<!tpu.dma_semaphore, #tpu.memory_space<semaphore_mem>>
      %dma_start3A_698 = arith.constant 0 : i32
      %dma_start3A_699 = tpu.memref_slice %arg9[%add3A_567, %dma_start3A_698] : memref<10240x128xf32, #tpu.memory_space<vmem_shared>> -> memref<32x128xf32, #tpu.memory_space<vmem_shared>>
      %dma_start3A_700 = arith.constant 0 : i32
      %dma_start3A_701 = tpu.memref_slice %arg9[%add3A_567, %dma_start3A_700] : memref<10240x128xf32, #tpu.memory_space<vmem_shared>> -> memref<32x128xf32, #tpu.memory_space<vmem_shared>>
      tpu.enqueue_dma source(%arg8 : memref<32x128xf32, #tpu.memory_space<vmem>>) target(%dma_start3A_701 : memref<32x128xf32, #tpu.memory_space<vmem_shared>>) target_semaphore(%run_scoped3A_697 : memref<!tpu.dma_semaphore, #tpu.memory_space<semaphore_mem>>)
      %dma_wait3A_702 = arith.constant 0 : i32
      %dma_wait3A_703 = tpu.memref_slice %arg9[%add3A_567, %dma_wait3A_702] : memref<10240x128xf32, #tpu.memory_space<vmem_shared>> -> memref<32x128xf32, #tpu.memory_space<vmem_shared>>
      %dma_wait3A_704 = arith.constant 0 : i32
      %dma_wait3A_705 = tpu.memref_slice %arg9[%add3A_567, %dma_wait3A_704] : memref<10240x128xf32, #tpu.memory_space<vmem_shared>> -> memref<32x128xf32, #tpu.memory_space<vmem_shared>>
      tpu.wait_dma2 semaphore(%run_scoped3A_697 : memref<!tpu.dma_semaphore, #tpu.memory_space<semaphore_mem>>) src(%arg8 : memref<32x128xf32, #tpu.memory_space<vmem>>) dst(%dma_wait3A_705 : memref<32x128xf32, #tpu.memory_space<vmem_shared>>)
      tpu.yield
    }) : () -> ()
    %add3A_568 = arith.constant 448 : i32
    %add3A_569 = arith.addi %mul3A_539, %add3A_568 : i32
    "tpu.region"() ({
      %run_scoped3A_697 = tpu.sem_alloc : memref<!tpu.dma_semaphore, #tpu.memory_space<semaphore_mem>>
      %dma_start3A_698 = arith.constant 0 : i32
      %dma_start3A_699 = tpu.memref_slice %arg9[%add3A_569, %dma_start3A_698] : memref<10240x128xf32, #tpu.memory_space<vmem_shared>> -> memref<32x128xf32, #tpu.memory_space<vmem_shared>>
      %dma_start3A_700 = arith.constant 0 : i32
      %dma_start3A_701 = tpu.memref_slice %arg9[%add3A_569, %dma_start3A_700] : memref<10240x128xf32, #tpu.memory_space<vmem_shared>> -> memref<32x128xf32, #tpu.memory_space<vmem_shared>>
      tpu.enqueue_dma source(%arg8 : memref<32x128xf32, #tpu.memory_space<vmem>>) target(%dma_start3A_701 : memref<32x128xf32, #tpu.memory_space<vmem_shared>>) target_semaphore(%run_scoped3A_697 : memref<!tpu.dma_semaphore, #tpu.memory_space<semaphore_mem>>)
      %dma_wait3A_702 = arith.constant 0 : i32
      %dma_wait3A_703 = tpu.memref_slice %arg9[%add3A_569, %dma_wait3A_702] : memref<10240x128xf32, #tpu.memory_space<vmem_shared>> -> memref<32x128xf32, #tpu.memory_space<vmem_shared>>
      %dma_wait3A_704 = arith.constant 0 : i32
      %dma_wait3A_705 = tpu.memref_slice %arg9[%add3A_569, %dma_wait3A_704] : memref<10240x128xf32, #tpu.memory_space<vmem_shared>> -> memref<32x128xf32, #tpu.memory_space<vmem_shared>>
      tpu.wait_dma2 semaphore(%run_scoped3A_697 : memref<!tpu.dma_semaphore, #tpu.memory_space<semaphore_mem>>) src(%arg8 : memref<32x128xf32, #tpu.memory_space<vmem>>) dst(%dma_wait3A_705 : memref<32x128xf32, #tpu.memory_space<vmem_shared>>)
      tpu.yield
    }) : () -> ()
    %add3A_570 = arith.constant 480 : i32
    %add3A_571 = arith.addi %mul3A_539, %add3A_570 : i32
    "tpu.region"() ({
      %run_scoped3A_697 = tpu.sem_alloc : memref<!tpu.dma_semaphore, #tpu.memory_space<semaphore_mem>>
      %dma_start3A_698 = arith.constant 0 : i32
      %dma_start3A_699 = tpu.memref_slice %arg9[%add3A_571, %dma_start3A_698] : memref<10240x128xf32, #tpu.memory_space<vmem_shared>> -> memref<32x128xf32, #tpu.memory_space<vmem_shared>>
      %dma_start3A_700 = arith.constant 0 : i32
      %dma_start3A_701 = tpu.memref_slice %arg9[%add3A_571, %dma_start3A_700] : memref<10240x128xf32, #tpu.memory_space<vmem_shared>> -> memref<32x128xf32, #tpu.memory_space<vmem_shared>>
      tpu.enqueue_dma source(%arg8 : memref<32x128xf32, #tpu.memory_space<vmem>>) target(%dma_start3A_701 : memref<32x128xf32, #tpu.memory_space<vmem_shared>>) target_semaphore(%run_scoped3A_697 : memref<!tpu.dma_semaphore, #tpu.memory_space<semaphore_mem>>)
      %dma_wait3A_702 = arith.constant 0 : i32
      %dma_wait3A_703 = tpu.memref_slice %arg9[%add3A_571, %dma_wait3A_702] : memref<10240x128xf32, #tpu.memory_space<vmem_shared>> -> memref<32x128xf32, #tpu.memory_space<vmem_shared>>
      %dma_wait3A_704 = arith.constant 0 : i32
      %dma_wait3A_705 = tpu.memref_slice %arg9[%add3A_571, %dma_wait3A_704] : memref<10240x128xf32, #tpu.memory_space<vmem_shared>> -> memref<32x128xf32, #tpu.memory_space<vmem_shared>>
      tpu.wait_dma2 semaphore(%run_scoped3A_697 : memref<!tpu.dma_semaphore, #tpu.memory_space<semaphore_mem>>) src(%arg8 : memref<32x128xf32, #tpu.memory_space<vmem>>) dst(%dma_wait3A_705 : memref<32x128xf32, #tpu.memory_space<vmem_shared>>)
      tpu.yield
    }) : () -> ()
    %add3A_572 = arith.constant 512 : i32
    %add3A_573 = arith.addi %mul3A_539, %add3A_572 : i32
    "tpu.region"() ({
      %run_scoped3A_697 = tpu.sem_alloc : memref<!tpu.dma_semaphore, #tpu.memory_space<semaphore_mem>>
      %dma_start3A_698 = arith.constant 0 : i32
      %dma_start3A_699 = tpu.memref_slice %arg9[%add3A_573, %dma_start3A_698] : memref<10240x128xf32, #tpu.memory_space<vmem_shared>> -> memref<32x128xf32, #tpu.memory_space<vmem_shared>>
      %dma_start3A_700 = arith.constant 0 : i32
      %dma_start3A_701 = tpu.memref_slice %arg9[%add3A_573, %dma_start3A_700] : memref<10240x128xf32, #tpu.memory_space<vmem_shared>> -> memref<32x128xf32, #tpu.memory_space<vmem_shared>>
      tpu.enqueue_dma source(%arg8 : memref<32x128xf32, #tpu.memory_space<vmem>>) target(%dma_start3A_701 : memref<32x128xf32, #tpu.memory_space<vmem_shared>>) target_semaphore(%run_scoped3A_697 : memref<!tpu.dma_semaphore, #tpu.memory_space<semaphore_mem>>)
      %dma_wait3A_702 = arith.constant 0 : i32
      %dma_wait3A_703 = tpu.memref_slice %arg9[%add3A_573, %dma_wait3A_702] : memref<10240x128xf32, #tpu.memory_space<vmem_shared>> -> memref<32x128xf32, #tpu.memory_space<vmem_shared>>
      %dma_wait3A_704 = arith.constant 0 : i32
      %dma_wait3A_705 = tpu.memref_slice %arg9[%add3A_573, %dma_wait3A_704] : memref<10240x128xf32, #tpu.memory_space<vmem_shared>> -> memref<32x128xf32, #tpu.memory_space<vmem_shared>>
      tpu.wait_dma2 semaphore(%run_scoped3A_697 : memref<!tpu.dma_semaphore, #tpu.memory_space<semaphore_mem>>) src(%arg8 : memref<32x128xf32, #tpu.memory_space<vmem>>) dst(%dma_wait3A_705 : memref<32x128xf32, #tpu.memory_space<vmem_shared>>)
      tpu.yield
    }) : () -> ()
    %add3A_574 = arith.constant 544 : i32
    %add3A_575 = arith.addi %mul3A_539, %add3A_574 : i32
    "tpu.region"() ({
      %run_scoped3A_697 = tpu.sem_alloc : memref<!tpu.dma_semaphore, #tpu.memory_space<semaphore_mem>>
      %dma_start3A_698 = arith.constant 0 : i32
      %dma_start3A_699 = tpu.memref_slice %arg9[%add3A_575, %dma_start3A_698] : memref<10240x128xf32, #tpu.memory_space<vmem_shared>> -> memref<32x128xf32, #tpu.memory_space<vmem_shared>>
      %dma_start3A_700 = arith.constant 0 : i32
      %dma_start3A_701 = tpu.memref_slice %arg9[%add3A_575, %dma_start3A_700] : memref<10240x128xf32, #tpu.memory_space<vmem_shared>> -> memref<32x128xf32, #tpu.memory_space<vmem_shared>>
      tpu.enqueue_dma source(%arg8 : memref<32x128xf32, #tpu.memory_space<vmem>>) target(%dma_start3A_701 : memref<32x128xf32, #tpu.memory_space<vmem_shared>>) target_semaphore(%run_scoped3A_697 : memref<!tpu.dma_semaphore, #tpu.memory_space<semaphore_mem>>)
      %dma_wait3A_702 = arith.constant 0 : i32
      %dma_wait3A_703 = tpu.memref_slice %arg9[%add3A_575, %dma_wait3A_702] : memref<10240x128xf32, #tpu.memory_space<vmem_shared>> -> memref<32x128xf32, #tpu.memory_space<vmem_shared>>
      %dma_wait3A_704 = arith.constant 0 : i32
      %dma_wait3A_705 = tpu.memref_slice %arg9[%add3A_575, %dma_wait3A_704] : memref<10240x128xf32, #tpu.memory_space<vmem_shared>> -> memref<32x128xf32, #tpu.memory_space<vmem_shared>>
      tpu.wait_dma2 semaphore(%run_scoped3A_697 : memref<!tpu.dma_semaphore, #tpu.memory_space<semaphore_mem>>) src(%arg8 : memref<32x128xf32, #tpu.memory_space<vmem>>) dst(%dma_wait3A_705 : memref<32x128xf32, #tpu.memory_space<vmem_shared>>)
      tpu.yield
    }) : () -> ()
    %add3A_576 = arith.constant 576 : i32
    %add3A_577 = arith.addi %mul3A_539, %add3A_576 : i32
    "tpu.region"() ({
      %run_scoped3A_697 = tpu.sem_alloc : memref<!tpu.dma_semaphore, #tpu.memory_space<semaphore_mem>>
      %dma_start3A_698 = arith.constant 0 : i32
      %dma_start3A_699 = tpu.memref_slice %arg9[%add3A_577, %dma_start3A_698] : memref<10240x128xf32, #tpu.memory_space<vmem_shared>> -> memref<32x128xf32, #tpu.memory_space<vmem_shared>>
      %dma_start3A_700 = arith.constant 0 : i32
      %dma_start3A_701 = tpu.memref_slice %arg9[%add3A_577, %dma_start3A_700] : memref<10240x128xf32, #tpu.memory_space<vmem_shared>> -> memref<32x128xf32, #tpu.memory_space<vmem_shared>>
      tpu.enqueue_dma source(%arg8 : memref<32x128xf32, #tpu.memory_space<vmem>>) target(%dma_start3A_701 : memref<32x128xf32, #tpu.memory_space<vmem_shared>>) target_semaphore(%run_scoped3A_697 : memref<!tpu.dma_semaphore, #tpu.memory_space<semaphore_mem>>)
      %dma_wait3A_702 = arith.constant 0 : i32
      %dma_wait3A_703 = tpu.memref_slice %arg9[%add3A_577, %dma_wait3A_702] : memref<10240x128xf32, #tpu.memory_space<vmem_shared>> -> memref<32x128xf32, #tpu.memory_space<vmem_shared>>
      %dma_wait3A_704 = arith.constant 0 : i32
      %dma_wait3A_705 = tpu.memref_slice %arg9[%add3A_577, %dma_wait3A_704] : memref<10240x128xf32, #tpu.memory_space<vmem_shared>> -> memref<32x128xf32, #tpu.memory_space<vmem_shared>>
      tpu.wait_dma2 semaphore(%run_scoped3A_697 : memref<!tpu.dma_semaphore, #tpu.memory_space<semaphore_mem>>) src(%arg8 : memref<32x128xf32, #tpu.memory_space<vmem>>) dst(%dma_wait3A_705 : memref<32x128xf32, #tpu.memory_space<vmem_shared>>)
      tpu.yield
    }) : () -> ()
    %add3A_578 = arith.constant 608 : i32
    %add3A_579 = arith.addi %mul3A_539, %add3A_578 : i32
    "tpu.region"() ({
      %run_scoped3A_697 = tpu.sem_alloc : memref<!tpu.dma_semaphore, #tpu.memory_space<semaphore_mem>>
      %dma_start3A_698 = arith.constant 0 : i32
      %dma_start3A_699 = tpu.memref_slice %arg9[%add3A_579, %dma_start3A_698] : memref<10240x128xf32, #tpu.memory_space<vmem_shared>> -> memref<32x128xf32, #tpu.memory_space<vmem_shared>>
      %dma_start3A_700 = arith.constant 0 : i32
      %dma_start3A_701 = tpu.memref_slice %arg9[%add3A_579, %dma_start3A_700] : memref<10240x128xf32, #tpu.memory_space<vmem_shared>> -> memref<32x128xf32, #tpu.memory_space<vmem_shared>>
      tpu.enqueue_dma source(%arg8 : memref<32x128xf32, #tpu.memory_space<vmem>>) target(%dma_start3A_701 : memref<32x128xf32, #tpu.memory_space<vmem_shared>>) target_semaphore(%run_scoped3A_697 : memref<!tpu.dma_semaphore, #tpu.memory_space<semaphore_mem>>)
      %dma_wait3A_702 = arith.constant 0 : i32
      %dma_wait3A_703 = tpu.memref_slice %arg9[%add3A_579, %dma_wait3A_702] : memref<10240x128xf32, #tpu.memory_space<vmem_shared>> -> memref<32x128xf32, #tpu.memory_space<vmem_shared>>
      %dma_wait3A_704 = arith.constant 0 : i32
      %dma_wait3A_705 = tpu.memref_slice %arg9[%add3A_579, %dma_wait3A_704] : memref<10240x128xf32, #tpu.memory_space<vmem_shared>> -> memref<32x128xf32, #tpu.memory_space<vmem_shared>>
      tpu.wait_dma2 semaphore(%run_scoped3A_697 : memref<!tpu.dma_semaphore, #tpu.memory_space<semaphore_mem>>) src(%arg8 : memref<32x128xf32, #tpu.memory_space<vmem>>) dst(%dma_wait3A_705 : memref<32x128xf32, #tpu.memory_space<vmem_shared>>)
      tpu.yield
    }) : () -> ()
    %barrier3A = arith.constant 0 : index
    tpu.barrier barrier_id(%barrier3A)
    %scan3A_580 = arith.constant 0 : i32
    %scan3A_581 = arith.constant 0 : i32
    %scan3A_582 = arith.constant 39 : i32
    %scan3A_583 = arith.addi %scan3A_581, %scan3A_582 : i32
    %scan3A_584 = arith.constant 1 : i32
    scf.for %scan3A_697 = %scan3A_581 to %scan3A_583 step %scan3A_584  : i32 {
      %mul3A_698 = arith.constant 2 : i32
      %mul3A_699 = arith.muli %scan3A_697, %mul3A_698 : i32
      %add3A_700 = arith.constant 0 : i32
      %add3A_701 = arith.addi %mul3A_699, %add3A_700 : i32
      %dma_wait3A_702 = arith.constant 0 : i32
      %dma_wait3A_703 = arith.constant 0 : i32
      %dma_wait3A_704 = arith.constant 0 : i32
      %dma_wait3A_705 = arith.constant 0 : i32
      %dma_wait3A_706 = arith.constant 0 : i32
      %dma_wait3A_707 = tpu.memref_slice %arg7[%dma_wait3A_704, %dma_wait3A_705, %dma_wait3A_706] : memref<2x128x128xf32, #tpu.memory_space<vmem>> -> memref<1x32x128xf32, #tpu.memory_space<vmem>>
      %dma_wait3A_708 = tpu.memref_squeeze %dma_wait3A_707 : memref<1x32x128xf32, #tpu.memory_space<vmem>> -> memref<32x128xf32, #tpu.memory_space<vmem>>
      %dma_wait3A_709 = arith.constant 0 : i32
      %dma_wait3A_710 = tpu.memref_slice %arg6[%dma_wait3A_702, %dma_wait3A_703, %dma_wait3A_709] : memref<2x2x128xi32, #tpu.memory_space<vmem>> -> memref<1x1x32xi32, #tpu.memory_space<vmem>>
      %dma_wait3A_711 = tpu.memref_squeeze %dma_wait3A_710 : memref<1x1x32xi32, #tpu.memory_space<vmem>> -> memref<32xi32, #tpu.memory_space<vmem>>
      %dma_wait3A_712 = arith.constant 0 : i32
      %dma_wait3A_713 = arith.constant 0 : i32
      %dma_wait3A_714 = tpu.memref_slice %arg2[%dma_wait3A_712, %dma_wait3A_713] : memref<10000x128xf32, #tpu.memory_space<hbm>> -> memref<10000x128xf32, #tpu.memory_space<hbm>>
      tpu.wait_indirect_dma semaphore(%arg10 : memref<!tpu.dma_semaphore, #tpu.memory_space<semaphore_mem>>) src(%dma_wait3A_714 : memref<10000x128xf32, #tpu.memory_space<hbm>>) dst(%dma_wait3A_708 : memref<32x128xf32, #tpu.memory_space<vmem>>)
      %dma_wait3A_715 = arith.constant 0 : i32
      %dma_wait3A_716 = arith.constant 0 : i32
      %dma_wait3A_717 = arith.constant 0 : i32
      %dma_wait3A_718 = arith.constant 32 : i32
      %dma_wait3A_719 = arith.constant 0 : i32
      %dma_wait3A_720 = tpu.memref_slice %arg7[%dma_wait3A_717, %dma_wait3A_718, %dma_wait3A_719] : memref<2x128x128xf32, #tpu.memory_space<vmem>> -> memref<1x32x128xf32, #tpu.memory_space<vmem>>
      %dma_wait3A_721 = tpu.memref_squeeze %dma_wait3A_720 : memref<1x32x128xf32, #tpu.memory_space<vmem>> -> memref<32x128xf32, #tpu.memory_space<vmem>>
      %dma_wait3A_722 = arith.constant 32 : i32
      %dma_wait3A_723 = tpu.memref_slice %arg6[%dma_wait3A_715, %dma_wait3A_716, %dma_wait3A_722] : memref<2x2x128xi32, #tpu.memory_space<vmem>> -> memref<1x1x32xi32, #tpu.memory_space<vmem>>
      %dma_wait3A_724 = tpu.memref_squeeze %dma_wait3A_723 : memref<1x1x32xi32, #tpu.memory_space<vmem>> -> memref<32xi32, #tpu.memory_space<vmem>>
      %dma_wait3A_725 = arith.constant 0 : i32
      %dma_wait3A_726 = arith.constant 0 : i32
      %dma_wait3A_727 = tpu.memref_slice %arg2[%dma_wait3A_725, %dma_wait3A_726] : memref<10000x128xf32, #tpu.memory_space<hbm>> -> memref<10000x128xf32, #tpu.memory_space<hbm>>
      tpu.wait_indirect_dma semaphore(%arg10 : memref<!tpu.dma_semaphore, #tpu.memory_space<semaphore_mem>>) src(%dma_wait3A_727 : memref<10000x128xf32, #tpu.memory_space<hbm>>) dst(%dma_wait3A_721 : memref<32x128xf32, #tpu.memory_space<vmem>>)
      %dma_wait3A_728 = arith.constant 0 : i32
      %dma_wait3A_729 = arith.constant 0 : i32
      %dma_wait3A_730 = arith.constant 0 : i32
      %dma_wait3A_731 = arith.constant 64 : i32
      %dma_wait3A_732 = arith.constant 0 : i32
      %dma_wait3A_733 = tpu.memref_slice %arg7[%dma_wait3A_730, %dma_wait3A_731, %dma_wait3A_732] : memref<2x128x128xf32, #tpu.memory_space<vmem>> -> memref<1x32x128xf32, #tpu.memory_space<vmem>>
      %dma_wait3A_734 = tpu.memref_squeeze %dma_wait3A_733 : memref<1x32x128xf32, #tpu.memory_space<vmem>> -> memref<32x128xf32, #tpu.memory_space<vmem>>
      %dma_wait3A_735 = arith.constant 64 : i32
      %dma_wait3A_736 = tpu.memref_slice %arg6[%dma_wait3A_728, %dma_wait3A_729, %dma_wait3A_735] : memref<2x2x128xi32, #tpu.memory_space<vmem>> -> memref<1x1x32xi32, #tpu.memory_space<vmem>>
      %dma_wait3A_737 = tpu.memref_squeeze %dma_wait3A_736 : memref<1x1x32xi32, #tpu.memory_space<vmem>> -> memref<32xi32, #tpu.memory_space<vmem>>
      %dma_wait3A_738 = arith.constant 0 : i32
      %dma_wait3A_739 = arith.constant 0 : i32
      %dma_wait3A_740 = tpu.memref_slice %arg2[%dma_wait3A_738, %dma_wait3A_739] : memref<10000x128xf32, #tpu.memory_space<hbm>> -> memref<10000x128xf32, #tpu.memory_space<hbm>>
      tpu.wait_indirect_dma semaphore(%arg10 : memref<!tpu.dma_semaphore, #tpu.memory_space<semaphore_mem>>) src(%dma_wait3A_740 : memref<10000x128xf32, #tpu.memory_space<hbm>>) dst(%dma_wait3A_734 : memref<32x128xf32, #tpu.memory_space<vmem>>)
      %dma_wait3A_741 = arith.constant 0 : i32
      %dma_wait3A_742 = arith.constant 0 : i32
      %dma_wait3A_743 = arith.constant 0 : i32
      %dma_wait3A_744 = arith.constant 96 : i32
      %dma_wait3A_745 = arith.constant 0 : i32
      %dma_wait3A_746 = tpu.memref_slice %arg7[%dma_wait3A_743, %dma_wait3A_744, %dma_wait3A_745] : memref<2x128x128xf32, #tpu.memory_space<vmem>> -> memref<1x32x128xf32, #tpu.memory_space<vmem>>
      %dma_wait3A_747 = tpu.memref_squeeze %dma_wait3A_746 : memref<1x32x128xf32, #tpu.memory_space<vmem>> -> memref<32x128xf32, #tpu.memory_space<vmem>>
      %dma_wait3A_748 = arith.constant 96 : i32
      %dma_wait3A_749 = tpu.memref_slice %arg6[%dma_wait3A_741, %dma_wait3A_742, %dma_wait3A_748] : memref<2x2x128xi32, #tpu.memory_space<vmem>> -> memref<1x1x32xi32, #tpu.memory_space<vmem>>
      %dma_wait3A_750 = tpu.memref_squeeze %dma_wait3A_749 : memref<1x1x32xi32, #tpu.memory_space<vmem>> -> memref<32xi32, #tpu.memory_space<vmem>>
      %dma_wait3A_751 = arith.constant 0 : i32
      %dma_wait3A_752 = arith.constant 0 : i32
      %dma_wait3A_753 = tpu.memref_slice %arg2[%dma_wait3A_751, %dma_wait3A_752] : memref<10000x128xf32, #tpu.memory_space<hbm>> -> memref<10000x128xf32, #tpu.memory_space<hbm>>
      tpu.wait_indirect_dma semaphore(%arg10 : memref<!tpu.dma_semaphore, #tpu.memory_space<semaphore_mem>>) src(%dma_wait3A_753 : memref<10000x128xf32, #tpu.memory_space<hbm>>) dst(%dma_wait3A_747 : memref<32x128xf32, #tpu.memory_space<vmem>>)
      %run_scoped3A_754 = arith.constant 0 : i32
      %run_scoped3A_755 = arith.constant 0 : i32
      %run_scoped3A_756 = arith.constant 1 : i32
      "tpu.region"() ({
        %run_scoped3A_1340 = tpu.sem_alloc : memref<!tpu.dma_semaphore, #tpu.memory_space<semaphore_mem>>
        %dma_start3A_1341 = arith.constant 0 : i32
        %dma_start3A_1342 = arith.constant 0 : i32
        %dma_start3A_1343 = tpu.memref_slice %arg7[%run_scoped3A_754, %dma_start3A_1341, %dma_start3A_1342] : memref<2x128x128xf32, #tpu.memory_space<vmem>> -> memref<1x128x128xf32, #tpu.memory_space<vmem>>
        %dma_start3A_1344 = tpu.memref_squeeze %dma_start3A_1343 : memref<1x128x128xf32, #tpu.memory_space<vmem>> -> memref<128x128xf32, #tpu.memory_space<vmem>>
        %dma_start3A_1345 = arith.constant 0 : i32
        %dma_start3A_1346 = tpu.memref_slice %arg6[%run_scoped3A_755, %run_scoped3A_756, %dma_start3A_1345] : memref<2x2x128xi32, #tpu.memory_space<vmem>> -> memref<1x1x128xi32, #tpu.memory_space<vmem>>
        %dma_start3A_1347 = tpu.memref_squeeze %dma_start3A_1346 : memref<1x1x128xi32, #tpu.memory_space<vmem>> -> memref<128xi32, #tpu.memory_space<vmem>>
        %dma_start3A_1348 = arith.constant 0 : i32
        %dma_start3A_1349 = arith.constant 0 : i32
        %dma_start3A_1350 = tpu.memref_slice %arg9[%dma_start3A_1348, %dma_start3A_1349] : memref<10240x128xf32, #tpu.memory_space<vmem_shared>> -> memref<10240x128xf32, #tpu.memory_space<vmem_shared>>
        tpu.enqueue_indirect_dma source(%dma_start3A_1344 : memref<128x128xf32, #tpu.memory_space<vmem>>) target(%dma_start3A_1350 : memref<10240x128xf32, #tpu.memory_space<vmem_shared>>) offsets(%dma_start3A_1347 : memref<128xi32, #tpu.memory_space<vmem>>) semaphore(%run_scoped3A_1340 : memref<!tpu.dma_semaphore, #tpu.memory_space<semaphore_mem>>) {add = true}
        %dma_wait3A_1351 = arith.constant 0 : i32
        %dma_wait3A_1352 = arith.constant 0 : i32
        %dma_wait3A_1353 = tpu.memref_slice %arg7[%run_scoped3A_754, %dma_wait3A_1351, %dma_wait3A_1352] : memref<2x128x128xf32, #tpu.memory_space<vmem>> -> memref<1x128x128xf32, #tpu.memory_space<vmem>>
        %dma_wait3A_1354 = tpu.memref_squeeze %dma_wait3A_1353 : memref<1x128x128xf32, #tpu.memory_space<vmem>> -> memref<128x128xf32, #tpu.memory_space<vmem>>
        %dma_wait3A_1355 = arith.constant 0 : i32
        %dma_wait3A_1356 = tpu.memref_slice %arg6[%run_scoped3A_755, %run_scoped3A_756, %dma_wait3A_1355] : memref<2x2x128xi32, #tpu.memory_space<vmem>> -> memref<1x1x128xi32, #tpu.memory_space<vmem>>
        %dma_wait3A_1357 = tpu.memref_squeeze %dma_wait3A_1356 : memref<1x1x128xi32, #tpu.memory_space<vmem>> -> memref<128xi32, #tpu.memory_space<vmem>>
        %dma_wait3A_1358 = arith.constant 0 : i32
        %dma_wait3A_1359 = arith.constant 0 : i32
        %dma_wait3A_1360 = tpu.memref_slice %arg9[%dma_wait3A_1358, %dma_wait3A_1359] : memref<10240x128xf32, #tpu.memory_space<vmem_shared>> -> memref<10240x128xf32, #tpu.memory_space<vmem_shared>>
        tpu.wait_indirect_dma semaphore(%run_scoped3A_1340 : memref<!tpu.dma_semaphore, #tpu.memory_space<semaphore_mem>>) src(%dma_wait3A_1354 : memref<128x128xf32, #tpu.memory_space<vmem>>) dst(%dma_wait3A_1360 : memref<10240x128xf32, #tpu.memory_space<vmem_shared>>)
        tpu.yield
      }) : () -> ()
      %add3A_757 = arith.constant 2 : i32
      %add3A_758 = arith.addi %add3A_701, %add3A_757 : i32
      %get3A_759 = arith.index_cast %add3A_758 : i32 to index
      %get3A_760 = arith.constant 0 : index
      %get3A_761 = tpu.vector_load %arg5[%get3A_759, %get3A_760] {strides = array<i32>} : memref<80x128xi32, #tpu.memory_space<vmem>>, vector<1x16xi32>,
      %get3A_762 = vector.shape_cast %get3A_761 : vector<1x16xi32> to vector<16xi32>
      %shift_right_logical3A_763 = arith.constant 14 : i32
      %shift_right_logical3A_764 = vector.broadcast %shift_right_logical3A_763 : i32 to vector<16xi32>
      %shift_right_logical3A_765 = arith.shrui %get3A_762, %shift_right_logical3A_764 : vector<16xi32>
      %swap3A_766 = arith.constant 0 : i32
      %swap3A_767 = arith.constant 0 : i32
      %swap3A_768 = arith.index_cast %swap3A_766 : i32 to index
      %swap3A_769 = arith.index_cast %swap3A_767 : i32 to index
      %swap3A_770 = arith.constant 0 : index
      %swap3A_771 = tpu.vector_load %arg6[%swap3A_768, %swap3A_769, %swap3A_770] {strides = array<i32>} : memref<2x2x128xi32, #tpu.memory_space<vmem>>, vector<1x1x16xi32>,
      %swap3A_772 = vector.shape_cast %swap3A_771 : vector<1x1x16xi32> to vector<16xi32>
      %swap3A_773 = vector.shape_cast %shift_right_logical3A_765 : vector<16xi32> to vector<1x1x16xi32>
      tpu.vector_store %arg6[%swap3A_768, %swap3A_769, %swap3A_770], %swap3A_773 {strides = array<i32>} : memref<2x2x128xi32, #tpu.memory_space<vmem>>, vector<1x1x16xi32>,
      %and3A_774 = arith.constant 16383 : i32
      %and3A_775 = vector.broadcast %and3A_774 : i32 to vector<16xi32>
      %and3A_776 = arith.andi %get3A_762, %and3A_775 : vector<16xi32>
      %swap3A_777 = arith.constant 0 : i32
      %swap3A_778 = arith.constant 1 : i32
      %swap3A_779 = arith.index_cast %swap3A_777 : i32 to index
      %swap3A_780 = arith.index_cast %swap3A_778 : i32 to index
      %swap3A_781 = arith.constant 0 : index
      %swap3A_782 = tpu.vector_load %arg6[%swap3A_779, %swap3A_780, %swap3A_781] {strides = array<i32>} : memref<2x2x128xi32, #tpu.memory_space<vmem>>, vector<1x1x16xi32>,
      %swap3A_783 = vector.shape_cast %swap3A_782 : vector<1x1x16xi32> to vector<16xi32>
      %swap3A_784 = vector.shape_cast %and3A_776 : vector<16xi32> to vector<1x1x16xi32>
      tpu.vector_store %arg6[%swap3A_779, %swap3A_780, %swap3A_781], %swap3A_784 {strides = array<i32>} : memref<2x2x128xi32, #tpu.memory_space<vmem>>, vector<1x1x16xi32>,
      %get3A_785 = arith.index_cast %add3A_758 : i32 to index
      %get3A_786 = arith.constant 16 : index
      %get3A_787 = tpu.vector_load %arg5[%get3A_785, %get3A_786] {strides = array<i32>} : memref<80x128xi32, #tpu.memory_space<vmem>>, vector<1x16xi32>,
      %get3A_788 = vector.shape_cast %get3A_787 : vector<1x16xi32> to vector<16xi32>
      %shift_right_logical3A_789 = arith.constant 14 : i32
      %shift_right_logical3A_790 = vector.broadcast %shift_right_logical3A_789 : i32 to vector<16xi32>
      %shift_right_logical3A_791 = arith.shrui %get3A_788, %shift_right_logical3A_790 : vector<16xi32>
      %swap3A_792 = arith.constant 0 : i32
      %swap3A_793 = arith.constant 0 : i32
      %swap3A_794 = arith.index_cast %swap3A_792 : i32 to index
      %swap3A_795 = arith.index_cast %swap3A_793 : i32 to index
      %swap3A_796 = arith.constant 16 : index
      %swap3A_797 = tpu.vector_load %arg6[%swap3A_794, %swap3A_795, %swap3A_796] {strides = array<i32>} : memref<2x2x128xi32, #tpu.memory_space<vmem>>, vector<1x1x16xi32>,
      %swap3A_798 = vector.shape_cast %swap3A_797 : vector<1x1x16xi32> to vector<16xi32>
      %swap3A_799 = vector.shape_cast %shift_right_logical3A_791 : vector<16xi32> to vector<1x1x16xi32>
      tpu.vector_store %arg6[%swap3A_794, %swap3A_795, %swap3A_796], %swap3A_799 {strides = array<i32>} : memref<2x2x128xi32, #tpu.memory_space<vmem>>, vector<1x1x16xi32>,
      %and3A_800 = arith.constant 16383 : i32
      %and3A_801 = vector.broadcast %and3A_800 : i32 to vector<16xi32>
      %and3A_802 = arith.andi %get3A_788, %and3A_801 : vector<16xi32>
      %swap3A_803 = arith.constant 0 : i32
      %swap3A_804 = arith.constant 1 : i32
      %swap3A_805 = arith.index_cast %swap3A_803 : i32 to index
      %swap3A_806 = arith.index_cast %swap3A_804 : i32 to index
      %swap3A_807 = arith.constant 16 : index
      %swap3A_808 = tpu.vector_load %arg6[%swap3A_805, %swap3A_806, %swap3A_807] {strides = array<i32>} : memref<2x2x128xi32, #tpu.memory_space<vmem>>, vector<1x1x16xi32>,
      %swap3A_809 = vector.shape_cast %swap3A_808 : vector<1x1x16xi32> to vector<16xi32>
      %swap3A_810 = vector.shape_cast %and3A_802 : vector<16xi32> to vector<1x1x16xi32>
      tpu.vector_store %arg6[%swap3A_805, %swap3A_806, %swap3A_807], %swap3A_810 {strides = array<i32>} : memref<2x2x128xi32, #tpu.memory_space<vmem>>, vector<1x1x16xi32>,
      %get3A_811 = arith.index_cast %add3A_758 : i32 to index
      %get3A_812 = arith.constant 32 : index
      %get3A_813 = tpu.vector_load %arg5[%get3A_811, %get3A_812] {strides = array<i32>} : memref<80x128xi32, #tpu.memory_space<vmem>>, vector<1x16xi32>,
      %get3A_814 = vector.shape_cast %get3A_813 : vector<1x16xi32> to vector<16xi32>
      %shift_right_logical3A_815 = arith.constant 14 : i32
      %shift_right_logical3A_816 = vector.broadcast %shift_right_logical3A_815 : i32 to vector<16xi32>
      %shift_right_logical3A_817 = arith.shrui %get3A_814, %shift_right_logical3A_816 : vector<16xi32>
      %swap3A_818 = arith.constant 0 : i32
      %swap3A_819 = arith.constant 0 : i32
      %swap3A_820 = arith.index_cast %swap3A_818 : i32 to index
      %swap3A_821 = arith.index_cast %swap3A_819 : i32 to index
      %swap3A_822 = arith.constant 32 : index
      %swap3A_823 = tpu.vector_load %arg6[%swap3A_820, %swap3A_821, %swap3A_822] {strides = array<i32>} : memref<2x2x128xi32, #tpu.memory_space<vmem>>, vector<1x1x16xi32>,
      %swap3A_824 = vector.shape_cast %swap3A_823 : vector<1x1x16xi32> to vector<16xi32>
      %swap3A_825 = vector.shape_cast %shift_right_logical3A_817 : vector<16xi32> to vector<1x1x16xi32>
      tpu.vector_store %arg6[%swap3A_820, %swap3A_821, %swap3A_822], %swap3A_825 {strides = array<i32>} : memref<2x2x128xi32, #tpu.memory_space<vmem>>, vector<1x1x16xi32>,
      %and3A_826 = arith.constant 16383 : i32
      %and3A_827 = vector.broadcast %and3A_826 : i32 to vector<16xi32>
      %and3A_828 = arith.andi %get3A_814, %and3A_827 : vector<16xi32>
      %swap3A_829 = arith.constant 0 : i32
      %swap3A_830 = arith.constant 1 : i32
      %swap3A_831 = arith.index_cast %swap3A_829 : i32 to index
      %swap3A_832 = arith.index_cast %swap3A_830 : i32 to index
      %swap3A_833 = arith.constant 32 : index
      %swap3A_834 = tpu.vector_load %arg6[%swap3A_831, %swap3A_832, %swap3A_833] {strides = array<i32>} : memref<2x2x128xi32, #tpu.memory_space<vmem>>, vector<1x1x16xi32>,
      %swap3A_835 = vector.shape_cast %swap3A_834 : vector<1x1x16xi32> to vector<16xi32>
      %swap3A_836 = vector.shape_cast %and3A_828 : vector<16xi32> to vector<1x1x16xi32>
      tpu.vector_store %arg6[%swap3A_831, %swap3A_832, %swap3A_833], %swap3A_836 {strides = array<i32>} : memref<2x2x128xi32, #tpu.memory_space<vmem>>, vector<1x1x16xi32>,
      %get3A_837 = arith.index_cast %add3A_758 : i32 to index
      %get3A_838 = arith.constant 48 : index
      %get3A_839 = tpu.vector_load %arg5[%get3A_837, %get3A_838] {strides = array<i32>} : memref<80x128xi32, #tpu.memory_space<vmem>>, vector<1x16xi32>,
      %get3A_840 = vector.shape_cast %get3A_839 : vector<1x16xi32> to vector<16xi32>
      %shift_right_logical3A_841 = arith.constant 14 : i32
      %shift_right_logical3A_842 = vector.broadcast %shift_right_logical3A_841 : i32 to vector<16xi32>
      %shift_right_logical3A_843 = arith.shrui %get3A_840, %shift_right_logical3A_842 : vector<16xi32>
      %swap3A_844 = arith.constant 0 : i32
      %swap3A_845 = arith.constant 0 : i32
      %swap3A_846 = arith.index_cast %swap3A_844 : i32 to index
      %swap3A_847 = arith.index_cast %swap3A_845 : i32 to index
      %swap3A_848 = arith.constant 48 : index
      %swap3A_849 = tpu.vector_load %arg6[%swap3A_846, %swap3A_847, %swap3A_848] {strides = array<i32>} : memref<2x2x128xi32, #tpu.memory_space<vmem>>, vector<1x1x16xi32>,
      %swap3A_850 = vector.shape_cast %swap3A_849 : vector<1x1x16xi32> to vector<16xi32>
      %swap3A_851 = vector.shape_cast %shift_right_logical3A_843 : vector<16xi32> to vector<1x1x16xi32>
      tpu.vector_store %arg6[%swap3A_846, %swap3A_847, %swap3A_848], %swap3A_851 {strides = array<i32>} : memref<2x2x128xi32, #tpu.memory_space<vmem>>, vector<1x1x16xi32>,
      %and3A_852 = arith.constant 16383 : i32
      %and3A_853 = vector.broadcast %and3A_852 : i32 to vector<16xi32>
      %and3A_854 = arith.andi %get3A_840, %and3A_853 : vector<16xi32>
      %swap3A_855 = arith.constant 0 : i32
      %swap3A_856 = arith.constant 1 : i32
      %swap3A_857 = arith.index_cast %swap3A_855 : i32 to index
      %swap3A_858 = arith.index_cast %swap3A_856 : i32 to index
      %swap3A_859 = arith.constant 48 : index
      %swap3A_860 = tpu.vector_load %arg6[%swap3A_857, %swap3A_858, %swap3A_859] {strides = array<i32>} : memref<2x2x128xi32, #tpu.memory_space<vmem>>, vector<1x1x16xi32>,
      %swap3A_861 = vector.shape_cast %swap3A_860 : vector<1x1x16xi32> to vector<16xi32>
      %swap3A_862 = vector.shape_cast %and3A_854 : vector<16xi32> to vector<1x1x16xi32>
      tpu.vector_store %arg6[%swap3A_857, %swap3A_858, %swap3A_859], %swap3A_862 {strides = array<i32>} : memref<2x2x128xi32, #tpu.memory_space<vmem>>, vector<1x1x16xi32>,
      %get3A_863 = arith.index_cast %add3A_758 : i32 to index
      %get3A_864 = arith.constant 64 : index
      %get3A_865 = tpu.vector_load %arg5[%get3A_863, %get3A_864] {strides = array<i32>} : memref<80x128xi32, #tpu.memory_space<vmem>>, vector<1x16xi32>,
      %get3A_866 = vector.shape_cast %get3A_865 : vector<1x16xi32> to vector<16xi32>
      %shift_right_logical3A_867 = arith.constant 14 : i32
      %shift_right_logical3A_868 = vector.broadcast %shift_right_logical3A_867 : i32 to vector<16xi32>
      %shift_right_logical3A_869 = arith.shrui %get3A_866, %shift_right_logical3A_868 : vector<16xi32>
      %swap3A_870 = arith.constant 0 : i32
      %swap3A_871 = arith.constant 0 : i32
      %swap3A_872 = arith.index_cast %swap3A_870 : i32 to index
      %swap3A_873 = arith.index_cast %swap3A_871 : i32 to index
      %swap3A_874 = arith.constant 64 : index
      %swap3A_875 = tpu.vector_load %arg6[%swap3A_872, %swap3A_873, %swap3A_874] {strides = array<i32>} : memref<2x2x128xi32, #tpu.memory_space<vmem>>, vector<1x1x16xi32>,
      %swap3A_876 = vector.shape_cast %swap3A_875 : vector<1x1x16xi32> to vector<16xi32>
      %swap3A_877 = vector.shape_cast %shift_right_logical3A_869 : vector<16xi32> to vector<1x1x16xi32>
      tpu.vector_store %arg6[%swap3A_872, %swap3A_873, %swap3A_874], %swap3A_877 {strides = array<i32>} : memref<2x2x128xi32, #tpu.memory_space<vmem>>, vector<1x1x16xi32>,
      %and3A_878 = arith.constant 16383 : i32
      %and3A_879 = vector.broadcast %and3A_878 : i32 to vector<16xi32>
      %and3A_880 = arith.andi %get3A_866, %and3A_879 : vector<16xi32>
      %swap3A_881 = arith.constant 0 : i32
      %swap3A_882 = arith.constant 1 : i32
      %swap3A_883 = arith.index_cast %swap3A_881 : i32 to index
      %swap3A_884 = arith.index_cast %swap3A_882 : i32 to index
      %swap3A_885 = arith.constant 64 : index
      %swap3A_886 = tpu.vector_load %arg6[%swap3A_883, %swap3A_884, %swap3A_885] {strides = array<i32>} : memref<2x2x128xi32, #tpu.memory_space<vmem>>, vector<1x1x16xi32>,
      %swap3A_887 = vector.shape_cast %swap3A_886 : vector<1x1x16xi32> to vector<16xi32>
      %swap3A_888 = vector.shape_cast %and3A_880 : vector<16xi32> to vector<1x1x16xi32>
      tpu.vector_store %arg6[%swap3A_883, %swap3A_884, %swap3A_885], %swap3A_888 {strides = array<i32>} : memref<2x2x128xi32, #tpu.memory_space<vmem>>, vector<1x1x16xi32>,
      %get3A_889 = arith.index_cast %add3A_758 : i32 to index
      %get3A_890 = arith.constant 80 : index
      %get3A_891 = tpu.vector_load %arg5[%get3A_889, %get3A_890] {strides = array<i32>} : memref<80x128xi32, #tpu.memory_space<vmem>>, vector<1x16xi32>,
      %get3A_892 = vector.shape_cast %get3A_891 : vector<1x16xi32> to vector<16xi32>
      %shift_right_logical3A_893 = arith.constant 14 : i32
      %shift_right_logical3A_894 = vector.broadcast %shift_right_logical3A_893 : i32 to vector<16xi32>
      %shift_right_logical3A_895 = arith.shrui %get3A_892, %shift_right_logical3A_894 : vector<16xi32>
      %swap3A_896 = arith.constant 0 : i32
      %swap3A_897 = arith.constant 0 : i32
      %swap3A_898 = arith.index_cast %swap3A_896 : i32 to index
      %swap3A_899 = arith.index_cast %swap3A_897 : i32 to index
      %swap3A_900 = arith.constant 80 : index
      %swap3A_901 = tpu.vector_load %arg6[%swap3A_898, %swap3A_899, %swap3A_900] {strides = array<i32>} : memref<2x2x128xi32, #tpu.memory_space<vmem>>, vector<1x1x16xi32>,
      %swap3A_902 = vector.shape_cast %swap3A_901 : vector<1x1x16xi32> to vector<16xi32>
      %swap3A_903 = vector.shape_cast %shift_right_logical3A_895 : vector<16xi32> to vector<1x1x16xi32>
      tpu.vector_store %arg6[%swap3A_898, %swap3A_899, %swap3A_900], %swap3A_903 {strides = array<i32>} : memref<2x2x128xi32, #tpu.memory_space<vmem>>, vector<1x1x16xi32>,
      %and3A_904 = arith.constant 16383 : i32
      %and3A_905 = vector.broadcast %and3A_904 : i32 to vector<16xi32>
      %and3A_906 = arith.andi %get3A_892, %and3A_905 : vector<16xi32>
      %swap3A_907 = arith.constant 0 : i32
      %swap3A_908 = arith.constant 1 : i32
      %swap3A_909 = arith.index_cast %swap3A_907 : i32 to index
      %swap3A_910 = arith.index_cast %swap3A_908 : i32 to index
      %swap3A_911 = arith.constant 80 : index
      %swap3A_912 = tpu.vector_load %arg6[%swap3A_909, %swap3A_910, %swap3A_911] {strides = array<i32>} : memref<2x2x128xi32, #tpu.memory_space<vmem>>, vector<1x1x16xi32>,
      %swap3A_913 = vector.shape_cast %swap3A_912 : vector<1x1x16xi32> to vector<16xi32>
      %swap3A_914 = vector.shape_cast %and3A_906 : vector<16xi32> to vector<1x1x16xi32>
      tpu.vector_store %arg6[%swap3A_909, %swap3A_910, %swap3A_911], %swap3A_914 {strides = array<i32>} : memref<2x2x128xi32, #tpu.memory_space<vmem>>, vector<1x1x16xi32>,
      %get3A_915 = arith.index_cast %add3A_758 : i32 to index
      %get3A_916 = arith.constant 96 : index
      %get3A_917 = tpu.vector_load %arg5[%get3A_915, %get3A_916] {strides = array<i32>} : memref<80x128xi32, #tpu.memory_space<vmem>>, vector<1x16xi32>,
      %get3A_918 = vector.shape_cast %get3A_917 : vector<1x16xi32> to vector<16xi32>
      %shift_right_logical3A_919 = arith.constant 14 : i32
      %shift_right_logical3A_920 = vector.broadcast %shift_right_logical3A_919 : i32 to vector<16xi32>
      %shift_right_logical3A_921 = arith.shrui %get3A_918, %shift_right_logical3A_920 : vector<16xi32>
      %swap3A_922 = arith.constant 0 : i32
      %swap3A_923 = arith.constant 0 : i32
      %swap3A_924 = arith.index_cast %swap3A_922 : i32 to index
      %swap3A_925 = arith.index_cast %swap3A_923 : i32 to index
      %swap3A_926 = arith.constant 96 : index
      %swap3A_927 = tpu.vector_load %arg6[%swap3A_924, %swap3A_925, %swap3A_926] {strides = array<i32>} : memref<2x2x128xi32, #tpu.memory_space<vmem>>, vector<1x1x16xi32>,
      %swap3A_928 = vector.shape_cast %swap3A_927 : vector<1x1x16xi32> to vector<16xi32>
      %swap3A_929 = vector.shape_cast %shift_right_logical3A_921 : vector<16xi32> to vector<1x1x16xi32>
      tpu.vector_store %arg6[%swap3A_924, %swap3A_925, %swap3A_926], %swap3A_929 {strides = array<i32>} : memref<2x2x128xi32, #tpu.memory_space<vmem>>, vector<1x1x16xi32>,
      %and3A_930 = arith.constant 16383 : i32
      %and3A_931 = vector.broadcast %and3A_930 : i32 to vector<16xi32>
      %and3A_932 = arith.andi %get3A_918, %and3A_931 : vector<16xi32>
      %swap3A_933 = arith.constant 0 : i32
      %swap3A_934 = arith.constant 1 : i32
      %swap3A_935 = arith.index_cast %swap3A_933 : i32 to index
      %swap3A_936 = arith.index_cast %swap3A_934 : i32 to index
      %swap3A_937 = arith.constant 96 : index
      %swap3A_938 = tpu.vector_load %arg6[%swap3A_935, %swap3A_936, %swap3A_937] {strides = array<i32>} : memref<2x2x128xi32, #tpu.memory_space<vmem>>, vector<1x1x16xi32>,
      %swap3A_939 = vector.shape_cast %swap3A_938 : vector<1x1x16xi32> to vector<16xi32>
      %swap3A_940 = vector.shape_cast %and3A_932 : vector<16xi32> to vector<1x1x16xi32>
      tpu.vector_store %arg6[%swap3A_935, %swap3A_936, %swap3A_937], %swap3A_940 {strides = array<i32>} : memref<2x2x128xi32, #tpu.memory_space<vmem>>, vector<1x1x16xi32>,
      %get3A_941 = arith.index_cast %add3A_758 : i32 to index
      %get3A_942 = arith.constant 112 : index
      %get3A_943 = tpu.vector_load %arg5[%get3A_941, %get3A_942] {strides = array<i32>} : memref<80x128xi32, #tpu.memory_space<vmem>>, vector<1x16xi32>,
      %get3A_944 = vector.shape_cast %get3A_943 : vector<1x16xi32> to vector<16xi32>
      %shift_right_logical3A_945 = arith.constant 14 : i32
      %shift_right_logical3A_946 = vector.broadcast %shift_right_logical3A_945 : i32 to vector<16xi32>
      %shift_right_logical3A_947 = arith.shrui %get3A_944, %shift_right_logical3A_946 : vector<16xi32>
      %swap3A_948 = arith.constant 0 : i32
      %swap3A_949 = arith.constant 0 : i32
      %swap3A_950 = arith.index_cast %swap3A_948 : i32 to index
      %swap3A_951 = arith.index_cast %swap3A_949 : i32 to index
      %swap3A_952 = arith.constant 112 : index
      %swap3A_953 = tpu.vector_load %arg6[%swap3A_950, %swap3A_951, %swap3A_952] {strides = array<i32>} : memref<2x2x128xi32, #tpu.memory_space<vmem>>, vector<1x1x16xi32>,
      %swap3A_954 = vector.shape_cast %swap3A_953 : vector<1x1x16xi32> to vector<16xi32>
      %swap3A_955 = vector.shape_cast %shift_right_logical3A_947 : vector<16xi32> to vector<1x1x16xi32>
      tpu.vector_store %arg6[%swap3A_950, %swap3A_951, %swap3A_952], %swap3A_955 {strides = array<i32>} : memref<2x2x128xi32, #tpu.memory_space<vmem>>, vector<1x1x16xi32>,
      %and3A_956 = arith.constant 16383 : i32
      %and3A_957 = vector.broadcast %and3A_956 : i32 to vector<16xi32>
      %and3A_958 = arith.andi %get3A_944, %and3A_957 : vector<16xi32>
      %swap3A_959 = arith.constant 0 : i32
      %swap3A_960 = arith.constant 1 : i32
      %swap3A_961 = arith.index_cast %swap3A_959 : i32 to index
      %swap3A_962 = arith.index_cast %swap3A_960 : i32 to index
      %swap3A_963 = arith.constant 112 : index
      %swap3A_964 = tpu.vector_load %arg6[%swap3A_961, %swap3A_962, %swap3A_963] {strides = array<i32>} : memref<2x2x128xi32, #tpu.memory_space<vmem>>, vector<1x1x16xi32>,
      %swap3A_965 = vector.shape_cast %swap3A_964 : vector<1x1x16xi32> to vector<16xi32>
      %swap3A_966 = vector.shape_cast %and3A_958 : vector<16xi32> to vector<1x1x16xi32>
      tpu.vector_store %arg6[%swap3A_961, %swap3A_962, %swap3A_963], %swap3A_966 {strides = array<i32>} : memref<2x2x128xi32, #tpu.memory_space<vmem>>, vector<1x1x16xi32>,
      %dma_start3A_967 = arith.constant 0 : i32
      %dma_start3A_968 = arith.constant 0 : i32
      %dma_start3A_969 = arith.constant 0 : i32
      %dma_start3A_970 = arith.constant 0 : i32
      %dma_start3A_971 = arith.constant 0 : i32
      %dma_start3A_972 = tpu.memref_slice %arg7[%dma_start3A_969, %dma_start3A_970, %dma_start3A_971] : memref<2x128x128xf32, #tpu.memory_space<vmem>> -> memref<1x32x128xf32, #tpu.memory_space<vmem>>
      %dma_start3A_973 = tpu.memref_squeeze %dma_start3A_972 : memref<1x32x128xf32, #tpu.memory_space<vmem>> -> memref<32x128xf32, #tpu.memory_space<vmem>>
      %dma_start3A_974 = arith.constant 0 : i32
      %dma_start3A_975 = tpu.memref_slice %arg6[%dma_start3A_967, %dma_start3A_968, %dma_start3A_974] : memref<2x2x128xi32, #tpu.memory_space<vmem>> -> memref<1x1x32xi32, #tpu.memory_space<vmem>>
      %dma_start3A_976 = tpu.memref_squeeze %dma_start3A_975 : memref<1x1x32xi32, #tpu.memory_space<vmem>> -> memref<32xi32, #tpu.memory_space<vmem>>
      %dma_start3A_977 = arith.constant 0 : i32
      %dma_start3A_978 = arith.constant 0 : i32
      %dma_start3A_979 = tpu.memref_slice %arg2[%dma_start3A_977, %dma_start3A_978] : memref<10000x128xf32, #tpu.memory_space<hbm>> -> memref<10000x128xf32, #tpu.memory_space<hbm>>
      tpu.enqueue_indirect_dma source(%dma_start3A_979 : memref<10000x128xf32, #tpu.memory_space<hbm>>) target(%dma_start3A_973 : memref<32x128xf32, #tpu.memory_space<vmem>>) offsets(%dma_start3A_976 : memref<32xi32, #tpu.memory_space<vmem>>) semaphore(%arg10 : memref<!tpu.dma_semaphore, #tpu.memory_space<semaphore_mem>>)
      %dma_start3A_980 = arith.constant 0 : i32
      %dma_start3A_981 = arith.constant 0 : i32
      %dma_start3A_982 = arith.constant 0 : i32
      %dma_start3A_983 = arith.constant 32 : i32
      %dma_start3A_984 = arith.constant 0 : i32
      %dma_start3A_985 = tpu.memref_slice %arg7[%dma_start3A_982, %dma_start3A_983, %dma_start3A_984] : memref<2x128x128xf32, #tpu.memory_space<vmem>> -> memref<1x32x128xf32, #tpu.memory_space<vmem>>
      %dma_start3A_986 = tpu.memref_squeeze %dma_start3A_985 : memref<1x32x128xf32, #tpu.memory_space<vmem>> -> memref<32x128xf32, #tpu.memory_space<vmem>>
      %dma_start3A_987 = arith.constant 32 : i32
      %dma_start3A_988 = tpu.memref_slice %arg6[%dma_start3A_980, %dma_start3A_981, %dma_start3A_987] : memref<2x2x128xi32, #tpu.memory_space<vmem>> -> memref<1x1x32xi32, #tpu.memory_space<vmem>>
      %dma_start3A_989 = tpu.memref_squeeze %dma_start3A_988 : memref<1x1x32xi32, #tpu.memory_space<vmem>> -> memref<32xi32, #tpu.memory_space<vmem>>
      %dma_start3A_990 = arith.constant 0 : i32
      %dma_start3A_991 = arith.constant 0 : i32
      %dma_start3A_992 = tpu.memref_slice %arg2[%dma_start3A_990, %dma_start3A_991] : memref<10000x128xf32, #tpu.memory_space<hbm>> -> memref<10000x128xf32, #tpu.memory_space<hbm>>
      tpu.enqueue_indirect_dma source(%dma_start3A_992 : memref<10000x128xf32, #tpu.memory_space<hbm>>) target(%dma_start3A_986 : memref<32x128xf32, #tpu.memory_space<vmem>>) offsets(%dma_start3A_989 : memref<32xi32, #tpu.memory_space<vmem>>) semaphore(%arg10 : memref<!tpu.dma_semaphore, #tpu.memory_space<semaphore_mem>>)
      %dma_start3A_993 = arith.constant 0 : i32
      %dma_start3A_994 = arith.constant 0 : i32
      %dma_start3A_995 = arith.constant 0 : i32
      %dma_start3A_996 = arith.constant 64 : i32
      %dma_start3A_997 = arith.constant 0 : i32
      %dma_start3A_998 = tpu.memref_slice %arg7[%dma_start3A_995, %dma_start3A_996, %dma_start3A_997] : memref<2x128x128xf32, #tpu.memory_space<vmem>> -> memref<1x32x128xf32, #tpu.memory_space<vmem>>
      %dma_start3A_999 = tpu.memref_squeeze %dma_start3A_998 : memref<1x32x128xf32, #tpu.memory_space<vmem>> -> memref<32x128xf32, #tpu.memory_space<vmem>>
      %dma_start3A_1000 = arith.constant 64 : i32
      %dma_start3A_1001 = tpu.memref_slice %arg6[%dma_start3A_993, %dma_start3A_994, %dma_start3A_1000] : memref<2x2x128xi32, #tpu.memory_space<vmem>> -> memref<1x1x32xi32, #tpu.memory_space<vmem>>
      %dma_start3A_1002 = tpu.memref_squeeze %dma_start3A_1001 : memref<1x1x32xi32, #tpu.memory_space<vmem>> -> memref<32xi32, #tpu.memory_space<vmem>>
      %dma_start3A_1003 = arith.constant 0 : i32
      %dma_start3A_1004 = arith.constant 0 : i32
      %dma_start3A_1005 = tpu.memref_slice %arg2[%dma_start3A_1003, %dma_start3A_1004] : memref<10000x128xf32, #tpu.memory_space<hbm>> -> memref<10000x128xf32, #tpu.memory_space<hbm>>
      tpu.enqueue_indirect_dma source(%dma_start3A_1005 : memref<10000x128xf32, #tpu.memory_space<hbm>>) target(%dma_start3A_999 : memref<32x128xf32, #tpu.memory_space<vmem>>) offsets(%dma_start3A_1002 : memref<32xi32, #tpu.memory_space<vmem>>) semaphore(%arg10 : memref<!tpu.dma_semaphore, #tpu.memory_space<semaphore_mem>>)
      %dma_start3A_1006 = arith.constant 0 : i32
      %dma_start3A_1007 = arith.constant 0 : i32
      %dma_start3A_1008 = arith.constant 0 : i32
      %dma_start3A_1009 = arith.constant 96 : i32
      %dma_start3A_1010 = arith.constant 0 : i32
      %dma_start3A_1011 = tpu.memref_slice %arg7[%dma_start3A_1008, %dma_start3A_1009, %dma_start3A_1010] : memref<2x128x128xf32, #tpu.memory_space<vmem>> -> memref<1x32x128xf32, #tpu.memory_space<vmem>>
      %dma_start3A_1012 = tpu.memref_squeeze %dma_start3A_1011 : memref<1x32x128xf32, #tpu.memory_space<vmem>> -> memref<32x128xf32, #tpu.memory_space<vmem>>
      %dma_start3A_1013 = arith.constant 96 : i32
      %dma_start3A_1014 = tpu.memref_slice %arg6[%dma_start3A_1006, %dma_start3A_1007, %dma_start3A_1013] : memref<2x2x128xi32, #tpu.memory_space<vmem>> -> memref<1x1x32xi32, #tpu.memory_space<vmem>>
      %dma_start3A_1015 = tpu.memref_squeeze %dma_start3A_1014 : memref<1x1x32xi32, #tpu.memory_space<vmem>> -> memref<32xi32, #tpu.memory_space<vmem>>
      %dma_start3A_1016 = arith.constant 0 : i32
      %dma_start3A_1017 = arith.constant 0 : i32
      %dma_start3A_1018 = tpu.memref_slice %arg2[%dma_start3A_1016, %dma_start3A_1017] : memref<10000x128xf32, #tpu.memory_space<hbm>> -> memref<10000x128xf32, #tpu.memory_space<hbm>>
      tpu.enqueue_indirect_dma source(%dma_start3A_1018 : memref<10000x128xf32, #tpu.memory_space<hbm>>) target(%dma_start3A_1012 : memref<32x128xf32, #tpu.memory_space<vmem>>) offsets(%dma_start3A_1015 : memref<32xi32, #tpu.memory_space<vmem>>) semaphore(%arg10 : memref<!tpu.dma_semaphore, #tpu.memory_space<semaphore_mem>>)
      %mul3A_1019 = arith.constant 2 : i32
      %mul3A_1020 = arith.muli %scan3A_697, %mul3A_1019 : i32
      %add3A_1021 = arith.constant 1 : i32
      %add3A_1022 = arith.addi %mul3A_1020, %add3A_1021 : i32
      %dma_wait3A_1023 = arith.constant 1 : i32
      %dma_wait3A_1024 = arith.constant 0 : i32
      %dma_wait3A_1025 = arith.constant 1 : i32
      %dma_wait3A_1026 = arith.constant 0 : i32
      %dma_wait3A_1027 = arith.constant 0 : i32
      %dma_wait3A_1028 = tpu.memref_slice %arg7[%dma_wait3A_1025, %dma_wait3A_1026, %dma_wait3A_1027] : memref<2x128x128xf32, #tpu.memory_space<vmem>> -> memref<1x32x128xf32, #tpu.memory_space<vmem>>
      %dma_wait3A_1029 = tpu.memref_squeeze %dma_wait3A_1028 : memref<1x32x128xf32, #tpu.memory_space<vmem>> -> memref<32x128xf32, #tpu.memory_space<vmem>>
      %dma_wait3A_1030 = arith.constant 0 : i32
      %dma_wait3A_1031 = tpu.memref_slice %arg6[%dma_wait3A_1023, %dma_wait3A_1024, %dma_wait3A_1030] : memref<2x2x128xi32, #tpu.memory_space<vmem>> -> memref<1x1x32xi32, #tpu.memory_space<vmem>>
      %dma_wait3A_1032 = tpu.memref_squeeze %dma_wait3A_1031 : memref<1x1x32xi32, #tpu.memory_space<vmem>> -> memref<32xi32, #tpu.memory_space<vmem>>
      %dma_wait3A_1033 = arith.constant 0 : i32
      %dma_wait3A_1034 = arith.constant 0 : i32
      %dma_wait3A_1035 = tpu.memref_slice %arg2[%dma_wait3A_1033, %dma_wait3A_1034] : memref<10000x128xf32, #tpu.memory_space<hbm>> -> memref<10000x128xf32, #tpu.memory_space<hbm>>
      tpu.wait_indirect_dma semaphore(%arg10 : memref<!tpu.dma_semaphore, #tpu.memory_space<semaphore_mem>>) src(%dma_wait3A_1035 : memref<10000x128xf32, #tpu.memory_space<hbm>>) dst(%dma_wait3A_1029 : memref<32x128xf32, #tpu.memory_space<vmem>>)
      %dma_wait3A_1036 = arith.constant 1 : i32
      %dma_wait3A_1037 = arith.constant 0 : i32
      %dma_wait3A_1038 = arith.constant 1 : i32
      %dma_wait3A_1039 = arith.constant 32 : i32
      %dma_wait3A_1040 = arith.constant 0 : i32
      %dma_wait3A_1041 = tpu.memref_slice %arg7[%dma_wait3A_1038, %dma_wait3A_1039, %dma_wait3A_1040] : memref<2x128x128xf32, #tpu.memory_space<vmem>> -> memref<1x32x128xf32, #tpu.memory_space<vmem>>
      %dma_wait3A_1042 = tpu.memref_squeeze %dma_wait3A_1041 : memref<1x32x128xf32, #tpu.memory_space<vmem>> -> memref<32x128xf32, #tpu.memory_space<vmem>>
      %dma_wait3A_1043 = arith.constant 32 : i32
      %dma_wait3A_1044 = tpu.memref_slice %arg6[%dma_wait3A_1036, %dma_wait3A_1037, %dma_wait3A_1043] : memref<2x2x128xi32, #tpu.memory_space<vmem>> -> memref<1x1x32xi32, #tpu.memory_space<vmem>>
      %dma_wait3A_1045 = tpu.memref_squeeze %dma_wait3A_1044 : memref<1x1x32xi32, #tpu.memory_space<vmem>> -> memref<32xi32, #tpu.memory_space<vmem>>
      %dma_wait3A_1046 = arith.constant 0 : i32
      %dma_wait3A_1047 = arith.constant 0 : i32
      %dma_wait3A_1048 = tpu.memref_slice %arg2[%dma_wait3A_1046, %dma_wait3A_1047] : memref<10000x128xf32, #tpu.memory_space<hbm>> -> memref<10000x128xf32, #tpu.memory_space<hbm>>
      tpu.wait_indirect_dma semaphore(%arg10 : memref<!tpu.dma_semaphore, #tpu.memory_space<semaphore_mem>>) src(%dma_wait3A_1048 : memref<10000x128xf32, #tpu.memory_space<hbm>>) dst(%dma_wait3A_1042 : memref<32x128xf32, #tpu.memory_space<vmem>>)
      %dma_wait3A_1049 = arith.constant 1 : i32
      %dma_wait3A_1050 = arith.constant 0 : i32
      %dma_wait3A_1051 = arith.constant 1 : i32
      %dma_wait3A_1052 = arith.constant 64 : i32
      %dma_wait3A_1053 = arith.constant 0 : i32
      %dma_wait3A_1054 = tpu.memref_slice %arg7[%dma_wait3A_1051, %dma_wait3A_1052, %dma_wait3A_1053] : memref<2x128x128xf32, #tpu.memory_space<vmem>> -> memref<1x32x128xf32, #tpu.memory_space<vmem>>
      %dma_wait3A_1055 = tpu.memref_squeeze %dma_wait3A_1054 : memref<1x32x128xf32, #tpu.memory_space<vmem>> -> memref<32x128xf32, #tpu.memory_space<vmem>>
      %dma_wait3A_1056 = arith.constant 64 : i32
      %dma_wait3A_1057 = tpu.memref_slice %arg6[%dma_wait3A_1049, %dma_wait3A_1050, %dma_wait3A_1056] : memref<2x2x128xi32, #tpu.memory_space<vmem>> -> memref<1x1x32xi32, #tpu.memory_space<vmem>>
      %dma_wait3A_1058 = tpu.memref_squeeze %dma_wait3A_1057 : memref<1x1x32xi32, #tpu.memory_space<vmem>> -> memref<32xi32, #tpu.memory_space<vmem>>
      %dma_wait3A_1059 = arith.constant 0 : i32
      %dma_wait3A_1060 = arith.constant 0 : i32
      %dma_wait3A_1061 = tpu.memref_slice %arg2[%dma_wait3A_1059, %dma_wait3A_1060] : memref<10000x128xf32, #tpu.memory_space<hbm>> -> memref<10000x128xf32, #tpu.memory_space<hbm>>
      tpu.wait_indirect_dma semaphore(%arg10 : memref<!tpu.dma_semaphore, #tpu.memory_space<semaphore_mem>>) src(%dma_wait3A_1061 : memref<10000x128xf32, #tpu.memory_space<hbm>>) dst(%dma_wait3A_1055 : memref<32x128xf32, #tpu.memory_space<vmem>>)
      %dma_wait3A_1062 = arith.constant 1 : i32
      %dma_wait3A_1063 = arith.constant 0 : i32
      %dma_wait3A_1064 = arith.constant 1 : i32
      %dma_wait3A_1065 = arith.constant 96 : i32
      %dma_wait3A_1066 = arith.constant 0 : i32
      %dma_wait3A_1067 = tpu.memref_slice %arg7[%dma_wait3A_1064, %dma_wait3A_1065, %dma_wait3A_1066] : memref<2x128x128xf32, #tpu.memory_space<vmem>> -> memref<1x32x128xf32, #tpu.memory_space<vmem>>
      %dma_wait3A_1068 = tpu.memref_squeeze %dma_wait3A_1067 : memref<1x32x128xf32, #tpu.memory_space<vmem>> -> memref<32x128xf32, #tpu.memory_space<vmem>>
      %dma_wait3A_1069 = arith.constant 96 : i32
      %dma_wait3A_1070 = tpu.memref_slice %arg6[%dma_wait3A_1062, %dma_wait3A_1063, %dma_wait3A_1069] : memref<2x2x128xi32, #tpu.memory_space<vmem>> -> memref<1x1x32xi32, #tpu.memory_space<vmem>>
      %dma_wait3A_1071 = tpu.memref_squeeze %dma_wait3A_1070 : memref<1x1x32xi32, #tpu.memory_space<vmem>> -> memref<32xi32, #tpu.memory_space<vmem>>
      %dma_wait3A_1072 = arith.constant 0 : i32
      %dma_wait3A_1073 = arith.constant 0 : i32
      %dma_wait3A_1074 = tpu.memref_slice %arg2[%dma_wait3A_1072, %dma_wait3A_1073] : memref<10000x128xf32, #tpu.memory_space<hbm>> -> memref<10000x128xf32, #tpu.memory_space<hbm>>
      tpu.wait_indirect_dma semaphore(%arg10 : memref<!tpu.dma_semaphore, #tpu.memory_space<semaphore_mem>>) src(%dma_wait3A_1074 : memref<10000x128xf32, #tpu.memory_space<hbm>>) dst(%dma_wait3A_1068 : memref<32x128xf32, #tpu.memory_space<vmem>>)
      %run_scoped3A_1075 = arith.constant 1 : i32
      %run_scoped3A_1076 = arith.constant 1 : i32
      %run_scoped3A_1077 = arith.constant 1 : i32
      "tpu.region"() ({
        %run_scoped3A_1340 = tpu.sem_alloc : memref<!tpu.dma_semaphore, #tpu.memory_space<semaphore_mem>>
        %dma_start3A_1341 = arith.constant 0 : i32
        %dma_start3A_1342 = arith.constant 0 : i32
        %dma_start3A_1343 = tpu.memref_slice %arg7[%run_scoped3A_1075, %dma_start3A_1341, %dma_start3A_1342] : memref<2x128x128xf32, #tpu.memory_space<vmem>> -> memref<1x128x128xf32, #tpu.memory_space<vmem>>
        %dma_start3A_1344 = tpu.memref_squeeze %dma_start3A_1343 : memref<1x128x128xf32, #tpu.memory_space<vmem>> -> memref<128x128xf32, #tpu.memory_space<vmem>>
        %dma_start3A_1345 = arith.constant 0 : i32
        %dma_start3A_1346 = tpu.memref_slice %arg6[%run_scoped3A_1076, %run_scoped3A_1077, %dma_start3A_1345] : memref<2x2x128xi32, #tpu.memory_space<vmem>> -> memref<1x1x128xi32, #tpu.memory_space<vmem>>
        %dma_start3A_1347 = tpu.memref_squeeze %dma_start3A_1346 : memref<1x1x128xi32, #tpu.memory_space<vmem>> -> memref<128xi32, #tpu.memory_space<vmem>>
        %dma_start3A_1348 = arith.constant 0 : i32
        %dma_start3A_1349 = arith.constant 0 : i32
        %dma_start3A_1350 = tpu.memref_slice %arg9[%dma_start3A_1348, %dma_start3A_1349] : memref<10240x128xf32, #tpu.memory_space<vmem_shared>> -> memref<10240x128xf32, #tpu.memory_space<vmem_shared>>
        tpu.enqueue_indirect_dma source(%dma_start3A_1344 : memref<128x128xf32, #tpu.memory_space<vmem>>) target(%dma_start3A_1350 : memref<10240x128xf32, #tpu.memory_space<vmem_shared>>) offsets(%dma_start3A_1347 : memref<128xi32, #tpu.memory_space<vmem>>) semaphore(%run_scoped3A_1340 : memref<!tpu.dma_semaphore, #tpu.memory_space<semaphore_mem>>) {add = true}
        %dma_wait3A_1351 = arith.constant 0 : i32
        %dma_wait3A_1352 = arith.constant 0 : i32
        %dma_wait3A_1353 = tpu.memref_slice %arg7[%run_scoped3A_1075, %dma_wait3A_1351, %dma_wait3A_1352] : memref<2x128x128xf32, #tpu.memory_space<vmem>> -> memref<1x128x128xf32, #tpu.memory_space<vmem>>
        %dma_wait3A_1354 = tpu.memref_squeeze %dma_wait3A_1353 : memref<1x128x128xf32, #tpu.memory_space<vmem>> -> memref<128x128xf32, #tpu.memory_space<vmem>>
        %dma_wait3A_1355 = arith.constant 0 : i32
        %dma_wait3A_1356 = tpu.memref_slice %arg6[%run_scoped3A_1076, %run_scoped3A_1077, %dma_wait3A_1355] : memref<2x2x128xi32, #tpu.memory_space<vmem>> -> memref<1x1x128xi32, #tpu.memory_space<vmem>>
        %dma_wait3A_1357 = tpu.memref_squeeze %dma_wait3A_1356 : memref<1x1x128xi32, #tpu.memory_space<vmem>> -> memref<128xi32, #tpu.memory_space<vmem>>
        %dma_wait3A_1358 = arith.constant 0 : i32
        %dma_wait3A_1359 = arith.constant 0 : i32
        %dma_wait3A_1360 = tpu.memref_slice %arg9[%dma_wait3A_1358, %dma_wait3A_1359] : memref<10240x128xf32, #tpu.memory_space<vmem_shared>> -> memref<10240x128xf32, #tpu.memory_space<vmem_shared>>
        tpu.wait_indirect_dma semaphore(%run_scoped3A_1340 : memref<!tpu.dma_semaphore, #tpu.memory_space<semaphore_mem>>) src(%dma_wait3A_1354 : memref<128x128xf32, #tpu.memory_space<vmem>>) dst(%dma_wait3A_1360 : memref<10240x128xf32, #tpu.memory_space<vmem_shared>>)
        tpu.yield
      }) : () -> ()
      %add3A_1078 = arith.constant 2 : i32
      %add3A_1079 = arith.addi %add3A_1022, %add3A_1078 : i32
      %get3A_1080 = arith.index_cast %add3A_1079 : i32 to index
      %get3A_1081 = arith.constant 0 : index
      %get3A_1082 = tpu.vector_load %arg5[%get3A_1080, %get3A_1081] {strides = array<i32>} : memref<80x128xi32, #tpu.memory_space<vmem>>, vector<1x16xi32>,
      %get3A_1083 = vector.shape_cast %get3A_1082 : vector<1x16xi32> to vector<16xi32>
      %shift_right_logical3A_1084 = arith.constant 14 : i32
      %shift_right_logical3A_1085 = vector.broadcast %shift_right_logical3A_1084 : i32 to vector<16xi32>
      %shift_right_logical3A_1086 = arith.shrui %get3A_1083, %shift_right_logical3A_1085 : vector<16xi32>
      %swap3A_1087 = arith.constant 1 : i32
      %swap3A_1088 = arith.constant 0 : i32
      %swap3A_1089 = arith.index_cast %swap3A_1087 : i32 to index
      %swap3A_1090 = arith.index_cast %swap3A_1088 : i32 to index
      %swap3A_1091 = arith.constant 0 : index
      %swap3A_1092 = tpu.vector_load %arg6[%swap3A_1089, %swap3A_1090, %swap3A_1091] {strides = array<i32>} : memref<2x2x128xi32, #tpu.memory_space<vmem>>, vector<1x1x16xi32>,
      %swap3A_1093 = vector.shape_cast %swap3A_1092 : vector<1x1x16xi32> to vector<16xi32>
      %swap3A_1094 = vector.shape_cast %shift_right_logical3A_1086 : vector<16xi32> to vector<1x1x16xi32>
      tpu.vector_store %arg6[%swap3A_1089, %swap3A_1090, %swap3A_1091], %swap3A_1094 {strides = array<i32>} : memref<2x2x128xi32, #tpu.memory_space<vmem>>, vector<1x1x16xi32>,
      %and3A_1095 = arith.constant 16383 : i32
      %and3A_1096 = vector.broadcast %and3A_1095 : i32 to vector<16xi32>
      %and3A_1097 = arith.andi %get3A_1083, %and3A_1096 : vector<16xi32>
      %swap3A_1098 = arith.constant 1 : i32
      %swap3A_1099 = arith.constant 1 : i32
      %swap3A_1100 = arith.index_cast %swap3A_1098 : i32 to index
      %swap3A_1101 = arith.index_cast %swap3A_1099 : i32 to index
      %swap3A_1102 = arith.constant 0 : index
      %swap3A_1103 = tpu.vector_load %arg6[%swap3A_1100, %swap3A_1101, %swap3A_1102] {strides = array<i32>} : memref<2x2x128xi32, #tpu.memory_space<vmem>>, vector<1x1x16xi32>,
      %swap3A_1104 = vector.shape_cast %swap3A_1103 : vector<1x1x16xi32> to vector<16xi32>
      %swap3A_1105 = vector.shape_cast %and3A_1097 : vector<16xi32> to vector<1x1x16xi32>
      tpu.vector_store %arg6[%swap3A_1100, %swap3A_1101, %swap3A_1102], %swap3A_1105 {strides = array<i32>} : memref<2x2x128xi32, #tpu.memory_space<vmem>>, vector<1x1x16xi32>,
      %get3A_1106 = arith.index_cast %add3A_1079 : i32 to index
      %get3A_1107 = arith.constant 16 : index
      %get3A_1108 = tpu.vector_load %arg5[%get3A_1106, %get3A_1107] {strides = array<i32>} : memref<80x128xi32, #tpu.memory_space<vmem>>, vector<1x16xi32>,
      %get3A_1109 = vector.shape_cast %get3A_1108 : vector<1x16xi32> to vector<16xi32>
      %shift_right_logical3A_1110 = arith.constant 14 : i32
      %shift_right_logical3A_1111 = vector.broadcast %shift_right_logical3A_1110 : i32 to vector<16xi32>
      %shift_right_logical3A_1112 = arith.shrui %get3A_1109, %shift_right_logical3A_1111 : vector<16xi32>
      %swap3A_1113 = arith.constant 1 : i32
      %swap3A_1114 = arith.constant 0 : i32
      %swap3A_1115 = arith.index_cast %swap3A_1113 : i32 to index
      %swap3A_1116 = arith.index_cast %swap3A_1114 : i32 to index
      %swap3A_1117 = arith.constant 16 : index
      %swap3A_1118 = tpu.vector_load %arg6[%swap3A_1115, %swap3A_1116, %swap3A_1117] {strides = array<i32>} : memref<2x2x128xi32, #tpu.memory_space<vmem>>, vector<1x1x16xi32>,
      %swap3A_1119 = vector.shape_cast %swap3A_1118 : vector<1x1x16xi32> to vector<16xi32>
      %swap3A_1120 = vector.shape_cast %shift_right_logical3A_1112 : vector<16xi32> to vector<1x1x16xi32>
      tpu.vector_store %arg6[%swap3A_1115, %swap3A_1116, %swap3A_1117], %swap3A_1120 {strides = array<i32>} : memref<2x2x128xi32, #tpu.memory_space<vmem>>, vector<1x1x16xi32>,
      %and3A_1121 = arith.constant 16383 : i32
      %and3A_1122 = vector.broadcast %and3A_1121 : i32 to vector<16xi32>
      %and3A_1123 = arith.andi %get3A_1109, %and3A_1122 : vector<16xi32>
      %swap3A_1124 = arith.constant 1 : i32
      %swap3A_1125 = arith.constant 1 : i32
      %swap3A_1126 = arith.index_cast %swap3A_1124 : i32 to index
      %swap3A_1127 = arith.index_cast %swap3A_1125 : i32 to index
      %swap3A_1128 = arith.constant 16 : index
      %swap3A_1129 = tpu.vector_load %arg6[%swap3A_1126, %swap3A_1127, %swap3A_1128] {strides = array<i32>} : memref<2x2x128xi32, #tpu.memory_space<vmem>>, vector<1x1x16xi32>,
      %swap3A_1130 = vector.shape_cast %swap3A_1129 : vector<1x1x16xi32> to vector<16xi32>
      %swap3A_1131 = vector.shape_cast %and3A_1123 : vector<16xi32> to vector<1x1x16xi32>
      tpu.vector_store %arg6[%swap3A_1126, %swap3A_1127, %swap3A_1128], %swap3A_1131 {strides = array<i32>} : memref<2x2x128xi32, #tpu.memory_space<vmem>>, vector<1x1x16xi32>,
      %get3A_1132 = arith.index_cast %add3A_1079 : i32 to index
      %get3A_1133 = arith.constant 32 : index
      %get3A_1134 = tpu.vector_load %arg5[%get3A_1132, %get3A_1133] {strides = array<i32>} : memref<80x128xi32, #tpu.memory_space<vmem>>, vector<1x16xi32>,
      %get3A_1135 = vector.shape_cast %get3A_1134 : vector<1x16xi32> to vector<16xi32>
      %shift_right_logical3A_1136 = arith.constant 14 : i32
      %shift_right_logical3A_1137 = vector.broadcast %shift_right_logical3A_1136 : i32 to vector<16xi32>
      %shift_right_logical3A_1138 = arith.shrui %get3A_1135, %shift_right_logical3A_1137 : vector<16xi32>
      %swap3A_1139 = arith.constant 1 : i32
      %swap3A_1140 = arith.constant 0 : i32
      %swap3A_1141 = arith.index_cast %swap3A_1139 : i32 to index
      %swap3A_1142 = arith.index_cast %swap3A_1140 : i32 to index
      %swap3A_1143 = arith.constant 32 : index
      %swap3A_1144 = tpu.vector_load %arg6[%swap3A_1141, %swap3A_1142, %swap3A_1143] {strides = array<i32>} : memref<2x2x128xi32, #tpu.memory_space<vmem>>, vector<1x1x16xi32>,
      %swap3A_1145 = vector.shape_cast %swap3A_1144 : vector<1x1x16xi32> to vector<16xi32>
      %swap3A_1146 = vector.shape_cast %shift_right_logical3A_1138 : vector<16xi32> to vector<1x1x16xi32>
      tpu.vector_store %arg6[%swap3A_1141, %swap3A_1142, %swap3A_1143], %swap3A_1146 {strides = array<i32>} : memref<2x2x128xi32, #tpu.memory_space<vmem>>, vector<1x1x16xi32>,
      %and3A_1147 = arith.constant 16383 : i32
      %and3A_1148 = vector.broadcast %and3A_1147 : i32 to vector<16xi32>
      %and3A_1149 = arith.andi %get3A_1135, %and3A_1148 : vector<16xi32>
      %swap3A_1150 = arith.constant 1 : i32
      %swap3A_1151 = arith.constant 1 : i32
      %swap3A_1152 = arith.index_cast %swap3A_1150 : i32 to index
      %swap3A_1153 = arith.index_cast %swap3A_1151 : i32 to index
      %swap3A_1154 = arith.constant 32 : index
      %swap3A_1155 = tpu.vector_load %arg6[%swap3A_1152, %swap3A_1153, %swap3A_1154] {strides = array<i32>} : memref<2x2x128xi32, #tpu.memory_space<vmem>>, vector<1x1x16xi32>,
      %swap3A_1156 = vector.shape_cast %swap3A_1155 : vector<1x1x16xi32> to vector<16xi32>
      %swap3A_1157 = vector.shape_cast %and3A_1149 : vector<16xi32> to vector<1x1x16xi32>
      tpu.vector_store %arg6[%swap3A_1152, %swap3A_1153, %swap3A_1154], %swap3A_1157 {strides = array<i32>} : memref<2x2x128xi32, #tpu.memory_space<vmem>>, vector<1x1x16xi32>,
      %get3A_1158 = arith.index_cast %add3A_1079 : i32 to index
      %get3A_1159 = arith.constant 48 : index
      %get3A_1160 = tpu.vector_load %arg5[%get3A_1158, %get3A_1159] {strides = array<i32>} : memref<80x128xi32, #tpu.memory_space<vmem>>, vector<1x16xi32>,
      %get3A_1161 = vector.shape_cast %get3A_1160 : vector<1x16xi32> to vector<16xi32>
      %shift_right_logical3A_1162 = arith.constant 14 : i32
      %shift_right_logical3A_1163 = vector.broadcast %shift_right_logical3A_1162 : i32 to vector<16xi32>
      %shift_right_logical3A_1164 = arith.shrui %get3A_1161, %shift_right_logical3A_1163 : vector<16xi32>
      %swap3A_1165 = arith.constant 1 : i32
      %swap3A_1166 = arith.constant 0 : i32
      %swap3A_1167 = arith.index_cast %swap3A_1165 : i32 to index
      %swap3A_1168 = arith.index_cast %swap3A_1166 : i32 to index
      %swap3A_1169 = arith.constant 48 : index
      %swap3A_1170 = tpu.vector_load %arg6[%swap3A_1167, %swap3A_1168, %swap3A_1169] {strides = array<i32>} : memref<2x2x128xi32, #tpu.memory_space<vmem>>, vector<1x1x16xi32>,
      %swap3A_1171 = vector.shape_cast %swap3A_1170 : vector<1x1x16xi32> to vector<16xi32>
      %swap3A_1172 = vector.shape_cast %shift_right_logical3A_1164 : vector<16xi32> to vector<1x1x16xi32>
      tpu.vector_store %arg6[%swap3A_1167, %swap3A_1168, %swap3A_1169], %swap3A_1172 {strides = array<i32>} : memref<2x2x128xi32, #tpu.memory_space<vmem>>, vector<1x1x16xi32>,
      %and3A_1173 = arith.constant 16383 : i32
      %and3A_1174 = vector.broadcast %and3A_1173 : i32 to vector<16xi32>
      %and3A_1175 = arith.andi %get3A_1161, %and3A_1174 : vector<16xi32>
      %swap3A_1176 = arith.constant 1 : i32
      %swap3A_1177 = arith.constant 1 : i32
      %swap3A_1178 = arith.index_cast %swap3A_1176 : i32 to index
      %swap3A_1179 = arith.index_cast %swap3A_1177 : i32 to index
      %swap3A_1180 = arith.constant 48 : index
      %swap3A_1181 = tpu.vector_load %arg6[%swap3A_1178, %swap3A_1179, %swap3A_1180] {strides = array<i32>} : memref<2x2x128xi32, #tpu.memory_space<vmem>>, vector<1x1x16xi32>,
      %swap3A_1182 = vector.shape_cast %swap3A_1181 : vector<1x1x16xi32> to vector<16xi32>
      %swap3A_1183 = vector.shape_cast %and3A_1175 : vector<16xi32> to vector<1x1x16xi32>
      tpu.vector_store %arg6[%swap3A_1178, %swap3A_1179, %swap3A_1180], %swap3A_1183 {strides = array<i32>} : memref<2x2x128xi32, #tpu.memory_space<vmem>>, vector<1x1x16xi32>,
      %get3A_1184 = arith.index_cast %add3A_1079 : i32 to index
      %get3A_1185 = arith.constant 64 : index
      %get3A_1186 = tpu.vector_load %arg5[%get3A_1184, %get3A_1185] {strides = array<i32>} : memref<80x128xi32, #tpu.memory_space<vmem>>, vector<1x16xi32>,
      %get3A_1187 = vector.shape_cast %get3A_1186 : vector<1x16xi32> to vector<16xi32>
      %shift_right_logical3A_1188 = arith.constant 14 : i32
      %shift_right_logical3A_1189 = vector.broadcast %shift_right_logical3A_1188 : i32 to vector<16xi32>
      %shift_right_logical3A_1190 = arith.shrui %get3A_1187, %shift_right_logical3A_1189 : vector<16xi32>
      %swap3A_1191 = arith.constant 1 : i32
      %swap3A_1192 = arith.constant 0 : i32
      %swap3A_1193 = arith.index_cast %swap3A_1191 : i32 to index
      %swap3A_1194 = arith.index_cast %swap3A_1192 : i32 to index
      %swap3A_1195 = arith.constant 64 : index
      %swap3A_1196 = tpu.vector_load %arg6[%swap3A_1193, %swap3A_1194, %swap3A_1195] {strides = array<i32>} : memref<2x2x128xi32, #tpu.memory_space<vmem>>, vector<1x1x16xi32>,
      %swap3A_1197 = vector.shape_cast %swap3A_1196 : vector<1x1x16xi32> to vector<16xi32>
      %swap3A_1198 = vector.shape_cast %shift_right_logical3A_1190 : vector<16xi32> to vector<1x1x16xi32>
      tpu.vector_store %arg6[%swap3A_1193, %swap3A_1194, %swap3A_1195], %swap3A_1198 {strides = array<i32>} : memref<2x2x128xi32, #tpu.memory_space<vmem>>, vector<1x1x16xi32>,
      %and3A_1199 = arith.constant 16383 : i32
      %and3A_1200 = vector.broadcast %and3A_1199 : i32 to vector<16xi32>
      %and3A_1201 = arith.andi %get3A_1187, %and3A_1200 : vector<16xi32>
      %swap3A_1202 = arith.constant 1 : i32
      %swap3A_1203 = arith.constant 1 : i32
      %swap3A_1204 = arith.index_cast %swap3A_1202 : i32 to index
      %swap3A_1205 = arith.index_cast %swap3A_1203 : i32 to index
      %swap3A_1206 = arith.constant 64 : index
      %swap3A_1207 = tpu.vector_load %arg6[%swap3A_1204, %swap3A_1205, %swap3A_1206] {strides = array<i32>} : memref<2x2x128xi32, #tpu.memory_space<vmem>>, vector<1x1x16xi32>,
      %swap3A_1208 = vector.shape_cast %swap3A_1207 : vector<1x1x16xi32> to vector<16xi32>
      %swap3A_1209 = vector.shape_cast %and3A_1201 : vector<16xi32> to vector<1x1x16xi32>
      tpu.vector_store %arg6[%swap3A_1204, %swap3A_1205, %swap3A_1206], %swap3A_1209 {strides = array<i32>} : memref<2x2x128xi32, #tpu.memory_space<vmem>>, vector<1x1x16xi32>,
      %get3A_1210 = arith.index_cast %add3A_1079 : i32 to index
      %get3A_1211 = arith.constant 80 : index
      %get3A_1212 = tpu.vector_load %arg5[%get3A_1210, %get3A_1211] {strides = array<i32>} : memref<80x128xi32, #tpu.memory_space<vmem>>, vector<1x16xi32>,
      %get3A_1213 = vector.shape_cast %get3A_1212 : vector<1x16xi32> to vector<16xi32>
      %shift_right_logical3A_1214 = arith.constant 14 : i32
      %shift_right_logical3A_1215 = vector.broadcast %shift_right_logical3A_1214 : i32 to vector<16xi32>
      %shift_right_logical3A_1216 = arith.shrui %get3A_1213, %shift_right_logical3A_1215 : vector<16xi32>
      %swap3A_1217 = arith.constant 1 : i32
      %swap3A_1218 = arith.constant 0 : i32
      %swap3A_1219 = arith.index_cast %swap3A_1217 : i32 to index
      %swap3A_1220 = arith.index_cast %swap3A_1218 : i32 to index
      %swap3A_1221 = arith.constant 80 : index
      %swap3A_1222 = tpu.vector_load %arg6[%swap3A_1219, %swap3A_1220, %swap3A_1221] {strides = array<i32>} : memref<2x2x128xi32, #tpu.memory_space<vmem>>, vector<1x1x16xi32>,
      %swap3A_1223 = vector.shape_cast %swap3A_1222 : vector<1x1x16xi32> to vector<16xi32>
      %swap3A_1224 = vector.shape_cast %shift_right_logical3A_1216 : vector<16xi32> to vector<1x1x16xi32>
      tpu.vector_store %arg6[%swap3A_1219, %swap3A_1220, %swap3A_1221], %swap3A_1224 {strides = array<i32>} : memref<2x2x128xi32, #tpu.memory_space<vmem>>, vector<1x1x16xi32>,
      %and3A_1225 = arith.constant 16383 : i32
      %and3A_1226 = vector.broadcast %and3A_1225 : i32 to vector<16xi32>
      %and3A_1227 = arith.andi %get3A_1213, %and3A_1226 : vector<16xi32>
      %swap3A_1228 = arith.constant 1 : i32
      %swap3A_1229 = arith.constant 1 : i32
      %swap3A_1230 = arith.index_cast %swap3A_1228 : i32 to index
      %swap3A_1231 = arith.index_cast %swap3A_1229 : i32 to index
      %swap3A_1232 = arith.constant 80 : index
      %swap3A_1233 = tpu.vector_load %arg6[%swap3A_1230, %swap3A_1231, %swap3A_1232] {strides = array<i32>} : memref<2x2x128xi32, #tpu.memory_space<vmem>>, vector<1x1x16xi32>,
      %swap3A_1234 = vector.shape_cast %swap3A_1233 : vector<1x1x16xi32> to vector<16xi32>
      %swap3A_1235 = vector.shape_cast %and3A_1227 : vector<16xi32> to vector<1x1x16xi32>
      tpu.vector_store %arg6[%swap3A_1230, %swap3A_1231, %swap3A_1232], %swap3A_1235 {strides = array<i32>} : memref<2x2x128xi32, #tpu.memory_space<vmem>>, vector<1x1x16xi32>,
      %get3A_1236 = arith.index_cast %add3A_1079 : i32 to index
      %get3A_1237 = arith.constant 96 : index
      %get3A_1238 = tpu.vector_load %arg5[%get3A_1236, %get3A_1237] {strides = array<i32>} : memref<80x128xi32, #tpu.memory_space<vmem>>, vector<1x16xi32>,
      %get3A_1239 = vector.shape_cast %get3A_1238 : vector<1x16xi32> to vector<16xi32>
      %shift_right_logical3A_1240 = arith.constant 14 : i32
      %shift_right_logical3A_1241 = vector.broadcast %shift_right_logical3A_1240 : i32 to vector<16xi32>
      %shift_right_logical3A_1242 = arith.shrui %get3A_1239, %shift_right_logical3A_1241 : vector<16xi32>
      %swap3A_1243 = arith.constant 1 : i32
      %swap3A_1244 = arith.constant 0 : i32
      %swap3A_1245 = arith.index_cast %swap3A_1243 : i32 to index
      %swap3A_1246 = arith.index_cast %swap3A_1244 : i32 to index
      %swap3A_1247 = arith.constant 96 : index
      %swap3A_1248 = tpu.vector_load %arg6[%swap3A_1245, %swap3A_1246, %swap3A_1247] {strides = array<i32>} : memref<2x2x128xi32, #tpu.memory_space<vmem>>, vector<1x1x16xi32>,
      %swap3A_1249 = vector.shape_cast %swap3A_1248 : vector<1x1x16xi32> to vector<16xi32>
      %swap3A_1250 = vector.shape_cast %shift_right_logical3A_1242 : vector<16xi32> to vector<1x1x16xi32>
      tpu.vector_store %arg6[%swap3A_1245, %swap3A_1246, %swap3A_1247], %swap3A_1250 {strides = array<i32>} : memref<2x2x128xi32, #tpu.memory_space<vmem>>, vector<1x1x16xi32>,
      %and3A_1251 = arith.constant 16383 : i32
      %and3A_1252 = vector.broadcast %and3A_1251 : i32 to vector<16xi32>
      %and3A_1253 = arith.andi %get3A_1239, %and3A_1252 : vector<16xi32>
      %swap3A_1254 = arith.constant 1 : i32
      %swap3A_1255 = arith.constant 1 : i32
      %swap3A_1256 = arith.index_cast %swap3A_1254 : i32 to index
      %swap3A_1257 = arith.index_cast %swap3A_1255 : i32 to index
      %swap3A_1258 = arith.constant 96 : index
      %swap3A_1259 = tpu.vector_load %arg6[%swap3A_1256, %swap3A_1257, %swap3A_1258] {strides = array<i32>} : memref<2x2x128xi32, #tpu.memory_space<vmem>>, vector<1x1x16xi32>,
      %swap3A_1260 = vector.shape_cast %swap3A_1259 : vector<1x1x16xi32> to vector<16xi32>
      %swap3A_1261 = vector.shape_cast %and3A_1253 : vector<16xi32> to vector<1x1x16xi32>
      tpu.vector_store %arg6[%swap3A_1256, %swap3A_1257, %swap3A_1258], %swap3A_1261 {strides = array<i32>} : memref<2x2x128xi32, #tpu.memory_space<vmem>>, vector<1x1x16xi32>,
      %get3A_1262 = arith.index_cast %add3A_1079 : i32 to index
      %get3A_1263 = arith.constant 112 : index
      %get3A_1264 = tpu.vector_load %arg5[%get3A_1262, %get3A_1263] {strides = array<i32>} : memref<80x128xi32, #tpu.memory_space<vmem>>, vector<1x16xi32>,
      %get3A_1265 = vector.shape_cast %get3A_1264 : vector<1x16xi32> to vector<16xi32>
      %shift_right_logical3A_1266 = arith.constant 14 : i32
      %shift_right_logical3A_1267 = vector.broadcast %shift_right_logical3A_1266 : i32 to vector<16xi32>
      %shift_right_logical3A_1268 = arith.shrui %get3A_1265, %shift_right_logical3A_1267 : vector<16xi32>
      %swap3A_1269 = arith.constant 1 : i32
      %swap3A_1270 = arith.constant 0 : i32
      %swap3A_1271 = arith.index_cast %swap3A_1269 : i32 to index
      %swap3A_1272 = arith.index_cast %swap3A_1270 : i32 to index
      %swap3A_1273 = arith.constant 112 : index
      %swap3A_1274 = tpu.vector_load %arg6[%swap3A_1271, %swap3A_1272, %swap3A_1273] {strides = array<i32>} : memref<2x2x128xi32, #tpu.memory_space<vmem>>, vector<1x1x16xi32>,
      %swap3A_1275 = vector.shape_cast %swap3A_1274 : vector<1x1x16xi32> to vector<16xi32>
      %swap3A_1276 = vector.shape_cast %shift_right_logical3A_1268 : vector<16xi32> to vector<1x1x16xi32>
      tpu.vector_store %arg6[%swap3A_1271, %swap3A_1272, %swap3A_1273], %swap3A_1276 {strides = array<i32>} : memref<2x2x128xi32, #tpu.memory_space<vmem>>, vector<1x1x16xi32>,
      %and3A_1277 = arith.constant 16383 : i32
      %and3A_1278 = vector.broadcast %and3A_1277 : i32 to vector<16xi32>
      %and3A_1279 = arith.andi %get3A_1265, %and3A_1278 : vector<16xi32>
      %swap3A_1280 = arith.constant 1 : i32
      %swap3A_1281 = arith.constant 1 : i32
      %swap3A_1282 = arith.index_cast %swap3A_1280 : i32 to index
      %swap3A_1283 = arith.index_cast %swap3A_1281 : i32 to index
      %swap3A_1284 = arith.constant 112 : index
      %swap3A_1285 = tpu.vector_load %arg6[%swap3A_1282, %swap3A_1283, %swap3A_1284] {strides = array<i32>} : memref<2x2x128xi32, #tpu.memory_space<vmem>>, vector<1x1x16xi32>,
      %swap3A_1286 = vector.shape_cast %swap3A_1285 : vector<1x1x16xi32> to vector<16xi32>
      %swap3A_1287 = vector.shape_cast %and3A_1279 : vector<16xi32> to vector<1x1x16xi32>
      tpu.vector_store %arg6[%swap3A_1282, %swap3A_1283, %swap3A_1284], %swap3A_1287 {strides = array<i32>} : memref<2x2x128xi32, #tpu.memory_space<vmem>>, vector<1x1x16xi32>,
      %dma_start3A_1288 = arith.constant 1 : i32
      %dma_start3A_1289 = arith.constant 0 : i32
      %dma_start3A_1290 = arith.constant 1 : i32
      %dma_start3A_1291 = arith.constant 0 : i32
      %dma_start3A_1292 = arith.constant 0 : i32
      %dma_start3A_1293 = tpu.memref_slice %arg7[%dma_start3A_1290, %dma_start3A_1291, %dma_start3A_1292] : memref<2x128x128xf32, #tpu.memory_space<vmem>> -> memref<1x32x128xf32, #tpu.memory_space<vmem>>
      %dma_start3A_1294 = tpu.memref_squeeze %dma_start3A_1293 : memref<1x32x128xf32, #tpu.memory_space<vmem>> -> memref<32x128xf32, #tpu.memory_space<vmem>>
      %dma_start3A_1295 = arith.constant 0 : i32
      %dma_start3A_1296 = tpu.memref_slice %arg6[%dma_start3A_1288, %dma_start3A_1289, %dma_start3A_1295] : memref<2x2x128xi32, #tpu.memory_space<vmem>> -> memref<1x1x32xi32, #tpu.memory_space<vmem>>
      %dma_start3A_1297 = tpu.memref_squeeze %dma_start3A_1296 : memref<1x1x32xi32, #tpu.memory_space<vmem>> -> memref<32xi32, #tpu.memory_space<vmem>>
      %dma_start3A_1298 = arith.constant 0 : i32
      %dma_start3A_1299 = arith.constant 0 : i32
      %dma_start3A_1300 = tpu.memref_slice %arg2[%dma_start3A_1298, %dma_start3A_1299] : memref<10000x128xf32, #tpu.memory_space<hbm>> -> memref<10000x128xf32, #tpu.memory_space<hbm>>
      tpu.enqueue_indirect_dma source(%dma_start3A_1300 : memref<10000x128xf32, #tpu.memory_space<hbm>>) target(%dma_start3A_1294 : memref<32x128xf32, #tpu.memory_space<vmem>>) offsets(%dma_start3A_1297 : memref<32xi32, #tpu.memory_space<vmem>>) semaphore(%arg10 : memref<!tpu.dma_semaphore, #tpu.memory_space<semaphore_mem>>)
      %dma_start3A_1301 = arith.constant 1 : i32
      %dma_start3A_1302 = arith.constant 0 : i32
      %dma_start3A_1303 = arith.constant 1 : i32
      %dma_start3A_1304 = arith.constant 32 : i32
      %dma_start3A_1305 = arith.constant 0 : i32
      %dma_start3A_1306 = tpu.memref_slice %arg7[%dma_start3A_1303, %dma_start3A_1304, %dma_start3A_1305] : memref<2x128x128xf32, #tpu.memory_space<vmem>> -> memref<1x32x128xf32, #tpu.memory_space<vmem>>
      %dma_start3A_1307 = tpu.memref_squeeze %dma_start3A_1306 : memref<1x32x128xf32, #tpu.memory_space<vmem>> -> memref<32x128xf32, #tpu.memory_space<vmem>>
      %dma_start3A_1308 = arith.constant 32 : i32
      %dma_start3A_1309 = tpu.memref_slice %arg6[%dma_start3A_1301, %dma_start3A_1302, %dma_start3A_1308] : memref<2x2x128xi32, #tpu.memory_space<vmem>> -> memref<1x1x32xi32, #tpu.memory_space<vmem>>
      %dma_start3A_1310 = tpu.memref_squeeze %dma_start3A_1309 : memref<1x1x32xi32, #tpu.memory_space<vmem>> -> memref<32xi32, #tpu.memory_space<vmem>>
      %dma_start3A_1311 = arith.constant 0 : i32
      %dma_start3A_1312 = arith.constant 0 : i32
      %dma_start3A_1313 = tpu.memref_slice %arg2[%dma_start3A_1311, %dma_start3A_1312] : memref<10000x128xf32, #tpu.memory_space<hbm>> -> memref<10000x128xf32, #tpu.memory_space<hbm>>
      tpu.enqueue_indirect_dma source(%dma_start3A_1313 : memref<10000x128xf32, #tpu.memory_space<hbm>>) target(%dma_start3A_1307 : memref<32x128xf32, #tpu.memory_space<vmem>>) offsets(%dma_start3A_1310 : memref<32xi32, #tpu.memory_space<vmem>>) semaphore(%arg10 : memref<!tpu.dma_semaphore, #tpu.memory_space<semaphore_mem>>)
      %dma_start3A_1314 = arith.constant 1 : i32
      %dma_start3A_1315 = arith.constant 0 : i32
      %dma_start3A_1316 = arith.constant 1 : i32
      %dma_start3A_1317 = arith.constant 64 : i32
      %dma_start3A_1318 = arith.constant 0 : i32
      %dma_start3A_1319 = tpu.memref_slice %arg7[%dma_start3A_1316, %dma_start3A_1317, %dma_start3A_1318] : memref<2x128x128xf32, #tpu.memory_space<vmem>> -> memref<1x32x128xf32, #tpu.memory_space<vmem>>
      %dma_start3A_1320 = tpu.memref_squeeze %dma_start3A_1319 : memref<1x32x128xf32, #tpu.memory_space<vmem>> -> memref<32x128xf32, #tpu.memory_space<vmem>>
      %dma_start3A_1321 = arith.constant 64 : i32
      %dma_start3A_1322 = tpu.memref_slice %arg6[%dma_start3A_1314, %dma_start3A_1315, %dma_start3A_1321] : memref<2x2x128xi32, #tpu.memory_space<vmem>> -> memref<1x1x32xi32, #tpu.memory_space<vmem>>
      %dma_start3A_1323 = tpu.memref_squeeze %dma_start3A_1322 : memref<1x1x32xi32, #tpu.memory_space<vmem>> -> memref<32xi32, #tpu.memory_space<vmem>>
      %dma_start3A_1324 = arith.constant 0 : i32
      %dma_start3A_1325 = arith.constant 0 : i32
      %dma_start3A_1326 = tpu.memref_slice %arg2[%dma_start3A_1324, %dma_start3A_1325] : memref<10000x128xf32, #tpu.memory_space<hbm>> -> memref<10000x128xf32, #tpu.memory_space<hbm>>
      tpu.enqueue_indirect_dma source(%dma_start3A_1326 : memref<10000x128xf32, #tpu.memory_space<hbm>>) target(%dma_start3A_1320 : memref<32x128xf32, #tpu.memory_space<vmem>>) offsets(%dma_start3A_1323 : memref<32xi32, #tpu.memory_space<vmem>>) semaphore(%arg10 : memref<!tpu.dma_semaphore, #tpu.memory_space<semaphore_mem>>)
      %dma_start3A_1327 = arith.constant 1 : i32
      %dma_start3A_1328 = arith.constant 0 : i32
      %dma_start3A_1329 = arith.constant 1 : i32
      %dma_start3A_1330 = arith.constant 96 : i32
      %dma_start3A_1331 = arith.constant 0 : i32
      %dma_start3A_1332 = tpu.memref_slice %arg7[%dma_start3A_1329, %dma_start3A_1330, %dma_start3A_1331] : memref<2x128x128xf32, #tpu.memory_space<vmem>> -> memref<1x32x128xf32, #tpu.memory_space<vmem>>
      %dma_start3A_1333 = tpu.memref_squeeze %dma_start3A_1332 : memref<1x32x128xf32, #tpu.memory_space<vmem>> -> memref<32x128xf32, #tpu.memory_space<vmem>>
      %dma_start3A_1334 = arith.constant 96 : i32
      %dma_start3A_1335 = tpu.memref_slice %arg6[%dma_start3A_1327, %dma_start3A_1328, %dma_start3A_1334] : memref<2x2x128xi32, #tpu.memory_space<vmem>> -> memref<1x1x32xi32, #tpu.memory_space<vmem>>
      %dma_start3A_1336 = tpu.memref_squeeze %dma_start3A_1335 : memref<1x1x32xi32, #tpu.memory_space<vmem>> -> memref<32xi32, #tpu.memory_space<vmem>>
      %dma_start3A_1337 = arith.constant 0 : i32
      %dma_start3A_1338 = arith.constant 0 : i32
      %dma_start3A_1339 = tpu.memref_slice %arg2[%dma_start3A_1337, %dma_start3A_1338] : memref<10000x128xf32, #tpu.memory_space<hbm>> -> memref<10000x128xf32, #tpu.memory_space<hbm>>
      tpu.enqueue_indirect_dma source(%dma_start3A_1339 : memref<10000x128xf32, #tpu.memory_space<hbm>>) target(%dma_start3A_1333 : memref<32x128xf32, #tpu.memory_space<vmem>>) offsets(%dma_start3A_1336 : memref<32xi32, #tpu.memory_space<vmem>>) semaphore(%arg10 : memref<!tpu.dma_semaphore, #tpu.memory_space<semaphore_mem>>)
    }
    %scan3A_585 = arith.constant 39 : i32
    %dma_wait3A = arith.constant 0 : i32
    %dma_wait3A_586 = arith.constant 0 : i32
    %dma_wait3A_587 = arith.constant 0 : i32
    %dma_wait3A_588 = arith.constant 0 : i32
    %dma_wait3A_589 = arith.constant 0 : i32
    %dma_wait3A_590 = tpu.memref_slice %arg7[%dma_wait3A_587, %dma_wait3A_588, %dma_wait3A_589] : memref<2x128x128xf32, #tpu.memory_space<vmem>> -> memref<1x32x128xf32, #tpu.memory_space<vmem>>
    %dma_wait3A_591 = tpu.memref_squeeze %dma_wait3A_590 : memref<1x32x128xf32, #tpu.memory_space<vmem>> -> memref<32x128xf32, #tpu.memory_space<vmem>>
    %dma_wait3A_592 = arith.constant 0 : i32
    %dma_wait3A_593 = tpu.memref_slice %arg6[%dma_wait3A, %dma_wait3A_586, %dma_wait3A_592] : memref<2x2x128xi32, #tpu.memory_space<vmem>> -> memref<1x1x32xi32, #tpu.memory_space<vmem>>
    %dma_wait3A_594 = tpu.memref_squeeze %dma_wait3A_593 : memref<1x1x32xi32, #tpu.memory_space<vmem>> -> memref<32xi32, #tpu.memory_space<vmem>>
    %dma_wait3A_595 = arith.constant 0 : i32
    %dma_wait3A_596 = arith.constant 0 : i32
    %dma_wait3A_597 = tpu.memref_slice %arg2[%dma_wait3A_595, %dma_wait3A_596] : memref<10000x128xf32, #tpu.memory_space<hbm>> -> memref<10000x128xf32, #tpu.memory_space<hbm>>
    tpu.wait_indirect_dma semaphore(%arg10 : memref<!tpu.dma_semaphore, #tpu.memory_space<semaphore_mem>>) src(%dma_wait3A_597 : memref<10000x128xf32, #tpu.memory_space<hbm>>) dst(%dma_wait3A_591 : memref<32x128xf32, #tpu.memory_space<vmem>>)
    %dma_wait3A_598 = arith.constant 0 : i32
    %dma_wait3A_599 = arith.constant 0 : i32
    %dma_wait3A_600 = arith.constant 0 : i32
    %dma_wait3A_601 = arith.constant 32 : i32
    %dma_wait3A_602 = arith.constant 0 : i32
    %dma_wait3A_603 = tpu.memref_slice %arg7[%dma_wait3A_600, %dma_wait3A_601, %dma_wait3A_602] : memref<2x128x128xf32, #tpu.memory_space<vmem>> -> memref<1x32x128xf32, #tpu.memory_space<vmem>>
    %dma_wait3A_604 = tpu.memref_squeeze %dma_wait3A_603 : memref<1x32x128xf32, #tpu.memory_space<vmem>> -> memref<32x128xf32, #tpu.memory_space<vmem>>
    %dma_wait3A_605 = arith.constant 32 : i32
    %dma_wait3A_606 = tpu.memref_slice %arg6[%dma_wait3A_598, %dma_wait3A_599, %dma_wait3A_605] : memref<2x2x128xi32, #tpu.memory_space<vmem>> -> memref<1x1x32xi32, #tpu.memory_space<vmem>>
    %dma_wait3A_607 = tpu.memref_squeeze %dma_wait3A_606 : memref<1x1x32xi32, #tpu.memory_space<vmem>> -> memref<32xi32, #tpu.memory_space<vmem>>
    %dma_wait3A_608 = arith.constant 0 : i32
    %dma_wait3A_609 = arith.constant 0 : i32
    %dma_wait3A_610 = tpu.memref_slice %arg2[%dma_wait3A_608, %dma_wait3A_609] : memref<10000x128xf32, #tpu.memory_space<hbm>> -> memref<10000x128xf32, #tpu.memory_space<hbm>>
    tpu.wait_indirect_dma semaphore(%arg10 : memref<!tpu.dma_semaphore, #tpu.memory_space<semaphore_mem>>) src(%dma_wait3A_610 : memref<10000x128xf32, #tpu.memory_space<hbm>>) dst(%dma_wait3A_604 : memref<32x128xf32, #tpu.memory_space<vmem>>)
    %dma_wait3A_611 = arith.constant 0 : i32
    %dma_wait3A_612 = arith.constant 0 : i32
    %dma_wait3A_613 = arith.constant 0 : i32
    %dma_wait3A_614 = arith.constant 64 : i32
    %dma_wait3A_615 = arith.constant 0 : i32
    %dma_wait3A_616 = tpu.memref_slice %arg7[%dma_wait3A_613, %dma_wait3A_614, %dma_wait3A_615] : memref<2x128x128xf32, #tpu.memory_space<vmem>> -> memref<1x32x128xf32, #tpu.memory_space<vmem>>
    %dma_wait3A_617 = tpu.memref_squeeze %dma_wait3A_616 : memref<1x32x128xf32, #tpu.memory_space<vmem>> -> memref<32x128xf32, #tpu.memory_space<vmem>>
    %dma_wait3A_618 = arith.constant 64 : i32
    %dma_wait3A_619 = tpu.memref_slice %arg6[%dma_wait3A_611, %dma_wait3A_612, %dma_wait3A_618] : memref<2x2x128xi32, #tpu.memory_space<vmem>> -> memref<1x1x32xi32, #tpu.memory_space<vmem>>
    %dma_wait3A_620 = tpu.memref_squeeze %dma_wait3A_619 : memref<1x1x32xi32, #tpu.memory_space<vmem>> -> memref<32xi32, #tpu.memory_space<vmem>>
    %dma_wait3A_621 = arith.constant 0 : i32
    %dma_wait3A_622 = arith.constant 0 : i32
    %dma_wait3A_623 = tpu.memref_slice %arg2[%dma_wait3A_621, %dma_wait3A_622] : memref<10000x128xf32, #tpu.memory_space<hbm>> -> memref<10000x128xf32, #tpu.memory_space<hbm>>
    tpu.wait_indirect_dma semaphore(%arg10 : memref<!tpu.dma_semaphore, #tpu.memory_space<semaphore_mem>>) src(%dma_wait3A_623 : memref<10000x128xf32, #tpu.memory_space<hbm>>) dst(%dma_wait3A_617 : memref<32x128xf32, #tpu.memory_space<vmem>>)
    %dma_wait3A_624 = arith.constant 0 : i32
    %dma_wait3A_625 = arith.constant 0 : i32
    %dma_wait3A_626 = arith.constant 0 : i32
    %dma_wait3A_627 = arith.constant 96 : i32
    %dma_wait3A_628 = arith.constant 0 : i32
    %dma_wait3A_629 = tpu.memref_slice %arg7[%dma_wait3A_626, %dma_wait3A_627, %dma_wait3A_628] : memref<2x128x128xf32, #tpu.memory_space<vmem>> -> memref<1x32x128xf32, #tpu.memory_space<vmem>>
    %dma_wait3A_630 = tpu.memref_squeeze %dma_wait3A_629 : memref<1x32x128xf32, #tpu.memory_space<vmem>> -> memref<32x128xf32, #tpu.memory_space<vmem>>
    %dma_wait3A_631 = arith.constant 96 : i32
    %dma_wait3A_632 = tpu.memref_slice %arg6[%dma_wait3A_624, %dma_wait3A_625, %dma_wait3A_631] : memref<2x2x128xi32, #tpu.memory_space<vmem>> -> memref<1x1x32xi32, #tpu.memory_space<vmem>>
    %dma_wait3A_633 = tpu.memref_squeeze %dma_wait3A_632 : memref<1x1x32xi32, #tpu.memory_space<vmem>> -> memref<32xi32, #tpu.memory_space<vmem>>
    %dma_wait3A_634 = arith.constant 0 : i32
    %dma_wait3A_635 = arith.constant 0 : i32
    %dma_wait3A_636 = tpu.memref_slice %arg2[%dma_wait3A_634, %dma_wait3A_635] : memref<10000x128xf32, #tpu.memory_space<hbm>> -> memref<10000x128xf32, #tpu.memory_space<hbm>>
    tpu.wait_indirect_dma semaphore(%arg10 : memref<!tpu.dma_semaphore, #tpu.memory_space<semaphore_mem>>) src(%dma_wait3A_636 : memref<10000x128xf32, #tpu.memory_space<hbm>>) dst(%dma_wait3A_630 : memref<32x128xf32, #tpu.memory_space<vmem>>)
    %run_scoped3A = arith.constant 0 : i32
    %run_scoped3A_637 = arith.constant 0 : i32
    %run_scoped3A_638 = arith.constant 1 : i32
    "tpu.region"() ({
      %run_scoped3A_697 = tpu.sem_alloc : memref<!tpu.dma_semaphore, #tpu.memory_space<semaphore_mem>>
      %dma_start3A_698 = arith.constant 0 : i32
      %dma_start3A_699 = arith.constant 0 : i32
      %dma_start3A_700 = tpu.memref_slice %arg7[%run_scoped3A, %dma_start3A_698, %dma_start3A_699] : memref<2x128x128xf32, #tpu.memory_space<vmem>> -> memref<1x128x128xf32, #tpu.memory_space<vmem>>
      %dma_start3A_701 = tpu.memref_squeeze %dma_start3A_700 : memref<1x128x128xf32, #tpu.memory_space<vmem>> -> memref<128x128xf32, #tpu.memory_space<vmem>>
      %dma_start3A_702 = arith.constant 0 : i32
      %dma_start3A_703 = tpu.memref_slice %arg6[%run_scoped3A_637, %run_scoped3A_638, %dma_start3A_702] : memref<2x2x128xi32, #tpu.memory_space<vmem>> -> memref<1x1x128xi32, #tpu.memory_space<vmem>>
      %dma_start3A_704 = tpu.memref_squeeze %dma_start3A_703 : memref<1x1x128xi32, #tpu.memory_space<vmem>> -> memref<128xi32, #tpu.memory_space<vmem>>
      %dma_start3A_705 = arith.constant 0 : i32
      %dma_start3A_706 = arith.constant 0 : i32
      %dma_start3A_707 = tpu.memref_slice %arg9[%dma_start3A_705, %dma_start3A_706] : memref<10240x128xf32, #tpu.memory_space<vmem_shared>> -> memref<10240x128xf32, #tpu.memory_space<vmem_shared>>
      tpu.enqueue_indirect_dma source(%dma_start3A_701 : memref<128x128xf32, #tpu.memory_space<vmem>>) target(%dma_start3A_707 : memref<10240x128xf32, #tpu.memory_space<vmem_shared>>) offsets(%dma_start3A_704 : memref<128xi32, #tpu.memory_space<vmem>>) semaphore(%run_scoped3A_697 : memref<!tpu.dma_semaphore, #tpu.memory_space<semaphore_mem>>) {add = true}
      %dma_wait3A_708 = arith.constant 0 : i32
      %dma_wait3A_709 = arith.constant 0 : i32
      %dma_wait3A_710 = tpu.memref_slice %arg7[%run_scoped3A, %dma_wait3A_708, %dma_wait3A_709] : memref<2x128x128xf32, #tpu.memory_space<vmem>> -> memref<1x128x128xf32, #tpu.memory_space<vmem>>
      %dma_wait3A_711 = tpu.memref_squeeze %dma_wait3A_710 : memref<1x128x128xf32, #tpu.memory_space<vmem>> -> memref<128x128xf32, #tpu.memory_space<vmem>>
      %dma_wait3A_712 = arith.constant 0 : i32
      %dma_wait3A_713 = tpu.memref_slice %arg6[%run_scoped3A_637, %run_scoped3A_638, %dma_wait3A_712] : memref<2x2x128xi32, #tpu.memory_space<vmem>> -> memref<1x1x128xi32, #tpu.memory_space<vmem>>
      %dma_wait3A_714 = tpu.memref_squeeze %dma_wait3A_713 : memref<1x1x128xi32, #tpu.memory_space<vmem>> -> memref<128xi32, #tpu.memory_space<vmem>>
      %dma_wait3A_715 = arith.constant 0 : i32
      %dma_wait3A_716 = arith.constant 0 : i32
      %dma_wait3A_717 = tpu.memref_slice %arg9[%dma_wait3A_715, %dma_wait3A_716] : memref<10240x128xf32, #tpu.memory_space<vmem_shared>> -> memref<10240x128xf32, #tpu.memory_space<vmem_shared>>
      tpu.wait_indirect_dma semaphore(%run_scoped3A_697 : memref<!tpu.dma_semaphore, #tpu.memory_space<semaphore_mem>>) src(%dma_wait3A_711 : memref<128x128xf32, #tpu.memory_space<vmem>>) dst(%dma_wait3A_717 : memref<10240x128xf32, #tpu.memory_space<vmem_shared>>)
      tpu.yield
    }) : () -> ()
    %dma_wait3A_639 = arith.constant 1 : i32
    %dma_wait3A_640 = arith.constant 0 : i32
    %dma_wait3A_641 = arith.constant 1 : i32
    %dma_wait3A_642 = arith.constant 0 : i32
    %dma_wait3A_643 = arith.constant 0 : i32
    %dma_wait3A_644 = tpu.memref_slice %arg7[%dma_wait3A_641, %dma_wait3A_642, %dma_wait3A_643] : memref<2x128x128xf32, #tpu.memory_space<vmem>> -> memref<1x32x128xf32, #tpu.memory_space<vmem>>
    %dma_wait3A_645 = tpu.memref_squeeze %dma_wait3A_644 : memref<1x32x128xf32, #tpu.memory_space<vmem>> -> memref<32x128xf32, #tpu.memory_space<vmem>>
    %dma_wait3A_646 = arith.constant 0 : i32
    %dma_wait3A_647 = tpu.memref_slice %arg6[%dma_wait3A_639, %dma_wait3A_640, %dma_wait3A_646] : memref<2x2x128xi32, #tpu.memory_space<vmem>> -> memref<1x1x32xi32, #tpu.memory_space<vmem>>
    %dma_wait3A_648 = tpu.memref_squeeze %dma_wait3A_647 : memref<1x1x32xi32, #tpu.memory_space<vmem>> -> memref<32xi32, #tpu.memory_space<vmem>>
    %dma_wait3A_649 = arith.constant 0 : i32
    %dma_wait3A_650 = arith.constant 0 : i32
    %dma_wait3A_651 = tpu.memref_slice %arg2[%dma_wait3A_649, %dma_wait3A_650] : memref<10000x128xf32, #tpu.memory_space<hbm>> -> memref<10000x128xf32, #tpu.memory_space<hbm>>
    tpu.wait_indirect_dma semaphore(%arg10 : memref<!tpu.dma_semaphore, #tpu.memory_space<semaphore_mem>>) src(%dma_wait3A_651 : memref<10000x128xf32, #tpu.memory_space<hbm>>) dst(%dma_wait3A_645 : memref<32x128xf32, #tpu.memory_space<vmem>>)
    %dma_wait3A_652 = arith.constant 1 : i32
    %dma_wait3A_653 = arith.constant 0 : i32
    %dma_wait3A_654 = arith.constant 1 : i32
    %dma_wait3A_655 = arith.constant 32 : i32
    %dma_wait3A_656 = arith.constant 0 : i32
    %dma_wait3A_657 = tpu.memref_slice %arg7[%dma_wait3A_654, %dma_wait3A_655, %dma_wait3A_656] : memref<2x128x128xf32, #tpu.memory_space<vmem>> -> memref<1x32x128xf32, #tpu.memory_space<vmem>>
    %dma_wait3A_658 = tpu.memref_squeeze %dma_wait3A_657 : memref<1x32x128xf32, #tpu.memory_space<vmem>> -> memref<32x128xf32, #tpu.memory_space<vmem>>
    %dma_wait3A_659 = arith.constant 32 : i32
    %dma_wait3A_660 = tpu.memref_slice %arg6[%dma_wait3A_652, %dma_wait3A_653, %dma_wait3A_659] : memref<2x2x128xi32, #tpu.memory_space<vmem>> -> memref<1x1x32xi32, #tpu.memory_space<vmem>>
    %dma_wait3A_661 = tpu.memref_squeeze %dma_wait3A_660 : memref<1x1x32xi32, #tpu.memory_space<vmem>> -> memref<32xi32, #tpu.memory_space<vmem>>
    %dma_wait3A_662 = arith.constant 0 : i32
    %dma_wait3A_663 = arith.constant 0 : i32
    %dma_wait3A_664 = tpu.memref_slice %arg2[%dma_wait3A_662, %dma_wait3A_663] : memref<10000x128xf32, #tpu.memory_space<hbm>> -> memref<10000x128xf32, #tpu.memory_space<hbm>>
    tpu.wait_indirect_dma semaphore(%arg10 : memref<!tpu.dma_semaphore, #tpu.memory_space<semaphore_mem>>) src(%dma_wait3A_664 : memref<10000x128xf32, #tpu.memory_space<hbm>>) dst(%dma_wait3A_658 : memref<32x128xf32, #tpu.memory_space<vmem>>)
    %dma_wait3A_665 = arith.constant 1 : i32
    %dma_wait3A_666 = arith.constant 0 : i32
    %dma_wait3A_667 = arith.constant 1 : i32
    %dma_wait3A_668 = arith.constant 64 : i32
    %dma_wait3A_669 = arith.constant 0 : i32
    %dma_wait3A_670 = tpu.memref_slice %arg7[%dma_wait3A_667, %dma_wait3A_668, %dma_wait3A_669] : memref<2x128x128xf32, #tpu.memory_space<vmem>> -> memref<1x32x128xf32, #tpu.memory_space<vmem>>
    %dma_wait3A_671 = tpu.memref_squeeze %dma_wait3A_670 : memref<1x32x128xf32, #tpu.memory_space<vmem>> -> memref<32x128xf32, #tpu.memory_space<vmem>>
    %dma_wait3A_672 = arith.constant 64 : i32
    %dma_wait3A_673 = tpu.memref_slice %arg6[%dma_wait3A_665, %dma_wait3A_666, %dma_wait3A_672] : memref<2x2x128xi32, #tpu.memory_space<vmem>> -> memref<1x1x32xi32, #tpu.memory_space<vmem>>
    %dma_wait3A_674 = tpu.memref_squeeze %dma_wait3A_673 : memref<1x1x32xi32, #tpu.memory_space<vmem>> -> memref<32xi32, #tpu.memory_space<vmem>>
    %dma_wait3A_675 = arith.constant 0 : i32
    %dma_wait3A_676 = arith.constant 0 : i32
    %dma_wait3A_677 = tpu.memref_slice %arg2[%dma_wait3A_675, %dma_wait3A_676] : memref<10000x128xf32, #tpu.memory_space<hbm>> -> memref<10000x128xf32, #tpu.memory_space<hbm>>
    tpu.wait_indirect_dma semaphore(%arg10 : memref<!tpu.dma_semaphore, #tpu.memory_space<semaphore_mem>>) src(%dma_wait3A_677 : memref<10000x128xf32, #tpu.memory_space<hbm>>) dst(%dma_wait3A_671 : memref<32x128xf32, #tpu.memory_space<vmem>>)
    %dma_wait3A_678 = arith.constant 1 : i32
    %dma_wait3A_679 = arith.constant 0 : i32
    %dma_wait3A_680 = arith.constant 1 : i32
    %dma_wait3A_681 = arith.constant 96 : i32
    %dma_wait3A_682 = arith.constant 0 : i32
    %dma_wait3A_683 = tpu.memref_slice %arg7[%dma_wait3A_680, %dma_wait3A_681, %dma_wait3A_682] : memref<2x128x128xf32, #tpu.memory_space<vmem>> -> memref<1x32x128xf32, #tpu.memory_space<vmem>>
    %dma_wait3A_684 = tpu.memref_squeeze %dma_wait3A_683 : memref<1x32x128xf32, #tpu.memory_space<vmem>> -> memref<32x128xf32, #tpu.memory_space<vmem>>
    %dma_wait3A_685 = arith.constant 96 : i32
    %dma_wait3A_686 = tpu.memref_slice %arg6[%dma_wait3A_678, %dma_wait3A_679, %dma_wait3A_685] : memref<2x2x128xi32, #tpu.memory_space<vmem>> -> memref<1x1x32xi32, #tpu.memory_space<vmem>>
    %dma_wait3A_687 = tpu.memref_squeeze %dma_wait3A_686 : memref<1x1x32xi32, #tpu.memory_space<vmem>> -> memref<32xi32, #tpu.memory_space<vmem>>
    %dma_wait3A_688 = arith.constant 0 : i32
    %dma_wait3A_689 = arith.constant 0 : i32
    %dma_wait3A_690 = tpu.memref_slice %arg2[%dma_wait3A_688, %dma_wait3A_689] : memref<10000x128xf32, #tpu.memory_space<hbm>> -> memref<10000x128xf32, #tpu.memory_space<hbm>>
    tpu.wait_indirect_dma semaphore(%arg10 : memref<!tpu.dma_semaphore, #tpu.memory_space<semaphore_mem>>) src(%dma_wait3A_690 : memref<10000x128xf32, #tpu.memory_space<hbm>>) dst(%dma_wait3A_684 : memref<32x128xf32, #tpu.memory_space<vmem>>)
    %run_scoped3A_691 = arith.constant 1 : i32
    %run_scoped3A_692 = arith.constant 1 : i32
    %run_scoped3A_693 = arith.constant 1 : i32
    "tpu.region"() ({
      %run_scoped3A_697 = tpu.sem_alloc : memref<!tpu.dma_semaphore, #tpu.memory_space<semaphore_mem>>
      %dma_start3A_698 = arith.constant 0 : i32
      %dma_start3A_699 = arith.constant 0 : i32
      %dma_start3A_700 = tpu.memref_slice %arg7[%run_scoped3A_691, %dma_start3A_698, %dma_start3A_699] : memref<2x128x128xf32, #tpu.memory_space<vmem>> -> memref<1x128x128xf32, #tpu.memory_space<vmem>>
      %dma_start3A_701 = tpu.memref_squeeze %dma_start3A_700 : memref<1x128x128xf32, #tpu.memory_space<vmem>> -> memref<128x128xf32, #tpu.memory_space<vmem>>
      %dma_start3A_702 = arith.constant 0 : i32
      %dma_start3A_703 = tpu.memref_slice %arg6[%run_scoped3A_692, %run_scoped3A_693, %dma_start3A_702] : memref<2x2x128xi32, #tpu.memory_space<vmem>> -> memref<1x1x128xi32, #tpu.memory_space<vmem>>
      %dma_start3A_704 = tpu.memref_squeeze %dma_start3A_703 : memref<1x1x128xi32, #tpu.memory_space<vmem>> -> memref<128xi32, #tpu.memory_space<vmem>>
      %dma_start3A_705 = arith.constant 0 : i32
      %dma_start3A_706 = arith.constant 0 : i32
      %dma_start3A_707 = tpu.memref_slice %arg9[%dma_start3A_705, %dma_start3A_706] : memref<10240x128xf32, #tpu.memory_space<vmem_shared>> -> memref<10240x128xf32, #tpu.memory_space<vmem_shared>>
      tpu.enqueue_indirect_dma source(%dma_start3A_701 : memref<128x128xf32, #tpu.memory_space<vmem>>) target(%dma_start3A_707 : memref<10240x128xf32, #tpu.memory_space<vmem_shared>>) offsets(%dma_start3A_704 : memref<128xi32, #tpu.memory_space<vmem>>) semaphore(%run_scoped3A_697 : memref<!tpu.dma_semaphore, #tpu.memory_space<semaphore_mem>>) {add = true}
      %dma_wait3A_708 = arith.constant 0 : i32
      %dma_wait3A_709 = arith.constant 0 : i32
      %dma_wait3A_710 = tpu.memref_slice %arg7[%run_scoped3A_691, %dma_wait3A_708, %dma_wait3A_709] : memref<2x128x128xf32, #tpu.memory_space<vmem>> -> memref<1x128x128xf32, #tpu.memory_space<vmem>>
      %dma_wait3A_711 = tpu.memref_squeeze %dma_wait3A_710 : memref<1x128x128xf32, #tpu.memory_space<vmem>> -> memref<128x128xf32, #tpu.memory_space<vmem>>
      %dma_wait3A_712 = arith.constant 0 : i32
      %dma_wait3A_713 = tpu.memref_slice %arg6[%run_scoped3A_692, %run_scoped3A_693, %dma_wait3A_712] : memref<2x2x128xi32, #tpu.memory_space<vmem>> -> memref<1x1x128xi32, #tpu.memory_space<vmem>>
      %dma_wait3A_714 = tpu.memref_squeeze %dma_wait3A_713 : memref<1x1x128xi32, #tpu.memory_space<vmem>> -> memref<128xi32, #tpu.memory_space<vmem>>
      %dma_wait3A_715 = arith.constant 0 : i32
      %dma_wait3A_716 = arith.constant 0 : i32
      %dma_wait3A_717 = tpu.memref_slice %arg9[%dma_wait3A_715, %dma_wait3A_716] : memref<10240x128xf32, #tpu.memory_space<vmem_shared>> -> memref<10240x128xf32, #tpu.memory_space<vmem_shared>>
      tpu.wait_indirect_dma semaphore(%run_scoped3A_697 : memref<!tpu.dma_semaphore, #tpu.memory_space<semaphore_mem>>) src(%dma_wait3A_711 : memref<128x128xf32, #tpu.memory_space<vmem>>) dst(%dma_wait3A_717 : memref<10240x128xf32, #tpu.memory_space<vmem_shared>>)
      tpu.yield
    }) : () -> ()
    %barrier3A_694 = arith.constant 0 : index
    tpu.barrier barrier_id(%barrier3A_694)
    %mul3A_695 = arith.constant 640 : i32
    %mul3A_696 = arith.muli %arg1, %mul3A_695 : i32
    "tpu.region"() ({
      %run_scoped3A_697 = tpu.sem_alloc : memref<!tpu.dma_semaphore, #tpu.memory_space<semaphore_mem>>
      %dma_start3A_698 = arith.constant 0 : i32
      %dma_start3A_699 = tpu.memref_slice %arg4[%arg0, %mul3A_696, %dma_start3A_698] : memref<2x10240x128xf32, #tpu.memory_space<hbm>> -> memref<1x640x128xf32, #tpu.memory_space<hbm>>
      %dma_start3A_700 = tpu.memref_squeeze %dma_start3A_699 : memref<1x640x128xf32, #tpu.memory_space<hbm>> -> memref<640x128xf32, #tpu.memory_space<hbm>>
      %dma_start3A_701 = arith.constant 0 : i32
      %dma_start3A_702 = tpu.memref_slice %arg9[%mul3A_696, %dma_start3A_701] : memref<10240x128xf32, #tpu.memory_space<vmem_shared>> -> memref<640x128xf32, #tpu.memory_space<vmem_shared>>
      tpu.enqueue_dma source(%dma_start3A_702 : memref<640x128xf32, #tpu.memory_space<vmem_shared>>) target(%dma_start3A_700 : memref<640x128xf32, #tpu.memory_space<hbm>>) target_semaphore(%run_scoped3A_697 : memref<!tpu.dma_semaphore, #tpu.memory_space<semaphore_mem>>)
      %dma_wait3A_703 = arith.constant 0 : i32
      %dma_wait3A_704 = tpu.memref_slice %arg4[%arg0, %mul3A_696, %dma_wait3A_703] : memref<2x10240x128xf32, #tpu.memory_space<hbm>> -> memref<1x640x128xf32, #tpu.memory_space<hbm>>
      %dma_wait3A_705 = tpu.memref_squeeze %dma_wait3A_704 : memref<1x640x128xf32, #tpu.memory_space<hbm>> -> memref<640x128xf32, #tpu.memory_space<hbm>>
      %dma_wait3A_706 = arith.constant 0 : i32
      %dma_wait3A_707 = tpu.memref_slice %arg9[%mul3A_696, %dma_wait3A_706] : memref<10240x128xf32, #tpu.memory_space<vmem_shared>> -> memref<640x128xf32, #tpu.memory_space<vmem_shared>>
      tpu.wait_dma2 semaphore(%run_scoped3A_697 : memref<!tpu.dma_semaphore, #tpu.memory_space<semaphore_mem>>) src(%dma_wait3A_707 : memref<640x128xf32, #tpu.memory_space<vmem_shared>>) dst(%dma_wait3A_705 : memref<640x128xf32, #tpu.memory_space<hbm>>)
      tpu.yield
    }) : () -> ()
    return
  }
}

#map = affine_map<(d0, d1) -> (0, 0)>
#map1 = affine_map<(d0, d1) -> (0, 0, 0)>
module attributes {stable_mosaic.version = 14 : i64} {
  func.func @_sc_seg_sum(%arg0: i32, %arg1: i32, %arg2: memref<10000x128xf32, #tpu.memory_space<hbm>>, %arg3: memref<32x80x128xi32, #tpu.memory_space<hbm>>, %arg4: memref<2x10240x128xf32, #tpu.memory_space<hbm>>, %arg5: memref<80x128xi32, #tpu.memory_space<vmem>>, %arg6: memref<2x2x128xi32, #tpu.memory_space<vmem>>, %arg7: memref<2x128x128xf32, #tpu.memory_space<vmem>>, %arg8: memref<32x128xf32, #tpu.memory_space<vmem>>, %arg9: memref<10240x128xf32, #tpu.memory_space<vmem_shared>>, %arg10: memref<!tpu.dma_semaphore, #tpu.memory_space<semaphore_mem>>) attributes {dimension_semantics = [#tpu.dimension_semantics<core_parallel>, #tpu.dimension_semantics<subcore_parallel>], iteration_bounds = array<i64: 2, 16>, scalar_prefetch = 0 : i64, scratch_operands = 6 : i64, tpu.core_type = #tpu.core_type<sc_vector_subcore>, window_params = [{transform_indices = #map}, {transform_indices = #map1}, {transform_indices = #map1}]} {
    %mul3A = arith.constant 2 : i32
    %mul3A_0 = arith.muli %arg1, %mul3A : i32
    %add3A = arith.addi %mul3A_0, %arg0 : i32
    "tpu.region"() ({
      %run_scoped3A_697 = tpu.sem_alloc : memref<!tpu.dma_semaphore, #tpu.memory_space<semaphore_mem>>
      %dma_start3A_698 = arith.constant 0 : i32
      %dma_start3A_699 = arith.constant 0 : i32
      %dma_start3A_700 = tpu.memref_slice %arg3[%add3A, %dma_start3A_698, %dma_start3A_699] : memref<32x80x128xi32, #tpu.memory_space<hbm>> -> memref<1x80x128xi32, #tpu.memory_space<hbm>>
      %dma_start3A_701 = tpu.memref_squeeze %dma_start3A_700 : memref<1x80x128xi32, #tpu.memory_space<hbm>> -> memref<80x128xi32, #tpu.memory_space<hbm>>
      %dma_start3A_702 = arith.constant 0 : i32
      %dma_start3A_703 = arith.constant 0 : i32
      %dma_start3A_704 = tpu.memref_slice %arg3[%add3A, %dma_start3A_702, %dma_start3A_703] : memref<32x80x128xi32, #tpu.memory_space<hbm>> -> memref<1x80x128xi32, #tpu.memory_space<hbm>>
      %dma_start3A_705 = tpu.memref_squeeze %dma_start3A_704 : memref<1x80x128xi32, #tpu.memory_space<hbm>> -> memref<80x128xi32, #tpu.memory_space<hbm>>
      tpu.enqueue_dma source(%dma_start3A_705 : memref<80x128xi32, #tpu.memory_space<hbm>>) target(%arg5 : memref<80x128xi32, #tpu.memory_space<vmem>>) target_semaphore(%run_scoped3A_697 : memref<!tpu.dma_semaphore, #tpu.memory_space<semaphore_mem>>)
      %dma_wait3A_706 = arith.constant 0 : i32
      %dma_wait3A_707 = arith.constant 0 : i32
      %dma_wait3A_708 = tpu.memref_slice %arg3[%add3A, %dma_wait3A_706, %dma_wait3A_707] : memref<32x80x128xi32, #tpu.memory_space<hbm>> -> memref<1x80x128xi32, #tpu.memory_space<hbm>>
      %dma_wait3A_709 = tpu.memref_squeeze %dma_wait3A_708 : memref<1x80x128xi32, #tpu.memory_space<hbm>> -> memref<80x128xi32, #tpu.memory_space<hbm>>
      %dma_wait3A_710 = arith.constant 0 : i32
      %dma_wait3A_711 = arith.constant 0 : i32
      %dma_wait3A_712 = tpu.memref_slice %arg3[%add3A, %dma_wait3A_710, %dma_wait3A_711] : memref<32x80x128xi32, #tpu.memory_space<hbm>> -> memref<1x80x128xi32, #tpu.memory_space<hbm>>
      %dma_wait3A_713 = tpu.memref_squeeze %dma_wait3A_712 : memref<1x80x128xi32, #tpu.memory_space<hbm>> -> memref<80x128xi32, #tpu.memory_space<hbm>>
      tpu.wait_dma2 semaphore(%run_scoped3A_697 : memref<!tpu.dma_semaphore, #tpu.memory_space<semaphore_mem>>) src(%dma_wait3A_713 : memref<80x128xi32, #tpu.memory_space<hbm>>) dst(%arg5 : memref<80x128xi32, #tpu.memory_space<vmem>>)
      tpu.yield
    }) : () -> ()
    %get3A = arith.constant 0 : i32
    %get3A_1 = arith.index_cast %get3A : i32 to index
    %get3A_2 = arith.constant 0 : index
    %get3A_3 = tpu.vector_load %arg5[%get3A_1, %get3A_2] {strides = array<i32>} : memref<80x128xi32, #tpu.memory_space<vmem>>, vector<1x16xi32>,
    %get3A_4 = vector.shape_cast %get3A_3 : vector<1x16xi32> to vector<16xi32>
    %shift_right_logical3A = arith.constant 14 : i32
    %shift_right_logical3A_5 = vector.broadcast %shift_right_logical3A : i32 to vector<16xi32>
    %shift_right_logical3A_6 = arith.shrui %get3A_4, %shift_right_logical3A_5 : vector<16xi32>
    %swap3A = arith.constant 0 : i32
    %swap3A_7 = arith.constant 0 : i32
    %swap3A_8 = arith.index_cast %swap3A : i32 to index
    %swap3A_9 = arith.index_cast %swap3A_7 : i32 to index
    %swap3A_10 = arith.constant 0 : index
    %swap3A_11 = tpu.vector_load %arg6[%swap3A_8, %swap3A_9, %swap3A_10] {strides = array<i32>} : memref<2x2x128xi32, #tpu.memory_space<vmem>>, vector<1x1x16xi32>,
    %swap3A_12 = vector.shape_cast %swap3A_11 : vector<1x1x16xi32> to vector<16xi32>
    %swap3A_13 = vector.shape_cast %shift_right_logical3A_6 : vector<16xi32> to vector<1x1x16xi32>
    tpu.vector_store %arg6[%swap3A_8, %swap3A_9, %swap3A_10], %swap3A_13 {strides = array<i32>} : memref<2x2x128xi32, #tpu.memory_space<vmem>>, vector<1x1x16xi32>,
    %and3A = arith.constant 16383 : i32
    %and3A_14 = vector.broadcast %and3A : i32 to vector<16xi32>
    %and3A_15 = arith.andi %get3A_4, %and3A_14 : vector<16xi32>
    %swap3A_16 = arith.constant 0 : i32
    %swap3A_17 = arith.constant 1 : i32
    %swap3A_18 = arith.index_cast %swap3A_16 : i32 to index
    %swap3A_19 = arith.index_cast %swap3A_17 : i32 to index
    %swap3A_20 = arith.constant 0 : index
    %swap3A_21 = tpu.vector_load %arg6[%swap3A_18, %swap3A_19, %swap3A_20] {strides = array<i32>} : memref<2x2x128xi32, #tpu.memory_space<vmem>>, vector<1x1x16xi32>,
    %swap3A_22 = vector.shape_cast %swap3A_21 : vector<1x1x16xi32> to vector<16xi32>
    %swap3A_23 = vector.shape_cast %and3A_15 : vector<16xi32> to vector<1x1x16xi32>
    tpu.vector_store %arg6[%swap3A_18, %swap3A_19, %swap3A_20], %swap3A_23 {strides = array<i32>} : memref<2x2x128xi32, #tpu.memory_space<vmem>>, vector<1x1x16xi32>,
    %get3A_24 = arith.constant 0 : i32
    %get3A_25 = arith.index_cast %get3A_24 : i32 to index
    %get3A_26 = arith.constant 16 : index
    %get3A_27 = tpu.vector_load %arg5[%get3A_25, %get3A_26] {strides = array<i32>} : memref<80x128xi32, #tpu.memory_space<vmem>>, vector<1x16xi32>,
    %get3A_28 = vector.shape_cast %get3A_27 : vector<1x16xi32> to vector<16xi32>
    %shift_right_logical3A_29 = arith.constant 14 : i32
    %shift_right_logical3A_30 = vector.broadcast %shift_right_logical3A_29 : i32 to vector<16xi32>
    %shift_right_logical3A_31 = arith.shrui %get3A_28, %shift_right_logical3A_30 : vector<16xi32>
    %swap3A_32 = arith.constant 0 : i32
    %swap3A_33 = arith.constant 0 : i32
    %swap3A_34 = arith.index_cast %swap3A_32 : i32 to index
    %swap3A_35 = arith.index_cast %swap3A_33 : i32 to index
    %swap3A_36 = arith.constant 16 : index
    %swap3A_37 = tpu.vector_load %arg6[%swap3A_34, %swap3A_35, %swap3A_36] {strides = array<i32>} : memref<2x2x128xi32, #tpu.memory_space<vmem>>, vector<1x1x16xi32>,
    %swap3A_38 = vector.shape_cast %swap3A_37 : vector<1x1x16xi32> to vector<16xi32>
    %swap3A_39 = vector.shape_cast %shift_right_logical3A_31 : vector<16xi32> to vector<1x1x16xi32>
    tpu.vector_store %arg6[%swap3A_34, %swap3A_35, %swap3A_36], %swap3A_39 {strides = array<i32>} : memref<2x2x128xi32, #tpu.memory_space<vmem>>, vector<1x1x16xi32>,
    %and3A_40 = arith.constant 16383 : i32
    %and3A_41 = vector.broadcast %and3A_40 : i32 to vector<16xi32>
    %and3A_42 = arith.andi %get3A_28, %and3A_41 : vector<16xi32>
    %swap3A_43 = arith.constant 0 : i32
    %swap3A_44 = arith.constant 1 : i32
    %swap3A_45 = arith.index_cast %swap3A_43 : i32 to index
    %swap3A_46 = arith.index_cast %swap3A_44 : i32 to index
    %swap3A_47 = arith.constant 16 : index
    %swap3A_48 = tpu.vector_load %arg6[%swap3A_45, %swap3A_46, %swap3A_47] {strides = array<i32>} : memref<2x2x128xi32, #tpu.memory_space<vmem>>, vector<1x1x16xi32>,
    %swap3A_49 = vector.shape_cast %swap3A_48 : vector<1x1x16xi32> to vector<16xi32>
    %swap3A_50 = vector.shape_cast %and3A_42 : vector<16xi32> to vector<1x1x16xi32>
    tpu.vector_store %arg6[%swap3A_45, %swap3A_46, %swap3A_47], %swap3A_50 {strides = array<i32>} : memref<2x2x128xi32, #tpu.memory_space<vmem>>, vector<1x1x16xi32>,
    %get3A_51 = arith.constant 0 : i32
    %get3A_52 = arith.index_cast %get3A_51 : i32 to index
    %get3A_53 = arith.constant 32 : index
    %get3A_54 = tpu.vector_load %arg5[%get3A_52, %get3A_53] {strides = array<i32>} : memref<80x128xi32, #tpu.memory_space<vmem>>, vector<1x16xi32>,
    %get3A_55 = vector.shape_cast %get3A_54 : vector<1x16xi32> to vector<16xi32>
    %shift_right_logical3A_56 = arith.constant 14 : i32
    %shift_right_logical3A_57 = vector.broadcast %shift_right_logical3A_56 : i32 to vector<16xi32>
    %shift_right_logical3A_58 = arith.shrui %get3A_55, %shift_right_logical3A_57 : vector<16xi32>
    %swap3A_59 = arith.constant 0 : i32
    %swap3A_60 = arith.constant 0 : i32
    %swap3A_61 = arith.index_cast %swap3A_59 : i32 to index
    %swap3A_62 = arith.index_cast %swap3A_60 : i32 to index
    %swap3A_63 = arith.constant 32 : index
    %swap3A_64 = tpu.vector_load %arg6[%swap3A_61, %swap3A_62, %swap3A_63] {strides = array<i32>} : memref<2x2x128xi32, #tpu.memory_space<vmem>>, vector<1x1x16xi32>,
    %swap3A_65 = vector.shape_cast %swap3A_64 : vector<1x1x16xi32> to vector<16xi32>
    %swap3A_66 = vector.shape_cast %shift_right_logical3A_58 : vector<16xi32> to vector<1x1x16xi32>
    tpu.vector_store %arg6[%swap3A_61, %swap3A_62, %swap3A_63], %swap3A_66 {strides = array<i32>} : memref<2x2x128xi32, #tpu.memory_space<vmem>>, vector<1x1x16xi32>,
    %and3A_67 = arith.constant 16383 : i32
    %and3A_68 = vector.broadcast %and3A_67 : i32 to vector<16xi32>
    %and3A_69 = arith.andi %get3A_55, %and3A_68 : vector<16xi32>
    %swap3A_70 = arith.constant 0 : i32
    %swap3A_71 = arith.constant 1 : i32
    %swap3A_72 = arith.index_cast %swap3A_70 : i32 to index
    %swap3A_73 = arith.index_cast %swap3A_71 : i32 to index
    %swap3A_74 = arith.constant 32 : index
    %swap3A_75 = tpu.vector_load %arg6[%swap3A_72, %swap3A_73, %swap3A_74] {strides = array<i32>} : memref<2x2x128xi32, #tpu.memory_space<vmem>>, vector<1x1x16xi32>,
    %swap3A_76 = vector.shape_cast %swap3A_75 : vector<1x1x16xi32> to vector<16xi32>
    %swap3A_77 = vector.shape_cast %and3A_69 : vector<16xi32> to vector<1x1x16xi32>
    tpu.vector_store %arg6[%swap3A_72, %swap3A_73, %swap3A_74], %swap3A_77 {strides = array<i32>} : memref<2x2x128xi32, #tpu.memory_space<vmem>>, vector<1x1x16xi32>,
    %get3A_78 = arith.constant 0 : i32
    %get3A_79 = arith.index_cast %get3A_78 : i32 to index
    %get3A_80 = arith.constant 48 : index
    %get3A_81 = tpu.vector_load %arg5[%get3A_79, %get3A_80] {strides = array<i32>} : memref<80x128xi32, #tpu.memory_space<vmem>>, vector<1x16xi32>,
    %get3A_82 = vector.shape_cast %get3A_81 : vector<1x16xi32> to vector<16xi32>
    %shift_right_logical3A_83 = arith.constant 14 : i32
    %shift_right_logical3A_84 = vector.broadcast %shift_right_logical3A_83 : i32 to vector<16xi32>
    %shift_right_logical3A_85 = arith.shrui %get3A_82, %shift_right_logical3A_84 : vector<16xi32>
    %swap3A_86 = arith.constant 0 : i32
    %swap3A_87 = arith.constant 0 : i32
    %swap3A_88 = arith.index_cast %swap3A_86 : i32 to index
    %swap3A_89 = arith.index_cast %swap3A_87 : i32 to index
    %swap3A_90 = arith.constant 48 : index
    %swap3A_91 = tpu.vector_load %arg6[%swap3A_88, %swap3A_89, %swap3A_90] {strides = array<i32>} : memref<2x2x128xi32, #tpu.memory_space<vmem>>, vector<1x1x16xi32>,
    %swap3A_92 = vector.shape_cast %swap3A_91 : vector<1x1x16xi32> to vector<16xi32>
    %swap3A_93 = vector.shape_cast %shift_right_logical3A_85 : vector<16xi32> to vector<1x1x16xi32>
    tpu.vector_store %arg6[%swap3A_88, %swap3A_89, %swap3A_90], %swap3A_93 {strides = array<i32>} : memref<2x2x128xi32, #tpu.memory_space<vmem>>, vector<1x1x16xi32>,
    %and3A_94 = arith.constant 16383 : i32
    %and3A_95 = vector.broadcast %and3A_94 : i32 to vector<16xi32>
    %and3A_96 = arith.andi %get3A_82, %and3A_95 : vector<16xi32>
    %swap3A_97 = arith.constant 0 : i32
    %swap3A_98 = arith.constant 1 : i32
    %swap3A_99 = arith.index_cast %swap3A_97 : i32 to index
    %swap3A_100 = arith.index_cast %swap3A_98 : i32 to index
    %swap3A_101 = arith.constant 48 : index
    %swap3A_102 = tpu.vector_load %arg6[%swap3A_99, %swap3A_100, %swap3A_101] {strides = array<i32>} : memref<2x2x128xi32, #tpu.memory_space<vmem>>, vector<1x1x16xi32>,
    %swap3A_103 = vector.shape_cast %swap3A_102 : vector<1x1x16xi32> to vector<16xi32>
    %swap3A_104 = vector.shape_cast %and3A_96 : vector<16xi32> to vector<1x1x16xi32>
    tpu.vector_store %arg6[%swap3A_99, %swap3A_100, %swap3A_101], %swap3A_104 {strides = array<i32>} : memref<2x2x128xi32, #tpu.memory_space<vmem>>, vector<1x1x16xi32>,
    %get3A_105 = arith.constant 0 : i32
    %get3A_106 = arith.index_cast %get3A_105 : i32 to index
    %get3A_107 = arith.constant 64 : index
    %get3A_108 = tpu.vector_load %arg5[%get3A_106, %get3A_107] {strides = array<i32>} : memref<80x128xi32, #tpu.memory_space<vmem>>, vector<1x16xi32>,
    %get3A_109 = vector.shape_cast %get3A_108 : vector<1x16xi32> to vector<16xi32>
    %shift_right_logical3A_110 = arith.constant 14 : i32
    %shift_right_logical3A_111 = vector.broadcast %shift_right_logical3A_110 : i32 to vector<16xi32>
    %shift_right_logical3A_112 = arith.shrui %get3A_109, %shift_right_logical3A_111 : vector<16xi32>
    %swap3A_113 = arith.constant 0 : i32
    %swap3A_114 = arith.constant 0 : i32
    %swap3A_115 = arith.index_cast %swap3A_113 : i32 to index
    %swap3A_116 = arith.index_cast %swap3A_114 : i32 to index
    %swap3A_117 = arith.constant 64 : index
    %swap3A_118 = tpu.vector_load %arg6[%swap3A_115, %swap3A_116, %swap3A_117] {strides = array<i32>} : memref<2x2x128xi32, #tpu.memory_space<vmem>>, vector<1x1x16xi32>,
    %swap3A_119 = vector.shape_cast %swap3A_118 : vector<1x1x16xi32> to vector<16xi32>
    %swap3A_120 = vector.shape_cast %shift_right_logical3A_112 : vector<16xi32> to vector<1x1x16xi32>
    tpu.vector_store %arg6[%swap3A_115, %swap3A_116, %swap3A_117], %swap3A_120 {strides = array<i32>} : memref<2x2x128xi32, #tpu.memory_space<vmem>>, vector<1x1x16xi32>,
    %and3A_121 = arith.constant 16383 : i32
    %and3A_122 = vector.broadcast %and3A_121 : i32 to vector<16xi32>
    %and3A_123 = arith.andi %get3A_109, %and3A_122 : vector<16xi32>
    %swap3A_124 = arith.constant 0 : i32
    %swap3A_125 = arith.constant 1 : i32
    %swap3A_126 = arith.index_cast %swap3A_124 : i32 to index
    %swap3A_127 = arith.index_cast %swap3A_125 : i32 to index
    %swap3A_128 = arith.constant 64 : index
    %swap3A_129 = tpu.vector_load %arg6[%swap3A_126, %swap3A_127, %swap3A_128] {strides = array<i32>} : memref<2x2x128xi32, #tpu.memory_space<vmem>>, vector<1x1x16xi32>,
    %swap3A_130 = vector.shape_cast %swap3A_129 : vector<1x1x16xi32> to vector<16xi32>
    %swap3A_131 = vector.shape_cast %and3A_123 : vector<16xi32> to vector<1x1x16xi32>
    tpu.vector_store %arg6[%swap3A_126, %swap3A_127, %swap3A_128], %swap3A_131 {strides = array<i32>} : memref<2x2x128xi32, #tpu.memory_space<vmem>>, vector<1x1x16xi32>,
    %get3A_132 = arith.constant 0 : i32
    %get3A_133 = arith.index_cast %get3A_132 : i32 to index
    %get3A_134 = arith.constant 80 : index
    %get3A_135 = tpu.vector_load %arg5[%get3A_133, %get3A_134] {strides = array<i32>} : memref<80x128xi32, #tpu.memory_space<vmem>>, vector<1x16xi32>,
    %get3A_136 = vector.shape_cast %get3A_135 : vector<1x16xi32> to vector<16xi32>
    %shift_right_logical3A_137 = arith.constant 14 : i32
    %shift_right_logical3A_138 = vector.broadcast %shift_right_logical3A_137 : i32 to vector<16xi32>
    %shift_right_logical3A_139 = arith.shrui %get3A_136, %shift_right_logical3A_138 : vector<16xi32>
    %swap3A_140 = arith.constant 0 : i32
    %swap3A_141 = arith.constant 0 : i32
    %swap3A_142 = arith.index_cast %swap3A_140 : i32 to index
    %swap3A_143 = arith.index_cast %swap3A_141 : i32 to index
    %swap3A_144 = arith.constant 80 : index
    %swap3A_145 = tpu.vector_load %arg6[%swap3A_142, %swap3A_143, %swap3A_144] {strides = array<i32>} : memref<2x2x128xi32, #tpu.memory_space<vmem>>, vector<1x1x16xi32>,
    %swap3A_146 = vector.shape_cast %swap3A_145 : vector<1x1x16xi32> to vector<16xi32>
    %swap3A_147 = vector.shape_cast %shift_right_logical3A_139 : vector<16xi32> to vector<1x1x16xi32>
    tpu.vector_store %arg6[%swap3A_142, %swap3A_143, %swap3A_144], %swap3A_147 {strides = array<i32>} : memref<2x2x128xi32, #tpu.memory_space<vmem>>, vector<1x1x16xi32>,
    %and3A_148 = arith.constant 16383 : i32
    %and3A_149 = vector.broadcast %and3A_148 : i32 to vector<16xi32>
    %and3A_150 = arith.andi %get3A_136, %and3A_149 : vector<16xi32>
    %swap3A_151 = arith.constant 0 : i32
    %swap3A_152 = arith.constant 1 : i32
    %swap3A_153 = arith.index_cast %swap3A_151 : i32 to index
    %swap3A_154 = arith.index_cast %swap3A_152 : i32 to index
    %swap3A_155 = arith.constant 80 : index
    %swap3A_156 = tpu.vector_load %arg6[%swap3A_153, %swap3A_154, %swap3A_155] {strides = array<i32>} : memref<2x2x128xi32, #tpu.memory_space<vmem>>, vector<1x1x16xi32>,
    %swap3A_157 = vector.shape_cast %swap3A_156 : vector<1x1x16xi32> to vector<16xi32>
    %swap3A_158 = vector.shape_cast %and3A_150 : vector<16xi32> to vector<1x1x16xi32>
    tpu.vector_store %arg6[%swap3A_153, %swap3A_154, %swap3A_155], %swap3A_158 {strides = array<i32>} : memref<2x2x128xi32, #tpu.memory_space<vmem>>, vector<1x1x16xi32>,
    %get3A_159 = arith.constant 0 : i32
    %get3A_160 = arith.index_cast %get3A_159 : i32 to index
    %get3A_161 = arith.constant 96 : index
    %get3A_162 = tpu.vector_load %arg5[%get3A_160, %get3A_161] {strides = array<i32>} : memref<80x128xi32, #tpu.memory_space<vmem>>, vector<1x16xi32>,
    %get3A_163 = vector.shape_cast %get3A_162 : vector<1x16xi32> to vector<16xi32>
    %shift_right_logical3A_164 = arith.constant 14 : i32
    %shift_right_logical3A_165 = vector.broadcast %shift_right_logical3A_164 : i32 to vector<16xi32>
    %shift_right_logical3A_166 = arith.shrui %get3A_163, %shift_right_logical3A_165 : vector<16xi32>
    %swap3A_167 = arith.constant 0 : i32
    %swap3A_168 = arith.constant 0 : i32
    %swap3A_169 = arith.index_cast %swap3A_167 : i32 to index
    %swap3A_170 = arith.index_cast %swap3A_168 : i32 to index
    %swap3A_171 = arith.constant 96 : index
    %swap3A_172 = tpu.vector_load %arg6[%swap3A_169, %swap3A_170, %swap3A_171] {strides = array<i32>} : memref<2x2x128xi32, #tpu.memory_space<vmem>>, vector<1x1x16xi32>,
    %swap3A_173 = vector.shape_cast %swap3A_172 : vector<1x1x16xi32> to vector<16xi32>
    %swap3A_174 = vector.shape_cast %shift_right_logical3A_166 : vector<16xi32> to vector<1x1x16xi32>
    tpu.vector_store %arg6[%swap3A_169, %swap3A_170, %swap3A_171], %swap3A_174 {strides = array<i32>} : memref<2x2x128xi32, #tpu.memory_space<vmem>>, vector<1x1x16xi32>,
    %and3A_175 = arith.constant 16383 : i32
    %and3A_176 = vector.broadcast %and3A_175 : i32 to vector<16xi32>
    %and3A_177 = arith.andi %get3A_163, %and3A_176 : vector<16xi32>
    %swap3A_178 = arith.constant 0 : i32
    %swap3A_179 = arith.constant 1 : i32
    %swap3A_180 = arith.index_cast %swap3A_178 : i32 to index
    %swap3A_181 = arith.index_cast %swap3A_179 : i32 to index
    %swap3A_182 = arith.constant 96 : index
    %swap3A_183 = tpu.vector_load %arg6[%swap3A_180, %swap3A_181, %swap3A_182] {strides = array<i32>} : memref<2x2x128xi32, #tpu.memory_space<vmem>>, vector<1x1x16xi32>,
    %swap3A_184 = vector.shape_cast %swap3A_183 : vector<1x1x16xi32> to vector<16xi32>
    %swap3A_185 = vector.shape_cast %and3A_177 : vector<16xi32> to vector<1x1x16xi32>
    tpu.vector_store %arg6[%swap3A_180, %swap3A_181, %swap3A_182], %swap3A_185 {strides = array<i32>} : memref<2x2x128xi32, #tpu.memory_space<vmem>>, vector<1x1x16xi32>,
    %get3A_186 = arith.constant 0 : i32
    %get3A_187 = arith.index_cast %get3A_186 : i32 to index
    %get3A_188 = arith.constant 112 : index
    %get3A_189 = tpu.vector_load %arg5[%get3A_187, %get3A_188] {strides = array<i32>} : memref<80x128xi32, #tpu.memory_space<vmem>>, vector<1x16xi32>,
    %get3A_190 = vector.shape_cast %get3A_189 : vector<1x16xi32> to vector<16xi32>
    %shift_right_logical3A_191 = arith.constant 14 : i32
    %shift_right_logical3A_192 = vector.broadcast %shift_right_logical3A_191 : i32 to vector<16xi32>
    %shift_right_logical3A_193 = arith.shrui %get3A_190, %shift_right_logical3A_192 : vector<16xi32>
    %swap3A_194 = arith.constant 0 : i32
    %swap3A_195 = arith.constant 0 : i32
    %swap3A_196 = arith.index_cast %swap3A_194 : i32 to index
    %swap3A_197 = arith.index_cast %swap3A_195 : i32 to index
    %swap3A_198 = arith.constant 112 : index
    %swap3A_199 = tpu.vector_load %arg6[%swap3A_196, %swap3A_197, %swap3A_198] {strides = array<i32>} : memref<2x2x128xi32, #tpu.memory_space<vmem>>, vector<1x1x16xi32>,
    %swap3A_200 = vector.shape_cast %swap3A_199 : vector<1x1x16xi32> to vector<16xi32>
    %swap3A_201 = vector.shape_cast %shift_right_logical3A_193 : vector<16xi32> to vector<1x1x16xi32>
    tpu.vector_store %arg6[%swap3A_196, %swap3A_197, %swap3A_198], %swap3A_201 {strides = array<i32>} : memref<2x2x128xi32, #tpu.memory_space<vmem>>, vector<1x1x16xi32>,
    %and3A_202 = arith.constant 16383 : i32
    %and3A_203 = vector.broadcast %and3A_202 : i32 to vector<16xi32>
    %and3A_204 = arith.andi %get3A_190, %and3A_203 : vector<16xi32>
    %swap3A_205 = arith.constant 0 : i32
    %swap3A_206 = arith.constant 1 : i32
    %swap3A_207 = arith.index_cast %swap3A_205 : i32 to index
    %swap3A_208 = arith.index_cast %swap3A_206 : i32 to index
    %swap3A_209 = arith.constant 112 : index
    %swap3A_210 = tpu.vector_load %arg6[%swap3A_207, %swap3A_208, %swap3A_209] {strides = array<i32>} : memref<2x2x128xi32, #tpu.memory_space<vmem>>, vector<1x1x16xi32>,
    %swap3A_211 = vector.shape_cast %swap3A_210 : vector<1x1x16xi32> to vector<16xi32>
    %swap3A_212 = vector.shape_cast %and3A_204 : vector<16xi32> to vector<1x1x16xi32>
    tpu.vector_store %arg6[%swap3A_207, %swap3A_208, %swap3A_209], %swap3A_212 {strides = array<i32>} : memref<2x2x128xi32, #tpu.memory_space<vmem>>, vector<1x1x16xi32>,
    %dma_start3A = arith.constant 0 : i32
    %dma_start3A_213 = arith.constant 0 : i32
    %dma_start3A_214 = arith.constant 0 : i32
    %dma_start3A_215 = arith.constant 0 : i32
    %dma_start3A_216 = arith.constant 0 : i32
    %dma_start3A_217 = tpu.memref_slice %arg7[%dma_start3A_214, %dma_start3A_215, %dma_start3A_216] : memref<2x128x128xf32, #tpu.memory_space<vmem>> -> memref<1x32x128xf32, #tpu.memory_space<vmem>>
    %dma_start3A_218 = tpu.memref_squeeze %dma_start3A_217 : memref<1x32x128xf32, #tpu.memory_space<vmem>> -> memref<32x128xf32, #tpu.memory_space<vmem>>
    %dma_start3A_219 = arith.constant 0 : i32
    %dma_start3A_220 = tpu.memref_slice %arg6[%dma_start3A, %dma_start3A_213, %dma_start3A_219] : memref<2x2x128xi32, #tpu.memory_space<vmem>> -> memref<1x1x32xi32, #tpu.memory_space<vmem>>
    %dma_start3A_221 = tpu.memref_squeeze %dma_start3A_220 : memref<1x1x32xi32, #tpu.memory_space<vmem>> -> memref<32xi32, #tpu.memory_space<vmem>>
    %dma_start3A_222 = arith.constant 0 : i32
    %dma_start3A_223 = arith.constant 0 : i32
    %dma_start3A_224 = tpu.memref_slice %arg2[%dma_start3A_222, %dma_start3A_223] : memref<10000x128xf32, #tpu.memory_space<hbm>> -> memref<10000x128xf32, #tpu.memory_space<hbm>>
    tpu.enqueue_indirect_dma source(%dma_start3A_224 : memref<10000x128xf32, #tpu.memory_space<hbm>>) target(%dma_start3A_218 : memref<32x128xf32, #tpu.memory_space<vmem>>) offsets(%dma_start3A_221 : memref<32xi32, #tpu.memory_space<vmem>>) semaphore(%arg10 : memref<!tpu.dma_semaphore, #tpu.memory_space<semaphore_mem>>)
    %dma_start3A_225 = arith.constant 0 : i32
    %dma_start3A_226 = arith.constant 0 : i32
    %dma_start3A_227 = arith.constant 0 : i32
    %dma_start3A_228 = arith.constant 32 : i32
    %dma_start3A_229 = arith.constant 0 : i32
    %dma_start3A_230 = tpu.memref_slice %arg7[%dma_start3A_227, %dma_start3A_228, %dma_start3A_229] : memref<2x128x128xf32, #tpu.memory_space<vmem>> -> memref<1x32x128xf32, #tpu.memory_space<vmem>>
    %dma_start3A_231 = tpu.memref_squeeze %dma_start3A_230 : memref<1x32x128xf32, #tpu.memory_space<vmem>> -> memref<32x128xf32, #tpu.memory_space<vmem>>
    %dma_start3A_232 = arith.constant 32 : i32
    %dma_start3A_233 = tpu.memref_slice %arg6[%dma_start3A_225, %dma_start3A_226, %dma_start3A_232] : memref<2x2x128xi32, #tpu.memory_space<vmem>> -> memref<1x1x32xi32, #tpu.memory_space<vmem>>
    %dma_start3A_234 = tpu.memref_squeeze %dma_start3A_233 : memref<1x1x32xi32, #tpu.memory_space<vmem>> -> memref<32xi32, #tpu.memory_space<vmem>>
    %dma_start3A_235 = arith.constant 0 : i32
    %dma_start3A_236 = arith.constant 0 : i32
    %dma_start3A_237 = tpu.memref_slice %arg2[%dma_start3A_235, %dma_start3A_236] : memref<10000x128xf32, #tpu.memory_space<hbm>> -> memref<10000x128xf32, #tpu.memory_space<hbm>>
    tpu.enqueue_indirect_dma source(%dma_start3A_237 : memref<10000x128xf32, #tpu.memory_space<hbm>>) target(%dma_start3A_231 : memref<32x128xf32, #tpu.memory_space<vmem>>) offsets(%dma_start3A_234 : memref<32xi32, #tpu.memory_space<vmem>>) semaphore(%arg10 : memref<!tpu.dma_semaphore, #tpu.memory_space<semaphore_mem>>)
    %dma_start3A_238 = arith.constant 0 : i32
    %dma_start3A_239 = arith.constant 0 : i32
    %dma_start3A_240 = arith.constant 0 : i32
    %dma_start3A_241 = arith.constant 64 : i32
    %dma_start3A_242 = arith.constant 0 : i32
    %dma_start3A_243 = tpu.memref_slice %arg7[%dma_start3A_240, %dma_start3A_241, %dma_start3A_242] : memref<2x128x128xf32, #tpu.memory_space<vmem>> -> memref<1x32x128xf32, #tpu.memory_space<vmem>>
    %dma_start3A_244 = tpu.memref_squeeze %dma_start3A_243 : memref<1x32x128xf32, #tpu.memory_space<vmem>> -> memref<32x128xf32, #tpu.memory_space<vmem>>
    %dma_start3A_245 = arith.constant 64 : i32
    %dma_start3A_246 = tpu.memref_slice %arg6[%dma_start3A_238, %dma_start3A_239, %dma_start3A_245] : memref<2x2x128xi32, #tpu.memory_space<vmem>> -> memref<1x1x32xi32, #tpu.memory_space<vmem>>
    %dma_start3A_247 = tpu.memref_squeeze %dma_start3A_246 : memref<1x1x32xi32, #tpu.memory_space<vmem>> -> memref<32xi32, #tpu.memory_space<vmem>>
    %dma_start3A_248 = arith.constant 0 : i32
    %dma_start3A_249 = arith.constant 0 : i32
    %dma_start3A_250 = tpu.memref_slice %arg2[%dma_start3A_248, %dma_start3A_249] : memref<10000x128xf32, #tpu.memory_space<hbm>> -> memref<10000x128xf32, #tpu.memory_space<hbm>>
    tpu.enqueue_indirect_dma source(%dma_start3A_250 : memref<10000x128xf32, #tpu.memory_space<hbm>>) target(%dma_start3A_244 : memref<32x128xf32, #tpu.memory_space<vmem>>) offsets(%dma_start3A_247 : memref<32xi32, #tpu.memory_space<vmem>>) semaphore(%arg10 : memref<!tpu.dma_semaphore, #tpu.memory_space<semaphore_mem>>)
    %dma_start3A_251 = arith.constant 0 : i32
    %dma_start3A_252 = arith.constant 0 : i32
    %dma_start3A_253 = arith.constant 0 : i32
    %dma_start3A_254 = arith.constant 96 : i32
    %dma_start3A_255 = arith.constant 0 : i32
    %dma_start3A_256 = tpu.memref_slice %arg7[%dma_start3A_253, %dma_start3A_254, %dma_start3A_255] : memref<2x128x128xf32, #tpu.memory_space<vmem>> -> memref<1x32x128xf32, #tpu.memory_space<vmem>>
    %dma_start3A_257 = tpu.memref_squeeze %dma_start3A_256 : memref<1x32x128xf32, #tpu.memory_space<vmem>> -> memref<32x128xf32, #tpu.memory_space<vmem>>
    %dma_start3A_258 = arith.constant 96 : i32
    %dma_start3A_259 = tpu.memref_slice %arg6[%dma_start3A_251, %dma_start3A_252, %dma_start3A_258] : memref<2x2x128xi32, #tpu.memory_space<vmem>> -> memref<1x1x32xi32, #tpu.memory_space<vmem>>
    %dma_start3A_260 = tpu.memref_squeeze %dma_start3A_259 : memref<1x1x32xi32, #tpu.memory_space<vmem>> -> memref<32xi32, #tpu.memory_space<vmem>>
    %dma_start3A_261 = arith.constant 0 : i32
    %dma_start3A_262 = arith.constant 0 : i32
    %dma_start3A_263 = tpu.memref_slice %arg2[%dma_start3A_261, %dma_start3A_262] : memref<10000x128xf32, #tpu.memory_space<hbm>> -> memref<10000x128xf32, #tpu.memory_space<hbm>>
    tpu.enqueue_indirect_dma source(%dma_start3A_263 : memref<10000x128xf32, #tpu.memory_space<hbm>>) target(%dma_start3A_257 : memref<32x128xf32, #tpu.memory_space<vmem>>) offsets(%dma_start3A_260 : memref<32xi32, #tpu.memory_space<vmem>>) semaphore(%arg10 : memref<!tpu.dma_semaphore, #tpu.memory_space<semaphore_mem>>)
    %get3A_264 = arith.constant 1 : i32
    %get3A_265 = arith.index_cast %get3A_264 : i32 to index
    %get3A_266 = arith.constant 0 : index
    %get3A_267 = tpu.vector_load %arg5[%get3A_265, %get3A_266] {strides = array<i32>} : memref<80x128xi32, #tpu.memory_space<vmem>>, vector<1x16xi32>,
    %get3A_268 = vector.shape_cast %get3A_267 : vector<1x16xi32> to vector<16xi32>
    %shift_right_logical3A_269 = arith.constant 14 : i32
    %shift_right_logical3A_270 = vector.broadcast %shift_right_logical3A_269 : i32 to vector<16xi32>
    %shift_right_logical3A_271 = arith.shrui %get3A_268, %shift_right_logical3A_270 : vector<16xi32>
    %swap3A_272 = arith.constant 1 : i32
    %swap3A_273 = arith.constant 0 : i32
    %swap3A_274 = arith.index_cast %swap3A_272 : i32 to index
    %swap3A_275 = arith.index_cast %swap3A_273 : i32 to index
    %swap3A_276 = arith.constant 0 : index
    %swap3A_277 = tpu.vector_load %arg6[%swap3A_274, %swap3A_275, %swap3A_276] {strides = array<i32>} : memref<2x2x128xi32, #tpu.memory_space<vmem>>, vector<1x1x16xi32>,
    %swap3A_278 = vector.shape_cast %swap3A_277 : vector<1x1x16xi32> to vector<16xi32>
    %swap3A_279 = vector.shape_cast %shift_right_logical3A_271 : vector<16xi32> to vector<1x1x16xi32>
    tpu.vector_store %arg6[%swap3A_274, %swap3A_275, %swap3A_276], %swap3A_279 {strides = array<i32>} : memref<2x2x128xi32, #tpu.memory_space<vmem>>, vector<1x1x16xi32>,
    %and3A_280 = arith.constant 16383 : i32
    %and3A_281 = vector.broadcast %and3A_280 : i32 to vector<16xi32>
    %and3A_282 = arith.andi %get3A_268, %and3A_281 : vector<16xi32>
    %swap3A_283 = arith.constant 1 : i32
    %swap3A_284 = arith.constant 1 : i32
    %swap3A_285 = arith.index_cast %swap3A_283 : i32 to index
    %swap3A_286 = arith.index_cast %swap3A_284 : i32 to index
    %swap3A_287 = arith.constant 0 : index
    %swap3A_288 = tpu.vector_load %arg6[%swap3A_285, %swap3A_286, %swap3A_287] {strides = array<i32>} : memref<2x2x128xi32, #tpu.memory_space<vmem>>, vector<1x1x16xi32>,
    %swap3A_289 = vector.shape_cast %swap3A_288 : vector<1x1x16xi32> to vector<16xi32>
    %swap3A_290 = vector.shape_cast %and3A_282 : vector<16xi32> to vector<1x1x16xi32>
    tpu.vector_store %arg6[%swap3A_285, %swap3A_286, %swap3A_287], %swap3A_290 {strides = array<i32>} : memref<2x2x128xi32, #tpu.memory_space<vmem>>, vector<1x1x16xi32>,
    %get3A_291 = arith.constant 1 : i32
    %get3A_292 = arith.index_cast %get3A_291 : i32 to index
    %get3A_293 = arith.constant 16 : index
    %get3A_294 = tpu.vector_load %arg5[%get3A_292, %get3A_293] {strides = array<i32>} : memref<80x128xi32, #tpu.memory_space<vmem>>, vector<1x16xi32>,
    %get3A_295 = vector.shape_cast %get3A_294 : vector<1x16xi32> to vector<16xi32>
    %shift_right_logical3A_296 = arith.constant 14 : i32
    %shift_right_logical3A_297 = vector.broadcast %shift_right_logical3A_296 : i32 to vector<16xi32>
    %shift_right_logical3A_298 = arith.shrui %get3A_295, %shift_right_logical3A_297 : vector<16xi32>
    %swap3A_299 = arith.constant 1 : i32
    %swap3A_300 = arith.constant 0 : i32
    %swap3A_301 = arith.index_cast %swap3A_299 : i32 to index
    %swap3A_302 = arith.index_cast %swap3A_300 : i32 to index
    %swap3A_303 = arith.constant 16 : index
    %swap3A_304 = tpu.vector_load %arg6[%swap3A_301, %swap3A_302, %swap3A_303] {strides = array<i32>} : memref<2x2x128xi32, #tpu.memory_space<vmem>>, vector<1x1x16xi32>,
    %swap3A_305 = vector.shape_cast %swap3A_304 : vector<1x1x16xi32> to vector<16xi32>
    %swap3A_306 = vector.shape_cast %shift_right_logical3A_298 : vector<16xi32> to vector<1x1x16xi32>
    tpu.vector_store %arg6[%swap3A_301, %swap3A_302, %swap3A_303], %swap3A_306 {strides = array<i32>} : memref<2x2x128xi32, #tpu.memory_space<vmem>>, vector<1x1x16xi32>,
    %and3A_307 = arith.constant 16383 : i32
    %and3A_308 = vector.broadcast %and3A_307 : i32 to vector<16xi32>
    %and3A_309 = arith.andi %get3A_295, %and3A_308 : vector<16xi32>
    %swap3A_310 = arith.constant 1 : i32
    %swap3A_311 = arith.constant 1 : i32
    %swap3A_312 = arith.index_cast %swap3A_310 : i32 to index
    %swap3A_313 = arith.index_cast %swap3A_311 : i32 to index
    %swap3A_314 = arith.constant 16 : index
    %swap3A_315 = tpu.vector_load %arg6[%swap3A_312, %swap3A_313, %swap3A_314] {strides = array<i32>} : memref<2x2x128xi32, #tpu.memory_space<vmem>>, vector<1x1x16xi32>,
    %swap3A_316 = vector.shape_cast %swap3A_315 : vector<1x1x16xi32> to vector<16xi32>
    %swap3A_317 = vector.shape_cast %and3A_309 : vector<16xi32> to vector<1x1x16xi32>
    tpu.vector_store %arg6[%swap3A_312, %swap3A_313, %swap3A_314], %swap3A_317 {strides = array<i32>} : memref<2x2x128xi32, #tpu.memory_space<vmem>>, vector<1x1x16xi32>,
    %get3A_318 = arith.constant 1 : i32
    %get3A_319 = arith.index_cast %get3A_318 : i32 to index
    %get3A_320 = arith.constant 32 : index
    %get3A_321 = tpu.vector_load %arg5[%get3A_319, %get3A_320] {strides = array<i32>} : memref<80x128xi32, #tpu.memory_space<vmem>>, vector<1x16xi32>,
    %get3A_322 = vector.shape_cast %get3A_321 : vector<1x16xi32> to vector<16xi32>
    %shift_right_logical3A_323 = arith.constant 14 : i32
    %shift_right_logical3A_324 = vector.broadcast %shift_right_logical3A_323 : i32 to vector<16xi32>
    %shift_right_logical3A_325 = arith.shrui %get3A_322, %shift_right_logical3A_324 : vector<16xi32>
    %swap3A_326 = arith.constant 1 : i32
    %swap3A_327 = arith.constant 0 : i32
    %swap3A_328 = arith.index_cast %swap3A_326 : i32 to index
    %swap3A_329 = arith.index_cast %swap3A_327 : i32 to index
    %swap3A_330 = arith.constant 32 : index
    %swap3A_331 = tpu.vector_load %arg6[%swap3A_328, %swap3A_329, %swap3A_330] {strides = array<i32>} : memref<2x2x128xi32, #tpu.memory_space<vmem>>, vector<1x1x16xi32>,
    %swap3A_332 = vector.shape_cast %swap3A_331 : vector<1x1x16xi32> to vector<16xi32>
    %swap3A_333 = vector.shape_cast %shift_right_logical3A_325 : vector<16xi32> to vector<1x1x16xi32>
    tpu.vector_store %arg6[%swap3A_328, %swap3A_329, %swap3A_330], %swap3A_333 {strides = array<i32>} : memref<2x2x128xi32, #tpu.memory_space<vmem>>, vector<1x1x16xi32>,
    %and3A_334 = arith.constant 16383 : i32
    %and3A_335 = vector.broadcast %and3A_334 : i32 to vector<16xi32>
    %and3A_336 = arith.andi %get3A_322, %and3A_335 : vector<16xi32>
    %swap3A_337 = arith.constant 1 : i32
    %swap3A_338 = arith.constant 1 : i32
    %swap3A_339 = arith.index_cast %swap3A_337 : i32 to index
    %swap3A_340 = arith.index_cast %swap3A_338 : i32 to index
    %swap3A_341 = arith.constant 32 : index
    %swap3A_342 = tpu.vector_load %arg6[%swap3A_339, %swap3A_340, %swap3A_341] {strides = array<i32>} : memref<2x2x128xi32, #tpu.memory_space<vmem>>, vector<1x1x16xi32>,
    %swap3A_343 = vector.shape_cast %swap3A_342 : vector<1x1x16xi32> to vector<16xi32>
    %swap3A_344 = vector.shape_cast %and3A_336 : vector<16xi32> to vector<1x1x16xi32>
    tpu.vector_store %arg6[%swap3A_339, %swap3A_340, %swap3A_341], %swap3A_344 {strides = array<i32>} : memref<2x2x128xi32, #tpu.memory_space<vmem>>, vector<1x1x16xi32>,
    %get3A_345 = arith.constant 1 : i32
    %get3A_346 = arith.index_cast %get3A_345 : i32 to index
    %get3A_347 = arith.constant 48 : index
    %get3A_348 = tpu.vector_load %arg5[%get3A_346, %get3A_347] {strides = array<i32>} : memref<80x128xi32, #tpu.memory_space<vmem>>, vector<1x16xi32>,
    %get3A_349 = vector.shape_cast %get3A_348 : vector<1x16xi32> to vector<16xi32>
    %shift_right_logical3A_350 = arith.constant 14 : i32
    %shift_right_logical3A_351 = vector.broadcast %shift_right_logical3A_350 : i32 to vector<16xi32>
    %shift_right_logical3A_352 = arith.shrui %get3A_349, %shift_right_logical3A_351 : vector<16xi32>
    %swap3A_353 = arith.constant 1 : i32
    %swap3A_354 = arith.constant 0 : i32
    %swap3A_355 = arith.index_cast %swap3A_353 : i32 to index
    %swap3A_356 = arith.index_cast %swap3A_354 : i32 to index
    %swap3A_357 = arith.constant 48 : index
    %swap3A_358 = tpu.vector_load %arg6[%swap3A_355, %swap3A_356, %swap3A_357] {strides = array<i32>} : memref<2x2x128xi32, #tpu.memory_space<vmem>>, vector<1x1x16xi32>,
    %swap3A_359 = vector.shape_cast %swap3A_358 : vector<1x1x16xi32> to vector<16xi32>
    %swap3A_360 = vector.shape_cast %shift_right_logical3A_352 : vector<16xi32> to vector<1x1x16xi32>
    tpu.vector_store %arg6[%swap3A_355, %swap3A_356, %swap3A_357], %swap3A_360 {strides = array<i32>} : memref<2x2x128xi32, #tpu.memory_space<vmem>>, vector<1x1x16xi32>,
    %and3A_361 = arith.constant 16383 : i32
    %and3A_362 = vector.broadcast %and3A_361 : i32 to vector<16xi32>
    %and3A_363 = arith.andi %get3A_349, %and3A_362 : vector<16xi32>
    %swap3A_364 = arith.constant 1 : i32
    %swap3A_365 = arith.constant 1 : i32
    %swap3A_366 = arith.index_cast %swap3A_364 : i32 to index
    %swap3A_367 = arith.index_cast %swap3A_365 : i32 to index
    %swap3A_368 = arith.constant 48 : index
    %swap3A_369 = tpu.vector_load %arg6[%swap3A_366, %swap3A_367, %swap3A_368] {strides = array<i32>} : memref<2x2x128xi32, #tpu.memory_space<vmem>>, vector<1x1x16xi32>,
    %swap3A_370 = vector.shape_cast %swap3A_369 : vector<1x1x16xi32> to vector<16xi32>
    %swap3A_371 = vector.shape_cast %and3A_363 : vector<16xi32> to vector<1x1x16xi32>
    tpu.vector_store %arg6[%swap3A_366, %swap3A_367, %swap3A_368], %swap3A_371 {strides = array<i32>} : memref<2x2x128xi32, #tpu.memory_space<vmem>>, vector<1x1x16xi32>,
    %get3A_372 = arith.constant 1 : i32
    %get3A_373 = arith.index_cast %get3A_372 : i32 to index
    %get3A_374 = arith.constant 64 : index
    %get3A_375 = tpu.vector_load %arg5[%get3A_373, %get3A_374] {strides = array<i32>} : memref<80x128xi32, #tpu.memory_space<vmem>>, vector<1x16xi32>,
    %get3A_376 = vector.shape_cast %get3A_375 : vector<1x16xi32> to vector<16xi32>
    %shift_right_logical3A_377 = arith.constant 14 : i32
    %shift_right_logical3A_378 = vector.broadcast %shift_right_logical3A_377 : i32 to vector<16xi32>
    %shift_right_logical3A_379 = arith.shrui %get3A_376, %shift_right_logical3A_378 : vector<16xi32>
    %swap3A_380 = arith.constant 1 : i32
    %swap3A_381 = arith.constant 0 : i32
    %swap3A_382 = arith.index_cast %swap3A_380 : i32 to index
    %swap3A_383 = arith.index_cast %swap3A_381 : i32 to index
    %swap3A_384 = arith.constant 64 : index
    %swap3A_385 = tpu.vector_load %arg6[%swap3A_382, %swap3A_383, %swap3A_384] {strides = array<i32>} : memref<2x2x128xi32, #tpu.memory_space<vmem>>, vector<1x1x16xi32>,
    %swap3A_386 = vector.shape_cast %swap3A_385 : vector<1x1x16xi32> to vector<16xi32>
    %swap3A_387 = vector.shape_cast %shift_right_logical3A_379 : vector<16xi32> to vector<1x1x16xi32>
    tpu.vector_store %arg6[%swap3A_382, %swap3A_383, %swap3A_384], %swap3A_387 {strides = array<i32>} : memref<2x2x128xi32, #tpu.memory_space<vmem>>, vector<1x1x16xi32>,
    %and3A_388 = arith.constant 16383 : i32
    %and3A_389 = vector.broadcast %and3A_388 : i32 to vector<16xi32>
    %and3A_390 = arith.andi %get3A_376, %and3A_389 : vector<16xi32>
    %swap3A_391 = arith.constant 1 : i32
    %swap3A_392 = arith.constant 1 : i32
    %swap3A_393 = arith.index_cast %swap3A_391 : i32 to index
    %swap3A_394 = arith.index_cast %swap3A_392 : i32 to index
    %swap3A_395 = arith.constant 64 : index
    %swap3A_396 = tpu.vector_load %arg6[%swap3A_393, %swap3A_394, %swap3A_395] {strides = array<i32>} : memref<2x2x128xi32, #tpu.memory_space<vmem>>, vector<1x1x16xi32>,
    %swap3A_397 = vector.shape_cast %swap3A_396 : vector<1x1x16xi32> to vector<16xi32>
    %swap3A_398 = vector.shape_cast %and3A_390 : vector<16xi32> to vector<1x1x16xi32>
    tpu.vector_store %arg6[%swap3A_393, %swap3A_394, %swap3A_395], %swap3A_398 {strides = array<i32>} : memref<2x2x128xi32, #tpu.memory_space<vmem>>, vector<1x1x16xi32>,
    %get3A_399 = arith.constant 1 : i32
    %get3A_400 = arith.index_cast %get3A_399 : i32 to index
    %get3A_401 = arith.constant 80 : index
    %get3A_402 = tpu.vector_load %arg5[%get3A_400, %get3A_401] {strides = array<i32>} : memref<80x128xi32, #tpu.memory_space<vmem>>, vector<1x16xi32>,
    %get3A_403 = vector.shape_cast %get3A_402 : vector<1x16xi32> to vector<16xi32>
    %shift_right_logical3A_404 = arith.constant 14 : i32
    %shift_right_logical3A_405 = vector.broadcast %shift_right_logical3A_404 : i32 to vector<16xi32>
    %shift_right_logical3A_406 = arith.shrui %get3A_403, %shift_right_logical3A_405 : vector<16xi32>
    %swap3A_407 = arith.constant 1 : i32
    %swap3A_408 = arith.constant 0 : i32
    %swap3A_409 = arith.index_cast %swap3A_407 : i32 to index
    %swap3A_410 = arith.index_cast %swap3A_408 : i32 to index
    %swap3A_411 = arith.constant 80 : index
    %swap3A_412 = tpu.vector_load %arg6[%swap3A_409, %swap3A_410, %swap3A_411] {strides = array<i32>} : memref<2x2x128xi32, #tpu.memory_space<vmem>>, vector<1x1x16xi32>,
    %swap3A_413 = vector.shape_cast %swap3A_412 : vector<1x1x16xi32> to vector<16xi32>
    %swap3A_414 = vector.shape_cast %shift_right_logical3A_406 : vector<16xi32> to vector<1x1x16xi32>
    tpu.vector_store %arg6[%swap3A_409, %swap3A_410, %swap3A_411], %swap3A_414 {strides = array<i32>} : memref<2x2x128xi32, #tpu.memory_space<vmem>>, vector<1x1x16xi32>,
    %and3A_415 = arith.constant 16383 : i32
    %and3A_416 = vector.broadcast %and3A_415 : i32 to vector<16xi32>
    %and3A_417 = arith.andi %get3A_403, %and3A_416 : vector<16xi32>
    %swap3A_418 = arith.constant 1 : i32
    %swap3A_419 = arith.constant 1 : i32
    %swap3A_420 = arith.index_cast %swap3A_418 : i32 to index
    %swap3A_421 = arith.index_cast %swap3A_419 : i32 to index
    %swap3A_422 = arith.constant 80 : index
    %swap3A_423 = tpu.vector_load %arg6[%swap3A_420, %swap3A_421, %swap3A_422] {strides = array<i32>} : memref<2x2x128xi32, #tpu.memory_space<vmem>>, vector<1x1x16xi32>,
    %swap3A_424 = vector.shape_cast %swap3A_423 : vector<1x1x16xi32> to vector<16xi32>
    %swap3A_425 = vector.shape_cast %and3A_417 : vector<16xi32> to vector<1x1x16xi32>
    tpu.vector_store %arg6[%swap3A_420, %swap3A_421, %swap3A_422], %swap3A_425 {strides = array<i32>} : memref<2x2x128xi32, #tpu.memory_space<vmem>>, vector<1x1x16xi32>,
    %get3A_426 = arith.constant 1 : i32
    %get3A_427 = arith.index_cast %get3A_426 : i32 to index
    %get3A_428 = arith.constant 96 : index
    %get3A_429 = tpu.vector_load %arg5[%get3A_427, %get3A_428] {strides = array<i32>} : memref<80x128xi32, #tpu.memory_space<vmem>>, vector<1x16xi32>,
    %get3A_430 = vector.shape_cast %get3A_429 : vector<1x16xi32> to vector<16xi32>
    %shift_right_logical3A_431 = arith.constant 14 : i32
    %shift_right_logical3A_432 = vector.broadcast %shift_right_logical3A_431 : i32 to vector<16xi32>
    %shift_right_logical3A_433 = arith.shrui %get3A_430, %shift_right_logical3A_432 : vector<16xi32>
    %swap3A_434 = arith.constant 1 : i32
    %swap3A_435 = arith.constant 0 : i32
    %swap3A_436 = arith.index_cast %swap3A_434 : i32 to index
    %swap3A_437 = arith.index_cast %swap3A_435 : i32 to index
    %swap3A_438 = arith.constant 96 : index
    %swap3A_439 = tpu.vector_load %arg6[%swap3A_436, %swap3A_437, %swap3A_438] {strides = array<i32>} : memref<2x2x128xi32, #tpu.memory_space<vmem>>, vector<1x1x16xi32>,
    %swap3A_440 = vector.shape_cast %swap3A_439 : vector<1x1x16xi32> to vector<16xi32>
    %swap3A_441 = vector.shape_cast %shift_right_logical3A_433 : vector<16xi32> to vector<1x1x16xi32>
    tpu.vector_store %arg6[%swap3A_436, %swap3A_437, %swap3A_438], %swap3A_441 {strides = array<i32>} : memref<2x2x128xi32, #tpu.memory_space<vmem>>, vector<1x1x16xi32>,
    %and3A_442 = arith.constant 16383 : i32
    %and3A_443 = vector.broadcast %and3A_442 : i32 to vector<16xi32>
    %and3A_444 = arith.andi %get3A_430, %and3A_443 : vector<16xi32>
    %swap3A_445 = arith.constant 1 : i32
    %swap3A_446 = arith.constant 1 : i32
    %swap3A_447 = arith.index_cast %swap3A_445 : i32 to index
    %swap3A_448 = arith.index_cast %swap3A_446 : i32 to index
    %swap3A_449 = arith.constant 96 : index
    %swap3A_450 = tpu.vector_load %arg6[%swap3A_447, %swap3A_448, %swap3A_449] {strides = array<i32>} : memref<2x2x128xi32, #tpu.memory_space<vmem>>, vector<1x1x16xi32>,
    %swap3A_451 = vector.shape_cast %swap3A_450 : vector<1x1x16xi32> to vector<16xi32>
    %swap3A_452 = vector.shape_cast %and3A_444 : vector<16xi32> to vector<1x1x16xi32>
    tpu.vector_store %arg6[%swap3A_447, %swap3A_448, %swap3A_449], %swap3A_452 {strides = array<i32>} : memref<2x2x128xi32, #tpu.memory_space<vmem>>, vector<1x1x16xi32>,
    %get3A_453 = arith.constant 1 : i32
    %get3A_454 = arith.index_cast %get3A_453 : i32 to index
    %get3A_455 = arith.constant 112 : index
    %get3A_456 = tpu.vector_load %arg5[%get3A_454, %get3A_455] {strides = array<i32>} : memref<80x128xi32, #tpu.memory_space<vmem>>, vector<1x16xi32>,
    %get3A_457 = vector.shape_cast %get3A_456 : vector<1x16xi32> to vector<16xi32>
    %shift_right_logical3A_458 = arith.constant 14 : i32
    %shift_right_logical3A_459 = vector.broadcast %shift_right_logical3A_458 : i32 to vector<16xi32>
    %shift_right_logical3A_460 = arith.shrui %get3A_457, %shift_right_logical3A_459 : vector<16xi32>
    %swap3A_461 = arith.constant 1 : i32
    %swap3A_462 = arith.constant 0 : i32
    %swap3A_463 = arith.index_cast %swap3A_461 : i32 to index
    %swap3A_464 = arith.index_cast %swap3A_462 : i32 to index
    %swap3A_465 = arith.constant 112 : index
    %swap3A_466 = tpu.vector_load %arg6[%swap3A_463, %swap3A_464, %swap3A_465] {strides = array<i32>} : memref<2x2x128xi32, #tpu.memory_space<vmem>>, vector<1x1x16xi32>,
    %swap3A_467 = vector.shape_cast %swap3A_466 : vector<1x1x16xi32> to vector<16xi32>
    %swap3A_468 = vector.shape_cast %shift_right_logical3A_460 : vector<16xi32> to vector<1x1x16xi32>
    tpu.vector_store %arg6[%swap3A_463, %swap3A_464, %swap3A_465], %swap3A_468 {strides = array<i32>} : memref<2x2x128xi32, #tpu.memory_space<vmem>>, vector<1x1x16xi32>,
    %and3A_469 = arith.constant 16383 : i32
    %and3A_470 = vector.broadcast %and3A_469 : i32 to vector<16xi32>
    %and3A_471 = arith.andi %get3A_457, %and3A_470 : vector<16xi32>
    %swap3A_472 = arith.constant 1 : i32
    %swap3A_473 = arith.constant 1 : i32
    %swap3A_474 = arith.index_cast %swap3A_472 : i32 to index
    %swap3A_475 = arith.index_cast %swap3A_473 : i32 to index
    %swap3A_476 = arith.constant 112 : index
    %swap3A_477 = tpu.vector_load %arg6[%swap3A_474, %swap3A_475, %swap3A_476] {strides = array<i32>} : memref<2x2x128xi32, #tpu.memory_space<vmem>>, vector<1x1x16xi32>,
    %swap3A_478 = vector.shape_cast %swap3A_477 : vector<1x1x16xi32> to vector<16xi32>
    %swap3A_479 = vector.shape_cast %and3A_471 : vector<16xi32> to vector<1x1x16xi32>
    tpu.vector_store %arg6[%swap3A_474, %swap3A_475, %swap3A_476], %swap3A_479 {strides = array<i32>} : memref<2x2x128xi32, #tpu.memory_space<vmem>>, vector<1x1x16xi32>,
    %dma_start3A_480 = arith.constant 1 : i32
    %dma_start3A_481 = arith.constant 0 : i32
    %dma_start3A_482 = arith.constant 1 : i32
    %dma_start3A_483 = arith.constant 0 : i32
    %dma_start3A_484 = arith.constant 0 : i32
    %dma_start3A_485 = tpu.memref_slice %arg7[%dma_start3A_482, %dma_start3A_483, %dma_start3A_484] : memref<2x128x128xf32, #tpu.memory_space<vmem>> -> memref<1x32x128xf32, #tpu.memory_space<vmem>>
    %dma_start3A_486 = tpu.memref_squeeze %dma_start3A_485 : memref<1x32x128xf32, #tpu.memory_space<vmem>> -> memref<32x128xf32, #tpu.memory_space<vmem>>
    %dma_start3A_487 = arith.constant 0 : i32
    %dma_start3A_488 = tpu.memref_slice %arg6[%dma_start3A_480, %dma_start3A_481, %dma_start3A_487] : memref<2x2x128xi32, #tpu.memory_space<vmem>> -> memref<1x1x32xi32, #tpu.memory_space<vmem>>
    %dma_start3A_489 = tpu.memref_squeeze %dma_start3A_488 : memref<1x1x32xi32, #tpu.memory_space<vmem>> -> memref<32xi32, #tpu.memory_space<vmem>>
    %dma_start3A_490 = arith.constant 0 : i32
    %dma_start3A_491 = arith.constant 0 : i32
    %dma_start3A_492 = tpu.memref_slice %arg2[%dma_start3A_490, %dma_start3A_491] : memref<10000x128xf32, #tpu.memory_space<hbm>> -> memref<10000x128xf32, #tpu.memory_space<hbm>>
    tpu.enqueue_indirect_dma source(%dma_start3A_492 : memref<10000x128xf32, #tpu.memory_space<hbm>>) target(%dma_start3A_486 : memref<32x128xf32, #tpu.memory_space<vmem>>) offsets(%dma_start3A_489 : memref<32xi32, #tpu.memory_space<vmem>>) semaphore(%arg10 : memref<!tpu.dma_semaphore, #tpu.memory_space<semaphore_mem>>)
    %dma_start3A_493 = arith.constant 1 : i32
    %dma_start3A_494 = arith.constant 0 : i32
    %dma_start3A_495 = arith.constant 1 : i32
    %dma_start3A_496 = arith.constant 32 : i32
    %dma_start3A_497 = arith.constant 0 : i32
    %dma_start3A_498 = tpu.memref_slice %arg7[%dma_start3A_495, %dma_start3A_496, %dma_start3A_497] : memref<2x128x128xf32, #tpu.memory_space<vmem>> -> memref<1x32x128xf32, #tpu.memory_space<vmem>>
    %dma_start3A_499 = tpu.memref_squeeze %dma_start3A_498 : memref<1x32x128xf32, #tpu.memory_space<vmem>> -> memref<32x128xf32, #tpu.memory_space<vmem>>
    %dma_start3A_500 = arith.constant 32 : i32
    %dma_start3A_501 = tpu.memref_slice %arg6[%dma_start3A_493, %dma_start3A_494, %dma_start3A_500] : memref<2x2x128xi32, #tpu.memory_space<vmem>> -> memref<1x1x32xi32, #tpu.memory_space<vmem>>
    %dma_start3A_502 = tpu.memref_squeeze %dma_start3A_501 : memref<1x1x32xi32, #tpu.memory_space<vmem>> -> memref<32xi32, #tpu.memory_space<vmem>>
    %dma_start3A_503 = arith.constant 0 : i32
    %dma_start3A_504 = arith.constant 0 : i32
    %dma_start3A_505 = tpu.memref_slice %arg2[%dma_start3A_503, %dma_start3A_504] : memref<10000x128xf32, #tpu.memory_space<hbm>> -> memref<10000x128xf32, #tpu.memory_space<hbm>>
    tpu.enqueue_indirect_dma source(%dma_start3A_505 : memref<10000x128xf32, #tpu.memory_space<hbm>>) target(%dma_start3A_499 : memref<32x128xf32, #tpu.memory_space<vmem>>) offsets(%dma_start3A_502 : memref<32xi32, #tpu.memory_space<vmem>>) semaphore(%arg10 : memref<!tpu.dma_semaphore, #tpu.memory_space<semaphore_mem>>)
    %dma_start3A_506 = arith.constant 1 : i32
    %dma_start3A_507 = arith.constant 0 : i32
    %dma_start3A_508 = arith.constant 1 : i32
    %dma_start3A_509 = arith.constant 64 : i32
    %dma_start3A_510 = arith.constant 0 : i32
    %dma_start3A_511 = tpu.memref_slice %arg7[%dma_start3A_508, %dma_start3A_509, %dma_start3A_510] : memref<2x128x128xf32, #tpu.memory_space<vmem>> -> memref<1x32x128xf32, #tpu.memory_space<vmem>>
    %dma_start3A_512 = tpu.memref_squeeze %dma_start3A_511 : memref<1x32x128xf32, #tpu.memory_space<vmem>> -> memref<32x128xf32, #tpu.memory_space<vmem>>
    %dma_start3A_513 = arith.constant 64 : i32
    %dma_start3A_514 = tpu.memref_slice %arg6[%dma_start3A_506, %dma_start3A_507, %dma_start3A_513] : memref<2x2x128xi32, #tpu.memory_space<vmem>> -> memref<1x1x32xi32, #tpu.memory_space<vmem>>
    %dma_start3A_515 = tpu.memref_squeeze %dma_start3A_514 : memref<1x1x32xi32, #tpu.memory_space<vmem>> -> memref<32xi32, #tpu.memory_space<vmem>>
    %dma_start3A_516 = arith.constant 0 : i32
    %dma_start3A_517 = arith.constant 0 : i32
    %dma_start3A_518 = tpu.memref_slice %arg2[%dma_start3A_516, %dma_start3A_517] : memref<10000x128xf32, #tpu.memory_space<hbm>> -> memref<10000x128xf32, #tpu.memory_space<hbm>>
    tpu.enqueue_indirect_dma source(%dma_start3A_518 : memref<10000x128xf32, #tpu.memory_space<hbm>>) target(%dma_start3A_512 : memref<32x128xf32, #tpu.memory_space<vmem>>) offsets(%dma_start3A_515 : memref<32xi32, #tpu.memory_space<vmem>>) semaphore(%arg10 : memref<!tpu.dma_semaphore, #tpu.memory_space<semaphore_mem>>)
    %dma_start3A_519 = arith.constant 1 : i32
    %dma_start3A_520 = arith.constant 0 : i32
    %dma_start3A_521 = arith.constant 1 : i32
    %dma_start3A_522 = arith.constant 96 : i32
    %dma_start3A_523 = arith.constant 0 : i32
    %dma_start3A_524 = tpu.memref_slice %arg7[%dma_start3A_521, %dma_start3A_522, %dma_start3A_523] : memref<2x128x128xf32, #tpu.memory_space<vmem>> -> memref<1x32x128xf32, #tpu.memory_space<vmem>>
    %dma_start3A_525 = tpu.memref_squeeze %dma_start3A_524 : memref<1x32x128xf32, #tpu.memory_space<vmem>> -> memref<32x128xf32, #tpu.memory_space<vmem>>
    %dma_start3A_526 = arith.constant 96 : i32
    %dma_start3A_527 = tpu.memref_slice %arg6[%dma_start3A_519, %dma_start3A_520, %dma_start3A_526] : memref<2x2x128xi32, #tpu.memory_space<vmem>> -> memref<1x1x32xi32, #tpu.memory_space<vmem>>
    %dma_start3A_528 = tpu.memref_squeeze %dma_start3A_527 : memref<1x1x32xi32, #tpu.memory_space<vmem>> -> memref<32xi32, #tpu.memory_space<vmem>>
    %dma_start3A_529 = arith.constant 0 : i32
    %dma_start3A_530 = arith.constant 0 : i32
    %dma_start3A_531 = tpu.memref_slice %arg2[%dma_start3A_529, %dma_start3A_530] : memref<10000x128xf32, #tpu.memory_space<hbm>> -> memref<10000x128xf32, #tpu.memory_space<hbm>>
    tpu.enqueue_indirect_dma source(%dma_start3A_531 : memref<10000x128xf32, #tpu.memory_space<hbm>>) target(%dma_start3A_525 : memref<32x128xf32, #tpu.memory_space<vmem>>) offsets(%dma_start3A_528 : memref<32xi32, #tpu.memory_space<vmem>>) semaphore(%arg10 : memref<!tpu.dma_semaphore, #tpu.memory_space<semaphore_mem>>)
    %broadcast_in_dim3A = arith.constant 0.000000e+00 : f32
    %broadcast_in_dim3A_532 = vector.broadcast %broadcast_in_dim3A : f32 to vector<16xf32>
    %scan3A = arith.constant 0 : i32
    %scan3A_533 = arith.constant 0 : i32
    %scan3A_534 = arith.constant 32 : i32
    %scan3A_535 = arith.addi %scan3A_533, %scan3A_534 : i32
    %scan3A_536 = arith.constant 1 : i32
    scf.for %scan3A_697 = %scan3A_533 to %scan3A_535 step %scan3A_536  : i32 {
      %swap3A_698 = arith.index_cast %scan3A_697 : i32 to index
      %swap3A_699 = arith.constant 0 : index
      %swap3A_700 = tpu.vector_load %arg8[%swap3A_698, %swap3A_699] {strides = array<i32>} : memref<32x128xf32, #tpu.memory_space<vmem>>, vector<1x16xf32>,
      %swap3A_701 = vector.shape_cast %swap3A_700 : vector<1x16xf32> to vector<16xf32>
      %swap3A_702 = vector.shape_cast %broadcast_in_dim3A_532 : vector<16xf32> to vector<1x16xf32>
      tpu.vector_store %arg8[%swap3A_698, %swap3A_699], %swap3A_702 {strides = array<i32>} : memref<32x128xf32, #tpu.memory_space<vmem>>, vector<1x16xf32>,
      %swap3A_703 = arith.index_cast %scan3A_697 : i32 to index
      %swap3A_704 = arith.constant 16 : index
      %swap3A_705 = tpu.vector_load %arg8[%swap3A_703, %swap3A_704] {strides = array<i32>} : memref<32x128xf32, #tpu.memory_space<vmem>>, vector<1x16xf32>,
      %swap3A_706 = vector.shape_cast %swap3A_705 : vector<1x16xf32> to vector<16xf32>
      %swap3A_707 = vector.shape_cast %broadcast_in_dim3A_532 : vector<16xf32> to vector<1x16xf32>
      tpu.vector_store %arg8[%swap3A_703, %swap3A_704], %swap3A_707 {strides = array<i32>} : memref<32x128xf32, #tpu.memory_space<vmem>>, vector<1x16xf32>,
      %swap3A_708 = arith.index_cast %scan3A_697 : i32 to index
      %swap3A_709 = arith.constant 32 : index
      %swap3A_710 = tpu.vector_load %arg8[%swap3A_708, %swap3A_709] {strides = array<i32>} : memref<32x128xf32, #tpu.memory_space<vmem>>, vector<1x16xf32>,
      %swap3A_711 = vector.shape_cast %swap3A_710 : vector<1x16xf32> to vector<16xf32>
      %swap3A_712 = vector.shape_cast %broadcast_in_dim3A_532 : vector<16xf32> to vector<1x16xf32>
      tpu.vector_store %arg8[%swap3A_708, %swap3A_709], %swap3A_712 {strides = array<i32>} : memref<32x128xf32, #tpu.memory_space<vmem>>, vector<1x16xf32>,
      %swap3A_713 = arith.index_cast %scan3A_697 : i32 to index
      %swap3A_714 = arith.constant 48 : index
      %swap3A_715 = tpu.vector_load %arg8[%swap3A_713, %swap3A_714] {strides = array<i32>} : memref<32x128xf32, #tpu.memory_space<vmem>>, vector<1x16xf32>,
      %swap3A_716 = vector.shape_cast %swap3A_715 : vector<1x16xf32> to vector<16xf32>
      %swap3A_717 = vector.shape_cast %broadcast_in_dim3A_532 : vector<16xf32> to vector<1x16xf32>
      tpu.vector_store %arg8[%swap3A_713, %swap3A_714], %swap3A_717 {strides = array<i32>} : memref<32x128xf32, #tpu.memory_space<vmem>>, vector<1x16xf32>,
      %swap3A_718 = arith.index_cast %scan3A_697 : i32 to index
      %swap3A_719 = arith.constant 64 : index
      %swap3A_720 = tpu.vector_load %arg8[%swap3A_718, %swap3A_719] {strides = array<i32>} : memref<32x128xf32, #tpu.memory_space<vmem>>, vector<1x16xf32>,
      %swap3A_721 = vector.shape_cast %swap3A_720 : vector<1x16xf32> to vector<16xf32>
      %swap3A_722 = vector.shape_cast %broadcast_in_dim3A_532 : vector<16xf32> to vector<1x16xf32>
      tpu.vector_store %arg8[%swap3A_718, %swap3A_719], %swap3A_722 {strides = array<i32>} : memref<32x128xf32, #tpu.memory_space<vmem>>, vector<1x16xf32>,
      %swap3A_723 = arith.index_cast %scan3A_697 : i32 to index
      %swap3A_724 = arith.constant 80 : index
      %swap3A_725 = tpu.vector_load %arg8[%swap3A_723, %swap3A_724] {strides = array<i32>} : memref<32x128xf32, #tpu.memory_space<vmem>>, vector<1x16xf32>,
      %swap3A_726 = vector.shape_cast %swap3A_725 : vector<1x16xf32> to vector<16xf32>
      %swap3A_727 = vector.shape_cast %broadcast_in_dim3A_532 : vector<16xf32> to vector<1x16xf32>
      tpu.vector_store %arg8[%swap3A_723, %swap3A_724], %swap3A_727 {strides = array<i32>} : memref<32x128xf32, #tpu.memory_space<vmem>>, vector<1x16xf32>,
      %swap3A_728 = arith.index_cast %scan3A_697 : i32 to index
      %swap3A_729 = arith.constant 96 : index
      %swap3A_730 = tpu.vector_load %arg8[%swap3A_728, %swap3A_729] {strides = array<i32>} : memref<32x128xf32, #tpu.memory_space<vmem>>, vector<1x16xf32>,
      %swap3A_731 = vector.shape_cast %swap3A_730 : vector<1x16xf32> to vector<16xf32>
      %swap3A_732 = vector.shape_cast %broadcast_in_dim3A_532 : vector<16xf32> to vector<1x16xf32>
      tpu.vector_store %arg8[%swap3A_728, %swap3A_729], %swap3A_732 {strides = array<i32>} : memref<32x128xf32, #tpu.memory_space<vmem>>, vector<1x16xf32>,
      %swap3A_733 = arith.index_cast %scan3A_697 : i32 to index
      %swap3A_734 = arith.constant 112 : index
      %swap3A_735 = tpu.vector_load %arg8[%swap3A_733, %swap3A_734] {strides = array<i32>} : memref<32x128xf32, #tpu.memory_space<vmem>>, vector<1x16xf32>,
      %swap3A_736 = vector.shape_cast %swap3A_735 : vector<1x16xf32> to vector<16xf32>
      %swap3A_737 = vector.shape_cast %broadcast_in_dim3A_532 : vector<16xf32> to vector<1x16xf32>
      tpu.vector_store %arg8[%swap3A_733, %swap3A_734], %swap3A_737 {strides = array<i32>} : memref<32x128xf32, #tpu.memory_space<vmem>>, vector<1x16xf32>,
    }
    %scan3A_537 = arith.constant 32 : i32
    %mul3A_538 = arith.constant 640 : i32
    %mul3A_539 = arith.muli %arg1, %mul3A_538 : i32
    %add3A_540 = arith.constant 0 : i32
    %add3A_541 = arith.addi %mul3A_539, %add3A_540 : i32
    "tpu.region"() ({
      %run_scoped3A_697 = tpu.sem_alloc : memref<!tpu.dma_semaphore, #tpu.memory_space<semaphore_mem>>
      %dma_start3A_698 = arith.constant 0 : i32
      %dma_start3A_699 = tpu.memref_slice %arg9[%add3A_541, %dma_start3A_698] : memref<10240x128xf32, #tpu.memory_space<vmem_shared>> -> memref<32x128xf32, #tpu.memory_space<vmem_shared>>
      %dma_start3A_700 = arith.constant 0 : i32
      %dma_start3A_701 = tpu.memref_slice %arg9[%add3A_541, %dma_start3A_700] : memref<10240x128xf32, #tpu.memory_space<vmem_shared>> -> memref<32x128xf32, #tpu.memory_space<vmem_shared>>
      tpu.enqueue_dma source(%arg8 : memref<32x128xf32, #tpu.memory_space<vmem>>) target(%dma_start3A_701 : memref<32x128xf32, #tpu.memory_space<vmem_shared>>) target_semaphore(%run_scoped3A_697 : memref<!tpu.dma_semaphore, #tpu.memory_space<semaphore_mem>>)
      %dma_wait3A_702 = arith.constant 0 : i32
      %dma_wait3A_703 = tpu.memref_slice %arg9[%add3A_541, %dma_wait3A_702] : memref<10240x128xf32, #tpu.memory_space<vmem_shared>> -> memref<32x128xf32, #tpu.memory_space<vmem_shared>>
      %dma_wait3A_704 = arith.constant 0 : i32
      %dma_wait3A_705 = tpu.memref_slice %arg9[%add3A_541, %dma_wait3A_704] : memref<10240x128xf32, #tpu.memory_space<vmem_shared>> -> memref<32x128xf32, #tpu.memory_space<vmem_shared>>
      tpu.wait_dma2 semaphore(%run_scoped3A_697 : memref<!tpu.dma_semaphore, #tpu.memory_space<semaphore_mem>>) src(%arg8 : memref<32x128xf32, #tpu.memory_space<vmem>>) dst(%dma_wait3A_705 : memref<32x128xf32, #tpu.memory_space<vmem_shared>>)
      tpu.yield
    }) : () -> ()
    %add3A_542 = arith.constant 32 : i32
    %add3A_543 = arith.addi %mul3A_539, %add3A_542 : i32
    "tpu.region"() ({
      %run_scoped3A_697 = tpu.sem_alloc : memref<!tpu.dma_semaphore, #tpu.memory_space<semaphore_mem>>
      %dma_start3A_698 = arith.constant 0 : i32
      %dma_start3A_699 = tpu.memref_slice %arg9[%add3A_543, %dma_start3A_698] : memref<10240x128xf32, #tpu.memory_space<vmem_shared>> -> memref<32x128xf32, #tpu.memory_space<vmem_shared>>
      %dma_start3A_700 = arith.constant 0 : i32
      %dma_start3A_701 = tpu.memref_slice %arg9[%add3A_543, %dma_start3A_700] : memref<10240x128xf32, #tpu.memory_space<vmem_shared>> -> memref<32x128xf32, #tpu.memory_space<vmem_shared>>
      tpu.enqueue_dma source(%arg8 : memref<32x128xf32, #tpu.memory_space<vmem>>) target(%dma_start3A_701 : memref<32x128xf32, #tpu.memory_space<vmem_shared>>) target_semaphore(%run_scoped3A_697 : memref<!tpu.dma_semaphore, #tpu.memory_space<semaphore_mem>>)
      %dma_wait3A_702 = arith.constant 0 : i32
      %dma_wait3A_703 = tpu.memref_slice %arg9[%add3A_543, %dma_wait3A_702] : memref<10240x128xf32, #tpu.memory_space<vmem_shared>> -> memref<32x128xf32, #tpu.memory_space<vmem_shared>>
      %dma_wait3A_704 = arith.constant 0 : i32
      %dma_wait3A_705 = tpu.memref_slice %arg9[%add3A_543, %dma_wait3A_704] : memref<10240x128xf32, #tpu.memory_space<vmem_shared>> -> memref<32x128xf32, #tpu.memory_space<vmem_shared>>
      tpu.wait_dma2 semaphore(%run_scoped3A_697 : memref<!tpu.dma_semaphore, #tpu.memory_space<semaphore_mem>>) src(%arg8 : memref<32x128xf32, #tpu.memory_space<vmem>>) dst(%dma_wait3A_705 : memref<32x128xf32, #tpu.memory_space<vmem_shared>>)
      tpu.yield
    }) : () -> ()
    %add3A_544 = arith.constant 64 : i32
    %add3A_545 = arith.addi %mul3A_539, %add3A_544 : i32
    "tpu.region"() ({
      %run_scoped3A_697 = tpu.sem_alloc : memref<!tpu.dma_semaphore, #tpu.memory_space<semaphore_mem>>
      %dma_start3A_698 = arith.constant 0 : i32
      %dma_start3A_699 = tpu.memref_slice %arg9[%add3A_545, %dma_start3A_698] : memref<10240x128xf32, #tpu.memory_space<vmem_shared>> -> memref<32x128xf32, #tpu.memory_space<vmem_shared>>
      %dma_start3A_700 = arith.constant 0 : i32
      %dma_start3A_701 = tpu.memref_slice %arg9[%add3A_545, %dma_start3A_700] : memref<10240x128xf32, #tpu.memory_space<vmem_shared>> -> memref<32x128xf32, #tpu.memory_space<vmem_shared>>
      tpu.enqueue_dma source(%arg8 : memref<32x128xf32, #tpu.memory_space<vmem>>) target(%dma_start3A_701 : memref<32x128xf32, #tpu.memory_space<vmem_shared>>) target_semaphore(%run_scoped3A_697 : memref<!tpu.dma_semaphore, #tpu.memory_space<semaphore_mem>>)
      %dma_wait3A_702 = arith.constant 0 : i32
      %dma_wait3A_703 = tpu.memref_slice %arg9[%add3A_545, %dma_wait3A_702] : memref<10240x128xf32, #tpu.memory_space<vmem_shared>> -> memref<32x128xf32, #tpu.memory_space<vmem_shared>>
      %dma_wait3A_704 = arith.constant 0 : i32
      %dma_wait3A_705 = tpu.memref_slice %arg9[%add3A_545, %dma_wait3A_704] : memref<10240x128xf32, #tpu.memory_space<vmem_shared>> -> memref<32x128xf32, #tpu.memory_space<vmem_shared>>
      tpu.wait_dma2 semaphore(%run_scoped3A_697 : memref<!tpu.dma_semaphore, #tpu.memory_space<semaphore_mem>>) src(%arg8 : memref<32x128xf32, #tpu.memory_space<vmem>>) dst(%dma_wait3A_705 : memref<32x128xf32, #tpu.memory_space<vmem_shared>>)
      tpu.yield
    }) : () -> ()
    %add3A_546 = arith.constant 96 : i32
    %add3A_547 = arith.addi %mul3A_539, %add3A_546 : i32
    "tpu.region"() ({
      %run_scoped3A_697 = tpu.sem_alloc : memref<!tpu.dma_semaphore, #tpu.memory_space<semaphore_mem>>
      %dma_start3A_698 = arith.constant 0 : i32
      %dma_start3A_699 = tpu.memref_slice %arg9[%add3A_547, %dma_start3A_698] : memref<10240x128xf32, #tpu.memory_space<vmem_shared>> -> memref<32x128xf32, #tpu.memory_space<vmem_shared>>
      %dma_start3A_700 = arith.constant 0 : i32
      %dma_start3A_701 = tpu.memref_slice %arg9[%add3A_547, %dma_start3A_700] : memref<10240x128xf32, #tpu.memory_space<vmem_shared>> -> memref<32x128xf32, #tpu.memory_space<vmem_shared>>
      tpu.enqueue_dma source(%arg8 : memref<32x128xf32, #tpu.memory_space<vmem>>) target(%dma_start3A_701 : memref<32x128xf32, #tpu.memory_space<vmem_shared>>) target_semaphore(%run_scoped3A_697 : memref<!tpu.dma_semaphore, #tpu.memory_space<semaphore_mem>>)
      %dma_wait3A_702 = arith.constant 0 : i32
      %dma_wait3A_703 = tpu.memref_slice %arg9[%add3A_547, %dma_wait3A_702] : memref<10240x128xf32, #tpu.memory_space<vmem_shared>> -> memref<32x128xf32, #tpu.memory_space<vmem_shared>>
      %dma_wait3A_704 = arith.constant 0 : i32
      %dma_wait3A_705 = tpu.memref_slice %arg9[%add3A_547, %dma_wait3A_704] : memref<10240x128xf32, #tpu.memory_space<vmem_shared>> -> memref<32x128xf32, #tpu.memory_space<vmem_shared>>
      tpu.wait_dma2 semaphore(%run_scoped3A_697 : memref<!tpu.dma_semaphore, #tpu.memory_space<semaphore_mem>>) src(%arg8 : memref<32x128xf32, #tpu.memory_space<vmem>>) dst(%dma_wait3A_705 : memref<32x128xf32, #tpu.memory_space<vmem_shared>>)
      tpu.yield
    }) : () -> ()
    %add3A_548 = arith.constant 128 : i32
    %add3A_549 = arith.addi %mul3A_539, %add3A_548 : i32
    "tpu.region"() ({
      %run_scoped3A_697 = tpu.sem_alloc : memref<!tpu.dma_semaphore, #tpu.memory_space<semaphore_mem>>
      %dma_start3A_698 = arith.constant 0 : i32
      %dma_start3A_699 = tpu.memref_slice %arg9[%add3A_549, %dma_start3A_698] : memref<10240x128xf32, #tpu.memory_space<vmem_shared>> -> memref<32x128xf32, #tpu.memory_space<vmem_shared>>
      %dma_start3A_700 = arith.constant 0 : i32
      %dma_start3A_701 = tpu.memref_slice %arg9[%add3A_549, %dma_start3A_700] : memref<10240x128xf32, #tpu.memory_space<vmem_shared>> -> memref<32x128xf32, #tpu.memory_space<vmem_shared>>
      tpu.enqueue_dma source(%arg8 : memref<32x128xf32, #tpu.memory_space<vmem>>) target(%dma_start3A_701 : memref<32x128xf32, #tpu.memory_space<vmem_shared>>) target_semaphore(%run_scoped3A_697 : memref<!tpu.dma_semaphore, #tpu.memory_space<semaphore_mem>>)
      %dma_wait3A_702 = arith.constant 0 : i32
      %dma_wait3A_703 = tpu.memref_slice %arg9[%add3A_549, %dma_wait3A_702] : memref<10240x128xf32, #tpu.memory_space<vmem_shared>> -> memref<32x128xf32, #tpu.memory_space<vmem_shared>>
      %dma_wait3A_704 = arith.constant 0 : i32
      %dma_wait3A_705 = tpu.memref_slice %arg9[%add3A_549, %dma_wait3A_704] : memref<10240x128xf32, #tpu.memory_space<vmem_shared>> -> memref<32x128xf32, #tpu.memory_space<vmem_shared>>
      tpu.wait_dma2 semaphore(%run_scoped3A_697 : memref<!tpu.dma_semaphore, #tpu.memory_space<semaphore_mem>>) src(%arg8 : memref<32x128xf32, #tpu.memory_space<vmem>>) dst(%dma_wait3A_705 : memref<32x128xf32, #tpu.memory_space<vmem_shared>>)
      tpu.yield
    }) : () -> ()
    %add3A_550 = arith.constant 160 : i32
    %add3A_551 = arith.addi %mul3A_539, %add3A_550 : i32
    "tpu.region"() ({
      %run_scoped3A_697 = tpu.sem_alloc : memref<!tpu.dma_semaphore, #tpu.memory_space<semaphore_mem>>
      %dma_start3A_698 = arith.constant 0 : i32
      %dma_start3A_699 = tpu.memref_slice %arg9[%add3A_551, %dma_start3A_698] : memref<10240x128xf32, #tpu.memory_space<vmem_shared>> -> memref<32x128xf32, #tpu.memory_space<vmem_shared>>
      %dma_start3A_700 = arith.constant 0 : i32
      %dma_start3A_701 = tpu.memref_slice %arg9[%add3A_551, %dma_start3A_700] : memref<10240x128xf32, #tpu.memory_space<vmem_shared>> -> memref<32x128xf32, #tpu.memory_space<vmem_shared>>
      tpu.enqueue_dma source(%arg8 : memref<32x128xf32, #tpu.memory_space<vmem>>) target(%dma_start3A_701 : memref<32x128xf32, #tpu.memory_space<vmem_shared>>) target_semaphore(%run_scoped3A_697 : memref<!tpu.dma_semaphore, #tpu.memory_space<semaphore_mem>>)
      %dma_wait3A_702 = arith.constant 0 : i32
      %dma_wait3A_703 = tpu.memref_slice %arg9[%add3A_551, %dma_wait3A_702] : memref<10240x128xf32, #tpu.memory_space<vmem_shared>> -> memref<32x128xf32, #tpu.memory_space<vmem_shared>>
      %dma_wait3A_704 = arith.constant 0 : i32
      %dma_wait3A_705 = tpu.memref_slice %arg9[%add3A_551, %dma_wait3A_704] : memref<10240x128xf32, #tpu.memory_space<vmem_shared>> -> memref<32x128xf32, #tpu.memory_space<vmem_shared>>
      tpu.wait_dma2 semaphore(%run_scoped3A_697 : memref<!tpu.dma_semaphore, #tpu.memory_space<semaphore_mem>>) src(%arg8 : memref<32x128xf32, #tpu.memory_space<vmem>>) dst(%dma_wait3A_705 : memref<32x128xf32, #tpu.memory_space<vmem_shared>>)
      tpu.yield
    }) : () -> ()
    %add3A_552 = arith.constant 192 : i32
    %add3A_553 = arith.addi %mul3A_539, %add3A_552 : i32
    "tpu.region"() ({
      %run_scoped3A_697 = tpu.sem_alloc : memref<!tpu.dma_semaphore, #tpu.memory_space<semaphore_mem>>
      %dma_start3A_698 = arith.constant 0 : i32
      %dma_start3A_699 = tpu.memref_slice %arg9[%add3A_553, %dma_start3A_698] : memref<10240x128xf32, #tpu.memory_space<vmem_shared>> -> memref<32x128xf32, #tpu.memory_space<vmem_shared>>
      %dma_start3A_700 = arith.constant 0 : i32
      %dma_start3A_701 = tpu.memref_slice %arg9[%add3A_553, %dma_start3A_700] : memref<10240x128xf32, #tpu.memory_space<vmem_shared>> -> memref<32x128xf32, #tpu.memory_space<vmem_shared>>
      tpu.enqueue_dma source(%arg8 : memref<32x128xf32, #tpu.memory_space<vmem>>) target(%dma_start3A_701 : memref<32x128xf32, #tpu.memory_space<vmem_shared>>) target_semaphore(%run_scoped3A_697 : memref<!tpu.dma_semaphore, #tpu.memory_space<semaphore_mem>>)
      %dma_wait3A_702 = arith.constant 0 : i32
      %dma_wait3A_703 = tpu.memref_slice %arg9[%add3A_553, %dma_wait3A_702] : memref<10240x128xf32, #tpu.memory_space<vmem_shared>> -> memref<32x128xf32, #tpu.memory_space<vmem_shared>>
      %dma_wait3A_704 = arith.constant 0 : i32
      %dma_wait3A_705 = tpu.memref_slice %arg9[%add3A_553, %dma_wait3A_704] : memref<10240x128xf32, #tpu.memory_space<vmem_shared>> -> memref<32x128xf32, #tpu.memory_space<vmem_shared>>
      tpu.wait_dma2 semaphore(%run_scoped3A_697 : memref<!tpu.dma_semaphore, #tpu.memory_space<semaphore_mem>>) src(%arg8 : memref<32x128xf32, #tpu.memory_space<vmem>>) dst(%dma_wait3A_705 : memref<32x128xf32, #tpu.memory_space<vmem_shared>>)
      tpu.yield
    }) : () -> ()
    %add3A_554 = arith.constant 224 : i32
    %add3A_555 = arith.addi %mul3A_539, %add3A_554 : i32
    "tpu.region"() ({
      %run_scoped3A_697 = tpu.sem_alloc : memref<!tpu.dma_semaphore, #tpu.memory_space<semaphore_mem>>
      %dma_start3A_698 = arith.constant 0 : i32
      %dma_start3A_699 = tpu.memref_slice %arg9[%add3A_555, %dma_start3A_698] : memref<10240x128xf32, #tpu.memory_space<vmem_shared>> -> memref<32x128xf32, #tpu.memory_space<vmem_shared>>
      %dma_start3A_700 = arith.constant 0 : i32
      %dma_start3A_701 = tpu.memref_slice %arg9[%add3A_555, %dma_start3A_700] : memref<10240x128xf32, #tpu.memory_space<vmem_shared>> -> memref<32x128xf32, #tpu.memory_space<vmem_shared>>
      tpu.enqueue_dma source(%arg8 : memref<32x128xf32, #tpu.memory_space<vmem>>) target(%dma_start3A_701 : memref<32x128xf32, #tpu.memory_space<vmem_shared>>) target_semaphore(%run_scoped3A_697 : memref<!tpu.dma_semaphore, #tpu.memory_space<semaphore_mem>>)
      %dma_wait3A_702 = arith.constant 0 : i32
      %dma_wait3A_703 = tpu.memref_slice %arg9[%add3A_555, %dma_wait3A_702] : memref<10240x128xf32, #tpu.memory_space<vmem_shared>> -> memref<32x128xf32, #tpu.memory_space<vmem_shared>>
      %dma_wait3A_704 = arith.constant 0 : i32
      %dma_wait3A_705 = tpu.memref_slice %arg9[%add3A_555, %dma_wait3A_704] : memref<10240x128xf32, #tpu.memory_space<vmem_shared>> -> memref<32x128xf32, #tpu.memory_space<vmem_shared>>
      tpu.wait_dma2 semaphore(%run_scoped3A_697 : memref<!tpu.dma_semaphore, #tpu.memory_space<semaphore_mem>>) src(%arg8 : memref<32x128xf32, #tpu.memory_space<vmem>>) dst(%dma_wait3A_705 : memref<32x128xf32, #tpu.memory_space<vmem_shared>>)
      tpu.yield
    }) : () -> ()
    %add3A_556 = arith.constant 256 : i32
    %add3A_557 = arith.addi %mul3A_539, %add3A_556 : i32
    "tpu.region"() ({
      %run_scoped3A_697 = tpu.sem_alloc : memref<!tpu.dma_semaphore, #tpu.memory_space<semaphore_mem>>
      %dma_start3A_698 = arith.constant 0 : i32
      %dma_start3A_699 = tpu.memref_slice %arg9[%add3A_557, %dma_start3A_698] : memref<10240x128xf32, #tpu.memory_space<vmem_shared>> -> memref<32x128xf32, #tpu.memory_space<vmem_shared>>
      %dma_start3A_700 = arith.constant 0 : i32
      %dma_start3A_701 = tpu.memref_slice %arg9[%add3A_557, %dma_start3A_700] : memref<10240x128xf32, #tpu.memory_space<vmem_shared>> -> memref<32x128xf32, #tpu.memory_space<vmem_shared>>
      tpu.enqueue_dma source(%arg8 : memref<32x128xf32, #tpu.memory_space<vmem>>) target(%dma_start3A_701 : memref<32x128xf32, #tpu.memory_space<vmem_shared>>) target_semaphore(%run_scoped3A_697 : memref<!tpu.dma_semaphore, #tpu.memory_space<semaphore_mem>>)
      %dma_wait3A_702 = arith.constant 0 : i32
      %dma_wait3A_703 = tpu.memref_slice %arg9[%add3A_557, %dma_wait3A_702] : memref<10240x128xf32, #tpu.memory_space<vmem_shared>> -> memref<32x128xf32, #tpu.memory_space<vmem_shared>>
      %dma_wait3A_704 = arith.constant 0 : i32
      %dma_wait3A_705 = tpu.memref_slice %arg9[%add3A_557, %dma_wait3A_704] : memref<10240x128xf32, #tpu.memory_space<vmem_shared>> -> memref<32x128xf32, #tpu.memory_space<vmem_shared>>
      tpu.wait_dma2 semaphore(%run_scoped3A_697 : memref<!tpu.dma_semaphore, #tpu.memory_space<semaphore_mem>>) src(%arg8 : memref<32x128xf32, #tpu.memory_space<vmem>>) dst(%dma_wait3A_705 : memref<32x128xf32, #tpu.memory_space<vmem_shared>>)
      tpu.yield
    }) : () -> ()
    %add3A_558 = arith.constant 288 : i32
    %add3A_559 = arith.addi %mul3A_539, %add3A_558 : i32
    "tpu.region"() ({
      %run_scoped3A_697 = tpu.sem_alloc : memref<!tpu.dma_semaphore, #tpu.memory_space<semaphore_mem>>
      %dma_start3A_698 = arith.constant 0 : i32
      %dma_start3A_699 = tpu.memref_slice %arg9[%add3A_559, %dma_start3A_698] : memref<10240x128xf32, #tpu.memory_space<vmem_shared>> -> memref<32x128xf32, #tpu.memory_space<vmem_shared>>
      %dma_start3A_700 = arith.constant 0 : i32
      %dma_start3A_701 = tpu.memref_slice %arg9[%add3A_559, %dma_start3A_700] : memref<10240x128xf32, #tpu.memory_space<vmem_shared>> -> memref<32x128xf32, #tpu.memory_space<vmem_shared>>
      tpu.enqueue_dma source(%arg8 : memref<32x128xf32, #tpu.memory_space<vmem>>) target(%dma_start3A_701 : memref<32x128xf32, #tpu.memory_space<vmem_shared>>) target_semaphore(%run_scoped3A_697 : memref<!tpu.dma_semaphore, #tpu.memory_space<semaphore_mem>>)
      %dma_wait3A_702 = arith.constant 0 : i32
      %dma_wait3A_703 = tpu.memref_slice %arg9[%add3A_559, %dma_wait3A_702] : memref<10240x128xf32, #tpu.memory_space<vmem_shared>> -> memref<32x128xf32, #tpu.memory_space<vmem_shared>>
      %dma_wait3A_704 = arith.constant 0 : i32
      %dma_wait3A_705 = tpu.memref_slice %arg9[%add3A_559, %dma_wait3A_704] : memref<10240x128xf32, #tpu.memory_space<vmem_shared>> -> memref<32x128xf32, #tpu.memory_space<vmem_shared>>
      tpu.wait_dma2 semaphore(%run_scoped3A_697 : memref<!tpu.dma_semaphore, #tpu.memory_space<semaphore_mem>>) src(%arg8 : memref<32x128xf32, #tpu.memory_space<vmem>>) dst(%dma_wait3A_705 : memref<32x128xf32, #tpu.memory_space<vmem_shared>>)
      tpu.yield
    }) : () -> ()
    %add3A_560 = arith.constant 320 : i32
    %add3A_561 = arith.addi %mul3A_539, %add3A_560 : i32
    "tpu.region"() ({
      %run_scoped3A_697 = tpu.sem_alloc : memref<!tpu.dma_semaphore, #tpu.memory_space<semaphore_mem>>
      %dma_start3A_698 = arith.constant 0 : i32
      %dma_start3A_699 = tpu.memref_slice %arg9[%add3A_561, %dma_start3A_698] : memref<10240x128xf32, #tpu.memory_space<vmem_shared>> -> memref<32x128xf32, #tpu.memory_space<vmem_shared>>
      %dma_start3A_700 = arith.constant 0 : i32
      %dma_start3A_701 = tpu.memref_slice %arg9[%add3A_561, %dma_start3A_700] : memref<10240x128xf32, #tpu.memory_space<vmem_shared>> -> memref<32x128xf32, #tpu.memory_space<vmem_shared>>
      tpu.enqueue_dma source(%arg8 : memref<32x128xf32, #tpu.memory_space<vmem>>) target(%dma_start3A_701 : memref<32x128xf32, #tpu.memory_space<vmem_shared>>) target_semaphore(%run_scoped3A_697 : memref<!tpu.dma_semaphore, #tpu.memory_space<semaphore_mem>>)
      %dma_wait3A_702 = arith.constant 0 : i32
      %dma_wait3A_703 = tpu.memref_slice %arg9[%add3A_561, %dma_wait3A_702] : memref<10240x128xf32, #tpu.memory_space<vmem_shared>> -> memref<32x128xf32, #tpu.memory_space<vmem_shared>>
      %dma_wait3A_704 = arith.constant 0 : i32
      %dma_wait3A_705 = tpu.memref_slice %arg9[%add3A_561, %dma_wait3A_704] : memref<10240x128xf32, #tpu.memory_space<vmem_shared>> -> memref<32x128xf32, #tpu.memory_space<vmem_shared>>
      tpu.wait_dma2 semaphore(%run_scoped3A_697 : memref<!tpu.dma_semaphore, #tpu.memory_space<semaphore_mem>>) src(%arg8 : memref<32x128xf32, #tpu.memory_space<vmem>>) dst(%dma_wait3A_705 : memref<32x128xf32, #tpu.memory_space<vmem_shared>>)
      tpu.yield
    }) : () -> ()
    %add3A_562 = arith.constant 352 : i32
    %add3A_563 = arith.addi %mul3A_539, %add3A_562 : i32
    "tpu.region"() ({
      %run_scoped3A_697 = tpu.sem_alloc : memref<!tpu.dma_semaphore, #tpu.memory_space<semaphore_mem>>
      %dma_start3A_698 = arith.constant 0 : i32
      %dma_start3A_699 = tpu.memref_slice %arg9[%add3A_563, %dma_start3A_698] : memref<10240x128xf32, #tpu.memory_space<vmem_shared>> -> memref<32x128xf32, #tpu.memory_space<vmem_shared>>
      %dma_start3A_700 = arith.constant 0 : i32
      %dma_start3A_701 = tpu.memref_slice %arg9[%add3A_563, %dma_start3A_700] : memref<10240x128xf32, #tpu.memory_space<vmem_shared>> -> memref<32x128xf32, #tpu.memory_space<vmem_shared>>
      tpu.enqueue_dma source(%arg8 : memref<32x128xf32, #tpu.memory_space<vmem>>) target(%dma_start3A_701 : memref<32x128xf32, #tpu.memory_space<vmem_shared>>) target_semaphore(%run_scoped3A_697 : memref<!tpu.dma_semaphore, #tpu.memory_space<semaphore_mem>>)
      %dma_wait3A_702 = arith.constant 0 : i32
      %dma_wait3A_703 = tpu.memref_slice %arg9[%add3A_563, %dma_wait3A_702] : memref<10240x128xf32, #tpu.memory_space<vmem_shared>> -> memref<32x128xf32, #tpu.memory_space<vmem_shared>>
      %dma_wait3A_704 = arith.constant 0 : i32
      %dma_wait3A_705 = tpu.memref_slice %arg9[%add3A_563, %dma_wait3A_704] : memref<10240x128xf32, #tpu.memory_space<vmem_shared>> -> memref<32x128xf32, #tpu.memory_space<vmem_shared>>
      tpu.wait_dma2 semaphore(%run_scoped3A_697 : memref<!tpu.dma_semaphore, #tpu.memory_space<semaphore_mem>>) src(%arg8 : memref<32x128xf32, #tpu.memory_space<vmem>>) dst(%dma_wait3A_705 : memref<32x128xf32, #tpu.memory_space<vmem_shared>>)
      tpu.yield
    }) : () -> ()
    %add3A_564 = arith.constant 384 : i32
    %add3A_565 = arith.addi %mul3A_539, %add3A_564 : i32
    "tpu.region"() ({
      %run_scoped3A_697 = tpu.sem_alloc : memref<!tpu.dma_semaphore, #tpu.memory_space<semaphore_mem>>
      %dma_start3A_698 = arith.constant 0 : i32
      %dma_start3A_699 = tpu.memref_slice %arg9[%add3A_565, %dma_start3A_698] : memref<10240x128xf32, #tpu.memory_space<vmem_shared>> -> memref<32x128xf32, #tpu.memory_space<vmem_shared>>
      %dma_start3A_700 = arith.constant 0 : i32
      %dma_start3A_701 = tpu.memref_slice %arg9[%add3A_565, %dma_start3A_700] : memref<10240x128xf32, #tpu.memory_space<vmem_shared>> -> memref<32x128xf32, #tpu.memory_space<vmem_shared>>
      tpu.enqueue_dma source(%arg8 : memref<32x128xf32, #tpu.memory_space<vmem>>) target(%dma_start3A_701 : memref<32x128xf32, #tpu.memory_space<vmem_shared>>) target_semaphore(%run_scoped3A_697 : memref<!tpu.dma_semaphore, #tpu.memory_space<semaphore_mem>>)
      %dma_wait3A_702 = arith.constant 0 : i32
      %dma_wait3A_703 = tpu.memref_slice %arg9[%add3A_565, %dma_wait3A_702] : memref<10240x128xf32, #tpu.memory_space<vmem_shared>> -> memref<32x128xf32, #tpu.memory_space<vmem_shared>>
      %dma_wait3A_704 = arith.constant 0 : i32
      %dma_wait3A_705 = tpu.memref_slice %arg9[%add3A_565, %dma_wait3A_704] : memref<10240x128xf32, #tpu.memory_space<vmem_shared>> -> memref<32x128xf32, #tpu.memory_space<vmem_shared>>
      tpu.wait_dma2 semaphore(%run_scoped3A_697 : memref<!tpu.dma_semaphore, #tpu.memory_space<semaphore_mem>>) src(%arg8 : memref<32x128xf32, #tpu.memory_space<vmem>>) dst(%dma_wait3A_705 : memref<32x128xf32, #tpu.memory_space<vmem_shared>>)
      tpu.yield
    }) : () -> ()
    %add3A_566 = arith.constant 416 : i32
    %add3A_567 = arith.addi %mul3A_539, %add3A_566 : i32
    "tpu.region"() ({
      %run_scoped3A_697 = tpu.sem_alloc : memref<!tpu.dma_semaphore, #tpu.memory_space<semaphore_mem>>
      %dma_start3A_698 = arith.constant 0 : i32
      %dma_start3A_699 = tpu.memref_slice %arg9[%add3A_567, %dma_start3A_698] : memref<10240x128xf32, #tpu.memory_space<vmem_shared>> -> memref<32x128xf32, #tpu.memory_space<vmem_shared>>
      %dma_start3A_700 = arith.constant 0 : i32
      %dma_start3A_701 = tpu.memref_slice %arg9[%add3A_567, %dma_start3A_700] : memref<10240x128xf32, #tpu.memory_space<vmem_shared>> -> memref<32x128xf32, #tpu.memory_space<vmem_shared>>
      tpu.enqueue_dma source(%arg8 : memref<32x128xf32, #tpu.memory_space<vmem>>) target(%dma_start3A_701 : memref<32x128xf32, #tpu.memory_space<vmem_shared>>) target_semaphore(%run_scoped3A_697 : memref<!tpu.dma_semaphore, #tpu.memory_space<semaphore_mem>>)
      %dma_wait3A_702 = arith.constant 0 : i32
      %dma_wait3A_703 = tpu.memref_slice %arg9[%add3A_567, %dma_wait3A_702] : memref<10240x128xf32, #tpu.memory_space<vmem_shared>> -> memref<32x128xf32, #tpu.memory_space<vmem_shared>>
      %dma_wait3A_704 = arith.constant 0 : i32
      %dma_wait3A_705 = tpu.memref_slice %arg9[%add3A_567, %dma_wait3A_704] : memref<10240x128xf32, #tpu.memory_space<vmem_shared>> -> memref<32x128xf32, #tpu.memory_space<vmem_shared>>
      tpu.wait_dma2 semaphore(%run_scoped3A_697 : memref<!tpu.dma_semaphore, #tpu.memory_space<semaphore_mem>>) src(%arg8 : memref<32x128xf32, #tpu.memory_space<vmem>>) dst(%dma_wait3A_705 : memref<32x128xf32, #tpu.memory_space<vmem_shared>>)
      tpu.yield
    }) : () -> ()
    %add3A_568 = arith.constant 448 : i32
    %add3A_569 = arith.addi %mul3A_539, %add3A_568 : i32
    "tpu.region"() ({
      %run_scoped3A_697 = tpu.sem_alloc : memref<!tpu.dma_semaphore, #tpu.memory_space<semaphore_mem>>
      %dma_start3A_698 = arith.constant 0 : i32
      %dma_start3A_699 = tpu.memref_slice %arg9[%add3A_569, %dma_start3A_698] : memref<10240x128xf32, #tpu.memory_space<vmem_shared>> -> memref<32x128xf32, #tpu.memory_space<vmem_shared>>
      %dma_start3A_700 = arith.constant 0 : i32
      %dma_start3A_701 = tpu.memref_slice %arg9[%add3A_569, %dma_start3A_700] : memref<10240x128xf32, #tpu.memory_space<vmem_shared>> -> memref<32x128xf32, #tpu.memory_space<vmem_shared>>
      tpu.enqueue_dma source(%arg8 : memref<32x128xf32, #tpu.memory_space<vmem>>) target(%dma_start3A_701 : memref<32x128xf32, #tpu.memory_space<vmem_shared>>) target_semaphore(%run_scoped3A_697 : memref<!tpu.dma_semaphore, #tpu.memory_space<semaphore_mem>>)
      %dma_wait3A_702 = arith.constant 0 : i32
      %dma_wait3A_703 = tpu.memref_slice %arg9[%add3A_569, %dma_wait3A_702] : memref<10240x128xf32, #tpu.memory_space<vmem_shared>> -> memref<32x128xf32, #tpu.memory_space<vmem_shared>>
      %dma_wait3A_704 = arith.constant 0 : i32
      %dma_wait3A_705 = tpu.memref_slice %arg9[%add3A_569, %dma_wait3A_704] : memref<10240x128xf32, #tpu.memory_space<vmem_shared>> -> memref<32x128xf32, #tpu.memory_space<vmem_shared>>
      tpu.wait_dma2 semaphore(%run_scoped3A_697 : memref<!tpu.dma_semaphore, #tpu.memory_space<semaphore_mem>>) src(%arg8 : memref<32x128xf32, #tpu.memory_space<vmem>>) dst(%dma_wait3A_705 : memref<32x128xf32, #tpu.memory_space<vmem_shared>>)
      tpu.yield
    }) : () -> ()
    %add3A_570 = arith.constant 480 : i32
    %add3A_571 = arith.addi %mul3A_539, %add3A_570 : i32
    "tpu.region"() ({
      %run_scoped3A_697 = tpu.sem_alloc : memref<!tpu.dma_semaphore, #tpu.memory_space<semaphore_mem>>
      %dma_start3A_698 = arith.constant 0 : i32
      %dma_start3A_699 = tpu.memref_slice %arg9[%add3A_571, %dma_start3A_698] : memref<10240x128xf32, #tpu.memory_space<vmem_shared>> -> memref<32x128xf32, #tpu.memory_space<vmem_shared>>
      %dma_start3A_700 = arith.constant 0 : i32
      %dma_start3A_701 = tpu.memref_slice %arg9[%add3A_571, %dma_start3A_700] : memref<10240x128xf32, #tpu.memory_space<vmem_shared>> -> memref<32x128xf32, #tpu.memory_space<vmem_shared>>
      tpu.enqueue_dma source(%arg8 : memref<32x128xf32, #tpu.memory_space<vmem>>) target(%dma_start3A_701 : memref<32x128xf32, #tpu.memory_space<vmem_shared>>) target_semaphore(%run_scoped3A_697 : memref<!tpu.dma_semaphore, #tpu.memory_space<semaphore_mem>>)
      %dma_wait3A_702 = arith.constant 0 : i32
      %dma_wait3A_703 = tpu.memref_slice %arg9[%add3A_571, %dma_wait3A_702] : memref<10240x128xf32, #tpu.memory_space<vmem_shared>> -> memref<32x128xf32, #tpu.memory_space<vmem_shared>>
      %dma_wait3A_704 = arith.constant 0 : i32
      %dma_wait3A_705 = tpu.memref_slice %arg9[%add3A_571, %dma_wait3A_704] : memref<10240x128xf32, #tpu.memory_space<vmem_shared>> -> memref<32x128xf32, #tpu.memory_space<vmem_shared>>
      tpu.wait_dma2 semaphore(%run_scoped3A_697 : memref<!tpu.dma_semaphore, #tpu.memory_space<semaphore_mem>>) src(%arg8 : memref<32x128xf32, #tpu.memory_space<vmem>>) dst(%dma_wait3A_705 : memref<32x128xf32, #tpu.memory_space<vmem_shared>>)
      tpu.yield
    }) : () -> ()
    %add3A_572 = arith.constant 512 : i32
    %add3A_573 = arith.addi %mul3A_539, %add3A_572 : i32
    "tpu.region"() ({
      %run_scoped3A_697 = tpu.sem_alloc : memref<!tpu.dma_semaphore, #tpu.memory_space<semaphore_mem>>
      %dma_start3A_698 = arith.constant 0 : i32
      %dma_start3A_699 = tpu.memref_slice %arg9[%add3A_573, %dma_start3A_698] : memref<10240x128xf32, #tpu.memory_space<vmem_shared>> -> memref<32x128xf32, #tpu.memory_space<vmem_shared>>
      %dma_start3A_700 = arith.constant 0 : i32
      %dma_start3A_701 = tpu.memref_slice %arg9[%add3A_573, %dma_start3A_700] : memref<10240x128xf32, #tpu.memory_space<vmem_shared>> -> memref<32x128xf32, #tpu.memory_space<vmem_shared>>
      tpu.enqueue_dma source(%arg8 : memref<32x128xf32, #tpu.memory_space<vmem>>) target(%dma_start3A_701 : memref<32x128xf32, #tpu.memory_space<vmem_shared>>) target_semaphore(%run_scoped3A_697 : memref<!tpu.dma_semaphore, #tpu.memory_space<semaphore_mem>>)
      %dma_wait3A_702 = arith.constant 0 : i32
      %dma_wait3A_703 = tpu.memref_slice %arg9[%add3A_573, %dma_wait3A_702] : memref<10240x128xf32, #tpu.memory_space<vmem_shared>> -> memref<32x128xf32, #tpu.memory_space<vmem_shared>>
      %dma_wait3A_704 = arith.constant 0 : i32
      %dma_wait3A_705 = tpu.memref_slice %arg9[%add3A_573, %dma_wait3A_704] : memref<10240x128xf32, #tpu.memory_space<vmem_shared>> -> memref<32x128xf32, #tpu.memory_space<vmem_shared>>
      tpu.wait_dma2 semaphore(%run_scoped3A_697 : memref<!tpu.dma_semaphore, #tpu.memory_space<semaphore_mem>>) src(%arg8 : memref<32x128xf32, #tpu.memory_space<vmem>>) dst(%dma_wait3A_705 : memref<32x128xf32, #tpu.memory_space<vmem_shared>>)
      tpu.yield
    }) : () -> ()
    %add3A_574 = arith.constant 544 : i32
    %add3A_575 = arith.addi %mul3A_539, %add3A_574 : i32
    "tpu.region"() ({
      %run_scoped3A_697 = tpu.sem_alloc : memref<!tpu.dma_semaphore, #tpu.memory_space<semaphore_mem>>
      %dma_start3A_698 = arith.constant 0 : i32
      %dma_start3A_699 = tpu.memref_slice %arg9[%add3A_575, %dma_start3A_698] : memref<10240x128xf32, #tpu.memory_space<vmem_shared>> -> memref<32x128xf32, #tpu.memory_space<vmem_shared>>
      %dma_start3A_700 = arith.constant 0 : i32
      %dma_start3A_701 = tpu.memref_slice %arg9[%add3A_575, %dma_start3A_700] : memref<10240x128xf32, #tpu.memory_space<vmem_shared>> -> memref<32x128xf32, #tpu.memory_space<vmem_shared>>
      tpu.enqueue_dma source(%arg8 : memref<32x128xf32, #tpu.memory_space<vmem>>) target(%dma_start3A_701 : memref<32x128xf32, #tpu.memory_space<vmem_shared>>) target_semaphore(%run_scoped3A_697 : memref<!tpu.dma_semaphore, #tpu.memory_space<semaphore_mem>>)
      %dma_wait3A_702 = arith.constant 0 : i32
      %dma_wait3A_703 = tpu.memref_slice %arg9[%add3A_575, %dma_wait3A_702] : memref<10240x128xf32, #tpu.memory_space<vmem_shared>> -> memref<32x128xf32, #tpu.memory_space<vmem_shared>>
      %dma_wait3A_704 = arith.constant 0 : i32
      %dma_wait3A_705 = tpu.memref_slice %arg9[%add3A_575, %dma_wait3A_704] : memref<10240x128xf32, #tpu.memory_space<vmem_shared>> -> memref<32x128xf32, #tpu.memory_space<vmem_shared>>
      tpu.wait_dma2 semaphore(%run_scoped3A_697 : memref<!tpu.dma_semaphore, #tpu.memory_space<semaphore_mem>>) src(%arg8 : memref<32x128xf32, #tpu.memory_space<vmem>>) dst(%dma_wait3A_705 : memref<32x128xf32, #tpu.memory_space<vmem_shared>>)
      tpu.yield
    }) : () -> ()
    %add3A_576 = arith.constant 576 : i32
    %add3A_577 = arith.addi %mul3A_539, %add3A_576 : i32
    "tpu.region"() ({
      %run_scoped3A_697 = tpu.sem_alloc : memref<!tpu.dma_semaphore, #tpu.memory_space<semaphore_mem>>
      %dma_start3A_698 = arith.constant 0 : i32
      %dma_start3A_699 = tpu.memref_slice %arg9[%add3A_577, %dma_start3A_698] : memref<10240x128xf32, #tpu.memory_space<vmem_shared>> -> memref<32x128xf32, #tpu.memory_space<vmem_shared>>
      %dma_start3A_700 = arith.constant 0 : i32
      %dma_start3A_701 = tpu.memref_slice %arg9[%add3A_577, %dma_start3A_700] : memref<10240x128xf32, #tpu.memory_space<vmem_shared>> -> memref<32x128xf32, #tpu.memory_space<vmem_shared>>
      tpu.enqueue_dma source(%arg8 : memref<32x128xf32, #tpu.memory_space<vmem>>) target(%dma_start3A_701 : memref<32x128xf32, #tpu.memory_space<vmem_shared>>) target_semaphore(%run_scoped3A_697 : memref<!tpu.dma_semaphore, #tpu.memory_space<semaphore_mem>>)
      %dma_wait3A_702 = arith.constant 0 : i32
      %dma_wait3A_703 = tpu.memref_slice %arg9[%add3A_577, %dma_wait3A_702] : memref<10240x128xf32, #tpu.memory_space<vmem_shared>> -> memref<32x128xf32, #tpu.memory_space<vmem_shared>>
      %dma_wait3A_704 = arith.constant 0 : i32
      %dma_wait3A_705 = tpu.memref_slice %arg9[%add3A_577, %dma_wait3A_704] : memref<10240x128xf32, #tpu.memory_space<vmem_shared>> -> memref<32x128xf32, #tpu.memory_space<vmem_shared>>
      tpu.wait_dma2 semaphore(%run_scoped3A_697 : memref<!tpu.dma_semaphore, #tpu.memory_space<semaphore_mem>>) src(%arg8 : memref<32x128xf32, #tpu.memory_space<vmem>>) dst(%dma_wait3A_705 : memref<32x128xf32, #tpu.memory_space<vmem_shared>>)
      tpu.yield
    }) : () -> ()
    %add3A_578 = arith.constant 608 : i32
    %add3A_579 = arith.addi %mul3A_539, %add3A_578 : i32
    "tpu.region"() ({
      %run_scoped3A_697 = tpu.sem_alloc : memref<!tpu.dma_semaphore, #tpu.memory_space<semaphore_mem>>
      %dma_start3A_698 = arith.constant 0 : i32
      %dma_start3A_699 = tpu.memref_slice %arg9[%add3A_579, %dma_start3A_698] : memref<10240x128xf32, #tpu.memory_space<vmem_shared>> -> memref<32x128xf32, #tpu.memory_space<vmem_shared>>
      %dma_start3A_700 = arith.constant 0 : i32
      %dma_start3A_701 = tpu.memref_slice %arg9[%add3A_579, %dma_start3A_700] : memref<10240x128xf32, #tpu.memory_space<vmem_shared>> -> memref<32x128xf32, #tpu.memory_space<vmem_shared>>
      tpu.enqueue_dma source(%arg8 : memref<32x128xf32, #tpu.memory_space<vmem>>) target(%dma_start3A_701 : memref<32x128xf32, #tpu.memory_space<vmem_shared>>) target_semaphore(%run_scoped3A_697 : memref<!tpu.dma_semaphore, #tpu.memory_space<semaphore_mem>>)
      %dma_wait3A_702 = arith.constant 0 : i32
      %dma_wait3A_703 = tpu.memref_slice %arg9[%add3A_579, %dma_wait3A_702] : memref<10240x128xf32, #tpu.memory_space<vmem_shared>> -> memref<32x128xf32, #tpu.memory_space<vmem_shared>>
      %dma_wait3A_704 = arith.constant 0 : i32
      %dma_wait3A_705 = tpu.memref_slice %arg9[%add3A_579, %dma_wait3A_704] : memref<10240x128xf32, #tpu.memory_space<vmem_shared>> -> memref<32x128xf32, #tpu.memory_space<vmem_shared>>
      tpu.wait_dma2 semaphore(%run_scoped3A_697 : memref<!tpu.dma_semaphore, #tpu.memory_space<semaphore_mem>>) src(%arg8 : memref<32x128xf32, #tpu.memory_space<vmem>>) dst(%dma_wait3A_705 : memref<32x128xf32, #tpu.memory_space<vmem_shared>>)
      tpu.yield
    }) : () -> ()
    %barrier3A = arith.constant 0 : index
    tpu.barrier barrier_id(%barrier3A)
    %scan3A_580 = arith.constant 0 : i32
    %scan3A_581 = arith.constant 0 : i32
    %scan3A_582 = arith.constant 39 : i32
    %scan3A_583 = arith.addi %scan3A_581, %scan3A_582 : i32
    %scan3A_584 = arith.constant 1 : i32
    scf.for %scan3A_697 = %scan3A_581 to %scan3A_583 step %scan3A_584  : i32 {
      %mul3A_698 = arith.constant 2 : i32
      %mul3A_699 = arith.muli %scan3A_697, %mul3A_698 : i32
      %add3A_700 = arith.constant 0 : i32
      %add3A_701 = arith.addi %mul3A_699, %add3A_700 : i32
      %dma_wait3A_702 = arith.constant 0 : i32
      %dma_wait3A_703 = arith.constant 0 : i32
      %dma_wait3A_704 = arith.constant 0 : i32
      %dma_wait3A_705 = arith.constant 0 : i32
      %dma_wait3A_706 = arith.constant 0 : i32
      %dma_wait3A_707 = tpu.memref_slice %arg7[%dma_wait3A_704, %dma_wait3A_705, %dma_wait3A_706] : memref<2x128x128xf32, #tpu.memory_space<vmem>> -> memref<1x32x128xf32, #tpu.memory_space<vmem>>
      %dma_wait3A_708 = tpu.memref_squeeze %dma_wait3A_707 : memref<1x32x128xf32, #tpu.memory_space<vmem>> -> memref<32x128xf32, #tpu.memory_space<vmem>>
      %dma_wait3A_709 = arith.constant 0 : i32
      %dma_wait3A_710 = tpu.memref_slice %arg6[%dma_wait3A_702, %dma_wait3A_703, %dma_wait3A_709] : memref<2x2x128xi32, #tpu.memory_space<vmem>> -> memref<1x1x32xi32, #tpu.memory_space<vmem>>
      %dma_wait3A_711 = tpu.memref_squeeze %dma_wait3A_710 : memref<1x1x32xi32, #tpu.memory_space<vmem>> -> memref<32xi32, #tpu.memory_space<vmem>>
      %dma_wait3A_712 = arith.constant 0 : i32
      %dma_wait3A_713 = arith.constant 0 : i32
      %dma_wait3A_714 = tpu.memref_slice %arg2[%dma_wait3A_712, %dma_wait3A_713] : memref<10000x128xf32, #tpu.memory_space<hbm>> -> memref<10000x128xf32, #tpu.memory_space<hbm>>
      tpu.wait_indirect_dma semaphore(%arg10 : memref<!tpu.dma_semaphore, #tpu.memory_space<semaphore_mem>>) src(%dma_wait3A_714 : memref<10000x128xf32, #tpu.memory_space<hbm>>) dst(%dma_wait3A_708 : memref<32x128xf32, #tpu.memory_space<vmem>>)
      %dma_wait3A_715 = arith.constant 0 : i32
      %dma_wait3A_716 = arith.constant 0 : i32
      %dma_wait3A_717 = arith.constant 0 : i32
      %dma_wait3A_718 = arith.constant 32 : i32
      %dma_wait3A_719 = arith.constant 0 : i32
      %dma_wait3A_720 = tpu.memref_slice %arg7[%dma_wait3A_717, %dma_wait3A_718, %dma_wait3A_719] : memref<2x128x128xf32, #tpu.memory_space<vmem>> -> memref<1x32x128xf32, #tpu.memory_space<vmem>>
      %dma_wait3A_721 = tpu.memref_squeeze %dma_wait3A_720 : memref<1x32x128xf32, #tpu.memory_space<vmem>> -> memref<32x128xf32, #tpu.memory_space<vmem>>
      %dma_wait3A_722 = arith.constant 32 : i32
      %dma_wait3A_723 = tpu.memref_slice %arg6[%dma_wait3A_715, %dma_wait3A_716, %dma_wait3A_722] : memref<2x2x128xi32, #tpu.memory_space<vmem>> -> memref<1x1x32xi32, #tpu.memory_space<vmem>>
      %dma_wait3A_724 = tpu.memref_squeeze %dma_wait3A_723 : memref<1x1x32xi32, #tpu.memory_space<vmem>> -> memref<32xi32, #tpu.memory_space<vmem>>
      %dma_wait3A_725 = arith.constant 0 : i32
      %dma_wait3A_726 = arith.constant 0 : i32
      %dma_wait3A_727 = tpu.memref_slice %arg2[%dma_wait3A_725, %dma_wait3A_726] : memref<10000x128xf32, #tpu.memory_space<hbm>> -> memref<10000x128xf32, #tpu.memory_space<hbm>>
      tpu.wait_indirect_dma semaphore(%arg10 : memref<!tpu.dma_semaphore, #tpu.memory_space<semaphore_mem>>) src(%dma_wait3A_727 : memref<10000x128xf32, #tpu.memory_space<hbm>>) dst(%dma_wait3A_721 : memref<32x128xf32, #tpu.memory_space<vmem>>)
      %dma_wait3A_728 = arith.constant 0 : i32
      %dma_wait3A_729 = arith.constant 0 : i32
      %dma_wait3A_730 = arith.constant 0 : i32
      %dma_wait3A_731 = arith.constant 64 : i32
      %dma_wait3A_732 = arith.constant 0 : i32
      %dma_wait3A_733 = tpu.memref_slice %arg7[%dma_wait3A_730, %dma_wait3A_731, %dma_wait3A_732] : memref<2x128x128xf32, #tpu.memory_space<vmem>> -> memref<1x32x128xf32, #tpu.memory_space<vmem>>
      %dma_wait3A_734 = tpu.memref_squeeze %dma_wait3A_733 : memref<1x32x128xf32, #tpu.memory_space<vmem>> -> memref<32x128xf32, #tpu.memory_space<vmem>>
      %dma_wait3A_735 = arith.constant 64 : i32
      %dma_wait3A_736 = tpu.memref_slice %arg6[%dma_wait3A_728, %dma_wait3A_729, %dma_wait3A_735] : memref<2x2x128xi32, #tpu.memory_space<vmem>> -> memref<1x1x32xi32, #tpu.memory_space<vmem>>
      %dma_wait3A_737 = tpu.memref_squeeze %dma_wait3A_736 : memref<1x1x32xi32, #tpu.memory_space<vmem>> -> memref<32xi32, #tpu.memory_space<vmem>>
      %dma_wait3A_738 = arith.constant 0 : i32
      %dma_wait3A_739 = arith.constant 0 : i32
      %dma_wait3A_740 = tpu.memref_slice %arg2[%dma_wait3A_738, %dma_wait3A_739] : memref<10000x128xf32, #tpu.memory_space<hbm>> -> memref<10000x128xf32, #tpu.memory_space<hbm>>
      tpu.wait_indirect_dma semaphore(%arg10 : memref<!tpu.dma_semaphore, #tpu.memory_space<semaphore_mem>>) src(%dma_wait3A_740 : memref<10000x128xf32, #tpu.memory_space<hbm>>) dst(%dma_wait3A_734 : memref<32x128xf32, #tpu.memory_space<vmem>>)
      %dma_wait3A_741 = arith.constant 0 : i32
      %dma_wait3A_742 = arith.constant 0 : i32
      %dma_wait3A_743 = arith.constant 0 : i32
      %dma_wait3A_744 = arith.constant 96 : i32
      %dma_wait3A_745 = arith.constant 0 : i32
      %dma_wait3A_746 = tpu.memref_slice %arg7[%dma_wait3A_743, %dma_wait3A_744, %dma_wait3A_745] : memref<2x128x128xf32, #tpu.memory_space<vmem>> -> memref<1x32x128xf32, #tpu.memory_space<vmem>>
      %dma_wait3A_747 = tpu.memref_squeeze %dma_wait3A_746 : memref<1x32x128xf32, #tpu.memory_space<vmem>> -> memref<32x128xf32, #tpu.memory_space<vmem>>
      %dma_wait3A_748 = arith.constant 96 : i32
      %dma_wait3A_749 = tpu.memref_slice %arg6[%dma_wait3A_741, %dma_wait3A_742, %dma_wait3A_748] : memref<2x2x128xi32, #tpu.memory_space<vmem>> -> memref<1x1x32xi32, #tpu.memory_space<vmem>>
      %dma_wait3A_750 = tpu.memref_squeeze %dma_wait3A_749 : memref<1x1x32xi32, #tpu.memory_space<vmem>> -> memref<32xi32, #tpu.memory_space<vmem>>
      %dma_wait3A_751 = arith.constant 0 : i32
      %dma_wait3A_752 = arith.constant 0 : i32
      %dma_wait3A_753 = tpu.memref_slice %arg2[%dma_wait3A_751, %dma_wait3A_752] : memref<10000x128xf32, #tpu.memory_space<hbm>> -> memref<10000x128xf32, #tpu.memory_space<hbm>>
      tpu.wait_indirect_dma semaphore(%arg10 : memref<!tpu.dma_semaphore, #tpu.memory_space<semaphore_mem>>) src(%dma_wait3A_753 : memref<10000x128xf32, #tpu.memory_space<hbm>>) dst(%dma_wait3A_747 : memref<32x128xf32, #tpu.memory_space<vmem>>)
      %run_scoped3A_754 = arith.constant 0 : i32
      %run_scoped3A_755 = arith.constant 0 : i32
      %run_scoped3A_756 = arith.constant 1 : i32
      "tpu.region"() ({
        %run_scoped3A_1340 = tpu.sem_alloc : memref<!tpu.dma_semaphore, #tpu.memory_space<semaphore_mem>>
        %dma_start3A_1341 = arith.constant 0 : i32
        %dma_start3A_1342 = arith.constant 0 : i32
        %dma_start3A_1343 = tpu.memref_slice %arg7[%run_scoped3A_754, %dma_start3A_1341, %dma_start3A_1342] : memref<2x128x128xf32, #tpu.memory_space<vmem>> -> memref<1x128x128xf32, #tpu.memory_space<vmem>>
        %dma_start3A_1344 = tpu.memref_squeeze %dma_start3A_1343 : memref<1x128x128xf32, #tpu.memory_space<vmem>> -> memref<128x128xf32, #tpu.memory_space<vmem>>
        %dma_start3A_1345 = arith.constant 0 : i32
        %dma_start3A_1346 = tpu.memref_slice %arg6[%run_scoped3A_755, %run_scoped3A_756, %dma_start3A_1345] : memref<2x2x128xi32, #tpu.memory_space<vmem>> -> memref<1x1x128xi32, #tpu.memory_space<vmem>>
        %dma_start3A_1347 = tpu.memref_squeeze %dma_start3A_1346 : memref<1x1x128xi32, #tpu.memory_space<vmem>> -> memref<128xi32, #tpu.memory_space<vmem>>
        %dma_start3A_1348 = arith.constant 0 : i32
        %dma_start3A_1349 = arith.constant 0 : i32
        %dma_start3A_1350 = tpu.memref_slice %arg9[%dma_start3A_1348, %dma_start3A_1349] : memref<10240x128xf32, #tpu.memory_space<vmem_shared>> -> memref<10240x128xf32, #tpu.memory_space<vmem_shared>>
        tpu.enqueue_indirect_dma source(%dma_start3A_1344 : memref<128x128xf32, #tpu.memory_space<vmem>>) target(%dma_start3A_1350 : memref<10240x128xf32, #tpu.memory_space<vmem_shared>>) offsets(%dma_start3A_1347 : memref<128xi32, #tpu.memory_space<vmem>>) semaphore(%run_scoped3A_1340 : memref<!tpu.dma_semaphore, #tpu.memory_space<semaphore_mem>>) {add = true}
        %dma_wait3A_1351 = arith.constant 0 : i32
        %dma_wait3A_1352 = arith.constant 0 : i32
        %dma_wait3A_1353 = tpu.memref_slice %arg7[%run_scoped3A_754, %dma_wait3A_1351, %dma_wait3A_1352] : memref<2x128x128xf32, #tpu.memory_space<vmem>> -> memref<1x128x128xf32, #tpu.memory_space<vmem>>
        %dma_wait3A_1354 = tpu.memref_squeeze %dma_wait3A_1353 : memref<1x128x128xf32, #tpu.memory_space<vmem>> -> memref<128x128xf32, #tpu.memory_space<vmem>>
        %dma_wait3A_1355 = arith.constant 0 : i32
        %dma_wait3A_1356 = tpu.memref_slice %arg6[%run_scoped3A_755, %run_scoped3A_756, %dma_wait3A_1355] : memref<2x2x128xi32, #tpu.memory_space<vmem>> -> memref<1x1x128xi32, #tpu.memory_space<vmem>>
        %dma_wait3A_1357 = tpu.memref_squeeze %dma_wait3A_1356 : memref<1x1x128xi32, #tpu.memory_space<vmem>> -> memref<128xi32, #tpu.memory_space<vmem>>
        %dma_wait3A_1358 = arith.constant 0 : i32
        %dma_wait3A_1359 = arith.constant 0 : i32
        %dma_wait3A_1360 = tpu.memref_slice %arg9[%dma_wait3A_1358, %dma_wait3A_1359] : memref<10240x128xf32, #tpu.memory_space<vmem_shared>> -> memref<10240x128xf32, #tpu.memory_space<vmem_shared>>
        tpu.wait_indirect_dma semaphore(%run_scoped3A_1340 : memref<!tpu.dma_semaphore, #tpu.memory_space<semaphore_mem>>) src(%dma_wait3A_1354 : memref<128x128xf32, #tpu.memory_space<vmem>>) dst(%dma_wait3A_1360 : memref<10240x128xf32, #tpu.memory_space<vmem_shared>>)
        tpu.yield
      }) : () -> ()
      %add3A_757 = arith.constant 2 : i32
      %add3A_758 = arith.addi %add3A_701, %add3A_757 : i32
      %get3A_759 = arith.index_cast %add3A_758 : i32 to index
      %get3A_760 = arith.constant 0 : index
      %get3A_761 = tpu.vector_load %arg5[%get3A_759, %get3A_760] {strides = array<i32>} : memref<80x128xi32, #tpu.memory_space<vmem>>, vector<1x16xi32>,
      %get3A_762 = vector.shape_cast %get3A_761 : vector<1x16xi32> to vector<16xi32>
      %shift_right_logical3A_763 = arith.constant 14 : i32
      %shift_right_logical3A_764 = vector.broadcast %shift_right_logical3A_763 : i32 to vector<16xi32>
      %shift_right_logical3A_765 = arith.shrui %get3A_762, %shift_right_logical3A_764 : vector<16xi32>
      %swap3A_766 = arith.constant 0 : i32
      %swap3A_767 = arith.constant 0 : i32
      %swap3A_768 = arith.index_cast %swap3A_766 : i32 to index
      %swap3A_769 = arith.index_cast %swap3A_767 : i32 to index
      %swap3A_770 = arith.constant 0 : index
      %swap3A_771 = tpu.vector_load %arg6[%swap3A_768, %swap3A_769, %swap3A_770] {strides = array<i32>} : memref<2x2x128xi32, #tpu.memory_space<vmem>>, vector<1x1x16xi32>,
      %swap3A_772 = vector.shape_cast %swap3A_771 : vector<1x1x16xi32> to vector<16xi32>
      %swap3A_773 = vector.shape_cast %shift_right_logical3A_765 : vector<16xi32> to vector<1x1x16xi32>
      tpu.vector_store %arg6[%swap3A_768, %swap3A_769, %swap3A_770], %swap3A_773 {strides = array<i32>} : memref<2x2x128xi32, #tpu.memory_space<vmem>>, vector<1x1x16xi32>,
      %and3A_774 = arith.constant 16383 : i32
      %and3A_775 = vector.broadcast %and3A_774 : i32 to vector<16xi32>
      %and3A_776 = arith.andi %get3A_762, %and3A_775 : vector<16xi32>
      %swap3A_777 = arith.constant 0 : i32
      %swap3A_778 = arith.constant 1 : i32
      %swap3A_779 = arith.index_cast %swap3A_777 : i32 to index
      %swap3A_780 = arith.index_cast %swap3A_778 : i32 to index
      %swap3A_781 = arith.constant 0 : index
      %swap3A_782 = tpu.vector_load %arg6[%swap3A_779, %swap3A_780, %swap3A_781] {strides = array<i32>} : memref<2x2x128xi32, #tpu.memory_space<vmem>>, vector<1x1x16xi32>,
      %swap3A_783 = vector.shape_cast %swap3A_782 : vector<1x1x16xi32> to vector<16xi32>
      %swap3A_784 = vector.shape_cast %and3A_776 : vector<16xi32> to vector<1x1x16xi32>
      tpu.vector_store %arg6[%swap3A_779, %swap3A_780, %swap3A_781], %swap3A_784 {strides = array<i32>} : memref<2x2x128xi32, #tpu.memory_space<vmem>>, vector<1x1x16xi32>,
      %get3A_785 = arith.index_cast %add3A_758 : i32 to index
      %get3A_786 = arith.constant 16 : index
      %get3A_787 = tpu.vector_load %arg5[%get3A_785, %get3A_786] {strides = array<i32>} : memref<80x128xi32, #tpu.memory_space<vmem>>, vector<1x16xi32>,
      %get3A_788 = vector.shape_cast %get3A_787 : vector<1x16xi32> to vector<16xi32>
      %shift_right_logical3A_789 = arith.constant 14 : i32
      %shift_right_logical3A_790 = vector.broadcast %shift_right_logical3A_789 : i32 to vector<16xi32>
      %shift_right_logical3A_791 = arith.shrui %get3A_788, %shift_right_logical3A_790 : vector<16xi32>
      %swap3A_792 = arith.constant 0 : i32
      %swap3A_793 = arith.constant 0 : i32
      %swap3A_794 = arith.index_cast %swap3A_792 : i32 to index
      %swap3A_795 = arith.index_cast %swap3A_793 : i32 to index
      %swap3A_796 = arith.constant 16 : index
      %swap3A_797 = tpu.vector_load %arg6[%swap3A_794, %swap3A_795, %swap3A_796] {strides = array<i32>} : memref<2x2x128xi32, #tpu.memory_space<vmem>>, vector<1x1x16xi32>,
      %swap3A_798 = vector.shape_cast %swap3A_797 : vector<1x1x16xi32> to vector<16xi32>
      %swap3A_799 = vector.shape_cast %shift_right_logical3A_791 : vector<16xi32> to vector<1x1x16xi32>
      tpu.vector_store %arg6[%swap3A_794, %swap3A_795, %swap3A_796], %swap3A_799 {strides = array<i32>} : memref<2x2x128xi32, #tpu.memory_space<vmem>>, vector<1x1x16xi32>,
      %and3A_800 = arith.constant 16383 : i32
      %and3A_801 = vector.broadcast %and3A_800 : i32 to vector<16xi32>
      %and3A_802 = arith.andi %get3A_788, %and3A_801 : vector<16xi32>
      %swap3A_803 = arith.constant 0 : i32
      %swap3A_804 = arith.constant 1 : i32
      %swap3A_805 = arith.index_cast %swap3A_803 : i32 to index
      %swap3A_806 = arith.index_cast %swap3A_804 : i32 to index
      %swap3A_807 = arith.constant 16 : index
      %swap3A_808 = tpu.vector_load %arg6[%swap3A_805, %swap3A_806, %swap3A_807] {strides = array<i32>} : memref<2x2x128xi32, #tpu.memory_space<vmem>>, vector<1x1x16xi32>,
      %swap3A_809 = vector.shape_cast %swap3A_808 : vector<1x1x16xi32> to vector<16xi32>
      %swap3A_810 = vector.shape_cast %and3A_802 : vector<16xi32> to vector<1x1x16xi32>
      tpu.vector_store %arg6[%swap3A_805, %swap3A_806, %swap3A_807], %swap3A_810 {strides = array<i32>} : memref<2x2x128xi32, #tpu.memory_space<vmem>>, vector<1x1x16xi32>,
      %get3A_811 = arith.index_cast %add3A_758 : i32 to index
      %get3A_812 = arith.constant 32 : index
      %get3A_813 = tpu.vector_load %arg5[%get3A_811, %get3A_812] {strides = array<i32>} : memref<80x128xi32, #tpu.memory_space<vmem>>, vector<1x16xi32>,
      %get3A_814 = vector.shape_cast %get3A_813 : vector<1x16xi32> to vector<16xi32>
      %shift_right_logical3A_815 = arith.constant 14 : i32
      %shift_right_logical3A_816 = vector.broadcast %shift_right_logical3A_815 : i32 to vector<16xi32>
      %shift_right_logical3A_817 = arith.shrui %get3A_814, %shift_right_logical3A_816 : vector<16xi32>
      %swap3A_818 = arith.constant 0 : i32
      %swap3A_819 = arith.constant 0 : i32
      %swap3A_820 = arith.index_cast %swap3A_818 : i32 to index
      %swap3A_821 = arith.index_cast %swap3A_819 : i32 to index
      %swap3A_822 = arith.constant 32 : index
      %swap3A_823 = tpu.vector_load %arg6[%swap3A_820, %swap3A_821, %swap3A_822] {strides = array<i32>} : memref<2x2x128xi32, #tpu.memory_space<vmem>>, vector<1x1x16xi32>,
      %swap3A_824 = vector.shape_cast %swap3A_823 : vector<1x1x16xi32> to vector<16xi32>
      %swap3A_825 = vector.shape_cast %shift_right_logical3A_817 : vector<16xi32> to vector<1x1x16xi32>
      tpu.vector_store %arg6[%swap3A_820, %swap3A_821, %swap3A_822], %swap3A_825 {strides = array<i32>} : memref<2x2x128xi32, #tpu.memory_space<vmem>>, vector<1x1x16xi32>,
      %and3A_826 = arith.constant 16383 : i32
      %and3A_827 = vector.broadcast %and3A_826 : i32 to vector<16xi32>
      %and3A_828 = arith.andi %get3A_814, %and3A_827 : vector<16xi32>
      %swap3A_829 = arith.constant 0 : i32
      %swap3A_830 = arith.constant 1 : i32
      %swap3A_831 = arith.index_cast %swap3A_829 : i32 to index
      %swap3A_832 = arith.index_cast %swap3A_830 : i32 to index
      %swap3A_833 = arith.constant 32 : index
      %swap3A_834 = tpu.vector_load %arg6[%swap3A_831, %swap3A_832, %swap3A_833] {strides = array<i32>} : memref<2x2x128xi32, #tpu.memory_space<vmem>>, vector<1x1x16xi32>,
      %swap3A_835 = vector.shape_cast %swap3A_834 : vector<1x1x16xi32> to vector<16xi32>
      %swap3A_836 = vector.shape_cast %and3A_828 : vector<16xi32> to vector<1x1x16xi32>
      tpu.vector_store %arg6[%swap3A_831, %swap3A_832, %swap3A_833], %swap3A_836 {strides = array<i32>} : memref<2x2x128xi32, #tpu.memory_space<vmem>>, vector<1x1x16xi32>,
      %get3A_837 = arith.index_cast %add3A_758 : i32 to index
      %get3A_838 = arith.constant 48 : index
      %get3A_839 = tpu.vector_load %arg5[%get3A_837, %get3A_838] {strides = array<i32>} : memref<80x128xi32, #tpu.memory_space<vmem>>, vector<1x16xi32>,
      %get3A_840 = vector.shape_cast %get3A_839 : vector<1x16xi32> to vector<16xi32>
      %shift_right_logical3A_841 = arith.constant 14 : i32
      %shift_right_logical3A_842 = vector.broadcast %shift_right_logical3A_841 : i32 to vector<16xi32>
      %shift_right_logical3A_843 = arith.shrui %get3A_840, %shift_right_logical3A_842 : vector<16xi32>
      %swap3A_844 = arith.constant 0 : i32
      %swap3A_845 = arith.constant 0 : i32
      %swap3A_846 = arith.index_cast %swap3A_844 : i32 to index
      %swap3A_847 = arith.index_cast %swap3A_845 : i32 to index
      %swap3A_848 = arith.constant 48 : index
      %swap3A_849 = tpu.vector_load %arg6[%swap3A_846, %swap3A_847, %swap3A_848] {strides = array<i32>} : memref<2x2x128xi32, #tpu.memory_space<vmem>>, vector<1x1x16xi32>,
      %swap3A_850 = vector.shape_cast %swap3A_849 : vector<1x1x16xi32> to vector<16xi32>
      %swap3A_851 = vector.shape_cast %shift_right_logical3A_843 : vector<16xi32> to vector<1x1x16xi32>
      tpu.vector_store %arg6[%swap3A_846, %swap3A_847, %swap3A_848], %swap3A_851 {strides = array<i32>} : memref<2x2x128xi32, #tpu.memory_space<vmem>>, vector<1x1x16xi32>,
      %and3A_852 = arith.constant 16383 : i32
      %and3A_853 = vector.broadcast %and3A_852 : i32 to vector<16xi32>
      %and3A_854 = arith.andi %get3A_840, %and3A_853 : vector<16xi32>
      %swap3A_855 = arith.constant 0 : i32
      %swap3A_856 = arith.constant 1 : i32
      %swap3A_857 = arith.index_cast %swap3A_855 : i32 to index
      %swap3A_858 = arith.index_cast %swap3A_856 : i32 to index
      %swap3A_859 = arith.constant 48 : index
      %swap3A_860 = tpu.vector_load %arg6[%swap3A_857, %swap3A_858, %swap3A_859] {strides = array<i32>} : memref<2x2x128xi32, #tpu.memory_space<vmem>>, vector<1x1x16xi32>,
      %swap3A_861 = vector.shape_cast %swap3A_860 : vector<1x1x16xi32> to vector<16xi32>
      %swap3A_862 = vector.shape_cast %and3A_854 : vector<16xi32> to vector<1x1x16xi32>
      tpu.vector_store %arg6[%swap3A_857, %swap3A_858, %swap3A_859], %swap3A_862 {strides = array<i32>} : memref<2x2x128xi32, #tpu.memory_space<vmem>>, vector<1x1x16xi32>,
      %get3A_863 = arith.index_cast %add3A_758 : i32 to index
      %get3A_864 = arith.constant 64 : index
      %get3A_865 = tpu.vector_load %arg5[%get3A_863, %get3A_864] {strides = array<i32>} : memref<80x128xi32, #tpu.memory_space<vmem>>, vector<1x16xi32>,
      %get3A_866 = vector.shape_cast %get3A_865 : vector<1x16xi32> to vector<16xi32>
      %shift_right_logical3A_867 = arith.constant 14 : i32
      %shift_right_logical3A_868 = vector.broadcast %shift_right_logical3A_867 : i32 to vector<16xi32>
      %shift_right_logical3A_869 = arith.shrui %get3A_866, %shift_right_logical3A_868 : vector<16xi32>
      %swap3A_870 = arith.constant 0 : i32
      %swap3A_871 = arith.constant 0 : i32
      %swap3A_872 = arith.index_cast %swap3A_870 : i32 to index
      %swap3A_873 = arith.index_cast %swap3A_871 : i32 to index
      %swap3A_874 = arith.constant 64 : index
      %swap3A_875 = tpu.vector_load %arg6[%swap3A_872, %swap3A_873, %swap3A_874] {strides = array<i32>} : memref<2x2x128xi32, #tpu.memory_space<vmem>>, vector<1x1x16xi32>,
      %swap3A_876 = vector.shape_cast %swap3A_875 : vector<1x1x16xi32> to vector<16xi32>
      %swap3A_877 = vector.shape_cast %shift_right_logical3A_869 : vector<16xi32> to vector<1x1x16xi32>
      tpu.vector_store %arg6[%swap3A_872, %swap3A_873, %swap3A_874], %swap3A_877 {strides = array<i32>} : memref<2x2x128xi32, #tpu.memory_space<vmem>>, vector<1x1x16xi32>,
      %and3A_878 = arith.constant 16383 : i32
      %and3A_879 = vector.broadcast %and3A_878 : i32 to vector<16xi32>
      %and3A_880 = arith.andi %get3A_866, %and3A_879 : vector<16xi32>
      %swap3A_881 = arith.constant 0 : i32
      %swap3A_882 = arith.constant 1 : i32
      %swap3A_883 = arith.index_cast %swap3A_881 : i32 to index
      %swap3A_884 = arith.index_cast %swap3A_882 : i32 to index
      %swap3A_885 = arith.constant 64 : index
      %swap3A_886 = tpu.vector_load %arg6[%swap3A_883, %swap3A_884, %swap3A_885] {strides = array<i32>} : memref<2x2x128xi32, #tpu.memory_space<vmem>>, vector<1x1x16xi32>,
      %swap3A_887 = vector.shape_cast %swap3A_886 : vector<1x1x16xi32> to vector<16xi32>
      %swap3A_888 = vector.shape_cast %and3A_880 : vector<16xi32> to vector<1x1x16xi32>
      tpu.vector_store %arg6[%swap3A_883, %swap3A_884, %swap3A_885], %swap3A_888 {strides = array<i32>} : memref<2x2x128xi32, #tpu.memory_space<vmem>>, vector<1x1x16xi32>,
      %get3A_889 = arith.index_cast %add3A_758 : i32 to index
      %get3A_890 = arith.constant 80 : index
      %get3A_891 = tpu.vector_load %arg5[%get3A_889, %get3A_890] {strides = array<i32>} : memref<80x128xi32, #tpu.memory_space<vmem>>, vector<1x16xi32>,
      %get3A_892 = vector.shape_cast %get3A_891 : vector<1x16xi32> to vector<16xi32>
      %shift_right_logical3A_893 = arith.constant 14 : i32
      %shift_right_logical3A_894 = vector.broadcast %shift_right_logical3A_893 : i32 to vector<16xi32>
      %shift_right_logical3A_895 = arith.shrui %get3A_892, %shift_right_logical3A_894 : vector<16xi32>
      %swap3A_896 = arith.constant 0 : i32
      %swap3A_897 = arith.constant 0 : i32
      %swap3A_898 = arith.index_cast %swap3A_896 : i32 to index
      %swap3A_899 = arith.index_cast %swap3A_897 : i32 to index
      %swap3A_900 = arith.constant 80 : index
      %swap3A_901 = tpu.vector_load %arg6[%swap3A_898, %swap3A_899, %swap3A_900] {strides = array<i32>} : memref<2x2x128xi32, #tpu.memory_space<vmem>>, vector<1x1x16xi32>,
      %swap3A_902 = vector.shape_cast %swap3A_901 : vector<1x1x16xi32> to vector<16xi32>
      %swap3A_903 = vector.shape_cast %shift_right_logical3A_895 : vector<16xi32> to vector<1x1x16xi32>
      tpu.vector_store %arg6[%swap3A_898, %swap3A_899, %swap3A_900], %swap3A_903 {strides = array<i32>} : memref<2x2x128xi32, #tpu.memory_space<vmem>>, vector<1x1x16xi32>,
      %and3A_904 = arith.constant 16383 : i32
      %and3A_905 = vector.broadcast %and3A_904 : i32 to vector<16xi32>
      %and3A_906 = arith.andi %get3A_892, %and3A_905 : vector<16xi32>
      %swap3A_907 = arith.constant 0 : i32
      %swap3A_908 = arith.constant 1 : i32
      %swap3A_909 = arith.index_cast %swap3A_907 : i32 to index
      %swap3A_910 = arith.index_cast %swap3A_908 : i32 to index
      %swap3A_911 = arith.constant 80 : index
      %swap3A_912 = tpu.vector_load %arg6[%swap3A_909, %swap3A_910, %swap3A_911] {strides = array<i32>} : memref<2x2x128xi32, #tpu.memory_space<vmem>>, vector<1x1x16xi32>,
      %swap3A_913 = vector.shape_cast %swap3A_912 : vector<1x1x16xi32> to vector<16xi32>
      %swap3A_914 = vector.shape_cast %and3A_906 : vector<16xi32> to vector<1x1x16xi32>
      tpu.vector_store %arg6[%swap3A_909, %swap3A_910, %swap3A_911], %swap3A_914 {strides = array<i32>} : memref<2x2x128xi32, #tpu.memory_space<vmem>>, vector<1x1x16xi32>,
      %get3A_915 = arith.index_cast %add3A_758 : i32 to index
      %get3A_916 = arith.constant 96 : index
      %get3A_917 = tpu.vector_load %arg5[%get3A_915, %get3A_916] {strides = array<i32>} : memref<80x128xi32, #tpu.memory_space<vmem>>, vector<1x16xi32>,
      %get3A_918 = vector.shape_cast %get3A_917 : vector<1x16xi32> to vector<16xi32>
      %shift_right_logical3A_919 = arith.constant 14 : i32
      %shift_right_logical3A_920 = vector.broadcast %shift_right_logical3A_919 : i32 to vector<16xi32>
      %shift_right_logical3A_921 = arith.shrui %get3A_918, %shift_right_logical3A_920 : vector<16xi32>
      %swap3A_922 = arith.constant 0 : i32
      %swap3A_923 = arith.constant 0 : i32
      %swap3A_924 = arith.index_cast %swap3A_922 : i32 to index
      %swap3A_925 = arith.index_cast %swap3A_923 : i32 to index
      %swap3A_926 = arith.constant 96 : index
      %swap3A_927 = tpu.vector_load %arg6[%swap3A_924, %swap3A_925, %swap3A_926] {strides = array<i32>} : memref<2x2x128xi32, #tpu.memory_space<vmem>>, vector<1x1x16xi32>,
      %swap3A_928 = vector.shape_cast %swap3A_927 : vector<1x1x16xi32> to vector<16xi32>
      %swap3A_929 = vector.shape_cast %shift_right_logical3A_921 : vector<16xi32> to vector<1x1x16xi32>
      tpu.vector_store %arg6[%swap3A_924, %swap3A_925, %swap3A_926], %swap3A_929 {strides = array<i32>} : memref<2x2x128xi32, #tpu.memory_space<vmem>>, vector<1x1x16xi32>,
      %and3A_930 = arith.constant 16383 : i32
      %and3A_931 = vector.broadcast %and3A_930 : i32 to vector<16xi32>
      %and3A_932 = arith.andi %get3A_918, %and3A_931 : vector<16xi32>
      %swap3A_933 = arith.constant 0 : i32
      %swap3A_934 = arith.constant 1 : i32
      %swap3A_935 = arith.index_cast %swap3A_933 : i32 to index
      %swap3A_936 = arith.index_cast %swap3A_934 : i32 to index
      %swap3A_937 = arith.constant 96 : index
      %swap3A_938 = tpu.vector_load %arg6[%swap3A_935, %swap3A_936, %swap3A_937] {strides = array<i32>} : memref<2x2x128xi32, #tpu.memory_space<vmem>>, vector<1x1x16xi32>,
      %swap3A_939 = vector.shape_cast %swap3A_938 : vector<1x1x16xi32> to vector<16xi32>
      %swap3A_940 = vector.shape_cast %and3A_932 : vector<16xi32> to vector<1x1x16xi32>
      tpu.vector_store %arg6[%swap3A_935, %swap3A_936, %swap3A_937], %swap3A_940 {strides = array<i32>} : memref<2x2x128xi32, #tpu.memory_space<vmem>>, vector<1x1x16xi32>,
      %get3A_941 = arith.index_cast %add3A_758 : i32 to index
      %get3A_942 = arith.constant 112 : index
      %get3A_943 = tpu.vector_load %arg5[%get3A_941, %get3A_942] {strides = array<i32>} : memref<80x128xi32, #tpu.memory_space<vmem>>, vector<1x16xi32>,
      %get3A_944 = vector.shape_cast %get3A_943 : vector<1x16xi32> to vector<16xi32>
      %shift_right_logical3A_945 = arith.constant 14 : i32
      %shift_right_logical3A_946 = vector.broadcast %shift_right_logical3A_945 : i32 to vector<16xi32>
      %shift_right_logical3A_947 = arith.shrui %get3A_944, %shift_right_logical3A_946 : vector<16xi32>
      %swap3A_948 = arith.constant 0 : i32
      %swap3A_949 = arith.constant 0 : i32
      %swap3A_950 = arith.index_cast %swap3A_948 : i32 to index
      %swap3A_951 = arith.index_cast %swap3A_949 : i32 to index
      %swap3A_952 = arith.constant 112 : index
      %swap3A_953 = tpu.vector_load %arg6[%swap3A_950, %swap3A_951, %swap3A_952] {strides = array<i32>} : memref<2x2x128xi32, #tpu.memory_space<vmem>>, vector<1x1x16xi32>,
      %swap3A_954 = vector.shape_cast %swap3A_953 : vector<1x1x16xi32> to vector<16xi32>
      %swap3A_955 = vector.shape_cast %shift_right_logical3A_947 : vector<16xi32> to vector<1x1x16xi32>
      tpu.vector_store %arg6[%swap3A_950, %swap3A_951, %swap3A_952], %swap3A_955 {strides = array<i32>} : memref<2x2x128xi32, #tpu.memory_space<vmem>>, vector<1x1x16xi32>,
      %and3A_956 = arith.constant 16383 : i32
      %and3A_957 = vector.broadcast %and3A_956 : i32 to vector<16xi32>
      %and3A_958 = arith.andi %get3A_944, %and3A_957 : vector<16xi32>
      %swap3A_959 = arith.constant 0 : i32
      %swap3A_960 = arith.constant 1 : i32
      %swap3A_961 = arith.index_cast %swap3A_959 : i32 to index
      %swap3A_962 = arith.index_cast %swap3A_960 : i32 to index
      %swap3A_963 = arith.constant 112 : index
      %swap3A_964 = tpu.vector_load %arg6[%swap3A_961, %swap3A_962, %swap3A_963] {strides = array<i32>} : memref<2x2x128xi32, #tpu.memory_space<vmem>>, vector<1x1x16xi32>,
      %swap3A_965 = vector.shape_cast %swap3A_964 : vector<1x1x16xi32> to vector<16xi32>
      %swap3A_966 = vector.shape_cast %and3A_958 : vector<16xi32> to vector<1x1x16xi32>
      tpu.vector_store %arg6[%swap3A_961, %swap3A_962, %swap3A_963], %swap3A_966 {strides = array<i32>} : memref<2x2x128xi32, #tpu.memory_space<vmem>>, vector<1x1x16xi32>,
      %dma_start3A_967 = arith.constant 0 : i32
      %dma_start3A_968 = arith.constant 0 : i32
      %dma_start3A_969 = arith.constant 0 : i32
      %dma_start3A_970 = arith.constant 0 : i32
      %dma_start3A_971 = arith.constant 0 : i32
      %dma_start3A_972 = tpu.memref_slice %arg7[%dma_start3A_969, %dma_start3A_970, %dma_start3A_971] : memref<2x128x128xf32, #tpu.memory_space<vmem>> -> memref<1x32x128xf32, #tpu.memory_space<vmem>>
      %dma_start3A_973 = tpu.memref_squeeze %dma_start3A_972 : memref<1x32x128xf32, #tpu.memory_space<vmem>> -> memref<32x128xf32, #tpu.memory_space<vmem>>
      %dma_start3A_974 = arith.constant 0 : i32
      %dma_start3A_975 = tpu.memref_slice %arg6[%dma_start3A_967, %dma_start3A_968, %dma_start3A_974] : memref<2x2x128xi32, #tpu.memory_space<vmem>> -> memref<1x1x32xi32, #tpu.memory_space<vmem>>
      %dma_start3A_976 = tpu.memref_squeeze %dma_start3A_975 : memref<1x1x32xi32, #tpu.memory_space<vmem>> -> memref<32xi32, #tpu.memory_space<vmem>>
      %dma_start3A_977 = arith.constant 0 : i32
      %dma_start3A_978 = arith.constant 0 : i32
      %dma_start3A_979 = tpu.memref_slice %arg2[%dma_start3A_977, %dma_start3A_978] : memref<10000x128xf32, #tpu.memory_space<hbm>> -> memref<10000x128xf32, #tpu.memory_space<hbm>>
      tpu.enqueue_indirect_dma source(%dma_start3A_979 : memref<10000x128xf32, #tpu.memory_space<hbm>>) target(%dma_start3A_973 : memref<32x128xf32, #tpu.memory_space<vmem>>) offsets(%dma_start3A_976 : memref<32xi32, #tpu.memory_space<vmem>>) semaphore(%arg10 : memref<!tpu.dma_semaphore, #tpu.memory_space<semaphore_mem>>)
      %dma_start3A_980 = arith.constant 0 : i32
      %dma_start3A_981 = arith.constant 0 : i32
      %dma_start3A_982 = arith.constant 0 : i32
      %dma_start3A_983 = arith.constant 32 : i32
      %dma_start3A_984 = arith.constant 0 : i32
      %dma_start3A_985 = tpu.memref_slice %arg7[%dma_start3A_982, %dma_start3A_983, %dma_start3A_984] : memref<2x128x128xf32, #tpu.memory_space<vmem>> -> memref<1x32x128xf32, #tpu.memory_space<vmem>>
      %dma_start3A_986 = tpu.memref_squeeze %dma_start3A_985 : memref<1x32x128xf32, #tpu.memory_space<vmem>> -> memref<32x128xf32, #tpu.memory_space<vmem>>
      %dma_start3A_987 = arith.constant 32 : i32
      %dma_start3A_988 = tpu.memref_slice %arg6[%dma_start3A_980, %dma_start3A_981, %dma_start3A_987] : memref<2x2x128xi32, #tpu.memory_space<vmem>> -> memref<1x1x32xi32, #tpu.memory_space<vmem>>
      %dma_start3A_989 = tpu.memref_squeeze %dma_start3A_988 : memref<1x1x32xi32, #tpu.memory_space<vmem>> -> memref<32xi32, #tpu.memory_space<vmem>>
      %dma_start3A_990 = arith.constant 0 : i32
      %dma_start3A_991 = arith.constant 0 : i32
      %dma_start3A_992 = tpu.memref_slice %arg2[%dma_start3A_990, %dma_start3A_991] : memref<10000x128xf32, #tpu.memory_space<hbm>> -> memref<10000x128xf32, #tpu.memory_space<hbm>>
      tpu.enqueue_indirect_dma source(%dma_start3A_992 : memref<10000x128xf32, #tpu.memory_space<hbm>>) target(%dma_start3A_986 : memref<32x128xf32, #tpu.memory_space<vmem>>) offsets(%dma_start3A_989 : memref<32xi32, #tpu.memory_space<vmem>>) semaphore(%arg10 : memref<!tpu.dma_semaphore, #tpu.memory_space<semaphore_mem>>)
      %dma_start3A_993 = arith.constant 0 : i32
      %dma_start3A_994 = arith.constant 0 : i32
      %dma_start3A_995 = arith.constant 0 : i32
      %dma_start3A_996 = arith.constant 64 : i32
      %dma_start3A_997 = arith.constant 0 : i32
      %dma_start3A_998 = tpu.memref_slice %arg7[%dma_start3A_995, %dma_start3A_996, %dma_start3A_997] : memref<2x128x128xf32, #tpu.memory_space<vmem>> -> memref<1x32x128xf32, #tpu.memory_space<vmem>>
      %dma_start3A_999 = tpu.memref_squeeze %dma_start3A_998 : memref<1x32x128xf32, #tpu.memory_space<vmem>> -> memref<32x128xf32, #tpu.memory_space<vmem>>
      %dma_start3A_1000 = arith.constant 64 : i32
      %dma_start3A_1001 = tpu.memref_slice %arg6[%dma_start3A_993, %dma_start3A_994, %dma_start3A_1000] : memref<2x2x128xi32, #tpu.memory_space<vmem>> -> memref<1x1x32xi32, #tpu.memory_space<vmem>>
      %dma_start3A_1002 = tpu.memref_squeeze %dma_start3A_1001 : memref<1x1x32xi32, #tpu.memory_space<vmem>> -> memref<32xi32, #tpu.memory_space<vmem>>
      %dma_start3A_1003 = arith.constant 0 : i32
      %dma_start3A_1004 = arith.constant 0 : i32
      %dma_start3A_1005 = tpu.memref_slice %arg2[%dma_start3A_1003, %dma_start3A_1004] : memref<10000x128xf32, #tpu.memory_space<hbm>> -> memref<10000x128xf32, #tpu.memory_space<hbm>>
      tpu.enqueue_indirect_dma source(%dma_start3A_1005 : memref<10000x128xf32, #tpu.memory_space<hbm>>) target(%dma_start3A_999 : memref<32x128xf32, #tpu.memory_space<vmem>>) offsets(%dma_start3A_1002 : memref<32xi32, #tpu.memory_space<vmem>>) semaphore(%arg10 : memref<!tpu.dma_semaphore, #tpu.memory_space<semaphore_mem>>)
      %dma_start3A_1006 = arith.constant 0 : i32
      %dma_start3A_1007 = arith.constant 0 : i32
      %dma_start3A_1008 = arith.constant 0 : i32
      %dma_start3A_1009 = arith.constant 96 : i32
      %dma_start3A_1010 = arith.constant 0 : i32
      %dma_start3A_1011 = tpu.memref_slice %arg7[%dma_start3A_1008, %dma_start3A_1009, %dma_start3A_1010] : memref<2x128x128xf32, #tpu.memory_space<vmem>> -> memref<1x32x128xf32, #tpu.memory_space<vmem>>
      %dma_start3A_1012 = tpu.memref_squeeze %dma_start3A_1011 : memref<1x32x128xf32, #tpu.memory_space<vmem>> -> memref<32x128xf32, #tpu.memory_space<vmem>>
      %dma_start3A_1013 = arith.constant 96 : i32
      %dma_start3A_1014 = tpu.memref_slice %arg6[%dma_start3A_1006, %dma_start3A_1007, %dma_start3A_1013] : memref<2x2x128xi32, #tpu.memory_space<vmem>> -> memref<1x1x32xi32, #tpu.memory_space<vmem>>
      %dma_start3A_1015 = tpu.memref_squeeze %dma_start3A_1014 : memref<1x1x32xi32, #tpu.memory_space<vmem>> -> memref<32xi32, #tpu.memory_space<vmem>>
      %dma_start3A_1016 = arith.constant 0 : i32
      %dma_start3A_1017 = arith.constant 0 : i32
      %dma_start3A_1018 = tpu.memref_slice %arg2[%dma_start3A_1016, %dma_start3A_1017] : memref<10000x128xf32, #tpu.memory_space<hbm>> -> memref<10000x128xf32, #tpu.memory_space<hbm>>
      tpu.enqueue_indirect_dma source(%dma_start3A_1018 : memref<10000x128xf32, #tpu.memory_space<hbm>>) target(%dma_start3A_1012 : memref<32x128xf32, #tpu.memory_space<vmem>>) offsets(%dma_start3A_1015 : memref<32xi32, #tpu.memory_space<vmem>>) semaphore(%arg10 : memref<!tpu.dma_semaphore, #tpu.memory_space<semaphore_mem>>)
      %mul3A_1019 = arith.constant 2 : i32
      %mul3A_1020 = arith.muli %scan3A_697, %mul3A_1019 : i32
      %add3A_1021 = arith.constant 1 : i32
      %add3A_1022 = arith.addi %mul3A_1020, %add3A_1021 : i32
      %dma_wait3A_1023 = arith.constant 1 : i32
      %dma_wait3A_1024 = arith.constant 0 : i32
      %dma_wait3A_1025 = arith.constant 1 : i32
      %dma_wait3A_1026 = arith.constant 0 : i32
      %dma_wait3A_1027 = arith.constant 0 : i32
      %dma_wait3A_1028 = tpu.memref_slice %arg7[%dma_wait3A_1025, %dma_wait3A_1026, %dma_wait3A_1027] : memref<2x128x128xf32, #tpu.memory_space<vmem>> -> memref<1x32x128xf32, #tpu.memory_space<vmem>>
      %dma_wait3A_1029 = tpu.memref_squeeze %dma_wait3A_1028 : memref<1x32x128xf32, #tpu.memory_space<vmem>> -> memref<32x128xf32, #tpu.memory_space<vmem>>
      %dma_wait3A_1030 = arith.constant 0 : i32
      %dma_wait3A_1031 = tpu.memref_slice %arg6[%dma_wait3A_1023, %dma_wait3A_1024, %dma_wait3A_1030] : memref<2x2x128xi32, #tpu.memory_space<vmem>> -> memref<1x1x32xi32, #tpu.memory_space<vmem>>
      %dma_wait3A_1032 = tpu.memref_squeeze %dma_wait3A_1031 : memref<1x1x32xi32, #tpu.memory_space<vmem>> -> memref<32xi32, #tpu.memory_space<vmem>>
      %dma_wait3A_1033 = arith.constant 0 : i32
      %dma_wait3A_1034 = arith.constant 0 : i32
      %dma_wait3A_1035 = tpu.memref_slice %arg2[%dma_wait3A_1033, %dma_wait3A_1034] : memref<10000x128xf32, #tpu.memory_space<hbm>> -> memref<10000x128xf32, #tpu.memory_space<hbm>>
      tpu.wait_indirect_dma semaphore(%arg10 : memref<!tpu.dma_semaphore, #tpu.memory_space<semaphore_mem>>) src(%dma_wait3A_1035 : memref<10000x128xf32, #tpu.memory_space<hbm>>) dst(%dma_wait3A_1029 : memref<32x128xf32, #tpu.memory_space<vmem>>)
      %dma_wait3A_1036 = arith.constant 1 : i32
      %dma_wait3A_1037 = arith.constant 0 : i32
      %dma_wait3A_1038 = arith.constant 1 : i32
      %dma_wait3A_1039 = arith.constant 32 : i32
      %dma_wait3A_1040 = arith.constant 0 : i32
      %dma_wait3A_1041 = tpu.memref_slice %arg7[%dma_wait3A_1038, %dma_wait3A_1039, %dma_wait3A_1040] : memref<2x128x128xf32, #tpu.memory_space<vmem>> -> memref<1x32x128xf32, #tpu.memory_space<vmem>>
      %dma_wait3A_1042 = tpu.memref_squeeze %dma_wait3A_1041 : memref<1x32x128xf32, #tpu.memory_space<vmem>> -> memref<32x128xf32, #tpu.memory_space<vmem>>
      %dma_wait3A_1043 = arith.constant 32 : i32
      %dma_wait3A_1044 = tpu.memref_slice %arg6[%dma_wait3A_1036, %dma_wait3A_1037, %dma_wait3A_1043] : memref<2x2x128xi32, #tpu.memory_space<vmem>> -> memref<1x1x32xi32, #tpu.memory_space<vmem>>
      %dma_wait3A_1045 = tpu.memref_squeeze %dma_wait3A_1044 : memref<1x1x32xi32, #tpu.memory_space<vmem>> -> memref<32xi32, #tpu.memory_space<vmem>>
      %dma_wait3A_1046 = arith.constant 0 : i32
      %dma_wait3A_1047 = arith.constant 0 : i32
      %dma_wait3A_1048 = tpu.memref_slice %arg2[%dma_wait3A_1046, %dma_wait3A_1047] : memref<10000x128xf32, #tpu.memory_space<hbm>> -> memref<10000x128xf32, #tpu.memory_space<hbm>>
      tpu.wait_indirect_dma semaphore(%arg10 : memref<!tpu.dma_semaphore, #tpu.memory_space<semaphore_mem>>) src(%dma_wait3A_1048 : memref<10000x128xf32, #tpu.memory_space<hbm>>) dst(%dma_wait3A_1042 : memref<32x128xf32, #tpu.memory_space<vmem>>)
      %dma_wait3A_1049 = arith.constant 1 : i32
      %dma_wait3A_1050 = arith.constant 0 : i32
      %dma_wait3A_1051 = arith.constant 1 : i32
      %dma_wait3A_1052 = arith.constant 64 : i32
      %dma_wait3A_1053 = arith.constant 0 : i32
      %dma_wait3A_1054 = tpu.memref_slice %arg7[%dma_wait3A_1051, %dma_wait3A_1052, %dma_wait3A_1053] : memref<2x128x128xf32, #tpu.memory_space<vmem>> -> memref<1x32x128xf32, #tpu.memory_space<vmem>>
      %dma_wait3A_1055 = tpu.memref_squeeze %dma_wait3A_1054 : memref<1x32x128xf32, #tpu.memory_space<vmem>> -> memref<32x128xf32, #tpu.memory_space<vmem>>
      %dma_wait3A_1056 = arith.constant 64 : i32
      %dma_wait3A_1057 = tpu.memref_slice %arg6[%dma_wait3A_1049, %dma_wait3A_1050, %dma_wait3A_1056] : memref<2x2x128xi32, #tpu.memory_space<vmem>> -> memref<1x1x32xi32, #tpu.memory_space<vmem>>
      %dma_wait3A_1058 = tpu.memref_squeeze %dma_wait3A_1057 : memref<1x1x32xi32, #tpu.memory_space<vmem>> -> memref<32xi32, #tpu.memory_space<vmem>>
      %dma_wait3A_1059 = arith.constant 0 : i32
      %dma_wait3A_1060 = arith.constant 0 : i32
      %dma_wait3A_1061 = tpu.memref_slice %arg2[%dma_wait3A_1059, %dma_wait3A_1060] : memref<10000x128xf32, #tpu.memory_space<hbm>> -> memref<10000x128xf32, #tpu.memory_space<hbm>>
      tpu.wait_indirect_dma semaphore(%arg10 : memref<!tpu.dma_semaphore, #tpu.memory_space<semaphore_mem>>) src(%dma_wait3A_1061 : memref<10000x128xf32, #tpu.memory_space<hbm>>) dst(%dma_wait3A_1055 : memref<32x128xf32, #tpu.memory_space<vmem>>)
      %dma_wait3A_1062 = arith.constant 1 : i32
      %dma_wait3A_1063 = arith.constant 0 : i32
      %dma_wait3A_1064 = arith.constant 1 : i32
      %dma_wait3A_1065 = arith.constant 96 : i32
      %dma_wait3A_1066 = arith.constant 0 : i32
      %dma_wait3A_1067 = tpu.memref_slice %arg7[%dma_wait3A_1064, %dma_wait3A_1065, %dma_wait3A_1066] : memref<2x128x128xf32, #tpu.memory_space<vmem>> -> memref<1x32x128xf32, #tpu.memory_space<vmem>>
      %dma_wait3A_1068 = tpu.memref_squeeze %dma_wait3A_1067 : memref<1x32x128xf32, #tpu.memory_space<vmem>> -> memref<32x128xf32, #tpu.memory_space<vmem>>
      %dma_wait3A_1069 = arith.constant 96 : i32
      %dma_wait3A_1070 = tpu.memref_slice %arg6[%dma_wait3A_1062, %dma_wait3A_1063, %dma_wait3A_1069] : memref<2x2x128xi32, #tpu.memory_space<vmem>> -> memref<1x1x32xi32, #tpu.memory_space<vmem>>
      %dma_wait3A_1071 = tpu.memref_squeeze %dma_wait3A_1070 : memref<1x1x32xi32, #tpu.memory_space<vmem>> -> memref<32xi32, #tpu.memory_space<vmem>>
      %dma_wait3A_1072 = arith.constant 0 : i32
      %dma_wait3A_1073 = arith.constant 0 : i32
      %dma_wait3A_1074 = tpu.memref_slice %arg2[%dma_wait3A_1072, %dma_wait3A_1073] : memref<10000x128xf32, #tpu.memory_space<hbm>> -> memref<10000x128xf32, #tpu.memory_space<hbm>>
      tpu.wait_indirect_dma semaphore(%arg10 : memref<!tpu.dma_semaphore, #tpu.memory_space<semaphore_mem>>) src(%dma_wait3A_1074 : memref<10000x128xf32, #tpu.memory_space<hbm>>) dst(%dma_wait3A_1068 : memref<32x128xf32, #tpu.memory_space<vmem>>)
      %run_scoped3A_1075 = arith.constant 1 : i32
      %run_scoped3A_1076 = arith.constant 1 : i32
      %run_scoped3A_1077 = arith.constant 1 : i32
      "tpu.region"() ({
        %run_scoped3A_1340 = tpu.sem_alloc : memref<!tpu.dma_semaphore, #tpu.memory_space<semaphore_mem>>
        %dma_start3A_1341 = arith.constant 0 : i32
        %dma_start3A_1342 = arith.constant 0 : i32
        %dma_start3A_1343 = tpu.memref_slice %arg7[%run_scoped3A_1075, %dma_start3A_1341, %dma_start3A_1342] : memref<2x128x128xf32, #tpu.memory_space<vmem>> -> memref<1x128x128xf32, #tpu.memory_space<vmem>>
        %dma_start3A_1344 = tpu.memref_squeeze %dma_start3A_1343 : memref<1x128x128xf32, #tpu.memory_space<vmem>> -> memref<128x128xf32, #tpu.memory_space<vmem>>
        %dma_start3A_1345 = arith.constant 0 : i32
        %dma_start3A_1346 = tpu.memref_slice %arg6[%run_scoped3A_1076, %run_scoped3A_1077, %dma_start3A_1345] : memref<2x2x128xi32, #tpu.memory_space<vmem>> -> memref<1x1x128xi32, #tpu.memory_space<vmem>>
        %dma_start3A_1347 = tpu.memref_squeeze %dma_start3A_1346 : memref<1x1x128xi32, #tpu.memory_space<vmem>> -> memref<128xi32, #tpu.memory_space<vmem>>
        %dma_start3A_1348 = arith.constant 0 : i32
        %dma_start3A_1349 = arith.constant 0 : i32
        %dma_start3A_1350 = tpu.memref_slice %arg9[%dma_start3A_1348, %dma_start3A_1349] : memref<10240x128xf32, #tpu.memory_space<vmem_shared>> -> memref<10240x128xf32, #tpu.memory_space<vmem_shared>>
        tpu.enqueue_indirect_dma source(%dma_start3A_1344 : memref<128x128xf32, #tpu.memory_space<vmem>>) target(%dma_start3A_1350 : memref<10240x128xf32, #tpu.memory_space<vmem_shared>>) offsets(%dma_start3A_1347 : memref<128xi32, #tpu.memory_space<vmem>>) semaphore(%run_scoped3A_1340 : memref<!tpu.dma_semaphore, #tpu.memory_space<semaphore_mem>>) {add = true}
        %dma_wait3A_1351 = arith.constant 0 : i32
        %dma_wait3A_1352 = arith.constant 0 : i32
        %dma_wait3A_1353 = tpu.memref_slice %arg7[%run_scoped3A_1075, %dma_wait3A_1351, %dma_wait3A_1352] : memref<2x128x128xf32, #tpu.memory_space<vmem>> -> memref<1x128x128xf32, #tpu.memory_space<vmem>>
        %dma_wait3A_1354 = tpu.memref_squeeze %dma_wait3A_1353 : memref<1x128x128xf32, #tpu.memory_space<vmem>> -> memref<128x128xf32, #tpu.memory_space<vmem>>
        %dma_wait3A_1355 = arith.constant 0 : i32
        %dma_wait3A_1356 = tpu.memref_slice %arg6[%run_scoped3A_1076, %run_scoped3A_1077, %dma_wait3A_1355] : memref<2x2x128xi32, #tpu.memory_space<vmem>> -> memref<1x1x128xi32, #tpu.memory_space<vmem>>
        %dma_wait3A_1357 = tpu.memref_squeeze %dma_wait3A_1356 : memref<1x1x128xi32, #tpu.memory_space<vmem>> -> memref<128xi32, #tpu.memory_space<vmem>>
        %dma_wait3A_1358 = arith.constant 0 : i32
        %dma_wait3A_1359 = arith.constant 0 : i32
        %dma_wait3A_1360 = tpu.memref_slice %arg9[%dma_wait3A_1358, %dma_wait3A_1359] : memref<10240x128xf32, #tpu.memory_space<vmem_shared>> -> memref<10240x128xf32, #tpu.memory_space<vmem_shared>>
        tpu.wait_indirect_dma semaphore(%run_scoped3A_1340 : memref<!tpu.dma_semaphore, #tpu.memory_space<semaphore_mem>>) src(%dma_wait3A_1354 : memref<128x128xf32, #tpu.memory_space<vmem>>) dst(%dma_wait3A_1360 : memref<10240x128xf32, #tpu.memory_space<vmem_shared>>)
        tpu.yield
      }) : () -> ()
      %add3A_1078 = arith.constant 2 : i32
      %add3A_1079 = arith.addi %add3A_1022, %add3A_1078 : i32
      %get3A_1080 = arith.index_cast %add3A_1079 : i32 to index
      %get3A_1081 = arith.constant 0 : index
      %get3A_1082 = tpu.vector_load %arg5[%get3A_1080, %get3A_1081] {strides = array<i32>} : memref<80x128xi32, #tpu.memory_space<vmem>>, vector<1x16xi32>,
      %get3A_1083 = vector.shape_cast %get3A_1082 : vector<1x16xi32> to vector<16xi32>
      %shift_right_logical3A_1084 = arith.constant 14 : i32
      %shift_right_logical3A_1085 = vector.broadcast %shift_right_logical3A_1084 : i32 to vector<16xi32>
      %shift_right_logical3A_1086 = arith.shrui %get3A_1083, %shift_right_logical3A_1085 : vector<16xi32>
      %swap3A_1087 = arith.constant 1 : i32
      %swap3A_1088 = arith.constant 0 : i32
      %swap3A_1089 = arith.index_cast %swap3A_1087 : i32 to index
      %swap3A_1090 = arith.index_cast %swap3A_1088 : i32 to index
      %swap3A_1091 = arith.constant 0 : index
      %swap3A_1092 = tpu.vector_load %arg6[%swap3A_1089, %swap3A_1090, %swap3A_1091] {strides = array<i32>} : memref<2x2x128xi32, #tpu.memory_space<vmem>>, vector<1x1x16xi32>,
      %swap3A_1093 = vector.shape_cast %swap3A_1092 : vector<1x1x16xi32> to vector<16xi32>
      %swap3A_1094 = vector.shape_cast %shift_right_logical3A_1086 : vector<16xi32> to vector<1x1x16xi32>
      tpu.vector_store %arg6[%swap3A_1089, %swap3A_1090, %swap3A_1091], %swap3A_1094 {strides = array<i32>} : memref<2x2x128xi32, #tpu.memory_space<vmem>>, vector<1x1x16xi32>,
      %and3A_1095 = arith.constant 16383 : i32
      %and3A_1096 = vector.broadcast %and3A_1095 : i32 to vector<16xi32>
      %and3A_1097 = arith.andi %get3A_1083, %and3A_1096 : vector<16xi32>
      %swap3A_1098 = arith.constant 1 : i32
      %swap3A_1099 = arith.constant 1 : i32
      %swap3A_1100 = arith.index_cast %swap3A_1098 : i32 to index
      %swap3A_1101 = arith.index_cast %swap3A_1099 : i32 to index
      %swap3A_1102 = arith.constant 0 : index
      %swap3A_1103 = tpu.vector_load %arg6[%swap3A_1100, %swap3A_1101, %swap3A_1102] {strides = array<i32>} : memref<2x2x128xi32, #tpu.memory_space<vmem>>, vector<1x1x16xi32>,
      %swap3A_1104 = vector.shape_cast %swap3A_1103 : vector<1x1x16xi32> to vector<16xi32>
      %swap3A_1105 = vector.shape_cast %and3A_1097 : vector<16xi32> to vector<1x1x16xi32>
      tpu.vector_store %arg6[%swap3A_1100, %swap3A_1101, %swap3A_1102], %swap3A_1105 {strides = array<i32>} : memref<2x2x128xi32, #tpu.memory_space<vmem>>, vector<1x1x16xi32>,
      %get3A_1106 = arith.index_cast %add3A_1079 : i32 to index
      %get3A_1107 = arith.constant 16 : index
      %get3A_1108 = tpu.vector_load %arg5[%get3A_1106, %get3A_1107] {strides = array<i32>} : memref<80x128xi32, #tpu.memory_space<vmem>>, vector<1x16xi32>,
      %get3A_1109 = vector.shape_cast %get3A_1108 : vector<1x16xi32> to vector<16xi32>
      %shift_right_logical3A_1110 = arith.constant 14 : i32
      %shift_right_logical3A_1111 = vector.broadcast %shift_right_logical3A_1110 : i32 to vector<16xi32>
      %shift_right_logical3A_1112 = arith.shrui %get3A_1109, %shift_right_logical3A_1111 : vector<16xi32>
      %swap3A_1113 = arith.constant 1 : i32
      %swap3A_1114 = arith.constant 0 : i32
      %swap3A_1115 = arith.index_cast %swap3A_1113 : i32 to index
      %swap3A_1116 = arith.index_cast %swap3A_1114 : i32 to index
      %swap3A_1117 = arith.constant 16 : index
      %swap3A_1118 = tpu.vector_load %arg6[%swap3A_1115, %swap3A_1116, %swap3A_1117] {strides = array<i32>} : memref<2x2x128xi32, #tpu.memory_space<vmem>>, vector<1x1x16xi32>,
      %swap3A_1119 = vector.shape_cast %swap3A_1118 : vector<1x1x16xi32> to vector<16xi32>
      %swap3A_1120 = vector.shape_cast %shift_right_logical3A_1112 : vector<16xi32> to vector<1x1x16xi32>
      tpu.vector_store %arg6[%swap3A_1115, %swap3A_1116, %swap3A_1117], %swap3A_1120 {strides = array<i32>} : memref<2x2x128xi32, #tpu.memory_space<vmem>>, vector<1x1x16xi32>,
      %and3A_1121 = arith.constant 16383 : i32
      %and3A_1122 = vector.broadcast %and3A_1121 : i32 to vector<16xi32>
      %and3A_1123 = arith.andi %get3A_1109, %and3A_1122 : vector<16xi32>
      %swap3A_1124 = arith.constant 1 : i32
      %swap3A_1125 = arith.constant 1 : i32
      %swap3A_1126 = arith.index_cast %swap3A_1124 : i32 to index
      %swap3A_1127 = arith.index_cast %swap3A_1125 : i32 to index
      %swap3A_1128 = arith.constant 16 : index
      %swap3A_1129 = tpu.vector_load %arg6[%swap3A_1126, %swap3A_1127, %swap3A_1128] {strides = array<i32>} : memref<2x2x128xi32, #tpu.memory_space<vmem>>, vector<1x1x16xi32>,
      %swap3A_1130 = vector.shape_cast %swap3A_1129 : vector<1x1x16xi32> to vector<16xi32>
      %swap3A_1131 = vector.shape_cast %and3A_1123 : vector<16xi32> to vector<1x1x16xi32>
      tpu.vector_store %arg6[%swap3A_1126, %swap3A_1127, %swap3A_1128], %swap3A_1131 {strides = array<i32>} : memref<2x2x128xi32, #tpu.memory_space<vmem>>, vector<1x1x16xi32>,
      %get3A_1132 = arith.index_cast %add3A_1079 : i32 to index
      %get3A_1133 = arith.constant 32 : index
      %get3A_1134 = tpu.vector_load %arg5[%get3A_1132, %get3A_1133] {strides = array<i32>} : memref<80x128xi32, #tpu.memory_space<vmem>>, vector<1x16xi32>,
      %get3A_1135 = vector.shape_cast %get3A_1134 : vector<1x16xi32> to vector<16xi32>
      %shift_right_logical3A_1136 = arith.constant 14 : i32
      %shift_right_logical3A_1137 = vector.broadcast %shift_right_logical3A_1136 : i32 to vector<16xi32>
      %shift_right_logical3A_1138 = arith.shrui %get3A_1135, %shift_right_logical3A_1137 : vector<16xi32>
      %swap3A_1139 = arith.constant 1 : i32
      %swap3A_1140 = arith.constant 0 : i32
      %swap3A_1141 = arith.index_cast %swap3A_1139 : i32 to index
      %swap3A_1142 = arith.index_cast %swap3A_1140 : i32 to index
      %swap3A_1143 = arith.constant 32 : index
      %swap3A_1144 = tpu.vector_load %arg6[%swap3A_1141, %swap3A_1142, %swap3A_1143] {strides = array<i32>} : memref<2x2x128xi32, #tpu.memory_space<vmem>>, vector<1x1x16xi32>,
      %swap3A_1145 = vector.shape_cast %swap3A_1144 : vector<1x1x16xi32> to vector<16xi32>
      %swap3A_1146 = vector.shape_cast %shift_right_logical3A_1138 : vector<16xi32> to vector<1x1x16xi32>
      tpu.vector_store %arg6[%swap3A_1141, %swap3A_1142, %swap3A_1143], %swap3A_1146 {strides = array<i32>} : memref<2x2x128xi32, #tpu.memory_space<vmem>>, vector<1x1x16xi32>,
      %and3A_1147 = arith.constant 16383 : i32
      %and3A_1148 = vector.broadcast %and3A_1147 : i32 to vector<16xi32>
      %and3A_1149 = arith.andi %get3A_1135, %and3A_1148 : vector<16xi32>
      %swap3A_1150 = arith.constant 1 : i32
      %swap3A_1151 = arith.constant 1 : i32
      %swap3A_1152 = arith.index_cast %swap3A_1150 : i32 to index
      %swap3A_1153 = arith.index_cast %swap3A_1151 : i32 to index
      %swap3A_1154 = arith.constant 32 : index
      %swap3A_1155 = tpu.vector_load %arg6[%swap3A_1152, %swap3A_1153, %swap3A_1154] {strides = array<i32>} : memref<2x2x128xi32, #tpu.memory_space<vmem>>, vector<1x1x16xi32>,
      %swap3A_1156 = vector.shape_cast %swap3A_1155 : vector<1x1x16xi32> to vector<16xi32>
      %swap3A_1157 = vector.shape_cast %and3A_1149 : vector<16xi32> to vector<1x1x16xi32>
      tpu.vector_store %arg6[%swap3A_1152, %swap3A_1153, %swap3A_1154], %swap3A_1157 {strides = array<i32>} : memref<2x2x128xi32, #tpu.memory_space<vmem>>, vector<1x1x16xi32>,
      %get3A_1158 = arith.index_cast %add3A_1079 : i32 to index
      %get3A_1159 = arith.constant 48 : index
      %get3A_1160 = tpu.vector_load %arg5[%get3A_1158, %get3A_1159] {strides = array<i32>} : memref<80x128xi32, #tpu.memory_space<vmem>>, vector<1x16xi32>,
      %get3A_1161 = vector.shape_cast %get3A_1160 : vector<1x16xi32> to vector<16xi32>
      %shift_right_logical3A_1162 = arith.constant 14 : i32
      %shift_right_logical3A_1163 = vector.broadcast %shift_right_logical3A_1162 : i32 to vector<16xi32>
      %shift_right_logical3A_1164 = arith.shrui %get3A_1161, %shift_right_logical3A_1163 : vector<16xi32>
      %swap3A_1165 = arith.constant 1 : i32
      %swap3A_1166 = arith.constant 0 : i32
      %swap3A_1167 = arith.index_cast %swap3A_1165 : i32 to index
      %swap3A_1168 = arith.index_cast %swap3A_1166 : i32 to index
      %swap3A_1169 = arith.constant 48 : index
      %swap3A_1170 = tpu.vector_load %arg6[%swap3A_1167, %swap3A_1168, %swap3A_1169] {strides = array<i32>} : memref<2x2x128xi32, #tpu.memory_space<vmem>>, vector<1x1x16xi32>,
      %swap3A_1171 = vector.shape_cast %swap3A_1170 : vector<1x1x16xi32> to vector<16xi32>
      %swap3A_1172 = vector.shape_cast %shift_right_logical3A_1164 : vector<16xi32> to vector<1x1x16xi32>
      tpu.vector_store %arg6[%swap3A_1167, %swap3A_1168, %swap3A_1169], %swap3A_1172 {strides = array<i32>} : memref<2x2x128xi32, #tpu.memory_space<vmem>>, vector<1x1x16xi32>,
      %and3A_1173 = arith.constant 16383 : i32
      %and3A_1174 = vector.broadcast %and3A_1173 : i32 to vector<16xi32>
      %and3A_1175 = arith.andi %get3A_1161, %and3A_1174 : vector<16xi32>
      %swap3A_1176 = arith.constant 1 : i32
      %swap3A_1177 = arith.constant 1 : i32
      %swap3A_1178 = arith.index_cast %swap3A_1176 : i32 to index
      %swap3A_1179 = arith.index_cast %swap3A_1177 : i32 to index
      %swap3A_1180 = arith.constant 48 : index
      %swap3A_1181 = tpu.vector_load %arg6[%swap3A_1178, %swap3A_1179, %swap3A_1180] {strides = array<i32>} : memref<2x2x128xi32, #tpu.memory_space<vmem>>, vector<1x1x16xi32>,
      %swap3A_1182 = vector.shape_cast %swap3A_1181 : vector<1x1x16xi32> to vector<16xi32>
      %swap3A_1183 = vector.shape_cast %and3A_1175 : vector<16xi32> to vector<1x1x16xi32>
      tpu.vector_store %arg6[%swap3A_1178, %swap3A_1179, %swap3A_1180], %swap3A_1183 {strides = array<i32>} : memref<2x2x128xi32, #tpu.memory_space<vmem>>, vector<1x1x16xi32>,
      %get3A_1184 = arith.index_cast %add3A_1079 : i32 to index
      %get3A_1185 = arith.constant 64 : index
      %get3A_1186 = tpu.vector_load %arg5[%get3A_1184, %get3A_1185] {strides = array<i32>} : memref<80x128xi32, #tpu.memory_space<vmem>>, vector<1x16xi32>,
      %get3A_1187 = vector.shape_cast %get3A_1186 : vector<1x16xi32> to vector<16xi32>
      %shift_right_logical3A_1188 = arith.constant 14 : i32
      %shift_right_logical3A_1189 = vector.broadcast %shift_right_logical3A_1188 : i32 to vector<16xi32>
      %shift_right_logical3A_1190 = arith.shrui %get3A_1187, %shift_right_logical3A_1189 : vector<16xi32>
      %swap3A_1191 = arith.constant 1 : i32
      %swap3A_1192 = arith.constant 0 : i32
      %swap3A_1193 = arith.index_cast %swap3A_1191 : i32 to index
      %swap3A_1194 = arith.index_cast %swap3A_1192 : i32 to index
      %swap3A_1195 = arith.constant 64 : index
      %swap3A_1196 = tpu.vector_load %arg6[%swap3A_1193, %swap3A_1194, %swap3A_1195] {strides = array<i32>} : memref<2x2x128xi32, #tpu.memory_space<vmem>>, vector<1x1x16xi32>,
      %swap3A_1197 = vector.shape_cast %swap3A_1196 : vector<1x1x16xi32> to vector<16xi32>
      %swap3A_1198 = vector.shape_cast %shift_right_logical3A_1190 : vector<16xi32> to vector<1x1x16xi32>
      tpu.vector_store %arg6[%swap3A_1193, %swap3A_1194, %swap3A_1195], %swap3A_1198 {strides = array<i32>} : memref<2x2x128xi32, #tpu.memory_space<vmem>>, vector<1x1x16xi32>,
      %and3A_1199 = arith.constant 16383 : i32
      %and3A_1200 = vector.broadcast %and3A_1199 : i32 to vector<16xi32>
      %and3A_1201 = arith.andi %get3A_1187, %and3A_1200 : vector<16xi32>
      %swap3A_1202 = arith.constant 1 : i32
      %swap3A_1203 = arith.constant 1 : i32
      %swap3A_1204 = arith.index_cast %swap3A_1202 : i32 to index
      %swap3A_1205 = arith.index_cast %swap3A_1203 : i32 to index
      %swap3A_1206 = arith.constant 64 : index
      %swap3A_1207 = tpu.vector_load %arg6[%swap3A_1204, %swap3A_1205, %swap3A_1206] {strides = array<i32>} : memref<2x2x128xi32, #tpu.memory_space<vmem>>, vector<1x1x16xi32>,
      %swap3A_1208 = vector.shape_cast %swap3A_1207 : vector<1x1x16xi32> to vector<16xi32>
      %swap3A_1209 = vector.shape_cast %and3A_1201 : vector<16xi32> to vector<1x1x16xi32>
      tpu.vector_store %arg6[%swap3A_1204, %swap3A_1205, %swap3A_1206], %swap3A_1209 {strides = array<i32>} : memref<2x2x128xi32, #tpu.memory_space<vmem>>, vector<1x1x16xi32>,
      %get3A_1210 = arith.index_cast %add3A_1079 : i32 to index
      %get3A_1211 = arith.constant 80 : index
      %get3A_1212 = tpu.vector_load %arg5[%get3A_1210, %get3A_1211] {strides = array<i32>} : memref<80x128xi32, #tpu.memory_space<vmem>>, vector<1x16xi32>,
      %get3A_1213 = vector.shape_cast %get3A_1212 : vector<1x16xi32> to vector<16xi32>
      %shift_right_logical3A_1214 = arith.constant 14 : i32
      %shift_right_logical3A_1215 = vector.broadcast %shift_right_logical3A_1214 : i32 to vector<16xi32>
      %shift_right_logical3A_1216 = arith.shrui %get3A_1213, %shift_right_logical3A_1215 : vector<16xi32>
      %swap3A_1217 = arith.constant 1 : i32
      %swap3A_1218 = arith.constant 0 : i32
      %swap3A_1219 = arith.index_cast %swap3A_1217 : i32 to index
      %swap3A_1220 = arith.index_cast %swap3A_1218 : i32 to index
      %swap3A_1221 = arith.constant 80 : index
      %swap3A_1222 = tpu.vector_load %arg6[%swap3A_1219, %swap3A_1220, %swap3A_1221] {strides = array<i32>} : memref<2x2x128xi32, #tpu.memory_space<vmem>>, vector<1x1x16xi32>,
      %swap3A_1223 = vector.shape_cast %swap3A_1222 : vector<1x1x16xi32> to vector<16xi32>
      %swap3A_1224 = vector.shape_cast %shift_right_logical3A_1216 : vector<16xi32> to vector<1x1x16xi32>
      tpu.vector_store %arg6[%swap3A_1219, %swap3A_1220, %swap3A_1221], %swap3A_1224 {strides = array<i32>} : memref<2x2x128xi32, #tpu.memory_space<vmem>>, vector<1x1x16xi32>,
      %and3A_1225 = arith.constant 16383 : i32
      %and3A_1226 = vector.broadcast %and3A_1225 : i32 to vector<16xi32>
      %and3A_1227 = arith.andi %get3A_1213, %and3A_1226 : vector<16xi32>
      %swap3A_1228 = arith.constant 1 : i32
      %swap3A_1229 = arith.constant 1 : i32
      %swap3A_1230 = arith.index_cast %swap3A_1228 : i32 to index
      %swap3A_1231 = arith.index_cast %swap3A_1229 : i32 to index
      %swap3A_1232 = arith.constant 80 : index
      %swap3A_1233 = tpu.vector_load %arg6[%swap3A_1230, %swap3A_1231, %swap3A_1232] {strides = array<i32>} : memref<2x2x128xi32, #tpu.memory_space<vmem>>, vector<1x1x16xi32>,
      %swap3A_1234 = vector.shape_cast %swap3A_1233 : vector<1x1x16xi32> to vector<16xi32>
      %swap3A_1235 = vector.shape_cast %and3A_1227 : vector<16xi32> to vector<1x1x16xi32>
      tpu.vector_store %arg6[%swap3A_1230, %swap3A_1231, %swap3A_1232], %swap3A_1235 {strides = array<i32>} : memref<2x2x128xi32, #tpu.memory_space<vmem>>, vector<1x1x16xi32>,
      %get3A_1236 = arith.index_cast %add3A_1079 : i32 to index
      %get3A_1237 = arith.constant 96 : index
      %get3A_1238 = tpu.vector_load %arg5[%get3A_1236, %get3A_1237] {strides = array<i32>} : memref<80x128xi32, #tpu.memory_space<vmem>>, vector<1x16xi32>,
      %get3A_1239 = vector.shape_cast %get3A_1238 : vector<1x16xi32> to vector<16xi32>
      %shift_right_logical3A_1240 = arith.constant 14 : i32
      %shift_right_logical3A_1241 = vector.broadcast %shift_right_logical3A_1240 : i32 to vector<16xi32>
      %shift_right_logical3A_1242 = arith.shrui %get3A_1239, %shift_right_logical3A_1241 : vector<16xi32>
      %swap3A_1243 = arith.constant 1 : i32
      %swap3A_1244 = arith.constant 0 : i32
      %swap3A_1245 = arith.index_cast %swap3A_1243 : i32 to index
      %swap3A_1246 = arith.index_cast %swap3A_1244 : i32 to index
      %swap3A_1247 = arith.constant 96 : index
      %swap3A_1248 = tpu.vector_load %arg6[%swap3A_1245, %swap3A_1246, %swap3A_1247] {strides = array<i32>} : memref<2x2x128xi32, #tpu.memory_space<vmem>>, vector<1x1x16xi32>,
      %swap3A_1249 = vector.shape_cast %swap3A_1248 : vector<1x1x16xi32> to vector<16xi32>
      %swap3A_1250 = vector.shape_cast %shift_right_logical3A_1242 : vector<16xi32> to vector<1x1x16xi32>
      tpu.vector_store %arg6[%swap3A_1245, %swap3A_1246, %swap3A_1247], %swap3A_1250 {strides = array<i32>} : memref<2x2x128xi32, #tpu.memory_space<vmem>>, vector<1x1x16xi32>,
      %and3A_1251 = arith.constant 16383 : i32
      %and3A_1252 = vector.broadcast %and3A_1251 : i32 to vector<16xi32>
      %and3A_1253 = arith.andi %get3A_1239, %and3A_1252 : vector<16xi32>
      %swap3A_1254 = arith.constant 1 : i32
      %swap3A_1255 = arith.constant 1 : i32
      %swap3A_1256 = arith.index_cast %swap3A_1254 : i32 to index
      %swap3A_1257 = arith.index_cast %swap3A_1255 : i32 to index
      %swap3A_1258 = arith.constant 96 : index
      %swap3A_1259 = tpu.vector_load %arg6[%swap3A_1256, %swap3A_1257, %swap3A_1258] {strides = array<i32>} : memref<2x2x128xi32, #tpu.memory_space<vmem>>, vector<1x1x16xi32>,
      %swap3A_1260 = vector.shape_cast %swap3A_1259 : vector<1x1x16xi32> to vector<16xi32>
      %swap3A_1261 = vector.shape_cast %and3A_1253 : vector<16xi32> to vector<1x1x16xi32>
      tpu.vector_store %arg6[%swap3A_1256, %swap3A_1257, %swap3A_1258], %swap3A_1261 {strides = array<i32>} : memref<2x2x128xi32, #tpu.memory_space<vmem>>, vector<1x1x16xi32>,
      %get3A_1262 = arith.index_cast %add3A_1079 : i32 to index
      %get3A_1263 = arith.constant 112 : index
      %get3A_1264 = tpu.vector_load %arg5[%get3A_1262, %get3A_1263] {strides = array<i32>} : memref<80x128xi32, #tpu.memory_space<vmem>>, vector<1x16xi32>,
      %get3A_1265 = vector.shape_cast %get3A_1264 : vector<1x16xi32> to vector<16xi32>
      %shift_right_logical3A_1266 = arith.constant 14 : i32
      %shift_right_logical3A_1267 = vector.broadcast %shift_right_logical3A_1266 : i32 to vector<16xi32>
      %shift_right_logical3A_1268 = arith.shrui %get3A_1265, %shift_right_logical3A_1267 : vector<16xi32>
      %swap3A_1269 = arith.constant 1 : i32
      %swap3A_1270 = arith.constant 0 : i32
      %swap3A_1271 = arith.index_cast %swap3A_1269 : i32 to index
      %swap3A_1272 = arith.index_cast %swap3A_1270 : i32 to index
      %swap3A_1273 = arith.constant 112 : index
      %swap3A_1274 = tpu.vector_load %arg6[%swap3A_1271, %swap3A_1272, %swap3A_1273] {strides = array<i32>} : memref<2x2x128xi32, #tpu.memory_space<vmem>>, vector<1x1x16xi32>,
      %swap3A_1275 = vector.shape_cast %swap3A_1274 : vector<1x1x16xi32> to vector<16xi32>
      %swap3A_1276 = vector.shape_cast %shift_right_logical3A_1268 : vector<16xi32> to vector<1x1x16xi32>
      tpu.vector_store %arg6[%swap3A_1271, %swap3A_1272, %swap3A_1273], %swap3A_1276 {strides = array<i32>} : memref<2x2x128xi32, #tpu.memory_space<vmem>>, vector<1x1x16xi32>,
      %and3A_1277 = arith.constant 16383 : i32
      %and3A_1278 = vector.broadcast %and3A_1277 : i32 to vector<16xi32>
      %and3A_1279 = arith.andi %get3A_1265, %and3A_1278 : vector<16xi32>
      %swap3A_1280 = arith.constant 1 : i32
      %swap3A_1281 = arith.constant 1 : i32
      %swap3A_1282 = arith.index_cast %swap3A_1280 : i32 to index
      %swap3A_1283 = arith.index_cast %swap3A_1281 : i32 to index
      %swap3A_1284 = arith.constant 112 : index
      %swap3A_1285 = tpu.vector_load %arg6[%swap3A_1282, %swap3A_1283, %swap3A_1284] {strides = array<i32>} : memref<2x2x128xi32, #tpu.memory_space<vmem>>, vector<1x1x16xi32>,
      %swap3A_1286 = vector.shape_cast %swap3A_1285 : vector<1x1x16xi32> to vector<16xi32>
      %swap3A_1287 = vector.shape_cast %and3A_1279 : vector<16xi32> to vector<1x1x16xi32>
      tpu.vector_store %arg6[%swap3A_1282, %swap3A_1283, %swap3A_1284], %swap3A_1287 {strides = array<i32>} : memref<2x2x128xi32, #tpu.memory_space<vmem>>, vector<1x1x16xi32>,
      %dma_start3A_1288 = arith.constant 1 : i32
      %dma_start3A_1289 = arith.constant 0 : i32
      %dma_start3A_1290 = arith.constant 1 : i32
      %dma_start3A_1291 = arith.constant 0 : i32
      %dma_start3A_1292 = arith.constant 0 : i32
      %dma_start3A_1293 = tpu.memref_slice %arg7[%dma_start3A_1290, %dma_start3A_1291, %dma_start3A_1292] : memref<2x128x128xf32, #tpu.memory_space<vmem>> -> memref<1x32x128xf32, #tpu.memory_space<vmem>>
      %dma_start3A_1294 = tpu.memref_squeeze %dma_start3A_1293 : memref<1x32x128xf32, #tpu.memory_space<vmem>> -> memref<32x128xf32, #tpu.memory_space<vmem>>
      %dma_start3A_1295 = arith.constant 0 : i32
      %dma_start3A_1296 = tpu.memref_slice %arg6[%dma_start3A_1288, %dma_start3A_1289, %dma_start3A_1295] : memref<2x2x128xi32, #tpu.memory_space<vmem>> -> memref<1x1x32xi32, #tpu.memory_space<vmem>>
      %dma_start3A_1297 = tpu.memref_squeeze %dma_start3A_1296 : memref<1x1x32xi32, #tpu.memory_space<vmem>> -> memref<32xi32, #tpu.memory_space<vmem>>
      %dma_start3A_1298 = arith.constant 0 : i32
      %dma_start3A_1299 = arith.constant 0 : i32
      %dma_start3A_1300 = tpu.memref_slice %arg2[%dma_start3A_1298, %dma_start3A_1299] : memref<10000x128xf32, #tpu.memory_space<hbm>> -> memref<10000x128xf32, #tpu.memory_space<hbm>>
      tpu.enqueue_indirect_dma source(%dma_start3A_1300 : memref<10000x128xf32, #tpu.memory_space<hbm>>) target(%dma_start3A_1294 : memref<32x128xf32, #tpu.memory_space<vmem>>) offsets(%dma_start3A_1297 : memref<32xi32, #tpu.memory_space<vmem>>) semaphore(%arg10 : memref<!tpu.dma_semaphore, #tpu.memory_space<semaphore_mem>>)
      %dma_start3A_1301 = arith.constant 1 : i32
      %dma_start3A_1302 = arith.constant 0 : i32
      %dma_start3A_1303 = arith.constant 1 : i32
      %dma_start3A_1304 = arith.constant 32 : i32
      %dma_start3A_1305 = arith.constant 0 : i32
      %dma_start3A_1306 = tpu.memref_slice %arg7[%dma_start3A_1303, %dma_start3A_1304, %dma_start3A_1305] : memref<2x128x128xf32, #tpu.memory_space<vmem>> -> memref<1x32x128xf32, #tpu.memory_space<vmem>>
      %dma_start3A_1307 = tpu.memref_squeeze %dma_start3A_1306 : memref<1x32x128xf32, #tpu.memory_space<vmem>> -> memref<32x128xf32, #tpu.memory_space<vmem>>
      %dma_start3A_1308 = arith.constant 32 : i32
      %dma_start3A_1309 = tpu.memref_slice %arg6[%dma_start3A_1301, %dma_start3A_1302, %dma_start3A_1308] : memref<2x2x128xi32, #tpu.memory_space<vmem>> -> memref<1x1x32xi32, #tpu.memory_space<vmem>>
      %dma_start3A_1310 = tpu.memref_squeeze %dma_start3A_1309 : memref<1x1x32xi32, #tpu.memory_space<vmem>> -> memref<32xi32, #tpu.memory_space<vmem>>
      %dma_start3A_1311 = arith.constant 0 : i32
      %dma_start3A_1312 = arith.constant 0 : i32
      %dma_start3A_1313 = tpu.memref_slice %arg2[%dma_start3A_1311, %dma_start3A_1312] : memref<10000x128xf32, #tpu.memory_space<hbm>> -> memref<10000x128xf32, #tpu.memory_space<hbm>>
      tpu.enqueue_indirect_dma source(%dma_start3A_1313 : memref<10000x128xf32, #tpu.memory_space<hbm>>) target(%dma_start3A_1307 : memref<32x128xf32, #tpu.memory_space<vmem>>) offsets(%dma_start3A_1310 : memref<32xi32, #tpu.memory_space<vmem>>) semaphore(%arg10 : memref<!tpu.dma_semaphore, #tpu.memory_space<semaphore_mem>>)
      %dma_start3A_1314 = arith.constant 1 : i32
      %dma_start3A_1315 = arith.constant 0 : i32
      %dma_start3A_1316 = arith.constant 1 : i32
      %dma_start3A_1317 = arith.constant 64 : i32
      %dma_start3A_1318 = arith.constant 0 : i32
      %dma_start3A_1319 = tpu.memref_slice %arg7[%dma_start3A_1316, %dma_start3A_1317, %dma_start3A_1318] : memref<2x128x128xf32, #tpu.memory_space<vmem>> -> memref<1x32x128xf32, #tpu.memory_space<vmem>>
      %dma_start3A_1320 = tpu.memref_squeeze %dma_start3A_1319 : memref<1x32x128xf32, #tpu.memory_space<vmem>> -> memref<32x128xf32, #tpu.memory_space<vmem>>
      %dma_start3A_1321 = arith.constant 64 : i32
      %dma_start3A_1322 = tpu.memref_slice %arg6[%dma_start3A_1314, %dma_start3A_1315, %dma_start3A_1321] : memref<2x2x128xi32, #tpu.memory_space<vmem>> -> memref<1x1x32xi32, #tpu.memory_space<vmem>>
      %dma_start3A_1323 = tpu.memref_squeeze %dma_start3A_1322 : memref<1x1x32xi32, #tpu.memory_space<vmem>> -> memref<32xi32, #tpu.memory_space<vmem>>
      %dma_start3A_1324 = arith.constant 0 : i32
      %dma_start3A_1325 = arith.constant 0 : i32
      %dma_start3A_1326 = tpu.memref_slice %arg2[%dma_start3A_1324, %dma_start3A_1325] : memref<10000x128xf32, #tpu.memory_space<hbm>> -> memref<10000x128xf32, #tpu.memory_space<hbm>>
      tpu.enqueue_indirect_dma source(%dma_start3A_1326 : memref<10000x128xf32, #tpu.memory_space<hbm>>) target(%dma_start3A_1320 : memref<32x128xf32, #tpu.memory_space<vmem>>) offsets(%dma_start3A_1323 : memref<32xi32, #tpu.memory_space<vmem>>) semaphore(%arg10 : memref<!tpu.dma_semaphore, #tpu.memory_space<semaphore_mem>>)
      %dma_start3A_1327 = arith.constant 1 : i32
      %dma_start3A_1328 = arith.constant 0 : i32
      %dma_start3A_1329 = arith.constant 1 : i32
      %dma_start3A_1330 = arith.constant 96 : i32
      %dma_start3A_1331 = arith.constant 0 : i32
      %dma_start3A_1332 = tpu.memref_slice %arg7[%dma_start3A_1329, %dma_start3A_1330, %dma_start3A_1331] : memref<2x128x128xf32, #tpu.memory_space<vmem>> -> memref<1x32x128xf32, #tpu.memory_space<vmem>>
      %dma_start3A_1333 = tpu.memref_squeeze %dma_start3A_1332 : memref<1x32x128xf32, #tpu.memory_space<vmem>> -> memref<32x128xf32, #tpu.memory_space<vmem>>
      %dma_start3A_1334 = arith.constant 96 : i32
      %dma_start3A_1335 = tpu.memref_slice %arg6[%dma_start3A_1327, %dma_start3A_1328, %dma_start3A_1334] : memref<2x2x128xi32, #tpu.memory_space<vmem>> -> memref<1x1x32xi32, #tpu.memory_space<vmem>>
      %dma_start3A_1336 = tpu.memref_squeeze %dma_start3A_1335 : memref<1x1x32xi32, #tpu.memory_space<vmem>> -> memref<32xi32, #tpu.memory_space<vmem>>
      %dma_start3A_1337 = arith.constant 0 : i32
      %dma_start3A_1338 = arith.constant 0 : i32
      %dma_start3A_1339 = tpu.memref_slice %arg2[%dma_start3A_1337, %dma_start3A_1338] : memref<10000x128xf32, #tpu.memory_space<hbm>> -> memref<10000x128xf32, #tpu.memory_space<hbm>>
      tpu.enqueue_indirect_dma source(%dma_start3A_1339 : memref<10000x128xf32, #tpu.memory_space<hbm>>) target(%dma_start3A_1333 : memref<32x128xf32, #tpu.memory_space<vmem>>) offsets(%dma_start3A_1336 : memref<32xi32, #tpu.memory_space<vmem>>) semaphore(%arg10 : memref<!tpu.dma_semaphore, #tpu.memory_space<semaphore_mem>>)
    }
    %scan3A_585 = arith.constant 39 : i32
    %dma_wait3A = arith.constant 0 : i32
    %dma_wait3A_586 = arith.constant 0 : i32
    %dma_wait3A_587 = arith.constant 0 : i32
    %dma_wait3A_588 = arith.constant 0 : i32
    %dma_wait3A_589 = arith.constant 0 : i32
    %dma_wait3A_590 = tpu.memref_slice %arg7[%dma_wait3A_587, %dma_wait3A_588, %dma_wait3A_589] : memref<2x128x128xf32, #tpu.memory_space<vmem>> -> memref<1x32x128xf32, #tpu.memory_space<vmem>>
    %dma_wait3A_591 = tpu.memref_squeeze %dma_wait3A_590 : memref<1x32x128xf32, #tpu.memory_space<vmem>> -> memref<32x128xf32, #tpu.memory_space<vmem>>
    %dma_wait3A_592 = arith.constant 0 : i32
    %dma_wait3A_593 = tpu.memref_slice %arg6[%dma_wait3A, %dma_wait3A_586, %dma_wait3A_592] : memref<2x2x128xi32, #tpu.memory_space<vmem>> -> memref<1x1x32xi32, #tpu.memory_space<vmem>>
    %dma_wait3A_594 = tpu.memref_squeeze %dma_wait3A_593 : memref<1x1x32xi32, #tpu.memory_space<vmem>> -> memref<32xi32, #tpu.memory_space<vmem>>
    %dma_wait3A_595 = arith.constant 0 : i32
    %dma_wait3A_596 = arith.constant 0 : i32
    %dma_wait3A_597 = tpu.memref_slice %arg2[%dma_wait3A_595, %dma_wait3A_596] : memref<10000x128xf32, #tpu.memory_space<hbm>> -> memref<10000x128xf32, #tpu.memory_space<hbm>>
    tpu.wait_indirect_dma semaphore(%arg10 : memref<!tpu.dma_semaphore, #tpu.memory_space<semaphore_mem>>) src(%dma_wait3A_597 : memref<10000x128xf32, #tpu.memory_space<hbm>>) dst(%dma_wait3A_591 : memref<32x128xf32, #tpu.memory_space<vmem>>)
    %dma_wait3A_598 = arith.constant 0 : i32
    %dma_wait3A_599 = arith.constant 0 : i32
    %dma_wait3A_600 = arith.constant 0 : i32
    %dma_wait3A_601 = arith.constant 32 : i32
    %dma_wait3A_602 = arith.constant 0 : i32
    %dma_wait3A_603 = tpu.memref_slice %arg7[%dma_wait3A_600, %dma_wait3A_601, %dma_wait3A_602] : memref<2x128x128xf32, #tpu.memory_space<vmem>> -> memref<1x32x128xf32, #tpu.memory_space<vmem>>
    %dma_wait3A_604 = tpu.memref_squeeze %dma_wait3A_603 : memref<1x32x128xf32, #tpu.memory_space<vmem>> -> memref<32x128xf32, #tpu.memory_space<vmem>>
    %dma_wait3A_605 = arith.constant 32 : i32
    %dma_wait3A_606 = tpu.memref_slice %arg6[%dma_wait3A_598, %dma_wait3A_599, %dma_wait3A_605] : memref<2x2x128xi32, #tpu.memory_space<vmem>> -> memref<1x1x32xi32, #tpu.memory_space<vmem>>
    %dma_wait3A_607 = tpu.memref_squeeze %dma_wait3A_606 : memref<1x1x32xi32, #tpu.memory_space<vmem>> -> memref<32xi32, #tpu.memory_space<vmem>>
    %dma_wait3A_608 = arith.constant 0 : i32
    %dma_wait3A_609 = arith.constant 0 : i32
    %dma_wait3A_610 = tpu.memref_slice %arg2[%dma_wait3A_608, %dma_wait3A_609] : memref<10000x128xf32, #tpu.memory_space<hbm>> -> memref<10000x128xf32, #tpu.memory_space<hbm>>
    tpu.wait_indirect_dma semaphore(%arg10 : memref<!tpu.dma_semaphore, #tpu.memory_space<semaphore_mem>>) src(%dma_wait3A_610 : memref<10000x128xf32, #tpu.memory_space<hbm>>) dst(%dma_wait3A_604 : memref<32x128xf32, #tpu.memory_space<vmem>>)
    %dma_wait3A_611 = arith.constant 0 : i32
    %dma_wait3A_612 = arith.constant 0 : i32
    %dma_wait3A_613 = arith.constant 0 : i32
    %dma_wait3A_614 = arith.constant 64 : i32
    %dma_wait3A_615 = arith.constant 0 : i32
    %dma_wait3A_616 = tpu.memref_slice %arg7[%dma_wait3A_613, %dma_wait3A_614, %dma_wait3A_615] : memref<2x128x128xf32, #tpu.memory_space<vmem>> -> memref<1x32x128xf32, #tpu.memory_space<vmem>>
    %dma_wait3A_617 = tpu.memref_squeeze %dma_wait3A_616 : memref<1x32x128xf32, #tpu.memory_space<vmem>> -> memref<32x128xf32, #tpu.memory_space<vmem>>
    %dma_wait3A_618 = arith.constant 64 : i32
    %dma_wait3A_619 = tpu.memref_slice %arg6[%dma_wait3A_611, %dma_wait3A_612, %dma_wait3A_618] : memref<2x2x128xi32, #tpu.memory_space<vmem>> -> memref<1x1x32xi32, #tpu.memory_space<vmem>>
    %dma_wait3A_620 = tpu.memref_squeeze %dma_wait3A_619 : memref<1x1x32xi32, #tpu.memory_space<vmem>> -> memref<32xi32, #tpu.memory_space<vmem>>
    %dma_wait3A_621 = arith.constant 0 : i32
    %dma_wait3A_622 = arith.constant 0 : i32
    %dma_wait3A_623 = tpu.memref_slice %arg2[%dma_wait3A_621, %dma_wait3A_622] : memref<10000x128xf32, #tpu.memory_space<hbm>> -> memref<10000x128xf32, #tpu.memory_space<hbm>>
    tpu.wait_indirect_dma semaphore(%arg10 : memref<!tpu.dma_semaphore, #tpu.memory_space<semaphore_mem>>) src(%dma_wait3A_623 : memref<10000x128xf32, #tpu.memory_space<hbm>>) dst(%dma_wait3A_617 : memref<32x128xf32, #tpu.memory_space<vmem>>)
    %dma_wait3A_624 = arith.constant 0 : i32
    %dma_wait3A_625 = arith.constant 0 : i32
    %dma_wait3A_626 = arith.constant 0 : i32
    %dma_wait3A_627 = arith.constant 96 : i32
    %dma_wait3A_628 = arith.constant 0 : i32
    %dma_wait3A_629 = tpu.memref_slice %arg7[%dma_wait3A_626, %dma_wait3A_627, %dma_wait3A_628] : memref<2x128x128xf32, #tpu.memory_space<vmem>> -> memref<1x32x128xf32, #tpu.memory_space<vmem>>
    %dma_wait3A_630 = tpu.memref_squeeze %dma_wait3A_629 : memref<1x32x128xf32, #tpu.memory_space<vmem>> -> memref<32x128xf32, #tpu.memory_space<vmem>>
    %dma_wait3A_631 = arith.constant 96 : i32
    %dma_wait3A_632 = tpu.memref_slice %arg6[%dma_wait3A_624, %dma_wait3A_625, %dma_wait3A_631] : memref<2x2x128xi32, #tpu.memory_space<vmem>> -> memref<1x1x32xi32, #tpu.memory_space<vmem>>
    %dma_wait3A_633 = tpu.memref_squeeze %dma_wait3A_632 : memref<1x1x32xi32, #tpu.memory_space<vmem>> -> memref<32xi32, #tpu.memory_space<vmem>>
    %dma_wait3A_634 = arith.constant 0 : i32
    %dma_wait3A_635 = arith.constant 0 : i32
    %dma_wait3A_636 = tpu.memref_slice %arg2[%dma_wait3A_634, %dma_wait3A_635] : memref<10000x128xf32, #tpu.memory_space<hbm>> -> memref<10000x128xf32, #tpu.memory_space<hbm>>
    tpu.wait_indirect_dma semaphore(%arg10 : memref<!tpu.dma_semaphore, #tpu.memory_space<semaphore_mem>>) src(%dma_wait3A_636 : memref<10000x128xf32, #tpu.memory_space<hbm>>) dst(%dma_wait3A_630 : memref<32x128xf32, #tpu.memory_space<vmem>>)
    %run_scoped3A = arith.constant 0 : i32
    %run_scoped3A_637 = arith.constant 0 : i32
    %run_scoped3A_638 = arith.constant 1 : i32
    "tpu.region"() ({
      %run_scoped3A_697 = tpu.sem_alloc : memref<!tpu.dma_semaphore, #tpu.memory_space<semaphore_mem>>
      %dma_start3A_698 = arith.constant 0 : i32
      %dma_start3A_699 = arith.constant 0 : i32
      %dma_start3A_700 = tpu.memref_slice %arg7[%run_scoped3A, %dma_start3A_698, %dma_start3A_699] : memref<2x128x128xf32, #tpu.memory_space<vmem>> -> memref<1x128x128xf32, #tpu.memory_space<vmem>>
      %dma_start3A_701 = tpu.memref_squeeze %dma_start3A_700 : memref<1x128x128xf32, #tpu.memory_space<vmem>> -> memref<128x128xf32, #tpu.memory_space<vmem>>
      %dma_start3A_702 = arith.constant 0 : i32
      %dma_start3A_703 = tpu.memref_slice %arg6[%run_scoped3A_637, %run_scoped3A_638, %dma_start3A_702] : memref<2x2x128xi32, #tpu.memory_space<vmem>> -> memref<1x1x128xi32, #tpu.memory_space<vmem>>
      %dma_start3A_704 = tpu.memref_squeeze %dma_start3A_703 : memref<1x1x128xi32, #tpu.memory_space<vmem>> -> memref<128xi32, #tpu.memory_space<vmem>>
      %dma_start3A_705 = arith.constant 0 : i32
      %dma_start3A_706 = arith.constant 0 : i32
      %dma_start3A_707 = tpu.memref_slice %arg9[%dma_start3A_705, %dma_start3A_706] : memref<10240x128xf32, #tpu.memory_space<vmem_shared>> -> memref<10240x128xf32, #tpu.memory_space<vmem_shared>>
      tpu.enqueue_indirect_dma source(%dma_start3A_701 : memref<128x128xf32, #tpu.memory_space<vmem>>) target(%dma_start3A_707 : memref<10240x128xf32, #tpu.memory_space<vmem_shared>>) offsets(%dma_start3A_704 : memref<128xi32, #tpu.memory_space<vmem>>) semaphore(%run_scoped3A_697 : memref<!tpu.dma_semaphore, #tpu.memory_space<semaphore_mem>>) {add = true}
      %dma_wait3A_708 = arith.constant 0 : i32
      %dma_wait3A_709 = arith.constant 0 : i32
      %dma_wait3A_710 = tpu.memref_slice %arg7[%run_scoped3A, %dma_wait3A_708, %dma_wait3A_709] : memref<2x128x128xf32, #tpu.memory_space<vmem>> -> memref<1x128x128xf32, #tpu.memory_space<vmem>>
      %dma_wait3A_711 = tpu.memref_squeeze %dma_wait3A_710 : memref<1x128x128xf32, #tpu.memory_space<vmem>> -> memref<128x128xf32, #tpu.memory_space<vmem>>
      %dma_wait3A_712 = arith.constant 0 : i32
      %dma_wait3A_713 = tpu.memref_slice %arg6[%run_scoped3A_637, %run_scoped3A_638, %dma_wait3A_712] : memref<2x2x128xi32, #tpu.memory_space<vmem>> -> memref<1x1x128xi32, #tpu.memory_space<vmem>>
      %dma_wait3A_714 = tpu.memref_squeeze %dma_wait3A_713 : memref<1x1x128xi32, #tpu.memory_space<vmem>> -> memref<128xi32, #tpu.memory_space<vmem>>
      %dma_wait3A_715 = arith.constant 0 : i32
      %dma_wait3A_716 = arith.constant 0 : i32
      %dma_wait3A_717 = tpu.memref_slice %arg9[%dma_wait3A_715, %dma_wait3A_716] : memref<10240x128xf32, #tpu.memory_space<vmem_shared>> -> memref<10240x128xf32, #tpu.memory_space<vmem_shared>>
      tpu.wait_indirect_dma semaphore(%run_scoped3A_697 : memref<!tpu.dma_semaphore, #tpu.memory_space<semaphore_mem>>) src(%dma_wait3A_711 : memref<128x128xf32, #tpu.memory_space<vmem>>) dst(%dma_wait3A_717 : memref<10240x128xf32, #tpu.memory_space<vmem_shared>>)
      tpu.yield
    }) : () -> ()
    %dma_wait3A_639 = arith.constant 1 : i32
    %dma_wait3A_640 = arith.constant 0 : i32
    %dma_wait3A_641 = arith.constant 1 : i32
    %dma_wait3A_642 = arith.constant 0 : i32
    %dma_wait3A_643 = arith.constant 0 : i32
    %dma_wait3A_644 = tpu.memref_slice %arg7[%dma_wait3A_641, %dma_wait3A_642, %dma_wait3A_643] : memref<2x128x128xf32, #tpu.memory_space<vmem>> -> memref<1x32x128xf32, #tpu.memory_space<vmem>>
    %dma_wait3A_645 = tpu.memref_squeeze %dma_wait3A_644 : memref<1x32x128xf32, #tpu.memory_space<vmem>> -> memref<32x128xf32, #tpu.memory_space<vmem>>
    %dma_wait3A_646 = arith.constant 0 : i32
    %dma_wait3A_647 = tpu.memref_slice %arg6[%dma_wait3A_639, %dma_wait3A_640, %dma_wait3A_646] : memref<2x2x128xi32, #tpu.memory_space<vmem>> -> memref<1x1x32xi32, #tpu.memory_space<vmem>>
    %dma_wait3A_648 = tpu.memref_squeeze %dma_wait3A_647 : memref<1x1x32xi32, #tpu.memory_space<vmem>> -> memref<32xi32, #tpu.memory_space<vmem>>
    %dma_wait3A_649 = arith.constant 0 : i32
    %dma_wait3A_650 = arith.constant 0 : i32
    %dma_wait3A_651 = tpu.memref_slice %arg2[%dma_wait3A_649, %dma_wait3A_650] : memref<10000x128xf32, #tpu.memory_space<hbm>> -> memref<10000x128xf32, #tpu.memory_space<hbm>>
    tpu.wait_indirect_dma semaphore(%arg10 : memref<!tpu.dma_semaphore, #tpu.memory_space<semaphore_mem>>) src(%dma_wait3A_651 : memref<10000x128xf32, #tpu.memory_space<hbm>>) dst(%dma_wait3A_645 : memref<32x128xf32, #tpu.memory_space<vmem>>)
    %dma_wait3A_652 = arith.constant 1 : i32
    %dma_wait3A_653 = arith.constant 0 : i32
    %dma_wait3A_654 = arith.constant 1 : i32
    %dma_wait3A_655 = arith.constant 32 : i32
    %dma_wait3A_656 = arith.constant 0 : i32
    %dma_wait3A_657 = tpu.memref_slice %arg7[%dma_wait3A_654, %dma_wait3A_655, %dma_wait3A_656] : memref<2x128x128xf32, #tpu.memory_space<vmem>> -> memref<1x32x128xf32, #tpu.memory_space<vmem>>
    %dma_wait3A_658 = tpu.memref_squeeze %dma_wait3A_657 : memref<1x32x128xf32, #tpu.memory_space<vmem>> -> memref<32x128xf32, #tpu.memory_space<vmem>>
    %dma_wait3A_659 = arith.constant 32 : i32
    %dma_wait3A_660 = tpu.memref_slice %arg6[%dma_wait3A_652, %dma_wait3A_653, %dma_wait3A_659] : memref<2x2x128xi32, #tpu.memory_space<vmem>> -> memref<1x1x32xi32, #tpu.memory_space<vmem>>
    %dma_wait3A_661 = tpu.memref_squeeze %dma_wait3A_660 : memref<1x1x32xi32, #tpu.memory_space<vmem>> -> memref<32xi32, #tpu.memory_space<vmem>>
    %dma_wait3A_662 = arith.constant 0 : i32
    %dma_wait3A_663 = arith.constant 0 : i32
    %dma_wait3A_664 = tpu.memref_slice %arg2[%dma_wait3A_662, %dma_wait3A_663] : memref<10000x128xf32, #tpu.memory_space<hbm>> -> memref<10000x128xf32, #tpu.memory_space<hbm>>
    tpu.wait_indirect_dma semaphore(%arg10 : memref<!tpu.dma_semaphore, #tpu.memory_space<semaphore_mem>>) src(%dma_wait3A_664 : memref<10000x128xf32, #tpu.memory_space<hbm>>) dst(%dma_wait3A_658 : memref<32x128xf32, #tpu.memory_space<vmem>>)
    %dma_wait3A_665 = arith.constant 1 : i32
    %dma_wait3A_666 = arith.constant 0 : i32
    %dma_wait3A_667 = arith.constant 1 : i32
    %dma_wait3A_668 = arith.constant 64 : i32
    %dma_wait3A_669 = arith.constant 0 : i32
    %dma_wait3A_670 = tpu.memref_slice %arg7[%dma_wait3A_667, %dma_wait3A_668, %dma_wait3A_669] : memref<2x128x128xf32, #tpu.memory_space<vmem>> -> memref<1x32x128xf32, #tpu.memory_space<vmem>>
    %dma_wait3A_671 = tpu.memref_squeeze %dma_wait3A_670 : memref<1x32x128xf32, #tpu.memory_space<vmem>> -> memref<32x128xf32, #tpu.memory_space<vmem>>
    %dma_wait3A_672 = arith.constant 64 : i32
    %dma_wait3A_673 = tpu.memref_slice %arg6[%dma_wait3A_665, %dma_wait3A_666, %dma_wait3A_672] : memref<2x2x128xi32, #tpu.memory_space<vmem>> -> memref<1x1x32xi32, #tpu.memory_space<vmem>>
    %dma_wait3A_674 = tpu.memref_squeeze %dma_wait3A_673 : memref<1x1x32xi32, #tpu.memory_space<vmem>> -> memref<32xi32, #tpu.memory_space<vmem>>
    %dma_wait3A_675 = arith.constant 0 : i32
    %dma_wait3A_676 = arith.constant 0 : i32
    %dma_wait3A_677 = tpu.memref_slice %arg2[%dma_wait3A_675, %dma_wait3A_676] : memref<10000x128xf32, #tpu.memory_space<hbm>> -> memref<10000x128xf32, #tpu.memory_space<hbm>>
    tpu.wait_indirect_dma semaphore(%arg10 : memref<!tpu.dma_semaphore, #tpu.memory_space<semaphore_mem>>) src(%dma_wait3A_677 : memref<10000x128xf32, #tpu.memory_space<hbm>>) dst(%dma_wait3A_671 : memref<32x128xf32, #tpu.memory_space<vmem>>)
    %dma_wait3A_678 = arith.constant 1 : i32
    %dma_wait3A_679 = arith.constant 0 : i32
    %dma_wait3A_680 = arith.constant 1 : i32
    %dma_wait3A_681 = arith.constant 96 : i32
    %dma_wait3A_682 = arith.constant 0 : i32
    %dma_wait3A_683 = tpu.memref_slice %arg7[%dma_wait3A_680, %dma_wait3A_681, %dma_wait3A_682] : memref<2x128x128xf32, #tpu.memory_space<vmem>> -> memref<1x32x128xf32, #tpu.memory_space<vmem>>
    %dma_wait3A_684 = tpu.memref_squeeze %dma_wait3A_683 : memref<1x32x128xf32, #tpu.memory_space<vmem>> -> memref<32x128xf32, #tpu.memory_space<vmem>>
    %dma_wait3A_685 = arith.constant 96 : i32
    %dma_wait3A_686 = tpu.memref_slice %arg6[%dma_wait3A_678, %dma_wait3A_679, %dma_wait3A_685] : memref<2x2x128xi32, #tpu.memory_space<vmem>> -> memref<1x1x32xi32, #tpu.memory_space<vmem>>
    %dma_wait3A_687 = tpu.memref_squeeze %dma_wait3A_686 : memref<1x1x32xi32, #tpu.memory_space<vmem>> -> memref<32xi32, #tpu.memory_space<vmem>>
    %dma_wait3A_688 = arith.constant 0 : i32
    %dma_wait3A_689 = arith.constant 0 : i32
    %dma_wait3A_690 = tpu.memref_slice %arg2[%dma_wait3A_688, %dma_wait3A_689] : memref<10000x128xf32, #tpu.memory_space<hbm>> -> memref<10000x128xf32, #tpu.memory_space<hbm>>
    tpu.wait_indirect_dma semaphore(%arg10 : memref<!tpu.dma_semaphore, #tpu.memory_space<semaphore_mem>>) src(%dma_wait3A_690 : memref<10000x128xf32, #tpu.memory_space<hbm>>) dst(%dma_wait3A_684 : memref<32x128xf32, #tpu.memory_space<vmem>>)
    %run_scoped3A_691 = arith.constant 1 : i32
    %run_scoped3A_692 = arith.constant 1 : i32
    %run_scoped3A_693 = arith.constant 1 : i32
    "tpu.region"() ({
      %run_scoped3A_697 = tpu.sem_alloc : memref<!tpu.dma_semaphore, #tpu.memory_space<semaphore_mem>>
      %dma_start3A_698 = arith.constant 0 : i32
      %dma_start3A_699 = arith.constant 0 : i32
      %dma_start3A_700 = tpu.memref_slice %arg7[%run_scoped3A_691, %dma_start3A_698, %dma_start3A_699] : memref<2x128x128xf32, #tpu.memory_space<vmem>> -> memref<1x128x128xf32, #tpu.memory_space<vmem>>
      %dma_start3A_701 = tpu.memref_squeeze %dma_start3A_700 : memref<1x128x128xf32, #tpu.memory_space<vmem>> -> memref<128x128xf32, #tpu.memory_space<vmem>>
      %dma_start3A_702 = arith.constant 0 : i32
      %dma_start3A_703 = tpu.memref_slice %arg6[%run_scoped3A_692, %run_scoped3A_693, %dma_start3A_702] : memref<2x2x128xi32, #tpu.memory_space<vmem>> -> memref<1x1x128xi32, #tpu.memory_space<vmem>>
      %dma_start3A_704 = tpu.memref_squeeze %dma_start3A_703 : memref<1x1x128xi32, #tpu.memory_space<vmem>> -> memref<128xi32, #tpu.memory_space<vmem>>
      %dma_start3A_705 = arith.constant 0 : i32
      %dma_start3A_706 = arith.constant 0 : i32
      %dma_start3A_707 = tpu.memref_slice %arg9[%dma_start3A_705, %dma_start3A_706] : memref<10240x128xf32, #tpu.memory_space<vmem_shared>> -> memref<10240x128xf32, #tpu.memory_space<vmem_shared>>
      tpu.enqueue_indirect_dma source(%dma_start3A_701 : memref<128x128xf32, #tpu.memory_space<vmem>>) target(%dma_start3A_707 : memref<10240x128xf32, #tpu.memory_space<vmem_shared>>) offsets(%dma_start3A_704 : memref<128xi32, #tpu.memory_space<vmem>>) semaphore(%run_scoped3A_697 : memref<!tpu.dma_semaphore, #tpu.memory_space<semaphore_mem>>) {add = true}
      %dma_wait3A_708 = arith.constant 0 : i32
      %dma_wait3A_709 = arith.constant 0 : i32
      %dma_wait3A_710 = tpu.memref_slice %arg7[%run_scoped3A_691, %dma_wait3A_708, %dma_wait3A_709] : memref<2x128x128xf32, #tpu.memory_space<vmem>> -> memref<1x128x128xf32, #tpu.memory_space<vmem>>
      %dma_wait3A_711 = tpu.memref_squeeze %dma_wait3A_710 : memref<1x128x128xf32, #tpu.memory_space<vmem>> -> memref<128x128xf32, #tpu.memory_space<vmem>>
      %dma_wait3A_712 = arith.constant 0 : i32
      %dma_wait3A_713 = tpu.memref_slice %arg6[%run_scoped3A_692, %run_scoped3A_693, %dma_wait3A_712] : memref<2x2x128xi32, #tpu.memory_space<vmem>> -> memref<1x1x128xi32, #tpu.memory_space<vmem>>
      %dma_wait3A_714 = tpu.memref_squeeze %dma_wait3A_713 : memref<1x1x128xi32, #tpu.memory_space<vmem>> -> memref<128xi32, #tpu.memory_space<vmem>>
      %dma_wait3A_715 = arith.constant 0 : i32
      %dma_wait3A_716 = arith.constant 0 : i32
      %dma_wait3A_717 = tpu.memref_slice %arg9[%dma_wait3A_715, %dma_wait3A_716] : memref<10240x128xf32, #tpu.memory_space<vmem_shared>> -> memref<10240x128xf32, #tpu.memory_space<vmem_shared>>
      tpu.wait_indirect_dma semaphore(%run_scoped3A_697 : memref<!tpu.dma_semaphore, #tpu.memory_space<semaphore_mem>>) src(%dma_wait3A_711 : memref<128x128xf32, #tpu.memory_space<vmem>>) dst(%dma_wait3A_717 : memref<10240x128xf32, #tpu.memory_space<vmem_shared>>)
      tpu.yield
    }) : () -> ()
    %barrier3A_694 = arith.constant 0 : index
    tpu.barrier barrier_id(%barrier3A_694)
    %mul3A_695 = arith.constant 640 : i32
    %mul3A_696 = arith.muli %arg1, %mul3A_695 : i32
    "tpu.region"() ({
      %run_scoped3A_697 = tpu.sem_alloc : memref<!tpu.dma_semaphore, #tpu.memory_space<semaphore_mem>>
      %dma_start3A_698 = arith.constant 0 : i32
      %dma_start3A_699 = tpu.memref_slice %arg4[%arg0, %mul3A_696, %dma_start3A_698] : memref<2x10240x128xf32, #tpu.memory_space<hbm>> -> memref<1x640x128xf32, #tpu.memory_space<hbm>>
      %dma_start3A_700 = tpu.memref_squeeze %dma_start3A_699 : memref<1x640x128xf32, #tpu.memory_space<hbm>> -> memref<640x128xf32, #tpu.memory_space<hbm>>
      %dma_start3A_701 = arith.constant 0 : i32
      %dma_start3A_702 = tpu.memref_slice %arg9[%mul3A_696, %dma_start3A_701] : memref<10240x128xf32, #tpu.memory_space<vmem_shared>> -> memref<640x128xf32, #tpu.memory_space<vmem_shared>>
      tpu.enqueue_dma source(%dma_start3A_702 : memref<640x128xf32, #tpu.memory_space<vmem_shared>>) target(%dma_start3A_700 : memref<640x128xf32, #tpu.memory_space<hbm>>) target_semaphore(%run_scoped3A_697 : memref<!tpu.dma_semaphore, #tpu.memory_space<semaphore_mem>>)
      %dma_wait3A_703 = arith.constant 0 : i32
      %dma_wait3A_704 = tpu.memref_slice %arg4[%arg0, %mul3A_696, %dma_wait3A_703] : memref<2x10240x128xf32, #tpu.memory_space<hbm>> -> memref<1x640x128xf32, #tpu.memory_space<hbm>>
      %dma_wait3A_705 = tpu.memref_squeeze %dma_wait3A_704 : memref<1x640x128xf32, #tpu.memory_space<hbm>> -> memref<640x128xf32, #tpu.memory_space<hbm>>
      %dma_wait3A_706 = arith.constant 0 : i32
      %dma_wait3A_707 = tpu.memref_slice %arg9[%mul3A_696, %dma_wait3A_706] : memref<10240x128xf32, #tpu.memory_space<vmem_shared>> -> memref<640x128xf32, #tpu.memory_space<vmem_shared>>
      tpu.wait_dma2 semaphore(%run_scoped3A_697 : memref<!tpu.dma_semaphore, #tpu.memory_space<semaphore_mem>>) src(%dma_wait3A_707 : memref<640x128xf32, #tpu.memory_space<vmem_shared>>) dst(%dma_wait3A_705 : memref<640x128xf32, #tpu.memory_space<hbm>>)
      tpu.yield
    }) : () -> ()
    return
  }
}

module attributes {stable_mosaic.version = 14 : i64} {
  func.func @_bn_body(%arg0: i32, %arg1: memref<1000x128xf32, #tpu.memory_space<vmem>>, %arg2: memref<1x128xf32, #tpu.memory_space<vmem>>, %arg3: memref<1x128xf32, #tpu.memory_space<vmem>>, %arg4: memref<1x128xf32, #tpu.memory_space<vmem>>, %arg5: memref<1x128xf32, #tpu.memory_space<vmem>>, %arg6: memref<1000x128xf32, #tpu.memory_space<vmem>>) attributes {dimension_semantics = [#tpu.dimension_semantics<arbitrary>], iteration_bounds = array<i64: 10>, scalar_prefetch = 0 : i64, scratch_operands = 0 : i64, tpu.core_type = #tpu.core_type<tc>, window_params = [{transform_indices = @transform_0, window_bounds = array<i64: 1000, 128>}, {pipeline_mode = #tpu.pipeline_mode<synchronous>, transform_indices = @transform_1, window_bounds = array<i64: 1, 128>}, {pipeline_mode = #tpu.pipeline_mode<synchronous>, transform_indices = @transform_2, window_bounds = array<i64: 1, 128>}, {pipeline_mode = #tpu.pipeline_mode<synchronous>, transform_indices = @transform_3, window_bounds = array<i64: 1, 128>}, {pipeline_mode = #tpu.pipeline_mode<synchronous>, transform_indices = @transform_4, window_bounds = array<i64: 1, 128>}, {transform_indices = @transform_5, window_bounds = array<i64: 1000, 128>}]} {
    %get3A = arith.constant 0 : index
    %get3A_0 = arith.constant 0 : index
    %get3A_1 = vector.load %arg2[%get3A, %get3A_0] : memref<1x128xf32, #tpu.memory_space<vmem>>, vector<1x128xf32>
    %mul3A = arith.constant 9.99999974E-5 : f32
    %mul3A_2 = vector.broadcast %mul3A : f32 to vector<1x128xf32>
    %mul3A_3 = arith.mulf %get3A_1, %mul3A_2 : vector<1x128xf32>
    %get3A_4 = arith.constant 0 : index
    %get3A_5 = arith.constant 0 : index
    %get3A_6 = vector.load %arg3[%get3A_4, %get3A_5] : memref<1x128xf32, #tpu.memory_space<vmem>>, vector<1x128xf32>
    %mul3A_7 = arith.constant 9.99999974E-5 : f32
    %mul3A_8 = vector.broadcast %mul3A_7 : f32 to vector<1x128xf32>
    %mul3A_9 = arith.mulf %get3A_6, %mul3A_8 : vector<1x128xf32>
    %mul3A_10 = arith.mulf %mul3A_3, %mul3A_3 : vector<1x128xf32>
    %sub3A = arith.subf %mul3A_9, %mul3A_10 : vector<1x128xf32>
    %get3A_11 = arith.constant 0 : index
    %get3A_12 = arith.constant 0 : index
    %get3A_13 = vector.load %arg4[%get3A_11, %get3A_12] : memref<1x128xf32, #tpu.memory_space<vmem>>, vector<1x128xf32>
    %add3A = arith.constant 9.99999974E-6 : f32
    %add3A_14 = vector.broadcast %add3A : f32 to vector<1x128xf32>
    %add3A_15 = arith.addf %sub3A, %add3A_14 : vector<1x128xf32>
    %rsqrt3A = math.rsqrt %add3A_15 : vector<1x128xf32>
    %mul3A_16 = arith.mulf %get3A_13, %rsqrt3A : vector<1x128xf32>
    %get3A_17 = arith.constant 0 : index
    %get3A_18 = arith.constant 0 : index
    %get3A_19 = vector.load %arg5[%get3A_17, %get3A_18] : memref<1x128xf32, #tpu.memory_space<vmem>>, vector<1x128xf32>
    %mul3A_20 = arith.mulf %mul3A_3, %mul3A_16 : vector<1x128xf32>
    %sub3A_21 = arith.subf %get3A_19, %mul3A_20 : vector<1x128xf32>
    %get3A_22 = arith.constant 0 : index
    %get3A_23 = arith.constant 0 : index
    %get3A_24 = vector.load %arg1[%get3A_22, %get3A_23] : memref<1000x128xf32, #tpu.memory_space<vmem>>, vector<1000x128xf32>
    %mul3A_25 = vector.broadcast %mul3A_16 : vector<1x128xf32> to vector<1000x128xf32>
    %mul3A_26 = arith.mulf %get3A_24, %mul3A_25 : vector<1000x128xf32>
    %add3A_27 = vector.broadcast %sub3A_21 : vector<1x128xf32> to vector<1000x128xf32>
    %add3A_28 = arith.addf %mul3A_26, %add3A_27 : vector<1000x128xf32>
    %swap3A = arith.constant 0 : index
    %swap3A_29 = arith.constant 0 : index
    %swap3A_30 = vector.load %arg6[%swap3A, %swap3A_29] : memref<1000x128xf32, #tpu.memory_space<vmem>>, vector<1000x128xf32>
    tpu.vector_store %arg6[%swap3A, %swap3A_29], %add3A_28 {strides = array<i32>} : memref<1000x128xf32, #tpu.memory_space<vmem>>, vector<1000x128xf32>,
    return
  }
  func.func @transform_0(%arg0: i32) -> (i32, i32) {
    %c0_i32 = arith.constant 0 : i32
    %c0_i32_0 = arith.constant 0 : i32
    return %arg0, %c0_i32 : i32, i32
  }
  func.func @transform_1(%arg0: i32) -> (i32, i32) {
    %c0_i32 = arith.constant 0 : i32
    %c0_i32_0 = arith.constant 0 : i32
    %c0_i32_1 = arith.constant 0 : i32
    return %c0_i32, %c0_i32_0 : i32, i32
  }
  func.func @transform_2(%arg0: i32) -> (i32, i32) {
    %c0_i32 = arith.constant 0 : i32
    %c0_i32_0 = arith.constant 0 : i32
    %c0_i32_1 = arith.constant 0 : i32
    return %c0_i32, %c0_i32_0 : i32, i32
  }
  func.func @transform_3(%arg0: i32) -> (i32, i32) {
    %c0_i32 = arith.constant 0 : i32
    %c0_i32_0 = arith.constant 0 : i32
    %c0_i32_1 = arith.constant 0 : i32
    return %c0_i32, %c0_i32_0 : i32, i32
  }
  func.func @transform_4(%arg0: i32) -> (i32, i32) {
    %c0_i32 = arith.constant 0 : i32
    %c0_i32_0 = arith.constant 0 : i32
    %c0_i32_1 = arith.constant 0 : i32
    return %c0_i32, %c0_i32_0 : i32, i32
  }
  func.func @transform_5(%arg0: i32) -> (i32, i32) {
    %c0_i32 = arith.constant 0 : i32
    %c0_i32_0 = arith.constant 0 : i32
    return %arg0, %c0_i32 : i32, i32
  }
}

module attributes {stable_mosaic.version = 14 : i64} {
  func.func @_mlp_stats_body(%arg0: i32, %arg1: memref<1000x128xf32, #tpu.memory_space<vmem>>, %arg2: memref<2x1000x128xf32, #tpu.memory_space<vmem>>, %arg3: memref<128x128xf32, #tpu.memory_space<vmem>>, %arg4: memref<1x128xf32, #tpu.memory_space<vmem>>, %arg5: memref<128x128xf32, #tpu.memory_space<vmem>>, %arg6: memref<1x128xf32, #tpu.memory_space<vmem>>, %arg7: memref<1000x128xf32, #tpu.memory_space<vmem>>, %arg8: memref<1x128xf32, #tpu.memory_space<vmem>>, %arg9: memref<1x128xf32, #tpu.memory_space<vmem>>) attributes {dimension_semantics = [#tpu.dimension_semantics<arbitrary>], iteration_bounds = array<i64: 10>, scalar_prefetch = 0 : i64, scratch_operands = 0 : i64, tpu.core_type = #tpu.core_type<tc>, window_params = [{transform_indices = @transform_0, window_bounds = array<i64: 1000, 128>}, {transform_indices = @transform_1, window_bounds = array<i64: 2, 1000, 128>}, {pipeline_mode = #tpu.pipeline_mode<synchronous>, transform_indices = @transform_2, window_bounds = array<i64: 128, 128>}, {pipeline_mode = #tpu.pipeline_mode<synchronous>, transform_indices = @transform_3, window_bounds = array<i64: 1, 128>}, {pipeline_mode = #tpu.pipeline_mode<synchronous>, transform_indices = @transform_4, window_bounds = array<i64: 128, 128>}, {pipeline_mode = #tpu.pipeline_mode<synchronous>, transform_indices = @transform_5, window_bounds = array<i64: 1, 128>}, {transform_indices = @transform_6, window_bounds = array<i64: 1000, 128>}, {pipeline_mode = #tpu.pipeline_mode<synchronous>, transform_indices = @transform_7, window_bounds = array<i64: 1, 128>}, {pipeline_mode = #tpu.pipeline_mode<synchronous>, transform_indices = @transform_8, window_bounds = array<i64: 1, 128>}]} {
    %get3A = arith.constant 0 : index
    %get3A_0 = arith.constant 0 : index
    %get3A_1 = vector.load %arg1[%get3A, %get3A_0] : memref<1000x128xf32, #tpu.memory_space<vmem>>, vector<1000x128xf32>
    %get3A_2 = arith.constant 0 : index
    %get3A_3 = arith.constant 0 : index
    %get3A_4 = arith.constant 0 : index
    %get3A_5 = vector.load %arg2[%get3A_2, %get3A_3, %get3A_4] : memref<2x1000x128xf32, #tpu.memory_space<vmem>>, vector<1x1000x128xf32>
    %get3A_6 = vector.shape_cast %get3A_5 : vector<1x1000x128xf32> to vector<1000x128xf32>
    %add3A = arith.addf %get3A_1, %get3A_6 : vector<1000x128xf32>
    %get3A_7 = arith.constant 1 : index
    %get3A_8 = arith.constant 0 : index
    %get3A_9 = arith.constant 0 : index
    %get3A_10 = vector.load %arg2[%get3A_7, %get3A_8, %get3A_9] : memref<2x1000x128xf32, #tpu.memory_space<vmem>>, vector<1x1000x128xf32>
    %get3A_11 = vector.shape_cast %get3A_10 : vector<1x1000x128xf32> to vector<1000x128xf32>
    %add3A_12 = arith.addf %add3A, %get3A_11 : vector<1000x128xf32>
    %get3A_13 = arith.constant 0 : index
    %get3A_14 = arith.constant 0 : index
    %get3A_15 = vector.load %arg3[%get3A_13, %get3A_14] : memref<128x128xf32, #tpu.memory_space<vmem>>, vector<128x128xf32>
    %dot_general3A = arith.constant dense<0.000000e+00> : vector<1000x128xf32>
    %dot_general3A_16 = tpu.matmul %add3A_12, %get3A_15, %dot_general3A {dimension_numbers = #tpu.dot_dimension_numbers<[1], [0], [0], [1], [0, 0, 1, 1], [], []>, transpose_lhs_hint = false} : vector<1000x128xf32>, vector<128x128xf32>, vector<1000x128xf32> -> vector<1000x128xf32>
    %get3A_17 = arith.constant 0 : index
    %get3A_18 = arith.constant 0 : index
    %get3A_19 = vector.load %arg4[%get3A_17, %get3A_18] : memref<1x128xf32, #tpu.memory_space<vmem>>, vector<1x128xf32>
    %add3A_20 = vector.broadcast %get3A_19 : vector<1x128xf32> to vector<1000x128xf32>
    %add3A_21 = arith.addf %dot_general3A_16, %add3A_20 : vector<1000x128xf32>
    %max3A = arith.constant 0.000000e+00 : f32
    %max3A_22 = vector.broadcast %max3A : f32 to vector<1000x128xf32>
    %max3A_23 = arith.maximumf %add3A_21, %max3A_22 : vector<1000x128xf32>
    %get3A_24 = arith.constant 0 : index
    %get3A_25 = arith.constant 0 : index
    %get3A_26 = vector.load %arg5[%get3A_24, %get3A_25] : memref<128x128xf32, #tpu.memory_space<vmem>>, vector<128x128xf32>
    %dot_general3A_27 = arith.constant dense<0.000000e+00> : vector<1000x128xf32>
    %dot_general3A_28 = tpu.matmul %max3A_23, %get3A_26, %dot_general3A_27 {dimension_numbers = #tpu.dot_dimension_numbers<[1], [0], [0], [1], [0, 0, 1, 1], [], []>, transpose_lhs_hint = false} : vector<1000x128xf32>, vector<128x128xf32>, vector<1000x128xf32> -> vector<1000x128xf32>
    %get3A_29 = arith.constant 0 : index
    %get3A_30 = arith.constant 0 : index
    %get3A_31 = vector.load %arg6[%get3A_29, %get3A_30] : memref<1x128xf32, #tpu.memory_space<vmem>>, vector<1x128xf32>
    %add3A_32 = vector.broadcast %get3A_31 : vector<1x128xf32> to vector<1000x128xf32>
    %add3A_33 = arith.addf %dot_general3A_28, %add3A_32 : vector<1000x128xf32>
    %max3A_34 = arith.constant 0.000000e+00 : f32
    %max3A_35 = vector.broadcast %max3A_34 : f32 to vector<1000x128xf32>
    %max3A_36 = arith.maximumf %add3A_33, %max3A_35 : vector<1000x128xf32>
    %swap3A = arith.constant 0 : index
    %swap3A_37 = arith.constant 0 : index
    %swap3A_38 = vector.load %arg7[%swap3A, %swap3A_37] : memref<1000x128xf32, #tpu.memory_space<vmem>>, vector<1000x128xf32>
    tpu.vector_store %arg7[%swap3A, %swap3A_37], %max3A_36 {strides = array<i32>} : memref<1000x128xf32, #tpu.memory_space<vmem>>, vector<1000x128xf32>,
    %eq3A = arith.constant 0 : i32
    %eq3A_39 = arith.cmpi eq, %arg0, %eq3A : i32
    %convert_element_type3A = arith.extui %eq3A_39 : i1 to i32
    %cond3A = arith.constant 0 : i32
    %cond3A_40 = arith.cmpi ne, %convert_element_type3A, %cond3A : i32
    scf.if %cond3A_40 {
      %broadcast_in_dim3A_59 = arith.constant 0.000000e+00 : f32
      %broadcast_in_dim3A_60 = vector.broadcast %broadcast_in_dim3A_59 : f32 to vector<1x128xf32>
      %swap3A_61 = arith.constant 0 : index
      %swap3A_62 = arith.constant 0 : index
      %swap3A_63 = vector.load %arg8[%swap3A_61, %swap3A_62] : memref<1x128xf32, #tpu.memory_space<vmem>>, vector<1x128xf32>
      tpu.vector_store %arg8[%swap3A_61, %swap3A_62], %broadcast_in_dim3A_60 {strides = array<i32>} : memref<1x128xf32, #tpu.memory_space<vmem>>, vector<1x128xf32>,
      %broadcast_in_dim3A_64 = arith.constant 0.000000e+00 : f32
      %broadcast_in_dim3A_65 = vector.broadcast %broadcast_in_dim3A_64 : f32 to vector<1x128xf32>
      %swap3A_66 = arith.constant 0 : index
      %swap3A_67 = arith.constant 0 : index
      %swap3A_68 = vector.load %arg9[%swap3A_66, %swap3A_67] : memref<1x128xf32, #tpu.memory_space<vmem>>, vector<1x128xf32>
      tpu.vector_store %arg9[%swap3A_66, %swap3A_67], %broadcast_in_dim3A_65 {strides = array<i32>} : memref<1x128xf32, #tpu.memory_space<vmem>>, vector<1x128xf32>,
    } else {
    }
    %get3A_41 = arith.constant 0 : index
    %get3A_42 = arith.constant 0 : index
    %get3A_43 = vector.load %arg8[%get3A_41, %get3A_42] : memref<1x128xf32, #tpu.memory_space<vmem>>, vector<1x128xf32>
    %reduce_sum3A = arith.constant dense<0.000000e+00> : vector<128xf32>
    %reduce_sum3A_44 = vector.multi_reduction <add>, %max3A_36, %reduce_sum3A [0] : vector<1000x128xf32> to vector<128xf32>
    %broadcast_in_dim3A = vector.shape_cast %reduce_sum3A_44 : vector<128xf32> to vector<1x128xf32>
    %add3A_45 = arith.addf %get3A_43, %broadcast_in_dim3A : vector<1x128xf32>
    %swap3A_46 = arith.constant 0 : index
    %swap3A_47 = arith.constant 0 : index
    %swap3A_48 = vector.load %arg8[%swap3A_46, %swap3A_47] : memref<1x128xf32, #tpu.memory_space<vmem>>, vector<1x128xf32>
    tpu.vector_store %arg8[%swap3A_46, %swap3A_47], %add3A_45 {strides = array<i32>} : memref<1x128xf32, #tpu.memory_space<vmem>>, vector<1x128xf32>,
    %get3A_49 = arith.constant 0 : index
    %get3A_50 = arith.constant 0 : index
    %get3A_51 = vector.load %arg9[%get3A_49, %get3A_50] : memref<1x128xf32, #tpu.memory_space<vmem>>, vector<1x128xf32>
    %mul3A = arith.mulf %max3A_36, %max3A_36 : vector<1000x128xf32>
    %reduce_sum3A_52 = arith.constant dense<0.000000e+00> : vector<128xf32>
    %reduce_sum3A_53 = vector.multi_reduction <add>, %mul3A, %reduce_sum3A_52 [0] : vector<1000x128xf32> to vector<128xf32>
    %broadcast_in_dim3A_54 = vector.shape_cast %reduce_sum3A_53 : vector<128xf32> to vector<1x128xf32>
    %add3A_55 = arith.addf %get3A_51, %broadcast_in_dim3A_54 : vector<1x128xf32>
    %swap3A_56 = arith.constant 0 : index
    %swap3A_57 = arith.constant 0 : index
    %swap3A_58 = vector.load %arg9[%swap3A_56, %swap3A_57] : memref<1x128xf32, #tpu.memory_space<vmem>>, vector<1x128xf32>
    tpu.vector_store %arg9[%swap3A_56, %swap3A_57], %add3A_55 {strides = array<i32>} : memref<1x128xf32, #tpu.memory_space<vmem>>, vector<1x128xf32>,
    return
  }
  func.func @transform_0(%arg0: i32) -> (i32, i32) {
    %c0_i32 = arith.constant 0 : i32
    %c0_i32_0 = arith.constant 0 : i32
    return %arg0, %c0_i32 : i32, i32
  }
  func.func @transform_1(%arg0: i32) -> (i32, i32, i32) {
    %c0_i32 = arith.constant 0 : i32
    %c0_i32_0 = arith.constant 0 : i32
    %c0_i32_1 = arith.constant 0 : i32
    return %c0_i32, %arg0, %c0_i32_0 : i32, i32, i32
  }
  func.func @transform_2(%arg0: i32) -> (i32, i32) {
    %c0_i32 = arith.constant 0 : i32
    %c0_i32_0 = arith.constant 0 : i32
    %c0_i32_1 = arith.constant 0 : i32
    return %c0_i32, %c0_i32_0 : i32, i32
  }
  func.func @transform_3(%arg0: i32) -> (i32, i32) {
    %c0_i32 = arith.constant 0 : i32
    %c0_i32_0 = arith.constant 0 : i32
    %c0_i32_1 = arith.constant 0 : i32
    return %c0_i32, %c0_i32_0 : i32, i32
  }
  func.func @transform_4(%arg0: i32) -> (i32, i32) {
    %c0_i32 = arith.constant 0 : i32
    %c0_i32_0 = arith.constant 0 : i32
    %c0_i32_1 = arith.constant 0 : i32
    return %c0_i32, %c0_i32_0 : i32, i32
  }
  func.func @transform_5(%arg0: i32) -> (i32, i32) {
    %c0_i32 = arith.constant 0 : i32
    %c0_i32_0 = arith.constant 0 : i32
    %c0_i32_1 = arith.constant 0 : i32
    return %c0_i32, %c0_i32_0 : i32, i32
  }
  func.func @transform_6(%arg0: i32) -> (i32, i32) {
    %c0_i32 = arith.constant 0 : i32
    %c0_i32_0 = arith.constant 0 : i32
    return %arg0, %c0_i32 : i32, i32
  }
  func.func @transform_7(%arg0: i32) -> (i32, i32) {
    %c0_i32 = arith.constant 0 : i32
    %c0_i32_0 = arith.constant 0 : i32
    %c0_i32_1 = arith.constant 0 : i32
    return %c0_i32, %c0_i32_0 : i32, i32
  }
  func.func @transform_8(%arg0: i32) -> (i32, i32) {
    %c0_i32 = arith.constant 0 : i32
    %c0_i32_0 = arith.constant 0 : i32
    %c0_i32_1 = arith.constant 0 : i32
    return %c0_i32, %c0_i32_0 : i32, i32
  }
}

module attributes {stable_mosaic.version = 14 : i64} {
  func.func @_mlp_final_body(%arg0: i32, %arg1: memref<1000x128xf32, #tpu.memory_space<vmem>>, %arg2: memref<2x1000x128xf32, #tpu.memory_space<vmem>>, %arg3: memref<128x128xf32, #tpu.memory_space<vmem>>, %arg4: memref<1x128xf32, #tpu.memory_space<vmem>>, %arg5: memref<128x128xf32, #tpu.memory_space<vmem>>, %arg6: memref<1x128xf32, #tpu.memory_space<vmem>>, %arg7: memref<1000x128xf32, #tpu.memory_space<vmem>>) attributes {dimension_semantics = [#tpu.dimension_semantics<arbitrary>], iteration_bounds = array<i64: 10>, scalar_prefetch = 0 : i64, scratch_operands = 0 : i64, tpu.core_type = #tpu.core_type<tc>, window_params = [{transform_indices = @transform_0, window_bounds = array<i64: 1000, 128>}, {transform_indices = @transform_1, window_bounds = array<i64: 2, 1000, 128>}, {pipeline_mode = #tpu.pipeline_mode<synchronous>, transform_indices = @transform_2, window_bounds = array<i64: 128, 128>}, {pipeline_mode = #tpu.pipeline_mode<synchronous>, transform_indices = @transform_3, window_bounds = array<i64: 1, 128>}, {pipeline_mode = #tpu.pipeline_mode<synchronous>, transform_indices = @transform_4, window_bounds = array<i64: 128, 128>}, {pipeline_mode = #tpu.pipeline_mode<synchronous>, transform_indices = @transform_5, window_bounds = array<i64: 1, 128>}, {transform_indices = @transform_6, window_bounds = array<i64: 1000, 128>}]} {
    %get3A = arith.constant 0 : index
    %get3A_0 = arith.constant 0 : index
    %get3A_1 = vector.load %arg1[%get3A, %get3A_0] : memref<1000x128xf32, #tpu.memory_space<vmem>>, vector<1000x128xf32>
    %get3A_2 = arith.constant 0 : index
    %get3A_3 = arith.constant 0 : index
    %get3A_4 = arith.constant 0 : index
    %get3A_5 = vector.load %arg2[%get3A_2, %get3A_3, %get3A_4] : memref<2x1000x128xf32, #tpu.memory_space<vmem>>, vector<1x1000x128xf32>
    %get3A_6 = vector.shape_cast %get3A_5 : vector<1x1000x128xf32> to vector<1000x128xf32>
    %add3A = arith.addf %get3A_1, %get3A_6 : vector<1000x128xf32>
    %get3A_7 = arith.constant 1 : index
    %get3A_8 = arith.constant 0 : index
    %get3A_9 = arith.constant 0 : index
    %get3A_10 = vector.load %arg2[%get3A_7, %get3A_8, %get3A_9] : memref<2x1000x128xf32, #tpu.memory_space<vmem>>, vector<1x1000x128xf32>
    %get3A_11 = vector.shape_cast %get3A_10 : vector<1x1000x128xf32> to vector<1000x128xf32>
    %add3A_12 = arith.addf %add3A, %get3A_11 : vector<1000x128xf32>
    %get3A_13 = arith.constant 0 : index
    %get3A_14 = arith.constant 0 : index
    %get3A_15 = vector.load %arg3[%get3A_13, %get3A_14] : memref<128x128xf32, #tpu.memory_space<vmem>>, vector<128x128xf32>
    %dot_general3A = arith.constant dense<0.000000e+00> : vector<1000x128xf32>
    %dot_general3A_16 = tpu.matmul %add3A_12, %get3A_15, %dot_general3A {dimension_numbers = #tpu.dot_dimension_numbers<[1], [0], [0], [1], [0, 0, 1, 1], [], []>, transpose_lhs_hint = false} : vector<1000x128xf32>, vector<128x128xf32>, vector<1000x128xf32> -> vector<1000x128xf32>
    %get3A_17 = arith.constant 0 : index
    %get3A_18 = arith.constant 0 : index
    %get3A_19 = vector.load %arg4[%get3A_17, %get3A_18] : memref<1x128xf32, #tpu.memory_space<vmem>>, vector<1x128xf32>
    %add3A_20 = vector.broadcast %get3A_19 : vector<1x128xf32> to vector<1000x128xf32>
    %add3A_21 = arith.addf %dot_general3A_16, %add3A_20 : vector<1000x128xf32>
    %max3A = arith.constant 0.000000e+00 : f32
    %max3A_22 = vector.broadcast %max3A : f32 to vector<1000x128xf32>
    %max3A_23 = arith.maximumf %add3A_21, %max3A_22 : vector<1000x128xf32>
    %get3A_24 = arith.constant 0 : index
    %get3A_25 = arith.constant 0 : index
    %get3A_26 = vector.load %arg5[%get3A_24, %get3A_25] : memref<128x128xf32, #tpu.memory_space<vmem>>, vector<128x128xf32>
    %dot_general3A_27 = arith.constant dense<0.000000e+00> : vector<1000x128xf32>
    %dot_general3A_28 = tpu.matmul %max3A_23, %get3A_26, %dot_general3A_27 {dimension_numbers = #tpu.dot_dimension_numbers<[1], [0], [0], [1], [0, 0, 1, 1], [], []>, transpose_lhs_hint = false} : vector<1000x128xf32>, vector<128x128xf32>, vector<1000x128xf32> -> vector<1000x128xf32>
    %get3A_29 = arith.constant 0 : index
    %get3A_30 = arith.constant 0 : index
    %get3A_31 = vector.load %arg6[%get3A_29, %get3A_30] : memref<1x128xf32, #tpu.memory_space<vmem>>, vector<1x128xf32>
    %add3A_32 = vector.broadcast %get3A_31 : vector<1x128xf32> to vector<1000x128xf32>
    %add3A_33 = arith.addf %dot_general3A_28, %add3A_32 : vector<1000x128xf32>
    %swap3A = arith.constant 0 : index
    %swap3A_34 = arith.constant 0 : index
    %swap3A_35 = vector.load %arg7[%swap3A, %swap3A_34] : memref<1000x128xf32, #tpu.memory_space<vmem>>, vector<1000x128xf32>
    tpu.vector_store %arg7[%swap3A, %swap3A_34], %add3A_33 {strides = array<i32>} : memref<1000x128xf32, #tpu.memory_space<vmem>>, vector<1000x128xf32>,
    return
  }
  func.func @transform_0(%arg0: i32) -> (i32, i32) {
    %c0_i32 = arith.constant 0 : i32
    %c0_i32_0 = arith.constant 0 : i32
    return %arg0, %c0_i32 : i32, i32
  }
  func.func @transform_1(%arg0: i32) -> (i32, i32, i32) {
    %c0_i32 = arith.constant 0 : i32
    %c0_i32_0 = arith.constant 0 : i32
    %c0_i32_1 = arith.constant 0 : i32
    return %c0_i32, %arg0, %c0_i32_0 : i32, i32, i32
  }
  func.func @transform_2(%arg0: i32) -> (i32, i32) {
    %c0_i32 = arith.constant 0 : i32
    %c0_i32_0 = arith.constant 0 : i32
    %c0_i32_1 = arith.constant 0 : i32
    return %c0_i32, %c0_i32_0 : i32, i32
  }
  func.func @transform_3(%arg0: i32) -> (i32, i32) {
    %c0_i32 = arith.constant 0 : i32
    %c0_i32_0 = arith.constant 0 : i32
    %c0_i32_1 = arith.constant 0 : i32
    return %c0_i32, %c0_i32_0 : i32, i32
  }
  func.func @transform_4(%arg0: i32) -> (i32, i32) {
    %c0_i32 = arith.constant 0 : i32
    %c0_i32_0 = arith.constant 0 : i32
    %c0_i32_1 = arith.constant 0 : i32
    return %c0_i32, %c0_i32_0 : i32, i32
  }
  func.func @transform_5(%arg0: i32) -> (i32, i32) {
    %c0_i32 = arith.constant 0 : i32
    %c0_i32_0 = arith.constant 0 : i32
    %c0_i32_1 = arith.constant 0 : i32
    return %c0_i32, %c0_i32_0 : i32, i32
  }
  func.func @transform_6(%arg0: i32) -> (i32, i32) {
    %c0_i32 = arith.constant 0 : i32
    %c0_i32_0 = arith.constant 0 : i32
    return %arg0, %c0_i32 : i32, i32
  }
}

</mosaic_0001>

<sc_bundles>
// kernel: kernel.10.cloned.1.call-start
scs
__scs_entry_jumppad:
0x0: {  	(pc) =	sbr.rel $0x88, $3  }
0x1: {  	(tag) =	ssettag $0x0;
	lr =	simm.s32 $0x1  }
0x2: {  	[smem:$0x3F95] =	sst lr;
	_ =	strace $0xD0000000  }
0x3: {  	_ = 	snop  }
0x4: {  	_ = 	snop  }
0x5: {  	_ = 	snop  }
0x6: {  	_ = 	snop  }
0x7: {  	_ = 	snop  }
__scs_overlays_trampoline_lowered:
0x8: {  	[smem:$0x3FA4] =	sst s0  }
0x9: {  	[smem:$0x3FA5] =	sst s1  }
0xa: {  	[smem:$0x3FA6] =	sst s2  }
0xb: {  	[smem:$0x3FA7] =	sst s3  }
0xc: {  	[smem:$0x3FA8] =	sst s4  }
0xd: {  	[smem:$0x3FA9] =	sst s5  }
0xe: {  	[smem:$0x3FAA] =	sst s6  }
0xf: {  	[smem:$0x3FAB] =	sst s7  }
0x10: {  	[smem:$0x3FAC] =	sst s8  }
0x11: {  	[smem:$0x3FAD] =	sst s9;
	s0 =	simm.s32 @!p0 $0x0  }
0x12: {  	s1 =	sld [smem:$0x3F93];
	s0 =	simm.s32 @p0 $0x1  }
0x13: {  	[smem:$0x3FAE] =	sst s0;
	s0 =	simm.s32 @!p1 $0x0  }
0x14: {  	s2 =	sld [smem:$0x3F92];
	s0 =	simm.s32 @p1 $0x1  }
0x15: {  	[smem:$0x3FAF] =	sst s0;
	s0 =	simm.s32 @!p2 $0x0  }
0x16: {  	s3 =	sld [smem:$0x3FDB];
	s0 =	simm.s32 @p2 $0x1  }
0x17: {  	s4 =	simm.s32 $0x1BF5;
	[smem:$0x3FB1] =	sst s0  }
0x18: {  	s0 =	sld [smem:$0x3F94];
	_ =	swait.ge [sflag:s4], $0x0  }
0x19: {  	s7 =	sld [smem:$0x3F95]  }
0x1a: {  	s8 =	sadd.s32 $0xFFFFE003, lr  }
0x1b: {  	s9 =	sadd.s32 $0xFFFFFEF7, lr;
	s5 =	simm.s32 $0xFFFFFFFF;
	p2 =	slt.u32 s8, $0xFFFFF086  }
0x1c: {  	p1 =	slt.u32 s9, $0xF7A;
	s5 =	simm.s32 @!p2 $0x0  }
0x1d: {  	s5 =	simm.s32 @p1 $0x1;
	p0 =	seq.s32 s7, s2  }
0x1e: {  	s7 =	smul.u32 @!p0 $0xF7A, s2;
	p2 =	seq.s32 @!p0 s5, $0x0  }
0x1f: {  	s9 =	smul.u32 $0xF7A, s1;
	s8 =	simm.s32 @!p0 $0x1BF5;
	p2 =	por !p2, p0  }
0x20: {  	[sflag:s8] =	ssyncset.s32 @!p0 $0xFFFFF086;
	s6 =	sadd.s32 @!p0 s3, s7;
	s7 =	simm.s32 @!p0 $0x108  }
0x21: {  	s3 =	sadd.s32 s3, s9;
	s6 =	sadd.s32 @!p0 $0x88, s6;
	s7 =	simm.s32 @p2 $0x1082  }
0x22: {  	[simem:s7], [sflag:s8] =	dma.local @!p0 [hbm:s6], $0xF7A  }
0x23: {  	s9 =	sor.u32 $0xD0000000, s2;
	s6 =	simm.s32 $0x108;
	_ =	swait.ge @!p0 [sflag:s8], $0x0  }
0x24: {  	s3 =	sadd.s32 $0x88, s3;
	s6 =	simm.s32 @!p1 $0x1082;
	[sflag:s4] =	ssyncset.s32 $0xFFFFF086  }
0x25: {  	[simem:s6], [sflag:s4] =	dma.local [hbm:s3], $0xF7A  }
0x26: {  	[smem:$0x3F95] =	sst s1;
	(tag) =	ssettag s2;
	_ =	strace s9  }
0x27: {  	s1 =	sld [smem:$0x3FA5]  }
0x28: {  	s2 =	sld [smem:$0x3FA6]  }
0x29: {  	s4 =	sld [smem:$0x3FA8]  }
0x2a: {  	p0 =	seq.s32 s5, $0x0;
	s5 =	sld [smem:$0x3FA9]  }
0x2b: {  	s6 =	sld [smem:$0x3FAA]  }
0x2c: {  	s7 =	sld [smem:$0x3FAB]  }
0x2d: {  	s3 =	simm.s32 $0x108;
	s8 =	sld [smem:$0x3FAC]  }
0x2e: {  	s3 =	simm.s32 @!p0 $0x1082;
	s9 =	sld [smem:$0x3FAD]  }
0x2f: {  	lr =	sadd.s32 s0, s3;
	s0 =	sld [smem:$0x3FA4]  }
0x30: {  	s3 =	sld [smem:$0x3FA7]  }
0x31: {  	[smem:$0x3FB0] =	sst s10  }
0x32: {  	s10 =	sld [smem:$0x3FAE];
	_ =	sdelay $0x3  }
0x33: {  	p0 =	seq.s32 s10, $0x1;
	s10 =	sld [smem:$0x3FB0];
	_ =	sdelay $0x3  }
0x34: {  	[smem:$0x3FB0] =	sst s10  }
0x35: {  	s10 =	sld [smem:$0x3FAF];
	_ =	sdelay $0x3  }
0x36: {  	p1 =	seq.s32 s10, $0x1;
	s10 =	sld [smem:$0x3FB0];
	_ =	sdelay $0x3  }
0x37: {  	[smem:$0x3FB0] =	sst s10  }
0x38: {  	s10 =	sld [smem:$0x3FB1]  }
0x39: {  	_ = 	snop;
	(pc) =	sbr.ind lr, $3  }
0x3a: {  	_ = 	snop  }
0x3b: {  	_ = 	snop  }
0x3c: {  	p2 =	seq.s32 s10, $0x1;
	s10 =	sld [smem:$0x3FB0]  }
0x3d: {  	_ =	shalt  }
0x3e: {  	_ =	shalt  }
0x3f: {  	_ =	shalt  }
0x40: {  	_ =	shalt  }
0x41: {  	_ =	shalt  }
0x42: {  	_ =	shalt  }
0x43: {  	_ =	shalt  }
0x44: {  	_ =	shalt  }
0x45: {  	_ =	shalt  }
0x46: {  	_ =	shalt  }
0x47: {  	_ =	shalt  }
0x48: {  	_ =	shalt  }
0x49: {  	_ =	shalt  }
0x4a: {  	_ =	shalt  }
0x4b: {  	_ =	shalt  }
0x4c: {  	_ =	shalt  }
0x4d: {  	_ =	shalt  }
0x4e: {  	_ =	shalt  }
0x4f: {  	_ =	shalt  }
0x50: {  	_ =	shalt  }
0x51: {  	_ =	shalt  }
0x52: {  	_ =	shalt  }
0x53: {  	_ =	shalt  }
0x54: {  	_ =	shalt  }
0x55: {  	_ =	shalt  }
0x56: {  	_ =	shalt  }
0x57: {  	_ =	shalt  }
0x58: {  	_ =	shalt  }
0x59: {  	_ =	shalt  }
0x5a: {  	_ =	shalt  }
0x5b: {  	_ =	shalt  }
0x5c: {  	_ =	shalt  }
0x5d: {  	_ =	shalt  }
0x5e: {  	_ =	shalt  }
0x5f: {  	_ =	shalt  }
0x60: {  	_ =	shalt  }
0x61: {  	_ =	shalt  }
0x62: {  	_ =	shalt  }
0x63: {  	_ =	shalt  }
0x64: {  	_ =	shalt  }
0x65: {  	_ =	shalt  }
0x66: {  	_ =	shalt  }
0x67: {  	_ =	shalt  }
0x68: {  	_ =	shalt  }
0x69: {  	_ =	shalt  }
0x6a: {  	_ =	shalt  }
0x6b: {  	_ =	shalt  }
0x6c: {  	_ =	shalt  }
0x6d: {  	_ =	shalt  }
0x6e: {  	_ =	shalt  }
0x6f: {  	_ =	shalt  }
0x70: {  	_ =	shalt  }
0x71: {  	_ =	shalt  }
0x72: {  	_ =	shalt  }
0x73: {  	_ =	shalt  }
0x74: {  	_ =	shalt  }
0x75: {  	_ =	shalt  }
0x76: {  	_ =	shalt  }
0x77: {  	_ =	shalt  }
0x78: {  	_ =	shalt  }
0x79: {  	_ =	shalt  }
0x7a: {  	_ =	shalt  }
0x7b: {  	_ =	shalt  }
0x7c: {  	_ =	shalt  }
0x7d: {  	_ =	shalt  }
0x7e: {  	_ =	shalt  }
0x7f: {  	_ =	shalt  }
0x80: {  	_ =	shalt  }
0x81: {  	_ =	shalt  }
0x82: {  	_ =	shalt  }
0x83: {  	_ =	shalt  }
0x84: {  	_ =	shalt  }
0x85: {  	_ =	shalt  }
0x86: {  	_ =	shalt  }
0x87: {  	_ =	shalt  }
.Lfunc_end0:
.L_simem_size_0:
called_computation.1_lowered:
.L_overlay_start_0:
0x88: {  	s2 =	sld [smem:$0x3FD9]  }
0x89: {  	s3 =	sld [smem:$0x3FFE];
	_ =	sdelay $0x1  }
0x8a: {  	s1 =	srdreg.scid  }
0x8b: {  	s0 =	sand.u32 $0x1, s1  }
0x8c: {  	s17 =	sshll.u32 s0, $0xA;
	s2 =	sadd.s32 s3, s2  }
0x8d: {  	s2 =	sadd.s32 s2, s17  }
0x8e: {  	[smem:$0x3FBC] =	sst s2  }
0x8f: {  	_ = 	snop  }
0x90: {  	s2 =	sld [smem:$0x3FD0];
	(tm) =	ssettm $0x1  }
0x91: {  	s18 =	sld [smem:$0x3FFB];
	_ =	sdelay $0x3  }
0x92: {  	_ =	strace s18  }
0x93: {  	s3 =	sld [smem:$0x3FFC];
	_ =	sdelay $0x3  }
0x94: {  	_ =	strace s3  }
0x95: {  	s3 =	sld [smem:$0x3FFD];
	_ =	sdelay $0x3  }
0x96: {  	_ =	strace s3  }
0x97: {  	_ =	strace $0x8FFFFFFF  }
0x98: {  	s19 =	sld [smem:$0x3FDB];
	_ =	sdelay $0x1  }
0x99: {  	s4 =	simm.s32 $_scs_section_size  }
0x9a: {  	s5 =	simm.s32 $_size__tile_overlayer_lowered;
	s6 =	simm.s32 $_tile_overlayer_lowered  }
0x9b: {  	s22 =	simm.s32 $0x1BFF;
	s21 =	sshll.u32 s6, $0x1;
	s3 =	sadd.s32 s4, s19  }
0x9c: {  	s7 =	simm.s32 $0x0;
	s20 =	sshll.u32 s5, $0x1;
	s5 =	sadd.s32 s21, s3  }
0x9d: {  	[timem:s7], [sflag:s22] =	dma.local [hbm:s5], s20  }
0x9e: {  	_ =	swait.ge [sflag:s22], s20  }
0x9f: {  	s4 =	ssub.s32 $0x0, s20;
	[sflag:s22] =	ssyncset.done $0x0  }
0xa0: {  	[sflag:s22] =	ssyncadd.s32 s4;
	_ =	sdelay $0x1  }
0xa1: {  	s23 =	simm.s32 $0x1B8B  }
0xa2: {  	_ =	swait.ge [sflag:s23], $0x1  }
0xa3: {  	[sflag:s23] =	ssyncset.done $0x0  }
0xa4: {  	s25 =	simm.s32 $0x1B8E;
	s24 =	sld [smem:$0x3FFE];
	[sflag:s23] =	ssyncadd.s32 $0xFFFFFFFF  }
0xa5: {  	s26 =	simm.s32 $execute0_lowered;
	[smem:$0x3FD2] =	sst s25  }
0xa6: {  	s5 =	sshll.u32 s26, $0x1;
	_ =	strace $0x80000049;
	[dreg:$0x1] =	wrdreg $0xFFFFFFFF  }
0xa7: {  	s28 =	simm.s32 $_size_execute0_lowered;
	s3 =	sadd.s32 s3, s5;
	[dreg:$0x0] =	wrdreg $0x0  }
0xa8: {  	s5 =	sshll.u32 s28, $0x1;
	[dreg:$0x2] =	wrdreg s3  }
0xa9: {  	[dreg:$0x3] =	wrdreg s5  }
0xaa: {  	[dreg:$0x4] =	wrdreg $0xC0  }
0xab: {  	_ =	task [dreg:s7], $0x5FFFF  }
0xac: {  	[dreg:$0x1] =	wrdreg $0xFFFFFFFF  }
0xad: {  	[dreg:$0x0] =	wrdreg $0x60  }
0xae: {  	[dreg:$0x2] =	wrdreg s2  }
0xaf: {  	[dreg:$0x3] =	wrdreg s24  }
0xb0: {  	[dreg:$0x4] =	wrdreg $0xBA000  }
0xb1: {  	[dreg:$0x5] =	wrdreg $0x9  }
0xb2: {  	_ =	task.clear_ibuf [dreg:s7], $0x6FFFF;
	_ =	strace $0x90000049  }
0xb3: {  	s29 =	simm.s32 $0x9;
	_ =	strace $0x8000004B  }
0xb4: {  	_ =	swait.ge [sflag:s29], $0x1  }
0xb5: {  	[sflag:s29] =	ssyncadd.s32 $0xFFFFFFFF  }
0xb6: {  	_ =	strace $0x9000004B  }
0xb7: {  	_ =	sfence  }
0xb8: {  	s30 =	sld [smem:$0x0];
	_ =	sdelay $0x2  }
0xb9: {  	s31 =	sshll.u32 s1, $0xD;
	s1 =	sshrl.u32 s1, $0x2  }
0xba: {  	s3 =	sand.u32 $0x4000, s31;
	s1 =	sadd.s32 s1, s30  }
0xbb: {  	s0 =	sor.u32 s3, s0;
	s1 =	sshll.u32 s1, $0x11  }
0xbc: {  	s0 =	sor.u32 s1, s0  }
0xbd: {  	s0 =	sadd.s32 $0x8F2B, s0  }
0xbe: {  	[sflag:s0] =	ssyncadd.remote.s32 $0x1  }
0xbf: {  	_ =	sfence.sel $0xFFFF  }
0xc0: {  	[dreg:$0x0] =	wrdreg $0xFFFFFFFF;
	(pc) =	sbr.abs _section_cstart, $3  }
0xc1: {  	[dreg:$0x1] =	wrdreg $0xFFFFFFFF  }
0xc2: {  	_ =	task.clear_ibuf [dreg:s7], $0x2FFFF;
	_ =	strace $0x9FFFFFFF  }
0xc3: {  	(tm) =	ssettm $0x7FFFFFFF  }
tec
execute0_lowered:
.L_overlay_start_1:
0x0: {  	(tag) =	ssettag $0x1  }
0x1: {  	s2 =	rddreg [dreg:$0x0]  }
0x2: {  	s0 =	rddreg [dreg:$0x1]  }
0x3: {  	s1 =	srdreg.scid;
	s7 =	stileid.u32  }
0x4: {  	s3 =	rddreg [dreg:$0x2];
	s8 =	simm.s32 $0x0;
	s6 =	smul.u32 $0x14000, s7  }
0x5: {  	s1 =	sand.u32 $0x1, s1;
	s4 =	sshll.u32 s7, $0x1;
	s26 =	smul.u32 $0x50000, s7  }
0x6: {  	s5 =	smul.u32 $0x140000, s1;
	s4 =	sor.u32 s1, s4;
	s1 =	ssub.s32 $0x2, s1  }
0x7: {  	[smem:$0x7FF] =	sst s8;
	s4 =	smul.u32 $0x500, s4;
	s7 =	sshrl.u32 s1, $0x1  }
0x8: {  	_ =	strace $0x8000004A;
	s5 =	sadd.s32 s6, s5;
	s1 =	ssub.s32 s1, s7  }
0x9: {  	s6 =	sshrl.u32 s26, $0x2;
	s4 =	sadd.s32 s4, s0;
	s25 =	smax.u32 s1, $0x1  }
0xa: {  	s6 =	sadd.s32 s6, s3;
	s4 =	sadd.s32 $0x2A00, s4;
	[dreg:$0x17] =	wrdreg s25  }
0xb: {  	s8 =	sadd.s32 $0x1000, s6;
	[dreg:$0x4] =	wrdreg s4  }
0xc: {  	s9 =	sadd.s32 $0x2000, s6;
	[dreg:$0x5] =	wrdreg s8  }
0xd: {  	s10 =	sadd.s32 $0x3000, s6;
	[dreg:$0x6] =	wrdreg s9  }
0xe: {  	s11 =	sadd.s32 $0x4000, s6;
	[dreg:$0x7] =	wrdreg s10  }
0xf: {  	s12 =	sadd.s32 $0x5000, s6;
	[dreg:$0x8] =	wrdreg s11  }
0x10: {  	s13 =	sadd.s32 $0x6000, s6;
	[dreg:$0x9] =	wrdreg s12  }
0x11: {  	s14 =	sadd.s32 $0x7000, s6;
	[dreg:$0xa] =	wrdreg s13  }
0x12: {  	s15 =	sadd.s32 $0x8000, s6;
	[dreg:$0xb] =	wrdreg s14  }
0x13: {  	s16 =	sadd.s32 $0x9000, s6;
	[dreg:$0xc] =	wrdreg s15  }
0x14: {  	s29 =	simm.s32 $0x2;
	s17 =	sadd.s32 $0xA000, s6;
	[dreg:$0xd] =	wrdreg s16  }
0x15: {  	s30 =	simm.s32 $0x20;
	s18 =	sadd.s32 $0xB000, s6;
	[dreg:$0xe] =	wrdreg s17  }
0x16: {  	s31 =	simm.s32 $0x2800;
	s19 =	sadd.s32 $0xC000, s6;
	[dreg:$0xf] =	wrdreg s18  }
0x17: {  	s7 =	simm.s32 $0x4A00;
	s20 =	sadd.s32 $0xD000, s6;
	[dreg:$0x10] =	wrdreg s19  }
0x18: {  	s5 =	sshrl.u32 s5, $0x3;
	s21 =	sadd.s32 $0xE000, s6;
	[dreg:$0x11] =	wrdreg s20  }
0x19: {  	s1 =	simm.s32 $0x3A00;
	s22 =	sadd.s32 $0xF000, s6;
	[dreg:$0x12] =	wrdreg s21  }
0x1a: {  	s0 =	sadd.s32 s5, s0;
	s23 =	sadd.s32 $0x10000, s6;
	[dreg:$0x13] =	wrdreg s22  }
0x1b: {  	s24 =	sadd.s32 $0x11000, s6;
	s26 =	sadd.s32 $0x12000, s6;
	[dreg:$0x14] =	wrdreg s23  }
0x1c: {  	s28 =	sadd.s32 $0x13000, s6;
	s5 =	simm.s32 $0x2840;
	[dreg:$0x15] =	wrdreg s24  }
0x1d: {  	s0 =	sadd.s32 $0xCA00, s0;
	[dreg:$0x18] =	wrdreg s26;
	s4 =	simm.s32 $0x2820  }
0x1e: {  	s8 =	simm.s32 $0x2860;
	s9 =	simm.s32 $0x5A00;
	s10 =	simm.s32 $0x2900  }
0x1f: {  	s11 =	simm.s32 $0x6A00;
	s12 =	simm.s32 $0x2920;
	s13 =	simm.s32 $0x7A00  }
0x20: {  	s14 =	simm.s32 $0x2940;
	s15 =	simm.s32 $0x8A00;
	s16 =	simm.s32 $0x2960  }
0x21: {  	s17 =	simm.s32 $0x9A00;
	s18 =	simm.s32 $0xAA00;
	s19 =	simm.s32 $0x1  }
0x22: {  	s20 =	simm.s32 $0x80;
	s21 =	simm.s32 $0x2880;
	s22 =	simm.s32 $0x2980  }
0x23: {  	v0 =	vimm.f32 $0.0e+00;
	s23 =	simm.s32 $0x0;
	[dreg:$0x16] =	wrdreg s0;
	s0 =	simm.s32 $0x2A00  }
.LBB2_1:
0x24: {  	s24 =	simm.s32 $0x0;
	s25 =	rddreg [dreg:$0x4]  }
0x25: {  	[tilespmem:s24], [sflag:$0x2] =	stream.linear.gather [hbm4b:s25+s24], $0x2800, $0x38;
	[tilespmem:$0x1FA00] =	vst v63  }
0x26: {  	_ =	swait.ge [sflag:s29], $0x2800  }
0x27: {  	[sflag:s29] =	ssyncset.done $0x0  }
0x28: {  	[sflag:s29] =	ssyncadd.s32 $0xFFFFD800  }
0x29: {  	v1 =	vld [tilespmem:$0x0];
	_ =	sdelay $0x1  }
0x2a: {  	v2 =	vld [tilespmem:$0x10];
	_ =	sdelay $0x1  }
0x2b: {  	v3 =	vld [tilespmem:$0x20]  }
0x2c: {  	v4 =	vshrl.u32 v1, $0xE  }
0x2d: {  	v59 =	vld [tilespmem:$0x30];
	v1 =	vand.u32 $0x3FFF, v1;
	[tilespmem:$0x2800] =	vst v4  }
0x2e: {  	[tilespmem:$0x2880] =	vst v1;
	v1 =	vshrl.u32 v2, $0xE  }
0x2f: {  	[tilespmem:$0x2810] =	vst v1;
	v1 =	vand.u32 $0x3FFF, v2;
	v2 =	vld [tilespmem:$0x40]  }
0x30: {  	[tilespmem:$0x2890] =	vst v1;
	v1 =	vshrl.u32 v3, $0xE  }
0x31: {  	[tilespmem:$0x2820] =	vst v1;
	v1 =	vand.u32 $0x3FFF, v3;
	v3 =	vld [tilespmem:$0x50]  }
0x32: {  	[tilespmem:$0x28A0] =	vst v1;
	v1 =	vshrl.u32 v59, $0xE  }
0x33: {  	v60 =	vld [tilespmem:$0x60];
	[tilespmem:$0x2830] =	vst v1;
	v1 =	vand.u32 $0x3FFF, v59  }
0x34: {  	[tilespmem:$0x28B0] =	vst v1;
	v1 =	vshrl.u32 v2, $0xE  }
0x35: {  	[tilespmem:$0x2840] =	vst v1;
	v1 =	vand.u32 $0x3FFF, v2;
	v2 =	vld [tilespmem:$0x70]  }
0x36: {  	[tilespmem:$0x28C0] =	vst v1;
	v1 =	vshrl.u32 v3, $0xE  }
0x37: {  	[tilespmem:$0x2850] =	vst v1;
	v1 =	vand.u32 $0x3FFF, v3  }
0x38: {  	[tilespmem:$0x28D0] =	vst v1;
	v1 =	vshrl.u32 v60, $0xE  }
0x39: {  	[tilespmem:$0x2860] =	vst v1;
	v1 =	vand.u32 $0x3FFF, v60  }
0x3a: {  	[tilespmem:$0x28E0] =	vst v1;
	v1 =	vshrl.u32 v2, $0xE  }
0x3b: {  	[tilespmem:$0x2870] =	vst v1;
	v1 =	vand.u32 $0x3FFF, v2  }
0x3c: {  	[tilespmem:$0x28F0] =	vst v1  }
0x3d: {  	[tilespmem:s0], [sflag:$0x1] =	stream.indirect.gather [hbm4b:s2+s30], $0x80, s31, s30, $0xb8;
	[tilespmem:$0x1FA00] =	vst v63  }
0x3e: {  	_ = 	snop  }
0x3f: {  	[tilespmem:s1], [sflag:$0x1] =	stream.indirect.gather [hbm4b:s2+s30], $0x80, s4, s30, $0xb8;
	[tilespmem:$0x1FA00] =	vst v63  }
0x40: {  	_ = 	snop  }
0x41: {  	[tilespmem:s7], [sflag:$0x1] =	stream.indirect.gather [hbm4b:s2+s30], $0x80, s5, s30, $0xb8;
	[tilespmem:$0x1FA00] =	vst v63  }
0x42: {  	_ = 	snop  }
0x43: {  	[tilespmem:s9], [sflag:$0x1] =	stream.indirect.gather [hbm4b:s2+s30], $0x80, s8, s30, $0xb8;
	[tilespmem:$0x1FA00] =	vst v63  }
0x44: {  	v1 =	vld [tilespmem:$0x80];
	_ =	sdelay $0x1  }
0x45: {  	v2 =	vld [tilespmem:$0x90];
	_ =	sdelay $0x1  }
0x46: {  	v3 =	vld [tilespmem:$0xA0]  }
0x47: {  	v61 =	vshrl.u32 v1, $0xE  }
0x48: {  	v62 =	vld [tilespmem:$0xB0];
	v1 =	vand.u32 $0x3FFF, v1;
	[tilespmem:$0x2900] =	vst v61  }
0x49: {  	[tilespmem:$0x2980] =	vst v1;
	v1 =	vshrl.u32 v2, $0xE  }
0x4a: {  	[tilespmem:$0x2910] =	vst v1;
	v1 =	vand.u32 $0x3FFF, v2;
	v2 =	vld [tilespmem:$0xC0]  }
0x4b: {  	[tilespmem:$0x2990] =	vst v1;
	v1 =	vshrl.u32 v3, $0xE  }
0x4c: {  	[tilespmem:$0x2920] =	vst v1;
	v1 =	vand.u32 $0x3FFF, v3;
	v3 =	vld [tilespmem:$0xD0]  }
0x4d: {  	[tilespmem:$0x29A0] =	vst v1;
	v1 =	vshrl.u32 v62, $0xE  }
0x4e: {  	v63 =	vld [tilespmem:$0xE0];
	[tilespmem:$0x2930] =	vst v1;
	v1 =	vand.u32 $0x3FFF, v62  }
0x4f: {  	[tilespmem:$0x29B0] =	vst v1;
	v1 =	vshrl.u32 v2, $0xE  }
0x50: {  	[tilespmem:$0x2940] =	vst v1;
	v1 =	vand.u32 $0x3FFF, v2;
	v2 =	vld [tilespmem:$0xF0]  }
0x51: {  	[tilespmem:$0x29C0] =	vst v1;
	v1 =	vshrl.u32 v3, $0xE  }
0x52: {  	[tilespmem:$0x2950] =	vst v1;
	v1 =	vand.u32 $0x3FFF, v3  }
0x53: {  	[tilespmem:$0x29D0] =	vst v1;
	v1 =	vshrl.u32 v63, $0xE  }
0x54: {  	[tilespmem:$0x2960] =	vst v1;
	v1 =	vand.u32 $0x3FFF, v63  }
0x55: {  	[tilespmem:$0x29E0] =	vst v1;
	v1 =	vshrl.u32 v2, $0xE  }
0x56: {  	[tilespmem:$0x2970] =	vst v1;
	v1 =	vand.u32 $0x3FFF, v2  }
0x57: {  	[tilespmem:$0x29F0] =	vst v1  }
0x58: {  	[tilespmem:s11], [sflag:$0x1] =	stream.indirect.gather [hbm4b:s2+s30], $0x80, s10, s30, $0xb8;
	[tilespmem:$0x1FA00] =	vst v63  }
0x59: {  	_ = 	snop  }
0x5a: {  	[tilespmem:s13], [sflag:$0x1] =	stream.indirect.gather [hbm4b:s2+s30], $0x80, s12, s30, $0xb8;
	[tilespmem:$0x1FA00] =	vst v63  }
0x5b: {  	_ = 	snop  }
0x5c: {  	[tilespmem:s15], [sflag:$0x1] =	stream.indirect.gather [hbm4b:s2+s30], $0x80, s14, s30, $0xb8;
	[tilespmem:$0x1FA00] =	vst v63  }
0x5d: {  	s24 =	simm.s32 $0x0;
	s25 =	simm.s32 $0x200  }
0x5e: {  	[tilespmem:s17], [sflag:$0x1] =	stream.indirect.gather [hbm4b:s2+s30], $0x80, s16, s30, $0xb8;
	[tilespmem:$0x1FA00] =	vst v63  }
.LBB2_2:
0x5f: {  	p0 =	sne.s32 s25, $0x3E00;
	[tilespmem:s24+$0xAA70] =	vst v0  }
0x60: {  	[tilespmem:s24+$0xAA00] =	vst v0  }
0x61: {  	[tilespmem:s24+$0xAA10] =	vst v0  }
.Ltmp0:
0x62: {  	[tilespmem:s24+$0xAA20] =	vst v0;
	(pc) =	sbr.rel @p0 .LBB2_2-.Ltmp0, $4  }
0x63: {  	[tilespmem:s24+$0xAA30] =	vst v0  }
0x64: {  	[tilespmem:s24+$0xAA40] =	vst v0  }
0x65: {  	[tilespmem:s24+$0xAA50] =	vst v0  }
0x66: {  	[tilespmem:s24+$0xAA60] =	vst v0;
	s24 =	sshra.s32 s25, $0x2;
	s25 =	sadd.s32 $0x200, s25  }
0x67: {  	[tilespmem:s24+$0xAA70] =	vst v0  }
0x68: {  	[tilespmem:s24+$0xAA00] =	vst v0  }
0x69: {  	[tilespmem:s24+$0xAA10] =	vst v0  }
0x6a: {  	[tilespmem:s24+$0xAA20] =	vst v0  }
0x6b: {  	[tilespmem:s24+$0xAA30] =	vst v0  }
0x6c: {  	[tilespmem:s24+$0xAA40] =	vst v0  }
0x6d: {  	[tilespmem:s24+$0xAA50] =	vst v0  }
0x6e: {  	[tilespmem:s24+$0xAA60] =	vst v0  }
0x6f: {  	[spmem:s6] =	stream.linear.scatter [tilespmem:s18], [sflag:$0x2], $0x1000, $0x38;
	[tilespmem:$0x1FA00] =	vst v63  }
0x70: {  	_ =	swait.ge [sflag:s29], $0x1000  }
0x71: {  	[sflag:s29] =	ssyncset.done $0x0  }
0x72: {  	s25 =	rddreg [dreg:$0x5];
	[sflag:s29] =	ssyncadd.s32 $0xFFFFF000  }
0x73: {  	[spmem:s25] =	stream.linear.scatter [tilespmem:s18], [sflag:$0x2], $0x1000, $0x38;
	[tilespmem:$0x1FA00] =	vst v63  }
0x74: {  	_ =	swait.ge [sflag:s29], $0x1000  }
0x75: {  	[sflag:s29] =	ssyncset.done $0x0  }
0x76: {  	s26 =	rddreg [dreg:$0x6];
	[sflag:s29] =	ssyncadd.s32 $0xFFFFF000  }
0x77: {  	[spmem:s26] =	stream.linear.scatter [tilespmem:s18], [sflag:$0x2], $0x1000, $0x38;
	[tilespmem:$0x1FA00] =	vst v63  }
0x78: {  	_ =	swait.ge [sflag:s29], $0x1000  }
0x79: {  	[sflag:s29] =	ssyncset.done $0x0  }
0x7a: {  	s25 =	rddreg [dreg:$0x7];
	[sflag:s29] =	ssyncadd.s32 $0xFFFFF000  }
0x7b: {  	[spmem:s25] =	stream.linear.scatter [tilespmem:s18], [sflag:$0x2], $0x1000, $0x38;
	[tilespmem:$0x1FA00] =	vst v63  }
0x7c: {  	_ =	swait.ge [sflag:s29], $0x1000  }
0x7d: {  	[sflag:s29] =	ssyncset.done $0x0  }
0x7e: {  	s26 =	rddreg [dreg:$0x8];
	[sflag:s29] =	ssyncadd.s32 $0xFFFFF000  }
0x7f: {  	[spmem:s26] =	stream.linear.scatter [tilespmem:s18], [sflag:$0x2], $0x1000, $0x38;
	[tilespmem:$0x1FA00] =	vst v63  }
0x80: {  	_ =	swait.ge [sflag:s29], $0x1000  }
0x81: {  	[sflag:s29] =	ssyncset.done $0x0  }
0x82: {  	s25 =	rddreg [dreg:$0x9];
	[sflag:s29] =	ssyncadd.s32 $0xFFFFF000  }
0x83: {  	[spmem:s25] =	stream.linear.scatter [tilespmem:s18], [sflag:$0x2], $0x1000, $0x38;
	[tilespmem:$0x1FA00] =	vst v63  }
0x84: {  	_ =	swait.ge [sflag:s29], $0x1000  }
0x85: {  	[sflag:s29] =	ssyncset.done $0x0  }
0x86: {  	s26 =	rddreg [dreg:$0xa];
	[sflag:s29] =	ssyncadd.s32 $0xFFFFF000  }
0x87: {  	[spmem:s26] =	stream.linear.scatter [tilespmem:s18], [sflag:$0x2], $0x1000, $0x38;
	[tilespmem:$0x1FA00] =	vst v63  }
0x88: {  	_ =	swait.ge [sflag:s29], $0x1000  }
0x89: {  	[sflag:s29] =	ssyncset.done $0x0  }
0x8a: {  	s25 =	rddreg [dreg:$0xb];
	[sflag:s29] =	ssyncadd.s32 $0xFFFFF000  }
0x8b: {  	[spmem:s25] =	stream.linear.scatter [tilespmem:s18], [sflag:$0x2], $0x1000, $0x38;
	[tilespmem:$0x1FA00] =	vst v63  }
0x8c: {  	_ =	swait.ge [sflag:s29], $0x1000  }
0x8d: {  	[sflag:s29] =	ssyncset.done $0x0  }
0x8e: {  	s26 =	rddreg [dreg:$0xc];
	[sflag:s29] =	ssyncadd.s32 $0xFFFFF000  }
0x8f: {  	[spmem:s26] =	stream.linear.scatter [tilespmem:s18], [sflag:$0x2], $0x1000, $0x38;
	[tilespmem:$0x1FA00] =	vst v63  }
0x90: {  	_ =	swait.ge [sflag:s29], $0x1000  }
0x91: {  	[sflag:s29] =	ssyncset.done $0x0  }
0x92: {  	s25 =	rddreg [dreg:$0xd];
	[sflag:s29] =	ssyncadd.s32 $0xFFFFF000  }
0x93: {  	[spmem:s25] =	stream.linear.scatter [tilespmem:s18], [sflag:$0x2], $0x1000, $0x38;
	[tilespmem:$0x1FA00] =	vst v63  }
0x94: {  	_ =	swait.ge [sflag:s29], $0x1000  }
0x95: {  	[sflag:s29] =	ssyncset.done $0x0  }
0x96: {  	s26 =	rddreg [dreg:$0xe];
	[sflag:s29] =	ssyncadd.s32 $0xFFFFF000  }
0x97: {  	[spmem:s26] =	stream.linear.scatter [tilespmem:s18], [sflag:$0x2], $0x1000, $0x38;
	[tilespmem:$0x1FA00] =	vst v63  }
0x98: {  	_ =	swait.ge [sflag:s29], $0x1000  }
0x99: {  	[sflag:s29] =	ssyncset.done $0x0  }
0x9a: {  	s25 =	rddreg [dreg:$0xf];
	[sflag:s29] =	ssyncadd.s32 $0xFFFFF000  }
0x9b: {  	[spmem:s25] =	stream.linear.scatter [tilespmem:s18], [sflag:$0x2], $0x1000, $0x38;
	[tilespmem:$0x1FA00] =	vst v63  }
0x9c: {  	_ =	swait.ge [sflag:s29], $0x1000  }
0x9d: {  	[sflag:s29] =	ssyncset.done $0x0  }
0x9e: {  	s26 =	rddreg [dreg:$0x10];
	[sflag:s29] =	ssyncadd.s32 $0xFFFFF000  }
0x9f: {  	[spmem:s26] =	stream.linear.scatter [tilespmem:s18], [sflag:$0x2], $0x1000, $0x38;
	[tilespmem:$0x1FA00] =	vst v63  }
0xa0: {  	_ =	swait.ge [sflag:s29], $0x1000  }
0xa1: {  	[sflag:s29] =	ssyncset.done $0x0  }
0xa2: {  	s25 =	rddreg [dreg:$0x11];
	[sflag:s29] =	ssyncadd.s32 $0xFFFFF000  }
0xa3: {  	[spmem:s25] =	stream.linear.scatter [tilespmem:s18], [sflag:$0x2], $0x1000, $0x38;
	[tilespmem:$0x1FA00] =	vst v63  }
0xa4: {  	_ =	swait.ge [sflag:s29], $0x1000  }
0xa5: {  	[sflag:s29] =	ssyncset.done $0x0  }
0xa6: {  	s26 =	rddreg [dreg:$0x12];
	[sflag:s29] =	ssyncadd.s32 $0xFFFFF000  }
0xa7: {  	[spmem:s26] =	stream.linear.scatter [tilespmem:s18], [sflag:$0x2], $0x1000, $0x38;
	[tilespmem:$0x1FA00] =	vst v63  }
0xa8: {  	_ =	swait.ge [sflag:s29], $0x1000  }
0xa9: {  	[sflag:s29] =	ssyncset.done $0x0  }
0xaa: {  	s25 =	rddreg [dreg:$0x13];
	[sflag:s29] =	ssyncadd.s32 $0xFFFFF000  }
0xab: {  	[spmem:s25] =	stream.linear.scatter [tilespmem:s18], [sflag:$0x2], $0x1000, $0x38;
	[tilespmem:$0x1FA00] =	vst v63  }
0xac: {  	_ =	swait.ge [sflag:s29], $0x1000  }
0xad: {  	[sflag:s29] =	ssyncset.done $0x0  }
0xae: {  	s26 =	rddreg [dreg:$0x14];
	[sflag:s29] =	ssyncadd.s32 $0xFFFFF000  }
0xaf: {  	[spmem:s26] =	stream.linear.scatter [tilespmem:s18], [sflag:$0x2], $0x1000, $0x38;
	[tilespmem:$0x1FA00] =	vst v63  }
0xb0: {  	_ =	swait.ge [sflag:s29], $0x1000  }
0xb1: {  	[sflag:s29] =	ssyncset.done $0x0  }
0xb2: {  	s25 =	rddreg [dreg:$0x15];
	[sflag:s29] =	ssyncadd.s32 $0xFFFFF000  }
0xb3: {  	[spmem:s25] =	stream.linear.scatter [tilespmem:s18], [sflag:$0x2], $0x1000, $0x38;
	[tilespmem:$0x1FA00] =	vst v63  }
0xb4: {  	_ =	swait.ge [sflag:s29], $0x1000  }
0xb5: {  	[sflag:s29] =	ssyncset.done $0x0  }
0xb6: {  	s26 =	rddreg [dreg:$0x18];
	[sflag:s29] =	ssyncadd.s32 $0xFFFFF000  }
0xb7: {  	[spmem:s26] =	stream.linear.scatter [tilespmem:s18], [sflag:$0x2], $0x1000, $0x38;
	[tilespmem:$0x1FA00] =	vst v63  }
0xb8: {  	_ =	swait.ge [sflag:s29], $0x1000  }
0xb9: {  	[sflag:s29] =	ssyncset.done $0x0  }
0xba: {  	[sflag:s29] =	ssyncadd.s32 $0xFFFFF000  }
0xbb: {  	[spmem:s28] =	stream.linear.scatter [tilespmem:s18], [sflag:$0x2], $0x1000, $0x38;
	[tilespmem:$0x1FA00] =	vst v63  }
0xbc: {  	_ =	swait.ge [sflag:s29], $0x1000  }
0xbd: {  	[sflag:s29] =	ssyncset.done $0x0  }
0xbe: {  	[sflag:s29] =	ssyncadd.s32 $0xFFFFF000  }
0xbf: {  	[bflag:$0x0] =	sbarrier.arrive $0xFFFF  }
0xc0: {  	_ =	swait.ge [sflag:s19], $0x1000  }
0xc1: {  	[sflag:s19] =	ssyncset.done $0x0  }
0xc2: {  	[sflag:s19] =	ssyncadd.s32 $0xFFFFF000  }
0xc3: {  	_ =	swait.ge [sflag:s19], $0x1000  }
0xc4: {  	[sflag:s19] =	ssyncset.done $0x0  }
0xc5: {  	[sflag:s19] =	ssyncadd.s32 $0xFFFFF000  }
0xc6: {  	_ =	swait.ge [sflag:s19], $0x1000  }
0xc7: {  	[sflag:s19] =	ssyncset.done $0x0  }
0xc8: {  	[sflag:s19] =	ssyncadd.s32 $0xFFFFF000  }
0xc9: {  	_ =	swait.ge [sflag:s19], $0x1000  }
0xca: {  	[sflag:s19] =	ssyncset.done $0x0  }
0xcb: {  	[sflag:s19] =	ssyncadd.s32 $0xFFFFF000  }
0xcc: {  	[spmem:s3] =	stream.indirect.scatter.add.f32 [tilespmem:s0], [sflag:$0x2], $0x80, s21, s20, $0xb8;
	[tilespmem:$0x1FA00] =	vst v63  }
0xcd: {  	_ =	swait.ge [sflag:s29], $0x4000  }
0xce: {  	[sflag:s29] =	ssyncset.done $0x0  }
0xcf: {  	s24 =	simm.s32 $0x1F0;
	[sflag:s29] =	ssyncadd.s32 $0xFFFFC000  }
0xd0: {  	v1 =	vld [tilespmem:s24+$0xFFFFFF10];
	_ =	sdelay $0x4  }
0xd1: {  	v2 =	vshrl.u32 v1, $0xE  }
0xd2: {  	v1 =	vand.u32 $0x3FFF, v1;
	[tilespmem:$0x2800] =	vst v2  }
0xd3: {  	[tilespmem:$0x2880] =	vst v1  }
0xd4: {  	v1 =	vld [tilespmem:s24+$0xFFFFFF20];
	_ =	sdelay $0x4  }
0xd5: {  	v2 =	vshrl.u32 v1, $0xE  }
0xd6: {  	v1 =	vand.u32 $0x3FFF, v1;
	[tilespmem:$0x2810] =	vst v2  }
0xd7: {  	[tilespmem:$0x2890] =	vst v1  }
0xd8: {  	v1 =	vld [tilespmem:s24+$0xFFFFFF30];
	_ =	sdelay $0x4  }
0xd9: {  	v2 =	vshrl.u32 v1, $0xE  }
0xda: {  	v1 =	vand.u32 $0x3FFF, v1;
	[tilespmem:$0x2820] =	vst v2  }
0xdb: {  	[tilespmem:$0x28A0] =	vst v1  }
0xdc: {  	v1 =	vld [tilespmem:s24+$0xFFFFFF40];
	_ =	sdelay $0x4  }
0xdd: {  	v2 =	vshrl.u32 v1, $0xE  }
0xde: {  	v1 =	vand.u32 $0x3FFF, v1;
	[tilespmem:$0x2830] =	vst v2  }
0xdf: {  	[tilespmem:$0x28B0] =	vst v1  }
0xe0: {  	v1 =	vld [tilespmem:s24+$0xFFFFFF50];
	_ =	sdelay $0x4  }
0xe1: {  	v2 =	vshrl.u32 v1, $0xE  }
0xe2: {  	v1 =	vand.u32 $0x3FFF, v1;
	[tilespmem:$0x2840] =	vst v2  }
0xe3: {  	[tilespmem:$0x28C0] =	vst v1  }
0xe4: {  	v1 =	vld [tilespmem:s24+$0xFFFFFF60];
	_ =	sdelay $0x4  }
0xe5: {  	v2 =	vshrl.u32 v1, $0xE  }
0xe6: {  	v1 =	vand.u32 $0x3FFF, v1;
	[tilespmem:$0x2850] =	vst v2  }
0xe7: {  	[tilespmem:$0x28D0] =	vst v1  }
0xe8: {  	v1 =	vld [tilespmem:s24+$0xFFFFFF70];
	_ =	sdelay $0x4  }
0xe9: {  	v2 =	vshrl.u32 v1, $0xE  }
0xea: {  	v1 =	vand.u32 $0x3FFF, v1;
	[tilespmem:$0x2860] =	vst v2  }
0xeb: {  	[tilespmem:$0x28E0] =	vst v1  }
0xec: {  	v1 =	vld [tilespmem:s24+$0xFFFFFF80];
	_ =	sdelay $0x4  }
0xed: {  	v2 =	vshrl.u32 v1, $0xE  }
0xee: {  	v1 =	vand.u32 $0x3FFF, v1;
	[tilespmem:$0x2870] =	vst v2  }
0xef: {  	[tilespmem:$0x28F0] =	vst v1  }
0xf0: {  	[tilespmem:s0], [sflag:$0x1] =	stream.indirect.gather [hbm4b:s2+s30], $0x80, s31, s30, $0xb8;
	[tilespmem:$0x1FA00] =	vst v63  }
0xf1: {  	_ = 	snop  }
0xf2: {  	[tilespmem:s1], [sflag:$0x1] =	stream.indirect.gather [hbm4b:s2+s30], $0x80, s4, s30, $0xb8;
	[tilespmem:$0x1FA00] =	vst v63  }
0xf3: {  	_ = 	snop  }
0xf4: {  	[tilespmem:s7], [sflag:$0x1] =	stream.indirect.gather [hbm4b:s2+s30], $0x80, s5, s30, $0xb8;
	[tilespmem:$0x1FA00] =	vst v63  }
0xf5: {  	_ = 	snop  }
0xf6: {  	[tilespmem:s9], [sflag:$0x1] =	stream.indirect.gather [hbm4b:s2+s30], $0x80, s8, s30, $0xb8;
	[tilespmem:$0x1FA00] =	vst v63  }
0xf7: {  	_ =	swait.ge [sflag:s19], $0x1000  }
0xf8: {  	[sflag:s19] =	ssyncset.done $0x0  }
0xf9: {  	[sflag:s19] =	ssyncadd.s32 $0xFFFFF000  }
0xfa: {  	_ =	swait.ge [sflag:s19], $0x1000  }
0xfb: {  	[sflag:s19] =	ssyncset.done $0x0  }
0xfc: {  	[sflag:s19] =	ssyncadd.s32 $0xFFFFF000  }
0xfd: {  	_ =	swait.ge [sflag:s19], $0x1000  }
0xfe: {  	[sflag:s19] =	ssyncset.done $0x0  }
0xff: {  	[sflag:s19] =	ssyncadd.s32 $0xFFFFF000  }
0x100: {  	_ =	swait.ge [sflag:s19], $0x1000  }
0x101: {  	[sflag:s19] =	ssyncset.done $0x0  }
0x102: {  	[sflag:s19] =	ssyncadd.s32 $0xFFFFF000  }
0x103: {  	[spmem:s3] =	stream.indirect.scatter.add.f32 [tilespmem:s11], [sflag:$0x2], $0x80, s22, s20, $0xb8;
	[tilespmem:$0x1FA00] =	vst v63  }
0x104: {  	_ =	swait.ge [sflag:s29], $0x4000  }
0x105: {  	[sflag:s29] =	ssyncset.done $0x0  }
0x106: {  	[sflag:s29] =	ssyncadd.s32 $0xFFFFC000  }
0x107: {  	v1 =	vld [tilespmem:s24+$0xFFFFFF90];
	_ =	sdelay $0x4  }
0x108: {  	v2 =	vshrl.u32 v1, $0xE  }
0x109: {  	v1 =	vand.u32 $0x3FFF, v1;
	[tilespmem:$0x2900] =	vst v2  }
0x10a: {  	[tilespmem:$0x2980] =	vst v1  }
0x10b: {  	v1 =	vld [tilespmem:s24+$0xFFFFFFA0];
	_ =	sdelay $0x4  }
0x10c: {  	v2 =	vshrl.u32 v1, $0xE  }
0x10d: {  	v1 =	vand.u32 $0x3FFF, v1;
	[tilespmem:$0x2910] =	vst v2  }
0x10e: {  	[tilespmem:$0x2990] =	vst v1  }
0x10f: {  	v1 =	vld [tilespmem:s24+$0xFFFFFFB0];
	_ =	sdelay $0x4  }
0x110: {  	v2 =	vshrl.u32 v1, $0xE  }
0x111: {  	v1 =	vand.u32 $0x3FFF, v1;
	[tilespmem:$0x2920] =	vst v2  }
0x112: {  	[tilespmem:$0x29A0] =	vst v1  }
0x113: {  	v1 =	vld [tilespmem:s24+$0xFFFFFFC0];
	_ =	sdelay $0x4  }
0x114: {  	v2 =	vshrl.u32 v1, $0xE  }
0x115: {  	v1 =	vand.u32 $0x3FFF, v1;
	[tilespmem:$0x2930] =	vst v2  }
0x116: {  	[tilespmem:$0x29B0] =	vst v1  }
0x117: {  	v1 =	vld [tilespmem:s24+$0xFFFFFFD0];
	_ =	sdelay $0x4  }
0x118: {  	v2 =	vshrl.u32 v1, $0xE  }
0x119: {  	v1 =	vand.u32 $0x3FFF, v1;
	[tilespmem:$0x2940] =	vst v2  }
0x11a: {  	[tilespmem:$0x29C0] =	vst v1  }
0x11b: {  	v1 =	vld [tilespmem:s24+$0xFFFFFFE0];
	_ =	sdelay $0x4  }
0x11c: {  	v2 =	vshrl.u32 v1, $0xE  }
0x11d: {  	v1 =	vand.u32 $0x3FFF, v1;
	[tilespmem:$0x2950] =	vst v2  }
0x11e: {  	[tilespmem:$0x29D0] =	vst v1  }
0x11f: {  	v1 =	vld [tilespmem:s24+$0xFFFFFFF0];
	_ =	sdelay $0x4  }
0x120: {  	s25 =	simm.s32 $0xBC0;
	v2 =	vshrl.u32 v1, $0xE;
	v1 =	vand.u32 $0x3FFF, v1  }
.LBB2_4:
0x121: {  	p0 =	sne.s32 s25, $0x9FC0;
	[tilespmem:$0x2960] =	vst v2;
	s26 =	smov.u32 s25;
	s25 =	sadd.s32 $0x400, s25  }
0x122: {  	[tilespmem:$0x29E0] =	vst v1  }
0x123: {  	v1 =	vld [tilespmem:s24+$0x0];
	_ =	sdelay $0x4  }
0x124: {  	v2 =	vshrl.u32 v1, $0xE;
	v1 =	vand.u32 $0x3FFF, v1  }
0x125: {  	[tilespmem:$0x2970] =	vst v2  }
0x126: {  	[tilespmem:$0x29F0] =	vst v1  }
0x127: {  	[tilespmem:s11], [sflag:$0x1] =	stream.indirect.gather [hbm4b:s2+s30], $0x80, s10, s30, $0xb8;
	[tilespmem:$0x1FA00] =	vst v63  }
0x128: {  	_ = 	snop  }
0x129: {  	[tilespmem:s13], [sflag:$0x1] =	stream.indirect.gather [hbm4b:s2+s30], $0x80, s12, s30, $0xb8;
	[tilespmem:$0x1FA00] =	vst v63  }
0x12a: {  	_ = 	snop  }
0x12b: {  	[tilespmem:s15], [sflag:$0x1] =	stream.indirect.gather [hbm4b:s2+s30], $0x80, s14, s30, $0xb8;
	[tilespmem:$0x1FA00] =	vst v63  }
0x12c: {  	_ = 	snop  }
0x12d: {  	[tilespmem:s17], [sflag:$0x1] =	stream.indirect.gather [hbm4b:s2+s30], $0x80, s16, s30, $0xb8;
	[tilespmem:$0x1FA00] =	vst v63  }
0x12e: {  	_ =	swait.ge [sflag:s19], $0x1000  }
0x12f: {  	[sflag:s19] =	ssyncset.done $0x0  }
0x130: {  	[sflag:s19] =	ssyncadd.s32 $0xFFFFF000  }
0x131: {  	_ =	swait.ge [sflag:s19], $0x1000  }
0x132: {  	[sflag:s19] =	ssyncset.done $0x0  }
0x133: {  	[sflag:s19] =	ssyncadd.s32 $0xFFFFF000  }
0x134: {  	_ =	swait.ge [sflag:s19], $0x1000  }
0x135: {  	[sflag:s19] =	ssyncset.done $0x0  }
0x136: {  	[sflag:s19] =	ssyncadd.s32 $0xFFFFF000  }
0x137: {  	_ =	swait.ge [sflag:s19], $0x1000  }
0x138: {  	[sflag:s19] =	ssyncset.done $0x0  }
0x139: {  	[sflag:s19] =	ssyncadd.s32 $0xFFFFF000  }
0x13a: {  	[spmem:s3] =	stream.indirect.scatter.add.f32 [tilespmem:s0], [sflag:$0x2], $0x80, s21, s20, $0xb8;
	[tilespmem:$0x1FA00] =	vst v63  }
0x13b: {  	_ =	swait.ge [sflag:s29], $0x4000  }
0x13c: {  	[sflag:s29] =	ssyncset.done $0x0  }
0x13d: {  	s24 =	sshra.s32 s26, $0x2;
	[sflag:s29] =	ssyncadd.s32 $0xFFFFC000  }
0x13e: {  	v1 =	vld [tilespmem:s24+$0xFFFFFF10];
	_ =	sdelay $0x4  }
0x13f: {  	v2 =	vshrl.u32 v1, $0xE;
	v1 =	vand.u32 $0x3FFF, v1  }
0x140: {  	[tilespmem:$0x2800] =	vst v2  }
0x141: {  	[tilespmem:$0x2880] =	vst v1  }
0x142: {  	v1 =	vld [tilespmem:s24+$0xFFFFFF20];
	_ =	sdelay $0x4  }
0x143: {  	v2 =	vshrl.u32 v1, $0xE;
	v1 =	vand.u32 $0x3FFF, v1  }
0x144: {  	[tilespmem:$0x2810] =	vst v2  }
0x145: {  	[tilespmem:$0x2890] =	vst v1  }
0x146: {  	v1 =	vld [tilespmem:s24+$0xFFFFFF30];
	_ =	sdelay $0x4  }
0x147: {  	v2 =	vshrl.u32 v1, $0xE;
	v1 =	vand.u32 $0x3FFF, v1  }
0x148: {  	[tilespmem:$0x2820] =	vst v2  }
0x149: {  	[tilespmem:$0x28A0] =	vst v1  }
0x14a: {  	v1 =	vld [tilespmem:s24+$0xFFFFFF40];
	_ =	sdelay $0x4  }
0x14b: {  	v2 =	vshrl.u32 v1, $0xE;
	v1 =	vand.u32 $0x3FFF, v1  }
0x14c: {  	[tilespmem:$0x2830] =	vst v2  }
0x14d: {  	[tilespmem:$0x28B0] =	vst v1  }
0x14e: {  	v1 =	vld [tilespmem:s24+$0xFFFFFF50];
	_ =	sdelay $0x4  }
0x14f: {  	v2 =	vshrl.u32 v1, $0xE;
	v1 =	vand.u32 $0x3FFF, v1  }
0x150: {  	[tilespmem:$0x2840] =	vst v2  }
0x151: {  	[tilespmem:$0x28C0] =	vst v1  }
0x152: {  	v1 =	vld [tilespmem:s24+$0xFFFFFF60];
	_ =	sdelay $0x4  }
0x153: {  	v2 =	vshrl.u32 v1, $0xE;
	v1 =	vand.u32 $0x3FFF, v1  }
0x154: {  	[tilespmem:$0x2850] =	vst v2  }
0x155: {  	[tilespmem:$0x28D0] =	vst v1  }
0x156: {  	v1 =	vld [tilespmem:s24+$0xFFFFFF70];
	_ =	sdelay $0x4  }
0x157: {  	v2 =	vshrl.u32 v1, $0xE;
	v1 =	vand.u32 $0x3FFF, v1  }
0x158: {  	[tilespmem:$0x2860] =	vst v2  }
0x159: {  	[tilespmem:$0x28E0] =	vst v1  }
0x15a: {  	v1 =	vld [tilespmem:s24+$0xFFFFFF80];
	_ =	sdelay $0x4  }
0x15b: {  	v2 =	vshrl.u32 v1, $0xE;
	v1 =	vand.u32 $0x3FFF, v1  }
0x15c: {  	[tilespmem:$0x2870] =	vst v2  }
0x15d: {  	[tilespmem:$0x28F0] =	vst v1  }
0x15e: {  	[tilespmem:s0], [sflag:$0x1] =	stream.indirect.gather [hbm4b:s2+s30], $0x80, s31, s30, $0xb8;
	[tilespmem:$0x1FA00] =	vst v63  }
0x15f: {  	_ = 	snop  }
0x160: {  	[tilespmem:s1], [sflag:$0x1] =	stream.indirect.gather [hbm4b:s2+s30], $0x80, s4, s30, $0xb8;
	[tilespmem:$0x1FA00] =	vst v63  }
0x161: {  	_ = 	snop  }
0x162: {  	[tilespmem:s7], [sflag:$0x1] =	stream.indirect.gather [hbm4b:s2+s30], $0x80, s5, s30, $0xb8;
	[tilespmem:$0x1FA00] =	vst v63  }
0x163: {  	_ = 	snop  }
0x164: {  	[tilespmem:s9], [sflag:$0x1] =	stream.indirect.gather [hbm4b:s2+s30], $0x80, s8, s30, $0xb8;
	[tilespmem:$0x1FA00] =	vst v63  }
0x165: {  	_ =	swait.ge [sflag:s19], $0x1000  }
0x166: {  	[sflag:s19] =	ssyncset.done $0x0  }
0x167: {  	[sflag:s19] =	ssyncadd.s32 $0xFFFFF000  }
0x168: {  	_ =	swait.ge [sflag:s19], $0x1000  }
0x169: {  	[sflag:s19] =	ssyncset.done $0x0  }
0x16a: {  	[sflag:s19] =	ssyncadd.s32 $0xFFFFF000  }
0x16b: {  	_ =	swait.ge [sflag:s19], $0x1000  }
0x16c: {  	[sflag:s19] =	ssyncset.done $0x0  }
0x16d: {  	[sflag:s19] =	ssyncadd.s32 $0xFFFFF000  }
0x16e: {  	_ =	swait.ge [sflag:s19], $0x1000  }
0x16f: {  	[sflag:s19] =	ssyncset.done $0x0  }
0x170: {  	[sflag:s19] =	ssyncadd.s32 $0xFFFFF000  }
0x171: {  	[spmem:s3] =	stream.indirect.scatter.add.f32 [tilespmem:s11], [sflag:$0x2], $0x80, s22, s20, $0xb8;
	[tilespmem:$0x1FA00] =	vst v63  }
0x172: {  	_ =	swait.ge [sflag:s29], $0x4000  }
0x173: {  	[sflag:s29] =	ssyncset.done $0x0  }
0x174: {  	[sflag:s29] =	ssyncadd.s32 $0xFFFFC000  }
0x175: {  	v1 =	vld [tilespmem:s24+$0xFFFFFF90];
	_ =	sdelay $0x4  }
0x176: {  	v2 =	vshrl.u32 v1, $0xE;
	v1 =	vand.u32 $0x3FFF, v1  }
0x177: {  	[tilespmem:$0x2900] =	vst v2  }
0x178: {  	[tilespmem:$0x2980] =	vst v1  }
0x179: {  	v1 =	vld [tilespmem:s24+$0xFFFFFFA0];
	_ =	sdelay $0x4  }
0x17a: {  	v2 =	vshrl.u32 v1, $0xE;
	v1 =	vand.u32 $0x3FFF, v1  }
0x17b: {  	[tilespmem:$0x2910] =	vst v2  }
0x17c: {  	[tilespmem:$0x2990] =	vst v1  }
0x17d: {  	v1 =	vld [tilespmem:s24+$0xFFFFFFB0];
	_ =	sdelay $0x4  }
0x17e: {  	v2 =	vshrl.u32 v1, $0xE;
	v1 =	vand.u32 $0x3FFF, v1  }
0x17f: {  	[tilespmem:$0x2920] =	vst v2  }
0x180: {  	[tilespmem:$0x29A0] =	vst v1  }
0x181: {  	v1 =	vld [tilespmem:s24+$0xFFFFFFC0];
	_ =	sdelay $0x4  }
0x182: {  	v2 =	vshrl.u32 v1, $0xE;
	v1 =	vand.u32 $0x3FFF, v1  }
0x183: {  	[tilespmem:$0x2930] =	vst v2  }
0x184: {  	[tilespmem:$0x29B0] =	vst v1  }
0x185: {  	v1 =	vld [tilespmem:s24+$0xFFFFFFD0];
	_ =	sdelay $0x4  }
0x186: {  	v2 =	vshrl.u32 v1, $0xE;
	v1 =	vand.u32 $0x3FFF, v1  }
0x187: {  	[tilespmem:$0x2940] =	vst v2  }
0x188: {  	[tilespmem:$0x29C0] =	vst v1  }
0x189: {  	v1 =	vld [tilespmem:s24+$0xFFFFFFE0];
	_ =	sdelay $0x4  }
0x18a: {  	v2 =	vshrl.u32 v1, $0xE;
	v1 =	vand.u32 $0x3FFF, v1  }
0x18b: {  	[tilespmem:$0x2950] =	vst v2  }
0x18c: {  	[tilespmem:$0x29D0] =	vst v1  }
0x18d: {  	v1 =	vld [tilespmem:s24+$0xFFFFFFF0]  }
.Ltmp1:
0x18e: {  	(pc) =	sbr.rel @p0 .LBB2_4-.Ltmp1, $2  }
0x18f: {  	_ =	sdelay $0x2  }
0x190: {  	v2 =	vshrl.u32 v1, $0xE;
	v1 =	vand.u32 $0x3FFF, v1  }
0x191: {  	[tilespmem:$0x2960] =	vst v2  }
0x192: {  	[tilespmem:$0x29E0] =	vst v1  }
0x193: {  	v1 =	vld [tilespmem:s24+$0x0];
	_ =	sdelay $0x4  }
0x194: {  	v2 =	vshrl.u32 v1, $0xE  }
0x195: {  	v1 =	vand.u32 $0x3FFF, v1;
	[tilespmem:$0x2970] =	vst v2  }
0x196: {  	[tilespmem:$0x29F0] =	vst v1  }
0x197: {  	[tilespmem:s11], [sflag:$0x1] =	stream.indirect.gather [hbm4b:s2+s30], $0x80, s10, s30, $0xb8;
	[tilespmem:$0x1FA00] =	vst v63  }
0x198: {  	_ = 	snop  }
0x199: {  	[tilespmem:s13], [sflag:$0x1] =	stream.indirect.gather [hbm4b:s2+s30], $0x80, s12, s30, $0xb8;
	[tilespmem:$0x1FA00] =	vst v63  }
0x19a: {  	_ = 	snop  }
0x19b: {  	[tilespmem:s15], [sflag:$0x1] =	stream.indirect.gather [hbm4b:s2+s30], $0x80, s14, s30, $0xb8;
	[tilespmem:$0x1FA00] =	vst v63  }
0x19c: {  	_ = 	snop  }
0x19d: {  	[tilespmem:s17], [sflag:$0x1] =	stream.indirect.gather [hbm4b:s2+s30], $0x80, s16, s30, $0xb8;
	[tilespmem:$0x1FA00] =	vst v63  }
0x19e: {  	_ =	swait.ge [sflag:s19], $0x1000  }
0x19f: {  	[sflag:s19] =	ssyncset.done $0x0  }
0x1a0: {  	[sflag:s19] =	ssyncadd.s32 $0xFFFFF000  }
0x1a1: {  	_ =	swait.ge [sflag:s19], $0x1000  }
0x1a2: {  	[sflag:s19] =	ssyncset.done $0x0  }
0x1a3: {  	[sflag:s19] =	ssyncadd.s32 $0xFFFFF000  }
0x1a4: {  	_ =	swait.ge [sflag:s19], $0x1000  }
0x1a5: {  	[sflag:s19] =	ssyncset.done $0x0  }
0x1a6: {  	[sflag:s19] =	ssyncadd.s32 $0xFFFFF000  }
0x1a7: {  	_ =	swait.ge [sflag:s19], $0x1000  }
0x1a8: {  	[sflag:s19] =	ssyncset.done $0x0  }
0x1a9: {  	[sflag:s19] =	ssyncadd.s32 $0xFFFFF000  }
0x1aa: {  	[spmem:s3] =	stream.indirect.scatter.add.f32 [tilespmem:s0], [sflag:$0x2], $0x80, s21, s20, $0xb8;
	[tilespmem:$0x1FA00] =	vst v63  }
0x1ab: {  	_ =	swait.ge [sflag:s29], $0x4000  }
0x1ac: {  	[sflag:s29] =	ssyncset.done $0x0  }
0x1ad: {  	[sflag:s29] =	ssyncadd.s32 $0xFFFFC000  }
0x1ae: {  	_ =	swait.ge [sflag:s19], $0x1000  }
0x1af: {  	[sflag:s19] =	ssyncset.done $0x0  }
0x1b0: {  	[sflag:s19] =	ssyncadd.s32 $0xFFFFF000  }
0x1b1: {  	_ =	swait.ge [sflag:s19], $0x1000  }
0x1b2: {  	[sflag:s19] =	ssyncset.done $0x0  }
0x1b3: {  	[sflag:s19] =	ssyncadd.s32 $0xFFFFF000  }
0x1b4: {  	_ =	swait.ge [sflag:s19], $0x1000  }
0x1b5: {  	[sflag:s19] =	ssyncset.done $0x0  }
0x1b6: {  	[sflag:s19] =	ssyncadd.s32 $0xFFFFF000  }
0x1b7: {  	_ =	swait.ge [sflag:s19], $0x1000  }
0x1b8: {  	[sflag:s19] =	ssyncset.done $0x0  }
0x1b9: {  	[sflag:s19] =	ssyncadd.s32 $0xFFFFF000  }
0x1ba: {  	[spmem:s3] =	stream.indirect.scatter.add.f32 [tilespmem:s11], [sflag:$0x2], $0x80, s22, s20, $0xb8;
	[tilespmem:$0x1FA00] =	vst v63  }
0x1bb: {  	_ =	swait.ge [sflag:s29], $0x4000  }
0x1bc: {  	[sflag:s29] =	ssyncset.done $0x0  }
0x1bd: {  	s25 =	stileid.u32;
	[sflag:s29] =	ssyncadd.s32 $0xFFFFC000  }
0x1be: {  	s24 =	sshll.u32 s25, $0x6;
	[bflag:$0x0] =	sbarrier.arrive $0xFFFF  }
0x1bf: {  	s25 =	sshrl.u32 s6, $0x3;
	s24 =	sor.u32 $0x1C02, s24;
	s26 =	rddreg [dreg:$0x16]  }
0x1c0: {  	[hbm:s26], [sflag:s24] =	dma.local [spmem:s25], $0x2800  }
0x1c1: {  	_ =	swait.ge [sflag:s29], $0x2800  }
0x1c2: {  	s23 =	sadd.s32 $0x1, s23;
	s26 =	rddreg [dreg:$0x17]  }
0x1c3: {  	p0 =	sne.s32 s23, s26  }
.Ltmp2:
0x1c4: {  	_ = 	snop;
	(pc) =	sbr.rel @p0 .LBB2_1-.Ltmp2, $3  }
0x1c5: {  	_ =	sdelay $0x1  }
0x1c6: {  	[sflag:s29] =	ssyncset.done $0x0  }
0x1c7: {  	[sflag:s29] =	ssyncadd.s32 $0xFFFFD800  }
0x1c8: {  	_ =	sfence.sel $0x180000  }
0x1c9: {  	[bflag:$0x0] =	sbarrier.arrive $0xFFFF  }
0x1ca: {  	_ =	strace $0x9000004A  }
0x1cb: {  	s0 =	stileid.u32;
	[bflag:$0x2] =	sbarrier.arrive $0xFFFF  }
0x1cc: {  	p0 =	sne.s32 s0, $0x0;
	s0 =	rddreg [dreg:$0x3]  }
0x1cd: {  	s0 =	sadd.s32 @!p0 $0x100000, s0  }
0x1ce: {  	[sflag:s0] =	ssyncadd.tile.s32 @!p0 $0x1;
	_ =	shalt  }
.Lfunc_end2:
_tile_overlayer_lowered:
.L_overlay_start_2:
0x1cf: {  	(tag) =	ssettag $0x2  }
0x1d0: {  	s0 =	rddreg [dreg:$0x0];
	s2 =	stileid.u32  }
0x1d1: {  	s1 =	rddreg [dreg:$0x1];
	p0 =	sne.s32 s2, $0x0  }
0x1d2: {  	s3 =	rddreg [dreg:$0x2];
	[bflag:$0x3] =	sbarrier.arrive $0xFFFF;
	s2 =	simm.s32 @!p0 $0x1C02  }
0x1d3: {  	[timem:s3], [sflag:s2] =	dma.local @!p0 [hbm:s0], s1  }
0x1d4: {  	s0 =	simm.s32 @!p0 $0x2  }
0x1d5: {  	_ =	swait.ge @!p0 [sflag:s0], s1  }
0x1d6: {  	s1 =	ssub.s32 @!p0 $0x0, s1;
	[sflag:s0] =	ssyncset.done @!p0 $0x0  }
0x1d7: {  	[sflag:s0] =	ssyncadd.s32 @!p0 s1  }
0x1d8: {  	[bflag:$0x3] =	sbarrier.arrive $0xFFFF  }
0x1d9: {  	_ =	shalt  }

// kernel: kernel.7.cloned.1.call-start
scs
__scs_entry_jumppad:
0x0: {  	(pc) =	sbr.rel $0x88, $3  }
0x1: {  	(tag) =	ssettag $0x0;
	lr =	simm.s32 $0x1  }
0x2: {  	[smem:$0x3F95] =	sst lr;
	_ =	strace $0xD0000000  }
0x3: {  	_ = 	snop  }
0x4: {  	_ = 	snop  }
0x5: {  	_ = 	snop  }
0x6: {  	_ = 	snop  }
0x7: {  	_ = 	snop  }
__scs_overlays_trampoline_lowered:
0x8: {  	[smem:$0x3FA4] =	sst s0  }
0x9: {  	[smem:$0x3FA5] =	sst s1  }
0xa: {  	[smem:$0x3FA6] =	sst s2  }
0xb: {  	[smem:$0x3FA7] =	sst s3  }
0xc: {  	[smem:$0x3FA8] =	sst s4  }
0xd: {  	[smem:$0x3FA9] =	sst s5  }
0xe: {  	[smem:$0x3FAA] =	sst s6  }
0xf: {  	[smem:$0x3FAB] =	sst s7  }
0x10: {  	[smem:$0x3FAC] =	sst s8  }
0x11: {  	[smem:$0x3FAD] =	sst s9;
	s0 =	simm.s32 @!p0 $0x0  }
0x12: {  	s1 =	sld [smem:$0x3F93];
	s0 =	simm.s32 @p0 $0x1  }
0x13: {  	[smem:$0x3FAE] =	sst s0;
	s0 =	simm.s32 @!p1 $0x0  }
0x14: {  	s2 =	sld [smem:$0x3F92];
	s0 =	simm.s32 @p1 $0x1  }
0x15: {  	[smem:$0x3FAF] =	sst s0;
	s0 =	simm.s32 @!p2 $0x0  }
0x16: {  	s3 =	sld [smem:$0x3FDB];
	s0 =	simm.s32 @p2 $0x1  }
0x17: {  	s4 =	simm.s32 $0x1BF5;
	[smem:$0x3FB1] =	sst s0  }
0x18: {  	s0 =	sld [smem:$0x3F94];
	_ =	swait.ge [sflag:s4], $0x0  }
0x19: {  	s7 =	sld [smem:$0x3F95]  }
0x1a: {  	s8 =	sadd.s32 $0xFFFFE003, lr  }
0x1b: {  	s9 =	sadd.s32 $0xFFFFFEF7, lr;
	s5 =	simm.s32 $0xFFFFFFFF;
	p2 =	slt.u32 s8, $0xFFFFF086  }
0x1c: {  	p1 =	slt.u32 s9, $0xF7A;
	s5 =	simm.s32 @!p2 $0x0  }
0x1d: {  	s5 =	simm.s32 @p1 $0x1;
	p0 =	seq.s32 s7, s2  }
0x1e: {  	s7 =	smul.u32 @!p0 $0xF7A, s2;
	p2 =	seq.s32 @!p0 s5, $0x0  }
0x1f: {  	s9 =	smul.u32 $0xF7A, s1;
	s8 =	simm.s32 @!p0 $0x1BF5;
	p2 =	por !p2, p0  }
0x20: {  	[sflag:s8] =	ssyncset.s32 @!p0 $0xFFFFF086;
	s6 =	sadd.s32 @!p0 s3, s7;
	s7 =	simm.s32 @!p0 $0x108  }
0x21: {  	s3 =	sadd.s32 s3, s9;
	s6 =	sadd.s32 @!p0 $0x88, s6;
	s7 =	simm.s32 @p2 $0x1082  }
0x22: {  	[simem:s7], [sflag:s8] =	dma.local @!p0 [hbm:s6], $0xF7A  }
0x23: {  	s9 =	sor.u32 $0xD0000000, s2;
	s6 =	simm.s32 $0x108;
	_ =	swait.ge @!p0 [sflag:s8], $0x0  }
0x24: {  	s3 =	sadd.s32 $0x88, s3;
	s6 =	simm.s32 @!p1 $0x1082;
	[sflag:s4] =	ssyncset.s32 $0xFFFFF086  }
0x25: {  	[simem:s6], [sflag:s4] =	dma.local [hbm:s3], $0xF7A  }
0x26: {  	[smem:$0x3F95] =	sst s1;
	(tag) =	ssettag s2;
	_ =	strace s9  }
0x27: {  	s1 =	sld [smem:$0x3FA5]  }
0x28: {  	s2 =	sld [smem:$0x3FA6]  }
0x29: {  	s4 =	sld [smem:$0x3FA8]  }
0x2a: {  	p0 =	seq.s32 s5, $0x0;
	s5 =	sld [smem:$0x3FA9]  }
0x2b: {  	s6 =	sld [smem:$0x3FAA]  }
0x2c: {  	s7 =	sld [smem:$0x3FAB]  }
0x2d: {  	s3 =	simm.s32 $0x108;
	s8 =	sld [smem:$0x3FAC]  }
0x2e: {  	s3 =	simm.s32 @!p0 $0x1082;
	s9 =	sld [smem:$0x3FAD]  }
0x2f: {  	lr =	sadd.s32 s0, s3;
	s0 =	sld [smem:$0x3FA4]  }
0x30: {  	s3 =	sld [smem:$0x3FA7]  }
0x31: {  	[smem:$0x3FB0] =	sst s10  }
0x32: {  	s10 =	sld [smem:$0x3FAE];
	_ =	sdelay $0x3  }
0x33: {  	p0 =	seq.s32 s10, $0x1;
	s10 =	sld [smem:$0x3FB0];
	_ =	sdelay $0x3  }
0x34: {  	[smem:$0x3FB0] =	sst s10  }
0x35: {  	s10 =	sld [smem:$0x3FAF];
	_ =	sdelay $0x3  }
0x36: {  	p1 =	seq.s32 s10, $0x1;
	s10 =	sld [smem:$0x3FB0];
	_ =	sdelay $0x3  }
0x37: {  	[smem:$0x3FB0] =	sst s10  }
0x38: {  	s10 =	sld [smem:$0x3FB1]  }
0x39: {  	_ = 	snop;
	(pc) =	sbr.ind lr, $3  }
0x3a: {  	_ = 	snop  }
0x3b: {  	_ = 	snop  }
0x3c: {  	p2 =	seq.s32 s10, $0x1;
	s10 =	sld [smem:$0x3FB0]  }
0x3d: {  	_ =	shalt  }
0x3e: {  	_ =	shalt  }
0x3f: {  	_ =	shalt  }
0x40: {  	_ =	shalt  }
0x41: {  	_ =	shalt  }
0x42: {  	_ =	shalt  }
0x43: {  	_ =	shalt  }
0x44: {  	_ =	shalt  }
0x45: {  	_ =	shalt  }
0x46: {  	_ =	shalt  }
0x47: {  	_ =	shalt  }
0x48: {  	_ =	shalt  }
0x49: {  	_ =	shalt  }
0x4a: {  	_ =	shalt  }
0x4b: {  	_ =	shalt  }
0x4c: {  	_ =	shalt  }
0x4d: {  	_ =	shalt  }
0x4e: {  	_ =	shalt  }
0x4f: {  	_ =	shalt  }
0x50: {  	_ =	shalt  }
0x51: {  	_ =	shalt  }
0x52: {  	_ =	shalt  }
0x53: {  	_ =	shalt  }
0x54: {  	_ =	shalt  }
0x55: {  	_ =	shalt  }
0x56: {  	_ =	shalt  }
0x57: {  	_ =	shalt  }
0x58: {  	_ =	shalt  }
0x59: {  	_ =	shalt  }
0x5a: {  	_ =	shalt  }
0x5b: {  	_ =	shalt  }
0x5c: {  	_ =	shalt  }
0x5d: {  	_ =	shalt  }
0x5e: {  	_ =	shalt  }
0x5f: {  	_ =	shalt  }
0x60: {  	_ =	shalt  }
0x61: {  	_ =	shalt  }
0x62: {  	_ =	shalt  }
0x63: {  	_ =	shalt  }
0x64: {  	_ =	shalt  }
0x65: {  	_ =	shalt  }
0x66: {  	_ =	shalt  }
0x67: {  	_ =	shalt  }
0x68: {  	_ =	shalt  }
0x69: {  	_ =	shalt  }
0x6a: {  	_ =	shalt  }
0x6b: {  	_ =	shalt  }
0x6c: {  	_ =	shalt  }
0x6d: {  	_ =	shalt  }
0x6e: {  	_ =	shalt  }
0x6f: {  	_ =	shalt  }
0x70: {  	_ =	shalt  }
0x71: {  	_ =	shalt  }
0x72: {  	_ =	shalt  }
0x73: {  	_ =	shalt  }
0x74: {  	_ =	shalt  }
0x75: {  	_ =	shalt  }
0x76: {  	_ =	shalt  }
0x77: {  	_ =	shalt  }
0x78: {  	_ =	shalt  }
0x79: {  	_ =	shalt  }
0x7a: {  	_ =	shalt  }
0x7b: {  	_ =	shalt  }
0x7c: {  	_ =	shalt  }
0x7d: {  	_ =	shalt  }
0x7e: {  	_ =	shalt  }
0x7f: {  	_ =	shalt  }
0x80: {  	_ =	shalt  }
0x81: {  	_ =	shalt  }
0x82: {  	_ =	shalt  }
0x83: {  	_ =	shalt  }
0x84: {  	_ =	shalt  }
0x85: {  	_ =	shalt  }
0x86: {  	_ =	shalt  }
0x87: {  	_ =	shalt  }
.Lfunc_end0:
.L_simem_size_0:
called_computation_lowered:
.L_overlay_start_0:
0x88: {  	s2 =	sld [smem:$0x3FD9]  }
0x89: {  	s3 =	sld [smem:$0x3FFE];
	_ =	sdelay $0x1  }
0x8a: {  	s1 =	srdreg.scid  }
0x8b: {  	s0 =	sand.u32 $0x1, s1  }
0x8c: {  	s17 =	sshll.u32 s0, $0xA;
	s2 =	sadd.s32 s3, s2  }
0x8d: {  	s2 =	sadd.s32 s2, s17  }
0x8e: {  	[smem:$0x3FBC] =	sst s2  }
0x8f: {  	_ = 	snop  }
0x90: {  	s2 =	sld [smem:$0x3FC9];
	(tm) =	ssettm $0x1  }
0x91: {  	s18 =	sld [smem:$0x3FFB];
	_ =	sdelay $0x3  }
0x92: {  	_ =	strace s18  }
0x93: {  	s3 =	sld [smem:$0x3FFC];
	_ =	sdelay $0x3  }
0x94: {  	_ =	strace s3  }
0x95: {  	s3 =	sld [smem:$0x3FFD];
	_ =	sdelay $0x3  }
0x96: {  	_ =	strace s3  }
0x97: {  	_ =	strace $0x8FFFFFFF  }
0x98: {  	s19 =	sld [smem:$0x3FDB];
	_ =	sdelay $0x1  }
0x99: {  	s4 =	simm.s32 $_scs_section_size  }
0x9a: {  	s5 =	simm.s32 $_size__tile_overlayer_lowered;
	s6 =	simm.s32 $_tile_overlayer_lowered  }
0x9b: {  	s22 =	simm.s32 $0x1BFF;
	s21 =	sshll.u32 s6, $0x1;
	s3 =	sadd.s32 s4, s19  }
0x9c: {  	s7 =	simm.s32 $0x0;
	s20 =	sshll.u32 s5, $0x1;
	s5 =	sadd.s32 s21, s3  }
0x9d: {  	[timem:s7], [sflag:s22] =	dma.local [hbm:s5], s20  }
0x9e: {  	_ =	swait.ge [sflag:s22], s20  }
0x9f: {  	s4 =	ssub.s32 $0x0, s20;
	[sflag:s22] =	ssyncset.done $0x0  }
0xa0: {  	[sflag:s22] =	ssyncadd.s32 s4;
	_ =	sdelay $0x1  }
0xa1: {  	s23 =	simm.s32 $0x1B8B  }
0xa2: {  	_ =	swait.ge [sflag:s23], $0x1  }
0xa3: {  	[sflag:s23] =	ssyncset.done $0x0  }
0xa4: {  	s25 =	simm.s32 $0x1B8E;
	s24 =	sld [smem:$0x3FFE];
	[sflag:s23] =	ssyncadd.s32 $0xFFFFFFFF  }
0xa5: {  	s26 =	simm.s32 $execute0_lowered;
	[smem:$0x3FD2] =	sst s25  }
0xa6: {  	s5 =	sshll.u32 s26, $0x1;
	_ =	strace $0x80000046;
	[dreg:$0x1] =	wrdreg $0xFFFFFFFF  }
0xa7: {  	s28 =	simm.s32 $_size_execute0_lowered;
	s3 =	sadd.s32 s3, s5;
	[dreg:$0x0] =	wrdreg $0x0  }
0xa8: {  	s5 =	sshll.u32 s28, $0x1;
	[dreg:$0x2] =	wrdreg s3  }
0xa9: {  	[dreg:$0x3] =	wrdreg s5  }
0xaa: {  	[dreg:$0x4] =	wrdreg $0xC0  }
0xab: {  	_ =	task [dreg:s7], $0x5FFFF  }
0xac: {  	[dreg:$0x1] =	wrdreg $0xFFFFFFFF  }
0xad: {  	[dreg:$0x0] =	wrdreg $0x60  }
0xae: {  	[dreg:$0x2] =	wrdreg s2  }
0xaf: {  	[dreg:$0x3] =	wrdreg s24  }
0xb0: {  	[dreg:$0x4] =	wrdreg $0xBA000  }
0xb1: {  	[dreg:$0x5] =	wrdreg $0x9  }
0xb2: {  	_ =	task.clear_ibuf [dreg:s7], $0x6FFFF;
	_ =	strace $0x90000046  }
0xb3: {  	s29 =	simm.s32 $0x9;
	_ =	strace $0x80000048  }
0xb4: {  	_ =	swait.ge [sflag:s29], $0x1  }
0xb5: {  	[sflag:s29] =	ssyncadd.s32 $0xFFFFFFFF  }
0xb6: {  	_ =	strace $0x90000048  }
0xb7: {  	_ =	sfence  }
0xb8: {  	s30 =	sld [smem:$0x0];
	_ =	sdelay $0x2  }
0xb9: {  	s31 =	sshll.u32 s1, $0xD;
	s1 =	sshrl.u32 s1, $0x2  }
0xba: {  	s3 =	sand.u32 $0x4000, s31;
	s1 =	sadd.s32 s1, s30  }
0xbb: {  	s0 =	sor.u32 s3, s0;
	s1 =	sshll.u32 s1, $0x11  }
0xbc: {  	s0 =	sor.u32 s1, s0  }
0xbd: {  	s0 =	sadd.s32 $0x8F2B, s0  }
0xbe: {  	[sflag:s0] =	ssyncadd.remote.s32 $0x1  }
0xbf: {  	_ =	sfence.sel $0xFFFF  }
0xc0: {  	[dreg:$0x0] =	wrdreg $0xFFFFFFFF;
	(pc) =	sbr.abs _section_cstart, $3  }
0xc1: {  	[dreg:$0x1] =	wrdreg $0xFFFFFFFF  }
0xc2: {  	_ =	task.clear_ibuf [dreg:s7], $0x2FFFF;
	_ =	strace $0x9FFFFFFF  }
0xc3: {  	(tm) =	ssettm $0x7FFFFFFF  }
tec
execute0_lowered:
.L_overlay_start_1:
0x0: {  	(tag) =	ssettag $0x1  }
0x1: {  	s2 =	rddreg [dreg:$0x0]  }
0x2: {  	s0 =	rddreg [dreg:$0x1]  }
0x3: {  	s1 =	srdreg.scid;
	s7 =	stileid.u32  }
0x4: {  	s3 =	rddreg [dreg:$0x2];
	s8 =	simm.s32 $0x0;
	s6 =	smul.u32 $0x14000, s7  }
0x5: {  	s1 =	sand.u32 $0x1, s1;
	s4 =	sshll.u32 s7, $0x1;
	s26 =	smul.u32 $0x50000, s7  }
0x6: {  	s5 =	smul.u32 $0x140000, s1;
	s4 =	sor.u32 s1, s4;
	s1 =	ssub.s32 $0x2, s1  }
0x7: {  	[smem:$0x7FF] =	sst s8;
	s4 =	smul.u32 $0x500, s4;
	s7 =	sshrl.u32 s1, $0x1  }
0x8: {  	_ =	strace $0x80000047;
	s5 =	sadd.s32 s6, s5;
	s1 =	ssub.s32 s1, s7  }
0x9: {  	s6 =	sshrl.u32 s26, $0x2;
	s4 =	sadd.s32 s4, s0;
	s25 =	smax.u32 s1, $0x1  }
0xa: {  	s6 =	sadd.s32 s6, s3;
	s4 =	sadd.s32 $0x2A00, s4;
	[dreg:$0x17] =	wrdreg s25  }
0xb: {  	s8 =	sadd.s32 $0x1000, s6;
	[dreg:$0x4] =	wrdreg s4  }
0xc: {  	s9 =	sadd.s32 $0x2000, s6;
	[dreg:$0x5] =	wrdreg s8  }
0xd: {  	s10 =	sadd.s32 $0x3000, s6;
	[dreg:$0x6] =	wrdreg s9  }
0xe: {  	s11 =	sadd.s32 $0x4000, s6;
	[dreg:$0x7] =	wrdreg s10  }
0xf: {  	s12 =	sadd.s32 $0x5000, s6;
	[dreg:$0x8] =	wrdreg s11  }
0x10: {  	s13 =	sadd.s32 $0x6000, s6;
	[dreg:$0x9] =	wrdreg s12  }
0x11: {  	s14 =	sadd.s32 $0x7000, s6;
	[dreg:$0xa] =	wrdreg s13  }
0x12: {  	s15 =	sadd.s32 $0x8000, s6;
	[dreg:$0xb] =	wrdreg s14  }
0x13: {  	s16 =	sadd.s32 $0x9000, s6;
	[dreg:$0xc] =	wrdreg s15  }
0x14: {  	s29 =	simm.s32 $0x2;
	s17 =	sadd.s32 $0xA000, s6;
	[dreg:$0xd] =	wrdreg s16  }
0x15: {  	s30 =	simm.s32 $0x20;
	s18 =	sadd.s32 $0xB000, s6;
	[dreg:$0xe] =	wrdreg s17  }
0x16: {  	s31 =	simm.s32 $0x2800;
	s19 =	sadd.s32 $0xC000, s6;
	[dreg:$0xf] =	wrdreg s18  }
0x17: {  	s7 =	simm.s32 $0x4A00;
	s20 =	sadd.s32 $0xD000, s6;
	[dreg:$0x10] =	wrdreg s19  }
0x18: {  	s5 =	sshrl.u32 s5, $0x3;
	s21 =	sadd.s32 $0xE000, s6;
	[dreg:$0x11] =	wrdreg s20  }
0x19: {  	s1 =	simm.s32 $0x3A00;
	s22 =	sadd.s32 $0xF000, s6;
	[dreg:$0x12] =	wrdreg s21  }
0x1a: {  	s0 =	sadd.s32 s5, s0;
	s23 =	sadd.s32 $0x10000, s6;
	[dreg:$0x13] =	wrdreg s22  }
0x1b: {  	s24 =	sadd.s32 $0x11000, s6;
	s26 =	sadd.s32 $0x12000, s6;
	[dreg:$0x14] =	wrdreg s23  }
0x1c: {  	s28 =	sadd.s32 $0x13000, s6;
	s5 =	simm.s32 $0x2840;
	[dreg:$0x15] =	wrdreg s24  }
0x1d: {  	s0 =	sadd.s32 $0xCA00, s0;
	[dreg:$0x18] =	wrdreg s26;
	s4 =	simm.s32 $0x2820  }
0x1e: {  	s8 =	simm.s32 $0x2860;
	s9 =	simm.s32 $0x5A00;
	s10 =	simm.s32 $0x2900  }
0x1f: {  	s11 =	simm.s32 $0x6A00;
	s12 =	simm.s32 $0x2920;
	s13 =	simm.s32 $0x7A00  }
0x20: {  	s14 =	simm.s32 $0x2940;
	s15 =	simm.s32 $0x8A00;
	s16 =	simm.s32 $0x2960  }
0x21: {  	s17 =	simm.s32 $0x9A00;
	s18 =	simm.s32 $0xAA00;
	s19 =	simm.s32 $0x1  }
0x22: {  	s20 =	simm.s32 $0x80;
	s21 =	simm.s32 $0x2880;
	s22 =	simm.s32 $0x2980  }
0x23: {  	v0 =	vimm.f32 $0.0e+00;
	s23 =	simm.s32 $0x0;
	[dreg:$0x16] =	wrdreg s0;
	s0 =	simm.s32 $0x2A00  }
.LBB2_1:
0x24: {  	s24 =	simm.s32 $0x0;
	s25 =	rddreg [dreg:$0x4]  }
0x25: {  	[tilespmem:s24], [sflag:$0x2] =	stream.linear.gather [hbm4b:s25+s24], $0x2800, $0x38;
	[tilespmem:$0x1FA00] =	vst v63  }
0x26: {  	_ =	swait.ge [sflag:s29], $0x2800  }
0x27: {  	[sflag:s29] =	ssyncset.done $0x0  }
0x28: {  	[sflag:s29] =	ssyncadd.s32 $0xFFFFD800  }
0x29: {  	v1 =	vld [tilespmem:$0x0];
	_ =	sdelay $0x1  }
0x2a: {  	v2 =	vld [tilespmem:$0x10];
	_ =	sdelay $0x1  }
0x2b: {  	v3 =	vld [tilespmem:$0x20]  }
0x2c: {  	v4 =	vshrl.u32 v1, $0xE  }
0x2d: {  	v59 =	vld [tilespmem:$0x30];
	v1 =	vand.u32 $0x3FFF, v1;
	[tilespmem:$0x2800] =	vst v4  }
0x2e: {  	[tilespmem:$0x2880] =	vst v1;
	v1 =	vshrl.u32 v2, $0xE  }
0x2f: {  	[tilespmem:$0x2810] =	vst v1;
	v1 =	vand.u32 $0x3FFF, v2;
	v2 =	vld [tilespmem:$0x40]  }
0x30: {  	[tilespmem:$0x2890] =	vst v1;
	v1 =	vshrl.u32 v3, $0xE  }
0x31: {  	[tilespmem:$0x2820] =	vst v1;
	v1 =	vand.u32 $0x3FFF, v3;
	v3 =	vld [tilespmem:$0x50]  }
0x32: {  	[tilespmem:$0x28A0] =	vst v1;
	v1 =	vshrl.u32 v59, $0xE  }
0x33: {  	v60 =	vld [tilespmem:$0x60];
	[tilespmem:$0x2830] =	vst v1;
	v1 =	vand.u32 $0x3FFF, v59  }
0x34: {  	[tilespmem:$0x28B0] =	vst v1;
	v1 =	vshrl.u32 v2, $0xE  }
0x35: {  	[tilespmem:$0x2840] =	vst v1;
	v1 =	vand.u32 $0x3FFF, v2;
	v2 =	vld [tilespmem:$0x70]  }
0x36: {  	[tilespmem:$0x28C0] =	vst v1;
	v1 =	vshrl.u32 v3, $0xE  }
0x37: {  	[tilespmem:$0x2850] =	vst v1;
	v1 =	vand.u32 $0x3FFF, v3  }
0x38: {  	[tilespmem:$0x28D0] =	vst v1;
	v1 =	vshrl.u32 v60, $0xE  }
0x39: {  	[tilespmem:$0x2860] =	vst v1;
	v1 =	vand.u32 $0x3FFF, v60  }
0x3a: {  	[tilespmem:$0x28E0] =	vst v1;
	v1 =	vshrl.u32 v2, $0xE  }
0x3b: {  	[tilespmem:$0x2870] =	vst v1;
	v1 =	vand.u32 $0x3FFF, v2  }
0x3c: {  	[tilespmem:$0x28F0] =	vst v1  }
0x3d: {  	[tilespmem:s0], [sflag:$0x1] =	stream.indirect.gather [hbm4b:s2+s30], $0x80, s31, s30, $0xb8;
	[tilespmem:$0x1FA00] =	vst v63  }
0x3e: {  	_ = 	snop  }
0x3f: {  	[tilespmem:s1], [sflag:$0x1] =	stream.indirect.gather [hbm4b:s2+s30], $0x80, s4, s30, $0xb8;
	[tilespmem:$0x1FA00] =	vst v63  }
0x40: {  	_ = 	snop  }
0x41: {  	[tilespmem:s7], [sflag:$0x1] =	stream.indirect.gather [hbm4b:s2+s30], $0x80, s5, s30, $0xb8;
	[tilespmem:$0x1FA00] =	vst v63  }
0x42: {  	_ = 	snop  }
0x43: {  	[tilespmem:s9], [sflag:$0x1] =	stream.indirect.gather [hbm4b:s2+s30], $0x80, s8, s30, $0xb8;
	[tilespmem:$0x1FA00] =	vst v63  }
0x44: {  	v1 =	vld [tilespmem:$0x80];
	_ =	sdelay $0x1  }
0x45: {  	v2 =	vld [tilespmem:$0x90];
	_ =	sdelay $0x1  }
0x46: {  	v3 =	vld [tilespmem:$0xA0]  }
0x47: {  	v61 =	vshrl.u32 v1, $0xE  }
0x48: {  	v62 =	vld [tilespmem:$0xB0];
	v1 =	vand.u32 $0x3FFF, v1;
	[tilespmem:$0x2900] =	vst v61  }
0x49: {  	[tilespmem:$0x2980] =	vst v1;
	v1 =	vshrl.u32 v2, $0xE  }
0x4a: {  	[tilespmem:$0x2910] =	vst v1;
	v1 =	vand.u32 $0x3FFF, v2;
	v2 =	vld [tilespmem:$0xC0]  }
0x4b: {  	[tilespmem:$0x2990] =	vst v1;
	v1 =	vshrl.u32 v3, $0xE  }
0x4c: {  	[tilespmem:$0x2920] =	vst v1;
	v1 =	vand.u32 $0x3FFF, v3;
	v3 =	vld [tilespmem:$0xD0]  }
0x4d: {  	[tilespmem:$0x29A0] =	vst v1;
	v1 =	vshrl.u32 v62, $0xE  }
0x4e: {  	v63 =	vld [tilespmem:$0xE0];
	[tilespmem:$0x2930] =	vst v1;
	v1 =	vand.u32 $0x3FFF, v62  }
0x4f: {  	[tilespmem:$0x29B0] =	vst v1;
	v1 =	vshrl.u32 v2, $0xE  }
0x50: {  	[tilespmem:$0x2940] =	vst v1;
	v1 =	vand.u32 $0x3FFF, v2;
	v2 =	vld [tilespmem:$0xF0]  }
0x51: {  	[tilespmem:$0x29C0] =	vst v1;
	v1 =	vshrl.u32 v3, $0xE  }
0x52: {  	[tilespmem:$0x2950] =	vst v1;
	v1 =	vand.u32 $0x3FFF, v3  }
0x53: {  	[tilespmem:$0x29D0] =	vst v1;
	v1 =	vshrl.u32 v63, $0xE  }
0x54: {  	[tilespmem:$0x2960] =	vst v1;
	v1 =	vand.u32 $0x3FFF, v63  }
0x55: {  	[tilespmem:$0x29E0] =	vst v1;
	v1 =	vshrl.u32 v2, $0xE  }
0x56: {  	[tilespmem:$0x2970] =	vst v1;
	v1 =	vand.u32 $0x3FFF, v2  }
0x57: {  	[tilespmem:$0x29F0] =	vst v1  }
0x58: {  	[tilespmem:s11], [sflag:$0x1] =	stream.indirect.gather [hbm4b:s2+s30], $0x80, s10, s30, $0xb8;
	[tilespmem:$0x1FA00] =	vst v63  }
0x59: {  	_ = 	snop  }
0x5a: {  	[tilespmem:s13], [sflag:$0x1] =	stream.indirect.gather [hbm4b:s2+s30], $0x80, s12, s30, $0xb8;
	[tilespmem:$0x1FA00] =	vst v63  }
0x5b: {  	_ = 	snop  }
0x5c: {  	[tilespmem:s15], [sflag:$0x1] =	stream.indirect.gather [hbm4b:s2+s30], $0x80, s14, s30, $0xb8;
	[tilespmem:$0x1FA00] =	vst v63  }
0x5d: {  	s24 =	simm.s32 $0x0;
	s25 =	simm.s32 $0x200  }
0x5e: {  	[tilespmem:s17], [sflag:$0x1] =	stream.indirect.gather [hbm4b:s2+s30], $0x80, s16, s30, $0xb8;
	[tilespmem:$0x1FA00] =	vst v63  }
.LBB2_2:
0x5f: {  	p0 =	sne.s32 s25, $0x3E00;
	[tilespmem:s24+$0xAA70] =	vst v0  }
0x60: {  	[tilespmem:s24+$0xAA00] =	vst v0  }
0x61: {  	[tilespmem:s24+$0xAA10] =	vst v0  }
.Ltmp0:
0x62: {  	[tilespmem:s24+$0xAA20] =	vst v0;
	(pc) =	sbr.rel @p0 .LBB2_2-.Ltmp0, $4  }
0x63: {  	[tilespmem:s24+$0xAA30] =	vst v0  }
0x64: {  	[tilespmem:s24+$0xAA40] =	vst v0  }
0x65: {  	[tilespmem:s24+$0xAA50] =	vst v0  }
0x66: {  	[tilespmem:s24+$0xAA60] =	vst v0;
	s24 =	sshra.s32 s25, $0x2;
	s25 =	sadd.s32 $0x200, s25  }
0x67: {  	[tilespmem:s24+$0xAA70] =	vst v0  }
0x68: {  	[tilespmem:s24+$0xAA00] =	vst v0  }
0x69: {  	[tilespmem:s24+$0xAA10] =	vst v0  }
0x6a: {  	[tilespmem:s24+$0xAA20] =	vst v0  }
0x6b: {  	[tilespmem:s24+$0xAA30] =	vst v0  }
0x6c: {  	[tilespmem:s24+$0xAA40] =	vst v0  }
0x6d: {  	[tilespmem:s24+$0xAA50] =	vst v0  }
0x6e: {  	[tilespmem:s24+$0xAA60] =	vst v0  }
0x6f: {  	[spmem:s6] =	stream.linear.scatter [tilespmem:s18], [sflag:$0x2], $0x1000, $0x38;
	[tilespmem:$0x1FA00] =	vst v63  }
0x70: {  	_ =	swait.ge [sflag:s29], $0x1000  }
0x71: {  	[sflag:s29] =	ssyncset.done $0x0  }
0x72: {  	s25 =	rddreg [dreg:$0x5];
	[sflag:s29] =	ssyncadd.s32 $0xFFFFF000  }
0x73: {  	[spmem:s25] =	stream.linear.scatter [tilespmem:s18], [sflag:$0x2], $0x1000, $0x38;
	[tilespmem:$0x1FA00] =	vst v63  }
0x74: {  	_ =	swait.ge [sflag:s29], $0x1000  }
0x75: {  	[sflag:s29] =	ssyncset.done $0x0  }
0x76: {  	s26 =	rddreg [dreg:$0x6];
	[sflag:s29] =	ssyncadd.s32 $0xFFFFF000  }
0x77: {  	[spmem:s26] =	stream.linear.scatter [tilespmem:s18], [sflag:$0x2], $0x1000, $0x38;
	[tilespmem:$0x1FA00] =	vst v63  }
0x78: {  	_ =	swait.ge [sflag:s29], $0x1000  }
0x79: {  	[sflag:s29] =	ssyncset.done $0x0  }
0x7a: {  	s25 =	rddreg [dreg:$0x7];
	[sflag:s29] =	ssyncadd.s32 $0xFFFFF000  }
0x7b: {  	[spmem:s25] =	stream.linear.scatter [tilespmem:s18], [sflag:$0x2], $0x1000, $0x38;
	[tilespmem:$0x1FA00] =	vst v63  }
0x7c: {  	_ =	swait.ge [sflag:s29], $0x1000  }
0x7d: {  	[sflag:s29] =	ssyncset.done $0x0  }
0x7e: {  	s26 =	rddreg [dreg:$0x8];
	[sflag:s29] =	ssyncadd.s32 $0xFFFFF000  }
0x7f: {  	[spmem:s26] =	stream.linear.scatter [tilespmem:s18], [sflag:$0x2], $0x1000, $0x38;
	[tilespmem:$0x1FA00] =	vst v63  }
0x80: {  	_ =	swait.ge [sflag:s29], $0x1000  }
0x81: {  	[sflag:s29] =	ssyncset.done $0x0  }
0x82: {  	s25 =	rddreg [dreg:$0x9];
	[sflag:s29] =	ssyncadd.s32 $0xFFFFF000  }
0x83: {  	[spmem:s25] =	stream.linear.scatter [tilespmem:s18], [sflag:$0x2], $0x1000, $0x38;
	[tilespmem:$0x1FA00] =	vst v63  }
0x84: {  	_ =	swait.ge [sflag:s29], $0x1000  }
0x85: {  	[sflag:s29] =	ssyncset.done $0x0  }
0x86: {  	s26 =	rddreg [dreg:$0xa];
	[sflag:s29] =	ssyncadd.s32 $0xFFFFF000  }
0x87: {  	[spmem:s26] =	stream.linear.scatter [tilespmem:s18], [sflag:$0x2], $0x1000, $0x38;
	[tilespmem:$0x1FA00] =	vst v63  }
0x88: {  	_ =	swait.ge [sflag:s29], $0x1000  }
0x89: {  	[sflag:s29] =	ssyncset.done $0x0  }
0x8a: {  	s25 =	rddreg [dreg:$0xb];
	[sflag:s29] =	ssyncadd.s32 $0xFFFFF000  }
0x8b: {  	[spmem:s25] =	stream.linear.scatter [tilespmem:s18], [sflag:$0x2], $0x1000, $0x38;
	[tilespmem:$0x1FA00] =	vst v63  }
0x8c: {  	_ =	swait.ge [sflag:s29], $0x1000  }
0x8d: {  	[sflag:s29] =	ssyncset.done $0x0  }
0x8e: {  	s26 =	rddreg [dreg:$0xc];
	[sflag:s29] =	ssyncadd.s32 $0xFFFFF000  }
0x8f: {  	[spmem:s26] =	stream.linear.scatter [tilespmem:s18], [sflag:$0x2], $0x1000, $0x38;
	[tilespmem:$0x1FA00] =	vst v63  }
0x90: {  	_ =	swait.ge [sflag:s29], $0x1000  }
0x91: {  	[sflag:s29] =	ssyncset.done $0x0  }
0x92: {  	s25 =	rddreg [dreg:$0xd];
	[sflag:s29] =	ssyncadd.s32 $0xFFFFF000  }
0x93: {  	[spmem:s25] =	stream.linear.scatter [tilespmem:s18], [sflag:$0x2], $0x1000, $0x38;
	[tilespmem:$0x1FA00] =	vst v63  }
0x94: {  	_ =	swait.ge [sflag:s29], $0x1000  }
0x95: {  	[sflag:s29] =	ssyncset.done $0x0  }
0x96: {  	s26 =	rddreg [dreg:$0xe];
	[sflag:s29] =	ssyncadd.s32 $0xFFFFF000  }
0x97: {  	[spmem:s26] =	stream.linear.scatter [tilespmem:s18], [sflag:$0x2], $0x1000, $0x38;
	[tilespmem:$0x1FA00] =	vst v63  }
0x98: {  	_ =	swait.ge [sflag:s29], $0x1000  }
0x99: {  	[sflag:s29] =	ssyncset.done $0x0  }
0x9a: {  	s25 =	rddreg [dreg:$0xf];
	[sflag:s29] =	ssyncadd.s32 $0xFFFFF000  }
0x9b: {  	[spmem:s25] =	stream.linear.scatter [tilespmem:s18], [sflag:$0x2], $0x1000, $0x38;
	[tilespmem:$0x1FA00] =	vst v63  }
0x9c: {  	_ =	swait.ge [sflag:s29], $0x1000  }
0x9d: {  	[sflag:s29] =	ssyncset.done $0x0  }
0x9e: {  	s26 =	rddreg [dreg:$0x10];
	[sflag:s29] =	ssyncadd.s32 $0xFFFFF000  }
0x9f: {  	[spmem:s26] =	stream.linear.scatter [tilespmem:s18], [sflag:$0x2], $0x1000, $0x38;
	[tilespmem:$0x1FA00] =	vst v63  }
0xa0: {  	_ =	swait.ge [sflag:s29], $0x1000  }
0xa1: {  	[sflag:s29] =	ssyncset.done $0x0  }
0xa2: {  	s25 =	rddreg [dreg:$0x11];
	[sflag:s29] =	ssyncadd.s32 $0xFFFFF000  }
0xa3: {  	[spmem:s25] =	stream.linear.scatter [tilespmem:s18], [sflag:$0x2], $0x1000, $0x38;
	[tilespmem:$0x1FA00] =	vst v63  }
0xa4: {  	_ =	swait.ge [sflag:s29], $0x1000  }
0xa5: {  	[sflag:s29] =	ssyncset.done $0x0  }
0xa6: {  	s26 =	rddreg [dreg:$0x12];
	[sflag:s29] =	ssyncadd.s32 $0xFFFFF000  }
0xa7: {  	[spmem:s26] =	stream.linear.scatter [tilespmem:s18], [sflag:$0x2], $0x1000, $0x38;
	[tilespmem:$0x1FA00] =	vst v63  }
0xa8: {  	_ =	swait.ge [sflag:s29], $0x1000  }
0xa9: {  	[sflag:s29] =	ssyncset.done $0x0  }
0xaa: {  	s25 =	rddreg [dreg:$0x13];
	[sflag:s29] =	ssyncadd.s32 $0xFFFFF000  }
0xab: {  	[spmem:s25] =	stream.linear.scatter [tilespmem:s18], [sflag:$0x2], $0x1000, $0x38;
	[tilespmem:$0x1FA00] =	vst v63  }
0xac: {  	_ =	swait.ge [sflag:s29], $0x1000  }
0xad: {  	[sflag:s29] =	ssyncset.done $0x0  }
0xae: {  	s26 =	rddreg [dreg:$0x14];
	[sflag:s29] =	ssyncadd.s32 $0xFFFFF000  }
0xaf: {  	[spmem:s26] =	stream.linear.scatter [tilespmem:s18], [sflag:$0x2], $0x1000, $0x38;
	[tilespmem:$0x1FA00] =	vst v63  }
0xb0: {  	_ =	swait.ge [sflag:s29], $0x1000  }
0xb1: {  	[sflag:s29] =	ssyncset.done $0x0  }
0xb2: {  	s25 =	rddreg [dreg:$0x15];
	[sflag:s29] =	ssyncadd.s32 $0xFFFFF000  }
0xb3: {  	[spmem:s25] =	stream.linear.scatter [tilespmem:s18], [sflag:$0x2], $0x1000, $0x38;
	[tilespmem:$0x1FA00] =	vst v63  }
0xb4: {  	_ =	swait.ge [sflag:s29], $0x1000  }
0xb5: {  	[sflag:s29] =	ssyncset.done $0x0  }
0xb6: {  	s26 =	rddreg [dreg:$0x18];
	[sflag:s29] =	ssyncadd.s32 $0xFFFFF000  }
0xb7: {  	[spmem:s26] =	stream.linear.scatter [tilespmem:s18], [sflag:$0x2], $0x1000, $0x38;
	[tilespmem:$0x1FA00] =	vst v63  }
0xb8: {  	_ =	swait.ge [sflag:s29], $0x1000  }
0xb9: {  	[sflag:s29] =	ssyncset.done $0x0  }
0xba: {  	[sflag:s29] =	ssyncadd.s32 $0xFFFFF000  }
0xbb: {  	[spmem:s28] =	stream.linear.scatter [tilespmem:s18], [sflag:$0x2], $0x1000, $0x38;
	[tilespmem:$0x1FA00] =	vst v63  }
0xbc: {  	_ =	swait.ge [sflag:s29], $0x1000  }
0xbd: {  	[sflag:s29] =	ssyncset.done $0x0  }
0xbe: {  	[sflag:s29] =	ssyncadd.s32 $0xFFFFF000  }
0xbf: {  	[bflag:$0x0] =	sbarrier.arrive $0xFFFF  }
0xc0: {  	_ =	swait.ge [sflag:s19], $0x1000  }
0xc1: {  	[sflag:s19] =	ssyncset.done $0x0  }
0xc2: {  	[sflag:s19] =	ssyncadd.s32 $0xFFFFF000  }
0xc3: {  	_ =	swait.ge [sflag:s19], $0x1000  }
0xc4: {  	[sflag:s19] =	ssyncset.done $0x0  }
0xc5: {  	[sflag:s19] =	ssyncadd.s32 $0xFFFFF000  }
0xc6: {  	_ =	swait.ge [sflag:s19], $0x1000  }
0xc7: {  	[sflag:s19] =	ssyncset.done $0x0  }
0xc8: {  	[sflag:s19] =	ssyncadd.s32 $0xFFFFF000  }
0xc9: {  	_ =	swait.ge [sflag:s19], $0x1000  }
0xca: {  	[sflag:s19] =	ssyncset.done $0x0  }
0xcb: {  	[sflag:s19] =	ssyncadd.s32 $0xFFFFF000  }
0xcc: {  	[spmem:s3] =	stream.indirect.scatter.add.f32 [tilespmem:s0], [sflag:$0x2], $0x80, s21, s20, $0xb8;
	[tilespmem:$0x1FA00] =	vst v63  }
0xcd: {  	_ =	swait.ge [sflag:s29], $0x4000  }
0xce: {  	[sflag:s29] =	ssyncset.done $0x0  }
0xcf: {  	s24 =	simm.s32 $0x1F0;
	[sflag:s29] =	ssyncadd.s32 $0xFFFFC000  }
0xd0: {  	v1 =	vld [tilespmem:s24+$0xFFFFFF10];
	_ =	sdelay $0x4  }
0xd1: {  	v2 =	vshrl.u32 v1, $0xE  }
0xd2: {  	v1 =	vand.u32 $0x3FFF, v1;
	[tilespmem:$0x2800] =	vst v2  }
0xd3: {  	[tilespmem:$0x2880] =	vst v1  }
0xd4: {  	v1 =	vld [tilespmem:s24+$0xFFFFFF20];
	_ =	sdelay $0x4  }
0xd5: {  	v2 =	vshrl.u32 v1, $0xE  }
0xd6: {  	v1 =	vand.u32 $0x3FFF, v1;
	[tilespmem:$0x2810] =	vst v2  }
0xd7: {  	[tilespmem:$0x2890] =	vst v1  }
0xd8: {  	v1 =	vld [tilespmem:s24+$0xFFFFFF30];
	_ =	sdelay $0x4  }
0xd9: {  	v2 =	vshrl.u32 v1, $0xE  }
0xda: {  	v1 =	vand.u32 $0x3FFF, v1;
	[tilespmem:$0x2820] =	vst v2  }
0xdb: {  	[tilespmem:$0x28A0] =	vst v1  }
0xdc: {  	v1 =	vld [tilespmem:s24+$0xFFFFFF40];
	_ =	sdelay $0x4  }
0xdd: {  	v2 =	vshrl.u32 v1, $0xE  }
0xde: {  	v1 =	vand.u32 $0x3FFF, v1;
	[tilespmem:$0x2830] =	vst v2  }
0xdf: {  	[tilespmem:$0x28B0] =	vst v1  }
0xe0: {  	v1 =	vld [tilespmem:s24+$0xFFFFFF50];
	_ =	sdelay $0x4  }
0xe1: {  	v2 =	vshrl.u32 v1, $0xE  }
0xe2: {  	v1 =	vand.u32 $0x3FFF, v1;
	[tilespmem:$0x2840] =	vst v2  }
0xe3: {  	[tilespmem:$0x28C0] =	vst v1  }
0xe4: {  	v1 =	vld [tilespmem:s24+$0xFFFFFF60];
	_ =	sdelay $0x4  }
0xe5: {  	v2 =	vshrl.u32 v1, $0xE  }
0xe6: {  	v1 =	vand.u32 $0x3FFF, v1;
	[tilespmem:$0x2850] =	vst v2  }
0xe7: {  	[tilespmem:$0x28D0] =	vst v1  }
0xe8: {  	v1 =	vld [tilespmem:s24+$0xFFFFFF70];
	_ =	sdelay $0x4  }
0xe9: {  	v2 =	vshrl.u32 v1, $0xE  }
0xea: {  	v1 =	vand.u32 $0x3FFF, v1;
	[tilespmem:$0x2860] =	vst v2  }
0xeb: {  	[tilespmem:$0x28E0] =	vst v1  }
0xec: {  	v1 =	vld [tilespmem:s24+$0xFFFFFF80];
	_ =	sdelay $0x4  }
0xed: {  	v2 =	vshrl.u32 v1, $0xE  }
0xee: {  	v1 =	vand.u32 $0x3FFF, v1;
	[tilespmem:$0x2870] =	vst v2  }
0xef: {  	[tilespmem:$0x28F0] =	vst v1  }
0xf0: {  	[tilespmem:s0], [sflag:$0x1] =	stream.indirect.gather [hbm4b:s2+s30], $0x80, s31, s30, $0xb8;
	[tilespmem:$0x1FA00] =	vst v63  }
0xf1: {  	_ = 	snop  }
0xf2: {  	[tilespmem:s1], [sflag:$0x1] =	stream.indirect.gather [hbm4b:s2+s30], $0x80, s4, s30, $0xb8;
	[tilespmem:$0x1FA00] =	vst v63  }
0xf3: {  	_ = 	snop  }
0xf4: {  	[tilespmem:s7], [sflag:$0x1] =	stream.indirect.gather [hbm4b:s2+s30], $0x80, s5, s30, $0xb8;
	[tilespmem:$0x1FA00] =	vst v63  }
0xf5: {  	_ = 	snop  }
0xf6: {  	[tilespmem:s9], [sflag:$0x1] =	stream.indirect.gather [hbm4b:s2+s30], $0x80, s8, s30, $0xb8;
	[tilespmem:$0x1FA00] =	vst v63  }
0xf7: {  	_ =	swait.ge [sflag:s19], $0x1000  }
0xf8: {  	[sflag:s19] =	ssyncset.done $0x0  }
0xf9: {  	[sflag:s19] =	ssyncadd.s32 $0xFFFFF000  }
0xfa: {  	_ =	swait.ge [sflag:s19], $0x1000  }
0xfb: {  	[sflag:s19] =	ssyncset.done $0x0  }
0xfc: {  	[sflag:s19] =	ssyncadd.s32 $0xFFFFF000  }
0xfd: {  	_ =	swait.ge [sflag:s19], $0x1000  }
0xfe: {  	[sflag:s19] =	ssyncset.done $0x0  }
0xff: {  	[sflag:s19] =	ssyncadd.s32 $0xFFFFF000  }
0x100: {  	_ =	swait.ge [sflag:s19], $0x1000  }
0x101: {  	[sflag:s19] =	ssyncset.done $0x0  }
0x102: {  	[sflag:s19] =	ssyncadd.s32 $0xFFFFF000  }
0x103: {  	[spmem:s3] =	stream.indirect.scatter.add.f32 [tilespmem:s11], [sflag:$0x2], $0x80, s22, s20, $0xb8;
	[tilespmem:$0x1FA00] =	vst v63  }
0x104: {  	_ =	swait.ge [sflag:s29], $0x4000  }
0x105: {  	[sflag:s29] =	ssyncset.done $0x0  }
0x106: {  	[sflag:s29] =	ssyncadd.s32 $0xFFFFC000  }
0x107: {  	v1 =	vld [tilespmem:s24+$0xFFFFFF90];
	_ =	sdelay $0x4  }
0x108: {  	v2 =	vshrl.u32 v1, $0xE  }
0x109: {  	v1 =	vand.u32 $0x3FFF, v1;
	[tilespmem:$0x2900] =	vst v2  }
0x10a: {  	[tilespmem:$0x2980] =	vst v1  }
0x10b: {  	v1 =	vld [tilespmem:s24+$0xFFFFFFA0];
	_ =	sdelay $0x4  }
0x10c: {  	v2 =	vshrl.u32 v1, $0xE  }
0x10d: {  	v1 =	vand.u32 $0x3FFF, v1;
	[tilespmem:$0x2910] =	vst v2  }
0x10e: {  	[tilespmem:$0x2990] =	vst v1  }
0x10f: {  	v1 =	vld [tilespmem:s24+$0xFFFFFFB0];
	_ =	sdelay $0x4  }
0x110: {  	v2 =	vshrl.u32 v1, $0xE  }
0x111: {  	v1 =	vand.u32 $0x3FFF, v1;
	[tilespmem:$0x2920] =	vst v2  }
0x112: {  	[tilespmem:$0x29A0] =	vst v1  }
0x113: {  	v1 =	vld [tilespmem:s24+$0xFFFFFFC0];
	_ =	sdelay $0x4  }
0x114: {  	v2 =	vshrl.u32 v1, $0xE  }
0x115: {  	v1 =	vand.u32 $0x3FFF, v1;
	[tilespmem:$0x2930] =	vst v2  }
0x116: {  	[tilespmem:$0x29B0] =	vst v1  }
0x117: {  	v1 =	vld [tilespmem:s24+$0xFFFFFFD0];
	_ =	sdelay $0x4  }
0x118: {  	v2 =	vshrl.u32 v1, $0xE  }
0x119: {  	v1 =	vand.u32 $0x3FFF, v1;
	[tilespmem:$0x2940] =	vst v2  }
0x11a: {  	[tilespmem:$0x29C0] =	vst v1  }
0x11b: {  	v1 =	vld [tilespmem:s24+$0xFFFFFFE0];
	_ =	sdelay $0x4  }
0x11c: {  	v2 =	vshrl.u32 v1, $0xE  }
0x11d: {  	v1 =	vand.u32 $0x3FFF, v1;
	[tilespmem:$0x2950] =	vst v2  }
0x11e: {  	[tilespmem:$0x29D0] =	vst v1  }
0x11f: {  	v1 =	vld [tilespmem:s24+$0xFFFFFFF0];
	_ =	sdelay $0x4  }
0x120: {  	s25 =	simm.s32 $0xBC0;
	v2 =	vshrl.u32 v1, $0xE;
	v1 =	vand.u32 $0x3FFF, v1  }
.LBB2_4:
0x121: {  	p0 =	sne.s32 s25, $0x9FC0;
	[tilespmem:$0x2960] =	vst v2;
	s26 =	smov.u32 s25;
	s25 =	sadd.s32 $0x400, s25  }
0x122: {  	[tilespmem:$0x29E0] =	vst v1  }
0x123: {  	v1 =	vld [tilespmem:s24+$0x0];
	_ =	sdelay $0x4  }
0x124: {  	v2 =	vshrl.u32 v1, $0xE;
	v1 =	vand.u32 $0x3FFF, v1  }
0x125: {  	[tilespmem:$0x2970] =	vst v2  }
0x126: {  	[tilespmem:$0x29F0] =	vst v1  }
0x127: {  	[tilespmem:s11], [sflag:$0x1] =	stream.indirect.gather [hbm4b:s2+s30], $0x80, s10, s30, $0xb8;
	[tilespmem:$0x1FA00] =	vst v63  }
0x128: {  	_ = 	snop  }
0x129: {  	[tilespmem:s13], [sflag:$0x1] =	stream.indirect.gather [hbm4b:s2+s30], $0x80, s12, s30, $0xb8;
	[tilespmem:$0x1FA00] =	vst v63  }
0x12a: {  	_ = 	snop  }
0x12b: {  	[tilespmem:s15], [sflag:$0x1] =	stream.indirect.gather [hbm4b:s2+s30], $0x80, s14, s30, $0xb8;
	[tilespmem:$0x1FA00] =	vst v63  }
0x12c: {  	_ = 	snop  }
0x12d: {  	[tilespmem:s17], [sflag:$0x1] =	stream.indirect.gather [hbm4b:s2+s30], $0x80, s16, s30, $0xb8;
	[tilespmem:$0x1FA00] =	vst v63  }
0x12e: {  	_ =	swait.ge [sflag:s19], $0x1000  }
0x12f: {  	[sflag:s19] =	ssyncset.done $0x0  }
0x130: {  	[sflag:s19] =	ssyncadd.s32 $0xFFFFF000  }
0x131: {  	_ =	swait.ge [sflag:s19], $0x1000  }
0x132: {  	[sflag:s19] =	ssyncset.done $0x0  }
0x133: {  	[sflag:s19] =	ssyncadd.s32 $0xFFFFF000  }
0x134: {  	_ =	swait.ge [sflag:s19], $0x1000  }
0x135: {  	[sflag:s19] =	ssyncset.done $0x0  }
0x136: {  	[sflag:s19] =	ssyncadd.s32 $0xFFFFF000  }
0x137: {  	_ =	swait.ge [sflag:s19], $0x1000  }
0x138: {  	[sflag:s19] =	ssyncset.done $0x0  }
0x139: {  	[sflag:s19] =	ssyncadd.s32 $0xFFFFF000  }
0x13a: {  	[spmem:s3] =	stream.indirect.scatter.add.f32 [tilespmem:s0], [sflag:$0x2], $0x80, s21, s20, $0xb8;
	[tilespmem:$0x1FA00] =	vst v63  }
0x13b: {  	_ =	swait.ge [sflag:s29], $0x4000  }
0x13c: {  	[sflag:s29] =	ssyncset.done $0x0  }
0x13d: {  	s24 =	sshra.s32 s26, $0x2;
	[sflag:s29] =	ssyncadd.s32 $0xFFFFC000  }
0x13e: {  	v1 =	vld [tilespmem:s24+$0xFFFFFF10];
	_ =	sdelay $0x4  }
0x13f: {  	v2 =	vshrl.u32 v1, $0xE;
	v1 =	vand.u32 $0x3FFF, v1  }
0x140: {  	[tilespmem:$0x2800] =	vst v2  }
0x141: {  	[tilespmem:$0x2880] =	vst v1  }
0x142: {  	v1 =	vld [tilespmem:s24+$0xFFFFFF20];
	_ =	sdelay $0x4  }
0x143: {  	v2 =	vshrl.u32 v1, $0xE;
	v1 =	vand.u32 $0x3FFF, v1  }
0x144: {  	[tilespmem:$0x2810] =	vst v2  }
0x145: {  	[tilespmem:$0x2890] =	vst v1  }
0x146: {  	v1 =	vld [tilespmem:s24+$0xFFFFFF30];
	_ =	sdelay $0x4  }
0x147: {  	v2 =	vshrl.u32 v1, $0xE;
	v1 =	vand.u32 $0x3FFF, v1  }
0x148: {  	[tilespmem:$0x2820] =	vst v2  }
0x149: {  	[tilespmem:$0x28A0] =	vst v1  }
0x14a: {  	v1 =	vld [tilespmem:s24+$0xFFFFFF40];
	_ =	sdelay $0x4  }
0x14b: {  	v2 =	vshrl.u32 v1, $0xE;
	v1 =	vand.u32 $0x3FFF, v1  }
0x14c: {  	[tilespmem:$0x2830] =	vst v2  }
0x14d: {  	[tilespmem:$0x28B0] =	vst v1  }
0x14e: {  	v1 =	vld [tilespmem:s24+$0xFFFFFF50];
	_ =	sdelay $0x4  }
0x14f: {  	v2 =	vshrl.u32 v1, $0xE;
	v1 =	vand.u32 $0x3FFF, v1  }
0x150: {  	[tilespmem:$0x2840] =	vst v2  }
0x151: {  	[tilespmem:$0x28C0] =	vst v1  }
0x152: {  	v1 =	vld [tilespmem:s24+$0xFFFFFF60];
	_ =	sdelay $0x4  }
0x153: {  	v2 =	vshrl.u32 v1, $0xE;
	v1 =	vand.u32 $0x3FFF, v1  }
0x154: {  	[tilespmem:$0x2850] =	vst v2  }
0x155: {  	[tilespmem:$0x28D0] =	vst v1  }
0x156: {  	v1 =	vld [tilespmem:s24+$0xFFFFFF70];
	_ =	sdelay $0x4  }
0x157: {  	v2 =	vshrl.u32 v1, $0xE;
	v1 =	vand.u32 $0x3FFF, v1  }
0x158: {  	[tilespmem:$0x2860] =	vst v2  }
0x159: {  	[tilespmem:$0x28E0] =	vst v1  }
0x15a: {  	v1 =	vld [tilespmem:s24+$0xFFFFFF80];
	_ =	sdelay $0x4  }
0x15b: {  	v2 =	vshrl.u32 v1, $0xE;
	v1 =	vand.u32 $0x3FFF, v1  }
0x15c: {  	[tilespmem:$0x2870] =	vst v2  }
0x15d: {  	[tilespmem:$0x28F0] =	vst v1  }
0x15e: {  	[tilespmem:s0], [sflag:$0x1] =	stream.indirect.gather [hbm4b:s2+s30], $0x80, s31, s30, $0xb8;
	[tilespmem:$0x1FA00] =	vst v63  }
0x15f: {  	_ = 	snop  }
0x160: {  	[tilespmem:s1], [sflag:$0x1] =	stream.indirect.gather [hbm4b:s2+s30], $0x80, s4, s30, $0xb8;
	[tilespmem:$0x1FA00] =	vst v63  }
0x161: {  	_ = 	snop  }
0x162: {  	[tilespmem:s7], [sflag:$0x1] =	stream.indirect.gather [hbm4b:s2+s30], $0x80, s5, s30, $0xb8;
	[tilespmem:$0x1FA00] =	vst v63  }
0x163: {  	_ = 	snop  }
0x164: {  	[tilespmem:s9], [sflag:$0x1] =	stream.indirect.gather [hbm4b:s2+s30], $0x80, s8, s30, $0xb8;
	[tilespmem:$0x1FA00] =	vst v63  }
0x165: {  	_ =	swait.ge [sflag:s19], $0x1000  }
0x166: {  	[sflag:s19] =	ssyncset.done $0x0  }
0x167: {  	[sflag:s19] =	ssyncadd.s32 $0xFFFFF000  }
0x168: {  	_ =	swait.ge [sflag:s19], $0x1000  }
0x169: {  	[sflag:s19] =	ssyncset.done $0x0  }
0x16a: {  	[sflag:s19] =	ssyncadd.s32 $0xFFFFF000  }
0x16b: {  	_ =	swait.ge [sflag:s19], $0x1000  }
0x16c: {  	[sflag:s19] =	ssyncset.done $0x0  }
0x16d: {  	[sflag:s19] =	ssyncadd.s32 $0xFFFFF000  }
0x16e: {  	_ =	swait.ge [sflag:s19], $0x1000  }
0x16f: {  	[sflag:s19] =	ssyncset.done $0x0  }
0x170: {  	[sflag:s19] =	ssyncadd.s32 $0xFFFFF000  }
0x171: {  	[spmem:s3] =	stream.indirect.scatter.add.f32 [tilespmem:s11], [sflag:$0x2], $0x80, s22, s20, $0xb8;
	[tilespmem:$0x1FA00] =	vst v63  }
0x172: {  	_ =	swait.ge [sflag:s29], $0x4000  }
0x173: {  	[sflag:s29] =	ssyncset.done $0x0  }
0x174: {  	[sflag:s29] =	ssyncadd.s32 $0xFFFFC000  }
0x175: {  	v1 =	vld [tilespmem:s24+$0xFFFFFF90];
	_ =	sdelay $0x4  }
0x176: {  	v2 =	vshrl.u32 v1, $0xE;
	v1 =	vand.u32 $0x3FFF, v1  }
0x177: {  	[tilespmem:$0x2900] =	vst v2  }
0x178: {  	[tilespmem:$0x2980] =	vst v1  }
0x179: {  	v1 =	vld [tilespmem:s24+$0xFFFFFFA0];
	_ =	sdelay $0x4  }
0x17a: {  	v2 =	vshrl.u32 v1, $0xE;
	v1 =	vand.u32 $0x3FFF, v1  }
0x17b: {  	[tilespmem:$0x2910] =	vst v2  }
0x17c: {  	[tilespmem:$0x2990] =	vst v1  }
0x17d: {  	v1 =	vld [tilespmem:s24+$0xFFFFFFB0];
	_ =	sdelay $0x4  }
0x17e: {  	v2 =	vshrl.u32 v1, $0xE;
	v1 =	vand.u32 $0x3FFF, v1  }
0x17f: {  	[tilespmem:$0x2920] =	vst v2  }
0x180: {  	[tilespmem:$0x29A0] =	vst v1  }
0x181: {  	v1 =	vld [tilespmem:s24+$0xFFFFFFC0];
	_ =	sdelay $0x4  }
0x182: {  	v2 =	vshrl.u32 v1, $0xE;
	v1 =	vand.u32 $0x3FFF, v1  }
0x183: {  	[tilespmem:$0x2930] =	vst v2  }
0x184: {  	[tilespmem:$0x29B0] =	vst v1  }
0x185: {  	v1 =	vld [tilespmem:s24+$0xFFFFFFD0];
	_ =	sdelay $0x4  }
0x186: {  	v2 =	vshrl.u32 v1, $0xE;
	v1 =	vand.u32 $0x3FFF, v1  }
0x187: {  	[tilespmem:$0x2940] =	vst v2  }
0x188: {  	[tilespmem:$0x29C0] =	vst v1  }
0x189: {  	v1 =	vld [tilespmem:s24+$0xFFFFFFE0];
	_ =	sdelay $0x4  }
0x18a: {  	v2 =	vshrl.u32 v1, $0xE;
	v1 =	vand.u32 $0x3FFF, v1  }
0x18b: {  	[tilespmem:$0x2950] =	vst v2  }
0x18c: {  	[tilespmem:$0x29D0] =	vst v1  }
0x18d: {  	v1 =	vld [tilespmem:s24+$0xFFFFFFF0]  }
.Ltmp1:
0x18e: {  	(pc) =	sbr.rel @p0 .LBB2_4-.Ltmp1, $2  }
0x18f: {  	_ =	sdelay $0x2  }
0x190: {  	v2 =	vshrl.u32 v1, $0xE;
	v1 =	vand.u32 $0x3FFF, v1  }
0x191: {  	[tilespmem:$0x2960] =	vst v2  }
0x192: {  	[tilespmem:$0x29E0] =	vst v1  }
0x193: {  	v1 =	vld [tilespmem:s24+$0x0];
	_ =	sdelay $0x4  }
0x194: {  	v2 =	vshrl.u32 v1, $0xE  }
0x195: {  	v1 =	vand.u32 $0x3FFF, v1;
	[tilespmem:$0x2970] =	vst v2  }
0x196: {  	[tilespmem:$0x29F0] =	vst v1  }
0x197: {  	[tilespmem:s11], [sflag:$0x1] =	stream.indirect.gather [hbm4b:s2+s30], $0x80, s10, s30, $0xb8;
	[tilespmem:$0x1FA00] =	vst v63  }
0x198: {  	_ = 	snop  }
0x199: {  	[tilespmem:s13], [sflag:$0x1] =	stream.indirect.gather [hbm4b:s2+s30], $0x80, s12, s30, $0xb8;
	[tilespmem:$0x1FA00] =	vst v63  }
0x19a: {  	_ = 	snop  }
0x19b: {  	[tilespmem:s15], [sflag:$0x1] =	stream.indirect.gather [hbm4b:s2+s30], $0x80, s14, s30, $0xb8;
	[tilespmem:$0x1FA00] =	vst v63  }
0x19c: {  	_ = 	snop  }
0x19d: {  	[tilespmem:s17], [sflag:$0x1] =	stream.indirect.gather [hbm4b:s2+s30], $0x80, s16, s30, $0xb8;
	[tilespmem:$0x1FA00] =	vst v63  }
0x19e: {  	_ =	swait.ge [sflag:s19], $0x1000  }
0x19f: {  	[sflag:s19] =	ssyncset.done $0x0  }
0x1a0: {  	[sflag:s19] =	ssyncadd.s32 $0xFFFFF000  }
0x1a1: {  	_ =	swait.ge [sflag:s19], $0x1000  }
0x1a2: {  	[sflag:s19] =	ssyncset.done $0x0  }
0x1a3: {  	[sflag:s19] =	ssyncadd.s32 $0xFFFFF000  }
0x1a4: {  	_ =	swait.ge [sflag:s19], $0x1000  }
0x1a5: {  	[sflag:s19] =	ssyncset.done $0x0  }
0x1a6: {  	[sflag:s19] =	ssyncadd.s32 $0xFFFFF000  }
0x1a7: {  	_ =	swait.ge [sflag:s19], $0x1000  }
0x1a8: {  	[sflag:s19] =	ssyncset.done $0x0  }
0x1a9: {  	[sflag:s19] =	ssyncadd.s32 $0xFFFFF000  }
0x1aa: {  	[spmem:s3] =	stream.indirect.scatter.add.f32 [tilespmem:s0], [sflag:$0x2], $0x80, s21, s20, $0xb8;
	[tilespmem:$0x1FA00] =	vst v63  }
0x1ab: {  	_ =	swait.ge [sflag:s29], $0x4000  }
0x1ac: {  	[sflag:s29] =	ssyncset.done $0x0  }
0x1ad: {  	[sflag:s29] =	ssyncadd.s32 $0xFFFFC000  }
0x1ae: {  	_ =	swait.ge [sflag:s19], $0x1000  }
0x1af: {  	[sflag:s19] =	ssyncset.done $0x0  }
0x1b0: {  	[sflag:s19] =	ssyncadd.s32 $0xFFFFF000  }
0x1b1: {  	_ =	swait.ge [sflag:s19], $0x1000  }
0x1b2: {  	[sflag:s19] =	ssyncset.done $0x0  }
0x1b3: {  	[sflag:s19] =	ssyncadd.s32 $0xFFFFF000  }
0x1b4: {  	_ =	swait.ge [sflag:s19], $0x1000  }
0x1b5: {  	[sflag:s19] =	ssyncset.done $0x0  }
0x1b6: {  	[sflag:s19] =	ssyncadd.s32 $0xFFFFF000  }
0x1b7: {  	_ =	swait.ge [sflag:s19], $0x1000  }
0x1b8: {  	[sflag:s19] =	ssyncset.done $0x0  }
0x1b9: {  	[sflag:s19] =	ssyncadd.s32 $0xFFFFF000  }
0x1ba: {  	[spmem:s3] =	stream.indirect.scatter.add.f32 [tilespmem:s11], [sflag:$0x2], $0x80, s22, s20, $0xb8;
	[tilespmem:$0x1FA00] =	vst v63  }
0x1bb: {  	_ =	swait.ge [sflag:s29], $0x4000  }
0x1bc: {  	[sflag:s29] =	ssyncset.done $0x0  }
0x1bd: {  	s25 =	stileid.u32;
	[sflag:s29] =	ssyncadd.s32 $0xFFFFC000  }
0x1be: {  	s24 =	sshll.u32 s25, $0x6;
	[bflag:$0x0] =	sbarrier.arrive $0xFFFF  }
0x1bf: {  	s25 =	sshrl.u32 s6, $0x3;
	s24 =	sor.u32 $0x1C02, s24;
	s26 =	rddreg [dreg:$0x16]  }
0x1c0: {  	[hbm:s26], [sflag:s24] =	dma.local [spmem:s25], $0x2800  }
0x1c1: {  	_ =	swait.ge [sflag:s29], $0x2800  }
0x1c2: {  	s23 =	sadd.s32 $0x1, s23;
	s26 =	rddreg [dreg:$0x17]  }
0x1c3: {  	p0 =	sne.s32 s23, s26  }
.Ltmp2:
0x1c4: {  	_ = 	snop;
	(pc) =	sbr.rel @p0 .LBB2_1-.Ltmp2, $3  }
0x1c5: {  	_ =	sdelay $0x1  }
0x1c6: {  	[sflag:s29] =	ssyncset.done $0x0  }
0x1c7: {  	[sflag:s29] =	ssyncadd.s32 $0xFFFFD800  }
0x1c8: {  	_ =	sfence.sel $0x180000  }
0x1c9: {  	[bflag:$0x0] =	sbarrier.arrive $0xFFFF  }
0x1ca: {  	_ =	strace $0x90000047  }
0x1cb: {  	s0 =	stileid.u32;
	[bflag:$0x2] =	sbarrier.arrive $0xFFFF  }
0x1cc: {  	p0 =	sne.s32 s0, $0x0;
	s0 =	rddreg [dreg:$0x3]  }
0x1cd: {  	s0 =	sadd.s32 @!p0 $0x100000, s0  }
0x1ce: {  	[sflag:s0] =	ssyncadd.tile.s32 @!p0 $0x1;
	_ =	shalt  }
.Lfunc_end2:
_tile_overlayer_lowered:
.L_overlay_start_2:
0x1cf: {  	(tag) =	ssettag $0x2  }
0x1d0: {  	s0 =	rddreg [dreg:$0x0];
	s2 =	stileid.u32  }
0x1d1: {  	s1 =	rddreg [dreg:$0x1];
	p0 =	sne.s32 s2, $0x0  }
0x1d2: {  	s3 =	rddreg [dreg:$0x2];
	[bflag:$0x3] =	sbarrier.arrive $0xFFFF;
	s2 =	simm.s32 @!p0 $0x1C02  }
0x1d3: {  	[timem:s3], [sflag:s2] =	dma.local @!p0 [hbm:s0], s1  }
0x1d4: {  	s0 =	simm.s32 @!p0 $0x2  }
0x1d5: {  	_ =	swait.ge @!p0 [sflag:s0], s1  }
0x1d6: {  	s1 =	ssub.s32 @!p0 $0x0, s1;
	[sflag:s0] =	ssyncset.done @!p0 $0x0  }
0x1d7: {  	[sflag:s0] =	ssyncadd.s32 @!p0 s1  }
0x1d8: {  	[bflag:$0x3] =	sbarrier.arrive $0xFFFF  }
0x1d9: {  	_ =	shalt  }

</sc_bundles>
